<compile_context>
chip_gen: v7x
topology: tpu7x:2x2x1
jax: 0.10.2.dev20260603
libtpu: 0.0.44.dev20260713+nightly
codegen_flags: <defaults>
</compile_context>

<pallas_src>
import functools

import jax
import jax.numpy as jnp
from jax import lax
from jax.experimental import pallas as pl
from jax.experimental.pallas import tpu as pltpu
from jax.experimental.pallas import tpu_sc as plsc

N_DIS = 2000
N_GENE = 20000
E = 500000
D_IN = 128
HID = 64
LAT = 32
OUT_D = 64

NC = 2
NS = 16
NW = NC * NS
CH = 128
CPW = 128
E_PAD = NW * CPW * CH
ND_PAD = 2048
NG_PAD = 20096
GR_D = ND_PAD // NS
GR_G = NG_PAD // NS

_F32 = jnp.float32



def _zero_fill(buf, rows, width):
    @pl.loop(0, rows)
    def _zrow(i):
        @pl.loop(0, width // 16)
        def _zcol(j):
            buf[i, pl.ds(j * 16, 16)] = jnp.zeros((16,), _F32)


def _zero_stripe(zbuf, acc_sp, s, gr):
    full, rem = gr // CH, gr % CH
    @pl.loop(0, full)
    def _z(t):
        pltpu.sync_copy(zbuf, acc_sp.at[pl.ds(s * gr + t * CH, CH)])
    if rem:
        pltpu.sync_copy(zbuf.at[pl.ds(0, rem)],
                        acc_sp.at[pl.ds(s * gr + full * CH, rem)])


def _sc_agg_pass(src2d, dst2d, tbl_d, tbl_g, width, nbuf, ist, ch):
    mesh = plsc.VectorSubcoreMesh(core_axis_name="c", subcore_axis_name="s")
    ncw = (E_PAD // NW) // ch
    out_type = [
        jax.ShapeDtypeStruct((NC, NG_PAD, width), _F32),
        jax.ShapeDtypeStruct((NC, ND_PAD, width), _F32),
    ]
    scratch = (
        [pltpu.VMEM_SHARED((NG_PAD, width), _F32),
         pltpu.VMEM_SHARED((ND_PAD, width), _F32),
         pltpu.VMEM((ist, ch), jnp.int32),
         pltpu.VMEM((ist, ch), jnp.int32)]
        + [pltpu.VMEM((ch, width), _F32)] * (2 * nbuf)
        + [pltpu.SemaphoreType.DMA] * (2 * nbuf)
    )

    def body(src_hbm, dst_hbm, tbl_d_hbm, tbl_g_hbm, agg_g_hbm, agg_d_hbm,
             agg_g_sp, agg_d_sp, idx_s, idx_d, *rest):
        rows_d = rest[0:nbuf]
        rows_g = rest[nbuf:2 * nbuf]
        sem_d = rest[2 * nbuf:3 * nbuf]
        sem_g = rest[3 * nbuf:4 * nbuf]

        c = lax.axis_index("c")
        s = lax.axis_index("s")
        w = c * NS + s

        zwin = rows_d[0].at[pl.ds(0, CH)]
        _zero_fill(zwin, CH, width)
        _zero_stripe(zwin, agg_g_sp, s, GR_G)
        _zero_stripe(zwin, agg_d_sp, s, GR_D)
        plsc.subcore_barrier()

        for st in range(ncw // ist):
            base = w * ncw + st * ist
            pltpu.sync_copy(src_hbm.at[pl.ds(base, ist)], idx_s)
            pltpu.sync_copy(dst_hbm.at[pl.ds(base, ist)], idx_d)

            for b in range(nbuf):
                pltpu.async_copy(tbl_d_hbm.at[idx_s.at[b]],
                                 rows_d[b], sem_d[b])
                pltpu.async_copy(tbl_g_hbm.at[idx_d.at[b]],
                                 rows_g[b], sem_g[b])

            @pl.loop(0, ist, step=nbuf)
            def _chunk(j):
                for b in range(nbuf):
                    k = j + b
                    pltpu.make_async_copy(
                        tbl_d_hbm.at[idx_s.at[k]], rows_d[b], sem_d[b]).wait()
                    pltpu.sync_copy(rows_d[b], agg_g_sp.at[idx_d.at[k]],
                                    add=True)

                    def _refill_d(b=b, k=k):
                        pltpu.async_copy(tbl_d_hbm.at[idx_s.at[k + nbuf]],
                                         rows_d[b], sem_d[b])
                    pl.when(k + nbuf < ist)(_refill_d)

                    pltpu.make_async_copy(
                        tbl_g_hbm.at[idx_d.at[k]], rows_g[b], sem_g[b]).wait()
                    pltpu.sync_copy(rows_g[b], agg_d_sp.at[idx_s.at[k]],
                                    add=True)

                    def _refill_g(b=b, k=k):
                        pltpu.async_copy(tbl_g_hbm.at[idx_d.at[k + nbuf]],
                                         rows_g[b], sem_g[b])
                    pl.when(k + nbuf < ist)(_refill_g)

        plsc.subcore_barrier()

        pltpu.sync_copy(agg_g_sp.at[pl.ds(s * GR_G, GR_G)],
                        agg_g_hbm.at[c, pl.ds(s * GR_G, GR_G)])
        pltpu.sync_copy(agg_d_sp.at[pl.ds(s * GR_D, GR_D)],
                        agg_d_hbm.at[c, pl.ds(s * GR_D, GR_D)])

    fn = pl.kernel(
        body, out_type=out_type, mesh=mesh, scratch_types=scratch,
        compiler_params=pltpu.CompilerParams(use_tc_tiling_on_sc=False))
    return fn(src2d, dst2d, tbl_d, tbl_g)


def _sc_count_pass(src2d, dst2d, nbuf):
    mesh = plsc.VectorSubcoreMesh(core_axis_name="c", subcore_axis_name="s")
    out_type = [
        jax.ShapeDtypeStruct((NC, NG_PAD, 16), _F32),
        jax.ShapeDtypeStruct((NC, ND_PAD, 16), _F32),
    ]
    scratch = (
        [pltpu.VMEM_SHARED((NG_PAD, 16), _F32),
         pltpu.VMEM_SHARED((ND_PAD, 16), _F32),
         pltpu.VMEM((CPW, CH), jnp.int32),
         pltpu.VMEM((CPW, CH), jnp.int32),
         pltpu.VMEM((CH, 16), _F32),
         pltpu.VMEM((CH, 16), _F32)]
        + [pltpu.SemaphoreType.DMA] * (2 * nbuf)
    )

    def body(src_hbm, dst_hbm, cnt_g_hbm, cnt_d_hbm,
             cnt_g_sp, cnt_d_sp, idx_s, idx_d, ones_v, zer16_v, *sems):
        sem_g = sems[0:nbuf]
        sem_d = sems[nbuf:2 * nbuf]

        c = lax.axis_index("c")
        s = lax.axis_index("s")
        w = c * NS + s

        _zero_fill(zer16_v, CH, 16)
        @pl.loop(0, CH)
        def _orow(i):
            ones_v[i, pl.ds(0, 16)] = jnp.ones((16,), _F32)

        _zero_stripe(zer16_v, cnt_g_sp, s, GR_G)
        _zero_stripe(zer16_v, cnt_d_sp, s, GR_D)
        plsc.subcore_barrier()

        pltpu.sync_copy(src_hbm.at[pl.ds(w * CPW, CPW)], idx_s)
        pltpu.sync_copy(dst_hbm.at[pl.ds(w * CPW, CPW)], idx_d)

        @pl.loop(0, CPW, step=nbuf)
        def _chunk(j):
            for b in range(nbuf):
                k = j + b

                def _drain(b=b, k=k):
                    pltpu.make_async_copy(
                        ones_v, cnt_g_sp.at[idx_d.at[k - nbuf]],
                        sem_g[b]).wait()
                    pltpu.make_async_copy(
                        ones_v, cnt_d_sp.at[idx_s.at[k - nbuf]],
                        sem_d[b]).wait()
                pl.when(j > 0)(_drain)

                pltpu.async_copy(ones_v, cnt_g_sp.at[idx_d.at[k]],
                                 sem_g[b], add=True)
                pltpu.async_copy(ones_v, cnt_d_sp.at[idx_s.at[k]],
                                 sem_d[b], add=True)

        for b in range(nbuf):
            k = CPW - nbuf + b
            pltpu.make_async_copy(
                ones_v, cnt_g_sp.at[idx_d.at[k]], sem_g[b]).wait()
            pltpu.make_async_copy(
                ones_v, cnt_d_sp.at[idx_s.at[k]], sem_d[b]).wait()

        plsc.subcore_barrier()

        pltpu.sync_copy(cnt_g_sp.at[pl.ds(s * GR_G, GR_G)],
                        cnt_g_hbm.at[c, pl.ds(s * GR_G, GR_G)])
        pltpu.sync_copy(cnt_d_sp.at[pl.ds(s * GR_D, GR_D)],
                        cnt_d_hbm.at[c, pl.ds(s * GR_D, GR_D)])

    fn = pl.kernel(
        body, out_type=out_type, mesh=mesh, scratch_types=scratch,
        compiler_params=pltpu.CompilerParams(use_tc_tiling_on_sc=False))
    return fn(src2d, dst2d)



def _dot(a, b):
    return jnp.dot(a, b, preferred_element_type=_F32,
                   precision=lax.Precision.HIGHEST)


def _split_mm_body(x_ref, w_ref, o1_ref, o2_ref, *, half):
    acc = _dot(x_ref[...], w_ref[...])
    o1_ref[...] = acc[:, :half]
    o2_ref[...] = acc[:, half:]


def _proj_pair(x, w_cat, half, blk):
    n, d = x.shape
    return pl.pallas_call(
        functools.partial(_split_mm_body, half=half),
        grid=(pl.cdiv(n, blk),),
        in_specs=[pl.BlockSpec((blk, d), lambda i: (i, 0)),
                  pl.BlockSpec(w_cat.shape, lambda i: (0, 0))],
        out_specs=[pl.BlockSpec((blk, half), lambda i: (i, 0)),
                   pl.BlockSpec((blk, half), lambda i: (i, 0))],
        out_shape=[jax.ShapeDtypeStruct((n, half), _F32)] * 2,
    )(x, w_cat)


def _mm_body(x_ref, w_ref, o_ref):
    o_ref[...] = _dot(x_ref[...], w_ref[...])


def _mm(x, w, blk):
    n, d = x.shape
    return pl.pallas_call(
        _mm_body,
        grid=(pl.cdiv(n, blk),),
        in_specs=[pl.BlockSpec((blk, d), lambda i: (i, 0)),
                  pl.BlockSpec(w.shape, lambda i: (0, 0))],
        out_specs=pl.BlockSpec((blk, w.shape[1]), lambda i: (i, 0)),
        out_shape=jax.ShapeDtypeStruct((n, w.shape[1]), _F32),
    )(x, w)


def _sage_h_body(a_ref, c_ref, r_ref, b_ref, w_ref, o1_ref, o2_ref):
    cnt = c_ref[0, :, 0:1] + c_ref[1, :, 0:1]
    agg = (a_ref[0, :, :] + a_ref[1, :, :]) / jnp.clip(cnt, 1.0, None)
    h = agg + b_ref[...] + r_ref[...]
    o1_ref[...] = _dot(h, w_ref[...])
    o2_ref[...] = h


def _sage_epilogue_h(agg_p, cnt_p, r, b, w_l, blk):
    n, hid = r.shape
    return pl.pallas_call(
        _sage_h_body,
        grid=(pl.cdiv(n, blk),),
        in_specs=[pl.BlockSpec((2, blk, hid), lambda i: (0, i, 0)),
                  pl.BlockSpec((2, blk, 16), lambda i: (0, i, 0)),
                  pl.BlockSpec((blk, hid), lambda i: (i, 0)),
                  pl.BlockSpec(b.shape, lambda i: (0, 0)),
                  pl.BlockSpec(w_l.shape, lambda i: (0, 0))],
        out_specs=[pl.BlockSpec((blk, w_l.shape[1]), lambda i: (i, 0)),
                   pl.BlockSpec((blk, hid), lambda i: (i, 0))],
        out_shape=[jax.ShapeDtypeStruct((n, w_l.shape[1]), _F32),
                   jax.ShapeDtypeStruct((n, hid), _F32)],
    )(agg_p, cnt_p, r, b, w_l)


def _sage_epilogue_body(a_ref, c_ref, r_ref, b_ref, w_ref, o1_ref, o2_ref,
                        *, half):
    cnt = c_ref[0, :, 0:1] + c_ref[1, :, 0:1]
    agg = (a_ref[0, :, :] + a_ref[1, :, :]) / jnp.clip(cnt, 1.0, None)
    h = agg + b_ref[...] + r_ref[...]
    acc = _dot(h, w_ref[...])
    o1_ref[...] = acc[:, :half]
    o2_ref[...] = acc[:, half:]


def _sage_epilogue(agg_p, cnt_p, r, b, w_cat, half, blk):
    n, hid = r.shape
    return pl.pallas_call(
        functools.partial(_sage_epilogue_body, half=half),
        grid=(pl.cdiv(n, blk),),
        in_specs=[pl.BlockSpec((2, blk, hid), lambda i: (0, i, 0)),
                  pl.BlockSpec((2, blk, 16), lambda i: (0, i, 0)),
                  pl.BlockSpec((blk, hid), lambda i: (i, 0)),
                  pl.BlockSpec(b.shape, lambda i: (0, 0)),
                  pl.BlockSpec(w_cat.shape, lambda i: (0, 0))],
        out_specs=[pl.BlockSpec((blk, half), lambda i: (i, 0)),
                   pl.BlockSpec((blk, half), lambda i: (i, 0))],
        out_shape=[jax.ShapeDtypeStruct((n, half), _F32)] * 2,
    )(agg_p, cnt_p, r, b, w_cat)


def _latent_body(a_ref, c_ref, r_ref, b_ref, wmu_ref, bmu_ref, wlv_ref,
                 blv_ref, eps_ref, o_ref):
    cnt = c_ref[0, :, 0:1] + c_ref[1, :, 0:1]
    h = ((a_ref[0, :, :] + a_ref[1, :, :]) / jnp.clip(cnt, 1.0, None)
         + b_ref[...] + r_ref[...])
    mu = _dot(h, wmu_ref[...]) + bmu_ref[...]
    lv = _dot(h, wlv_ref[...]) + blv_ref[...]
    o_ref[...] = mu + eps_ref[...] * jnp.exp(lv)


def _latent_d(agg_p, cnt_p, r, b, wmu, bmu, wlv, blv, eps):
    return pl.pallas_call(
        _latent_body,
        grid=(1,),
        in_specs=[pl.BlockSpec((2, N_DIS, LAT), lambda i: (0, 0, 0)),
                  pl.BlockSpec((2, N_DIS, 16), lambda i: (0, 0, 0)),
                  pl.BlockSpec((N_DIS, LAT), lambda i: (0, 0)),
                  pl.BlockSpec(b.shape, lambda i: (0, 0)),
                  pl.BlockSpec(wmu.shape, lambda i: (0, 0)),
                  pl.BlockSpec(bmu.shape, lambda i: (0, 0)),
                  pl.BlockSpec(wlv.shape, lambda i: (0, 0)),
                  pl.BlockSpec(blv.shape, lambda i: (0, 0)),
                  pl.BlockSpec(eps.shape, lambda i: (0, 0))],
        out_specs=pl.BlockSpec((N_DIS, OUT_D), lambda i: (0, 0)),
        out_shape=jax.ShapeDtypeStruct((N_DIS, OUT_D), _F32),
    )(agg_p, cnt_p, r, b, wmu, bmu, wlv, blv, eps)


def _decode_body(zd_ref, a_ref, c_ref, r_ref, b_ref, wmu_ref, bmu_ref,
                 wlv_ref, blv_ref, eps_ref, o_ref):
    cnt = c_ref[0, :, 0:1] + c_ref[1, :, 0:1]
    h = ((a_ref[0, :, :] + a_ref[1, :, :]) / jnp.clip(cnt, 1.0, None)
         + b_ref[...] + r_ref[...])
    mu = _dot(h, wmu_ref[...]) + bmu_ref[...]
    lv = _dot(h, wlv_ref[...]) + blv_ref[...]
    zg = mu + eps_ref[...] * jnp.exp(lv)
    zd = zd_ref[...]
    dh = zd.astype(jnp.bfloat16)
    dl = (zd - dh.astype(_F32)).astype(jnp.bfloat16)
    gh = zg.astype(jnp.bfloat16)
    gl = (zg - gh.astype(_F32)).astype(jnp.bfloat16)
    dn = (((1,), (1,)), ((), ()))
    hi = lax.dot_general(jnp.concatenate([dh, dl], axis=1),
                         jnp.concatenate([gh, gh], axis=1), dn,
                         preferred_element_type=_F32)
    lo = lax.dot_general(dh, gl, dn, preferred_element_type=_F32)
    o_ref[...] = hi + lo


def _decode(zd, agg_p, cnt_p, r, b, wmu, bmu, wlv, blv, eps, blk):
    return pl.pallas_call(
        _decode_body,
        grid=(pl.cdiv(NG_PAD, blk),),
        in_specs=[pl.BlockSpec((N_DIS, OUT_D), lambda i: (0, 0)),
                  pl.BlockSpec((2, blk, LAT), lambda i: (0, i, 0)),
                  pl.BlockSpec((2, blk, 16), lambda i: (0, i, 0)),
                  pl.BlockSpec((blk, LAT), lambda i: (i, 0)),
                  pl.BlockSpec(b.shape, lambda i: (0, 0)),
                  pl.BlockSpec(wmu.shape, lambda i: (0, 0)),
                  pl.BlockSpec(bmu.shape, lambda i: (0, 0)),
                  pl.BlockSpec(wlv.shape, lambda i: (0, 0)),
                  pl.BlockSpec(blv.shape, lambda i: (0, 0)),
                  pl.BlockSpec((blk, OUT_D), lambda i: (i, 0))],
        out_specs=pl.BlockSpec((N_DIS, blk), lambda i: (0, i)),
        out_shape=jax.ShapeDtypeStruct((N_DIS, N_GENE), _F32),
    )(zd, agg_p, cnt_p, r, b, wmu, bmu, wlv, blv, eps)



def kernel(x_disease, x_gene, edge_src, edge_dst, params):
    p = params

    src = edge_src.astype(jnp.int32)
    dst = edge_dst.astype(jnp.int32)
    pad_i = jnp.arange(E_PAD - E, dtype=jnp.int32)
    src2d = jnp.concatenate(
        [src, N_DIS + pad_i % (ND_PAD - N_DIS)]).reshape(NW * CPW, CH)
    dst2d = jnp.concatenate(
        [dst, N_GENE + pad_i % (NG_PAD - N_GENE)]).reshape(NW * CPW, CH)
    xd = jnp.concatenate(
        [x_disease, jnp.zeros((ND_PAD - N_DIS, D_IN), _F32)])
    xg = jnp.concatenate(
        [x_gene, jnp.zeros((NG_PAD - N_GENE, D_IN), _F32)])

    b1dg = p['b1dg'].reshape(1, HID)
    b1gd = p['b1gd'].reshape(1, HID)
    b2dg = p['b2dg'].reshape(1, LAT)
    b2gd = p['b2gd'].reshape(1, LAT)
    bmu_d = p['bmu_d'].reshape(1, OUT_D)
    blv_d = p['blv_d'].reshape(1, OUT_D)
    bmu_g = p['bmu_g'].reshape(1, OUT_D)
    blv_g = p['blv_g'].reshape(1, OUT_D)

    eps_d = jax.random.normal(jax.random.key(42), (N_DIS, OUT_D), _F32)
    eps_g = jax.random.normal(jax.random.key(43), (N_GENE, OUT_D), _F32)
    eps_g = jnp.concatenate(
        [eps_g, jnp.zeros((NG_PAD - N_GENE, OUT_D), _F32)])

    wd1 = jnp.concatenate([p['W1dg_l'], p['W1gd_r']], axis=1)
    pg1 = _mm(xg, p['W1gd_l'], 1024)
    rg1 = _mm(xg, p['W1dg_r'], 1024)
    pd1, rd1 = _proj_pair(xd, wd1, HID, 1024)

    cntg, cntd = _sc_count_pass(src2d, dst2d, 4)
    aggg1, aggd1 = _sc_agg_pass(src2d, dst2d, pd1, pg1, HID, 2, 32, CH)

    wd2 = jnp.concatenate([p['W2dg_l'], p['W2gd_r']], axis=1)
    pg2, h_g = _sage_epilogue_h(aggg1, cntg, rg1, b1dg, p['W2gd_l'], 1024)
    rg2 = _mm(h_g, p['W2dg_r'], 1024)
    pd2, rd2 = _sage_epilogue(aggd1, cntd, rd1, b1gd, wd2, LAT, 1024)

    aggg2, aggd2 = _sc_agg_pass(src2d, dst2d, pd2, pg2, LAT, 4, CPW, CH)

    zd = _latent_d(aggd2, cntd, rd2, b2gd, p['Wmu_d'], bmu_d,
                   p['Wlv_d'], blv_d, eps_d)
    return _decode(zd, aggg2, cntg, rg2, b2dg, p['Wmu_g'], bmu_g,
                   p['Wlv_g'], blv_g, eps_g, 1024)

# --- scband reference (transcript-rebuilt; emitter-appended) ---
"""Pipeline reference for scband-hetero-vgae-9285719294036 (READ-ONLY COPY).

The authoritative reference and input builder live on the scoring server;
editing this copy changes nothing except your own understanding.
"""

import jax, jax.numpy as jnp
import numpy as np

N_DIS = 2000
N_GENE = 20000
E = 500000
D_DIS = 128
D_GENE = 128
HID = 64
LAT_H = 32
OUT = 64


def _lin(k, fan_in, fan_out):
    return jax.random.normal(k, (fan_in, fan_out), jnp.float32) * (1.0 / np.sqrt(fan_in))


def setup_inputs(seed: int = 0):
    key = jax.random.key(seed)
    ks = jax.random.split(key, 20)
    x_disease = jax.random.normal(ks[0], (N_DIS, D_DIS), jnp.float32)
    x_gene = jax.random.normal(ks[1], (N_GENE, D_GENE), jnp.float32)
    edge_src = jax.random.randint(ks[2], (E,), 0, N_DIS)
    edge_dst = jax.random.randint(ks[3], (E,), 0, N_GENE)
    params = {
        'W1dg_l': _lin(ks[4], D_DIS, HID), 'b1dg': jnp.zeros((HID,), jnp.float32), 'W1dg_r': _lin(ks[5], D_GENE, HID),
        'W1gd_l': _lin(ks[6], D_GENE, HID), 'b1gd': jnp.zeros((HID,), jnp.float32), 'W1gd_r': _lin(ks[7], D_DIS, HID),
        'W2dg_l': _lin(ks[8], HID, LAT_H), 'b2dg': jnp.zeros((LAT_H,), jnp.float32), 'W2dg_r': _lin(ks[9], HID, LAT_H),
        'W2gd_l': _lin(ks[10], HID, LAT_H), 'b2gd': jnp.zeros((LAT_H,), jnp.float32), 'W2gd_r': _lin(ks[11], HID, LAT_H),
        'Wmu_d': _lin(ks[12], LAT_H, OUT), 'bmu_d': jnp.zeros((OUT,), jnp.float32),
        'Wlv_d': _lin(ks[13], LAT_H, OUT), 'blv_d': jnp.zeros((OUT,), jnp.float32),
        'Wmu_g': _lin(ks[14], LAT_H, OUT), 'bmu_g': jnp.zeros((OUT,), jnp.float32),
        'Wlv_g': _lin(ks[15], LAT_H, OUT), 'blv_g': jnp.zeros((OUT,), jnp.float32),
    }
    return {'x_disease': x_disease, 'x_gene': x_gene, 'edge_src': edge_src, 'edge_dst': edge_dst, 'params': params}


def _sage(x_src, x_dst, src_idx, dst_idx, n_dst, Wl, bl, Wr):
    # Bipartite SAGEConv: mean-aggregate source features onto destinations,
    # then lin_l(aggr) + lin_r(x_dst). lin_r has no bias (matches PyG).
    msgs = jnp.take(x_src, src_idx, axis=0)
    agg = jax.ops.segment_sum(msgs, dst_idx, num_segments=n_dst)
    cnt = jax.ops.segment_sum(jnp.ones((src_idx.shape[0], 1), jnp.float32), dst_idx, num_segments=n_dst)
    agg = agg / jnp.clip(cnt, 1.0, None)
    return agg @ Wl + bl + x_dst @ Wr


def reference(x_disease, x_gene, edge_src, edge_dst, params):
    p = params
    # conv1: HeteroConv with ('disease','to','gene') and ('gene','rev_to','disease')
    h_g = _sage(x_disease, x_gene, edge_src, edge_dst, N_GENE, p['W1dg_l'], p['b1dg'], p['W1dg_r'])
    h_d = _sage(x_gene, x_disease, edge_dst, edge_src, N_DIS, p['W1gd_l'], p['b1gd'], p['W1gd_r'])
    # conv2
    h_g2 = _sage(h_d, h_g, edge_src, edge_dst, N_GENE, p['W2dg_l'], p['b2dg'], p['W2dg_r'])
    h_d2 = _sage(h_g, h_d, edge_dst, edge_src, N_DIS, p['W2gd_l'], p['b2gd'], p['W2gd_r'])
    # mu / logvar heads
    mu_d = h_d2 @ p['Wmu_d'] + p['bmu_d']
    lv_d = h_d2 @ p['Wlv_d'] + p['blv_d']
    mu_g = h_g2 @ p['Wmu_g'] + p['bmu_g']
    lv_g = h_g2 @ p['Wlv_g'] + p['blv_g']
    # VGAE reparametrize: mu + eps * exp(logstd) (logvar tensor is passed as logstd in the torch code)
    eps_d = jax.random.normal(jax.random.key(42), mu_d.shape, jnp.float32)
    eps_g = jax.random.normal(jax.random.key(43), mu_g.shape, jnp.float32)
    z_d = mu_d + eps_d * jnp.exp(lv_d)
    z_g = mu_g + eps_g * jnp.exp(lv_g)
    # InnerProductDecoder.forward_all
    return z_d @ z_g.T

if __name__ == "__main__":
    import jax
    _d = setup_inputs()
    print(jax.jit(kernel)(*tuple(_d.values())))

</pallas_src>

<mosaic_0001>
#map = affine_map<(d0, d1) -> (0, 0)>
#map1 = affine_map<(d0, d1) -> (0, 0, 0)>
module attributes {stable_mosaic.version = 14 : i64} {
  func.func @body(%arg0: i32, %arg1: i32, %arg2: memref<4096x128xi32, #tpu.memory_space<hbm>>, %arg3: memref<4096x128xi32, #tpu.memory_space<hbm>>, %arg4: memref<2x20096x16xf32, #tpu.memory_space<hbm>>, %arg5: memref<2x2048x16xf32, #tpu.memory_space<hbm>>, %arg6: memref<20096x16xf32, #tpu.memory_space<vmem_shared>>, %arg7: memref<2048x16xf32, #tpu.memory_space<vmem_shared>>, %arg8: memref<128x128xi32, #tpu.memory_space<vmem>>, %arg9: memref<128x128xi32, #tpu.memory_space<vmem>>, %arg10: memref<128x16xf32, #tpu.memory_space<vmem>>, %arg11: memref<128x16xf32, #tpu.memory_space<vmem>>, %arg12: memref<!tpu.dma_semaphore, #tpu.memory_space<semaphore_mem>>, %arg13: memref<!tpu.dma_semaphore, #tpu.memory_space<semaphore_mem>>, %arg14: memref<!tpu.dma_semaphore, #tpu.memory_space<semaphore_mem>>, %arg15: memref<!tpu.dma_semaphore, #tpu.memory_space<semaphore_mem>>, %arg16: memref<!tpu.dma_semaphore, #tpu.memory_space<semaphore_mem>>, %arg17: memref<!tpu.dma_semaphore, #tpu.memory_space<semaphore_mem>>, %arg18: memref<!tpu.dma_semaphore, #tpu.memory_space<semaphore_mem>>, %arg19: memref<!tpu.dma_semaphore, #tpu.memory_space<semaphore_mem>>) attributes {dimension_semantics = [#tpu.dimension_semantics<core_parallel>, #tpu.dimension_semantics<subcore_parallel>], iteration_bounds = array<i64: 2, 16>, scalar_prefetch = 0 : i64, scratch_operands = 14 : i64, tpu.core_type = #tpu.core_type<sc_vector_subcore>, window_params = [{transform_indices = #map}, {transform_indices = #map}, {transform_indices = #map1}, {transform_indices = #map1}]} {
    %mul3A = arith.constant 16 : i32
    %mul3A_0 = arith.muli %arg0, %mul3A : i32
    %add3A = arith.addi %mul3A_0, %arg1 : i32
    %scan3A = arith.constant 0 : i32
    %scan3A_1 = arith.constant 128 : i32
    %scan3A_2 = arith.addi %scan3A, %scan3A_1 : i32
    %scan3A_3 = arith.constant 1 : i32
    scf.for %scan3A_103 = %scan3A to %scan3A_2 step %scan3A_3  : i32 {
      %mul3A_104 = arith.constant 1 : i32
      %mul3A_105 = arith.muli %scan3A_103, %mul3A_104 : i32
      %add3A_106 = arith.constant 0 : i32
      %add3A_107 = arith.addi %add3A_106, %mul3A_105 : i32
      %scan3A_108 = arith.constant 0 : i32
      %mul3A_109 = arith.constant 1 : i32
      %mul3A_110 = arith.muli %scan3A_108, %mul3A_109 : i32
      %add3A_111 = arith.constant 0 : i32
      %add3A_112 = arith.addi %add3A_111, %mul3A_110 : i32
      %broadcast_in_dim3A = arith.constant 0.000000e+00 : f32
      %broadcast_in_dim3A_113 = vector.broadcast %broadcast_in_dim3A : f32 to vector<16xf32>
      %mul3A_114 = arith.constant 16 : i32
      %mul3A_115 = arith.muli %add3A_112, %mul3A_114 : i32
      %swap3A = arith.index_cast %add3A_107 : i32 to index
      %swap3A_116 = arith.index_cast %mul3A_115 : i32 to index
      %swap3A_117 = tpu.vector_load %arg11[%swap3A, %swap3A_116] {strides = array<i32>} : memref<128x16xf32, #tpu.memory_space<vmem>>, vector<1x16xf32>,
      %swap3A_118 = vector.shape_cast %swap3A_117 : vector<1x16xf32> to vector<16xf32>
      %swap3A_119 = vector.shape_cast %broadcast_in_dim3A_113 : vector<16xf32> to vector<1x16xf32>
      tpu.vector_store %arg11[%swap3A, %swap3A_116], %swap3A_119 {strides = array<i32>} : memref<128x16xf32, #tpu.memory_space<vmem>>, vector<1x16xf32>,
      %scan3A_120 = arith.constant 1 : i32
    }
    %scan3A_4 = arith.constant 128 : i32
    %scan3A_5 = arith.constant 0 : i32
    %scan3A_6 = arith.constant 128 : i32
    %scan3A_7 = arith.addi %scan3A_5, %scan3A_6 : i32
    %scan3A_8 = arith.constant 1 : i32
    scf.for %scan3A_103 = %scan3A_5 to %scan3A_7 step %scan3A_8  : i32 {
      %mul3A_104 = arith.constant 1 : i32
      %mul3A_105 = arith.muli %scan3A_103, %mul3A_104 : i32
      %add3A_106 = arith.constant 0 : i32
      %add3A_107 = arith.addi %add3A_106, %mul3A_105 : i32
      %broadcast_in_dim3A = arith.constant 1.000000e+00 : f32
      %broadcast_in_dim3A_108 = vector.broadcast %broadcast_in_dim3A : f32 to vector<16xf32>
      %swap3A = arith.index_cast %add3A_107 : i32 to index
      %swap3A_109 = arith.constant 0 : index
      %swap3A_110 = tpu.vector_load %arg10[%swap3A, %swap3A_109] {strides = array<i32>} : memref<128x16xf32, #tpu.memory_space<vmem>>, vector<1x16xf32>,
      %swap3A_111 = vector.shape_cast %swap3A_110 : vector<1x16xf32> to vector<16xf32>
      %swap3A_112 = vector.shape_cast %broadcast_in_dim3A_108 : vector<16xf32> to vector<1x16xf32>
      tpu.vector_store %arg10[%swap3A, %swap3A_109], %swap3A_112 {strides = array<i32>} : memref<128x16xf32, #tpu.memory_space<vmem>>, vector<1x16xf32>,
    }
    %scan3A_9 = arith.constant 128 : i32
    %scan3A_10 = arith.constant 0 : i32
    %scan3A_11 = arith.constant 9 : i32
    %scan3A_12 = arith.addi %scan3A_10, %scan3A_11 : i32
    %scan3A_13 = arith.constant 1 : i32
    scf.for %scan3A_103 = %scan3A_10 to %scan3A_12 step %scan3A_13  : i32 {
      %mul3A_104 = arith.constant 1 : i32
      %mul3A_105 = arith.muli %scan3A_103, %mul3A_104 : i32
      %add3A_106 = arith.constant 0 : i32
      %add3A_107 = arith.addi %add3A_106, %mul3A_105 : i32
      %mul3A_108 = arith.constant 1256 : i32
      %mul3A_109 = arith.muli %arg1, %mul3A_108 : i32
      %mul3A_110 = arith.constant 128 : i32
      %mul3A_111 = arith.muli %add3A_107, %mul3A_110 : i32
      %add3A_112 = arith.addi %mul3A_109, %mul3A_111 : i32
      "tpu.region"() ({
        %run_scoped3A = tpu.sem_alloc : memref<!tpu.dma_semaphore, #tpu.memory_space<semaphore_mem>>
        %dma_start3A = arith.constant 0 : i32
        %dma_start3A_113 = tpu.memref_slice %arg6[%add3A_112, %dma_start3A] : memref<20096x16xf32, #tpu.memory_space<vmem_shared>> -> memref<128x16xf32, #tpu.memory_space<vmem_shared>>
        %dma_start3A_114 = arith.constant 0 : i32
        %dma_start3A_115 = tpu.memref_slice %arg6[%add3A_112, %dma_start3A_114] : memref<20096x16xf32, #tpu.memory_space<vmem_shared>> -> memref<128x16xf32, #tpu.memory_space<vmem_shared>>
        tpu.enqueue_dma source(%arg11 : memref<128x16xf32, #tpu.memory_space<vmem>>) target(%dma_start3A_115 : memref<128x16xf32, #tpu.memory_space<vmem_shared>>) target_semaphore(%run_scoped3A : memref<!tpu.dma_semaphore, #tpu.memory_space<semaphore_mem>>)
        %dma_wait3A_116 = arith.constant 0 : i32
        %dma_wait3A_117 = tpu.memref_slice %arg6[%add3A_112, %dma_wait3A_116] : memref<20096x16xf32, #tpu.memory_space<vmem_shared>> -> memref<128x16xf32, #tpu.memory_space<vmem_shared>>
        %dma_wait3A_118 = arith.constant 0 : i32
        %dma_wait3A_119 = tpu.memref_slice %arg6[%add3A_112, %dma_wait3A_118] : memref<20096x16xf32, #tpu.memory_space<vmem_shared>> -> memref<128x16xf32, #tpu.memory_space<vmem_shared>>
        tpu.wait_dma2 semaphore(%run_scoped3A : memref<!tpu.dma_semaphore, #tpu.memory_space<semaphore_mem>>) src(%arg11 : memref<128x16xf32, #tpu.memory_space<vmem>>) dst(%dma_wait3A_119 : memref<128x16xf32, #tpu.memory_space<vmem_shared>>)
        tpu.yield
      }) : () -> ()
    }
    %scan3A_14 = arith.constant 9 : i32
    %mul3A_15 = arith.constant 1256 : i32
    %mul3A_16 = arith.muli %arg1, %mul3A_15 : i32
    %add3A_17 = arith.constant 1152 : i32
    %add3A_18 = arith.addi %mul3A_16, %add3A_17 : i32
    "tpu.region"() ({
      %run_scoped3A = tpu.sem_alloc : memref<!tpu.dma_semaphore, #tpu.memory_space<semaphore_mem>>
      %dma_start3A = arith.constant 0 : i32
      %dma_start3A_103 = arith.constant 0 : i32
      %dma_start3A_104 = tpu.memref_slice %arg11[%dma_start3A, %dma_start3A_103] : memref<128x16xf32, #tpu.memory_space<vmem>> -> memref<104x16xf32, #tpu.memory_space<vmem>>
      %dma_start3A_105 = arith.constant 0 : i32
      %dma_start3A_106 = tpu.memref_slice %arg6[%add3A_18, %dma_start3A_105] : memref<20096x16xf32, #tpu.memory_space<vmem_shared>> -> memref<104x16xf32, #tpu.memory_space<vmem_shared>>
      %dma_start3A_107 = arith.constant 0 : i32
      %dma_start3A_108 = tpu.memref_slice %arg6[%add3A_18, %dma_start3A_107] : memref<20096x16xf32, #tpu.memory_space<vmem_shared>> -> memref<104x16xf32, #tpu.memory_space<vmem_shared>>
      %dma_start3A_109 = arith.constant 0 : i32
      %dma_start3A_110 = arith.constant 0 : i32
      %dma_start3A_111 = tpu.memref_slice %arg11[%dma_start3A_109, %dma_start3A_110] : memref<128x16xf32, #tpu.memory_space<vmem>> -> memref<104x16xf32, #tpu.memory_space<vmem>>
      tpu.enqueue_dma source(%dma_start3A_111 : memref<104x16xf32, #tpu.memory_space<vmem>>) target(%dma_start3A_108 : memref<104x16xf32, #tpu.memory_space<vmem_shared>>) target_semaphore(%run_scoped3A : memref<!tpu.dma_semaphore, #tpu.memory_space<semaphore_mem>>)
      %dma_wait3A_112 = arith.constant 0 : i32
      %dma_wait3A_113 = arith.constant 0 : i32
      %dma_wait3A_114 = tpu.memref_slice %arg11[%dma_wait3A_112, %dma_wait3A_113] : memref<128x16xf32, #tpu.memory_space<vmem>> -> memref<104x16xf32, #tpu.memory_space<vmem>>
      %dma_wait3A_115 = arith.constant 0 : i32
      %dma_wait3A_116 = tpu.memref_slice %arg6[%add3A_18, %dma_wait3A_115] : memref<20096x16xf32, #tpu.memory_space<vmem_shared>> -> memref<104x16xf32, #tpu.memory_space<vmem_shared>>
      %dma_wait3A_117 = arith.constant 0 : i32
      %dma_wait3A_118 = tpu.memref_slice %arg6[%add3A_18, %dma_wait3A_117] : memref<20096x16xf32, #tpu.memory_space<vmem_shared>> -> memref<104x16xf32, #tpu.memory_space<vmem_shared>>
      %dma_wait3A_119 = arith.constant 0 : i32
      %dma_wait3A_120 = arith.constant 0 : i32
      %dma_wait3A_121 = tpu.memref_slice %arg11[%dma_wait3A_119, %dma_wait3A_120] : memref<128x16xf32, #tpu.memory_space<vmem>> -> memref<104x16xf32, #tpu.memory_space<vmem>>
      tpu.wait_dma2 semaphore(%run_scoped3A : memref<!tpu.dma_semaphore, #tpu.memory_space<semaphore_mem>>) src(%dma_wait3A_121 : memref<104x16xf32, #tpu.memory_space<vmem>>) dst(%dma_wait3A_118 : memref<104x16xf32, #tpu.memory_space<vmem_shared>>)
      tpu.yield
    }) : () -> ()
    %scan3A_19 = arith.constant 0 : i32
    %mul3A_20 = arith.constant 1 : i32
    %mul3A_21 = arith.muli %scan3A_19, %mul3A_20 : i32
    %add3A_22 = arith.constant 0 : i32
    %add3A_23 = arith.addi %add3A_22, %mul3A_21 : i32
    %mul3A_24 = arith.constant 128 : i32
    %mul3A_25 = arith.muli %arg1, %mul3A_24 : i32
    %mul3A_26 = arith.constant 128 : i32
    %mul3A_27 = arith.muli %add3A_23, %mul3A_26 : i32
    %add3A_28 = arith.addi %mul3A_25, %mul3A_27 : i32
    "tpu.region"() ({
      %run_scoped3A = tpu.sem_alloc : memref<!tpu.dma_semaphore, #tpu.memory_space<semaphore_mem>>
      %dma_start3A = arith.constant 0 : i32
      %dma_start3A_103 = tpu.memref_slice %arg7[%add3A_28, %dma_start3A] : memref<2048x16xf32, #tpu.memory_space<vmem_shared>> -> memref<128x16xf32, #tpu.memory_space<vmem_shared>>
      %dma_start3A_104 = arith.constant 0 : i32
      %dma_start3A_105 = tpu.memref_slice %arg7[%add3A_28, %dma_start3A_104] : memref<2048x16xf32, #tpu.memory_space<vmem_shared>> -> memref<128x16xf32, #tpu.memory_space<vmem_shared>>
      tpu.enqueue_dma source(%arg11 : memref<128x16xf32, #tpu.memory_space<vmem>>) target(%dma_start3A_105 : memref<128x16xf32, #tpu.memory_space<vmem_shared>>) target_semaphore(%run_scoped3A : memref<!tpu.dma_semaphore, #tpu.memory_space<semaphore_mem>>)
      %dma_wait3A_106 = arith.constant 0 : i32
      %dma_wait3A_107 = tpu.memref_slice %arg7[%add3A_28, %dma_wait3A_106] : memref<2048x16xf32, #tpu.memory_space<vmem_shared>> -> memref<128x16xf32, #tpu.memory_space<vmem_shared>>
      %dma_wait3A_108 = arith.constant 0 : i32
      %dma_wait3A_109 = tpu.memref_slice %arg7[%add3A_28, %dma_wait3A_108] : memref<2048x16xf32, #tpu.memory_space<vmem_shared>> -> memref<128x16xf32, #tpu.memory_space<vmem_shared>>
      tpu.wait_dma2 semaphore(%run_scoped3A : memref<!tpu.dma_semaphore, #tpu.memory_space<semaphore_mem>>) src(%arg11 : memref<128x16xf32, #tpu.memory_space<vmem>>) dst(%dma_wait3A_109 : memref<128x16xf32, #tpu.memory_space<vmem_shared>>)
      tpu.yield
    }) : () -> ()
    %scan3A_29 = arith.constant 1 : i32
    %barrier3A = arith.constant 0 : index
    tpu.barrier barrier_id(%barrier3A)
    %mul3A_30 = arith.constant 128 : i32
    %mul3A_31 = arith.muli %add3A, %mul3A_30 : i32
    "tpu.region"() ({
      %run_scoped3A = tpu.sem_alloc : memref<!tpu.dma_semaphore, #tpu.memory_space<semaphore_mem>>
      %dma_start3A = arith.constant 0 : i32
      %dma_start3A_103 = tpu.memref_slice %arg2[%mul3A_31, %dma_start3A] : memref<4096x128xi32, #tpu.memory_space<hbm>> -> memref<128x128xi32, #tpu.memory_space<hbm>>
      %dma_start3A_104 = arith.constant 0 : i32
      %dma_start3A_105 = tpu.memref_slice %arg2[%mul3A_31, %dma_start3A_104] : memref<4096x128xi32, #tpu.memory_space<hbm>> -> memref<128x128xi32, #tpu.memory_space<hbm>>
      tpu.enqueue_dma source(%dma_start3A_105 : memref<128x128xi32, #tpu.memory_space<hbm>>) target(%arg8 : memref<128x128xi32, #tpu.memory_space<vmem>>) target_semaphore(%run_scoped3A : memref<!tpu.dma_semaphore, #tpu.memory_space<semaphore_mem>>)
      %dma_wait3A_106 = arith.constant 0 : i32
      %dma_wait3A_107 = tpu.memref_slice %arg2[%mul3A_31, %dma_wait3A_106] : memref<4096x128xi32, #tpu.memory_space<hbm>> -> memref<128x128xi32, #tpu.memory_space<hbm>>
      %dma_wait3A_108 = arith.constant 0 : i32
      %dma_wait3A_109 = tpu.memref_slice %arg2[%mul3A_31, %dma_wait3A_108] : memref<4096x128xi32, #tpu.memory_space<hbm>> -> memref<128x128xi32, #tpu.memory_space<hbm>>
      tpu.wait_dma2 semaphore(%run_scoped3A : memref<!tpu.dma_semaphore, #tpu.memory_space<semaphore_mem>>) src(%dma_wait3A_109 : memref<128x128xi32, #tpu.memory_space<hbm>>) dst(%arg8 : memref<128x128xi32, #tpu.memory_space<vmem>>)
      tpu.yield
    }) : () -> ()
    %mul3A_32 = arith.constant 128 : i32
    %mul3A_33 = arith.muli %add3A, %mul3A_32 : i32
    "tpu.region"() ({
      %run_scoped3A = tpu.sem_alloc : memref<!tpu.dma_semaphore, #tpu.memory_space<semaphore_mem>>
      %dma_start3A = arith.constant 0 : i32
      %dma_start3A_103 = tpu.memref_slice %arg3[%mul3A_33, %dma_start3A] : memref<4096x128xi32, #tpu.memory_space<hbm>> -> memref<128x128xi32, #tpu.memory_space<hbm>>
      %dma_start3A_104 = arith.constant 0 : i32
      %dma_start3A_105 = tpu.memref_slice %arg3[%mul3A_33, %dma_start3A_104] : memref<4096x128xi32, #tpu.memory_space<hbm>> -> memref<128x128xi32, #tpu.memory_space<hbm>>
      tpu.enqueue_dma source(%dma_start3A_105 : memref<128x128xi32, #tpu.memory_space<hbm>>) target(%arg9 : memref<128x128xi32, #tpu.memory_space<vmem>>) target_semaphore(%run_scoped3A : memref<!tpu.dma_semaphore, #tpu.memory_space<semaphore_mem>>)
      %dma_wait3A_106 = arith.constant 0 : i32
      %dma_wait3A_107 = tpu.memref_slice %arg3[%mul3A_33, %dma_wait3A_106] : memref<4096x128xi32, #tpu.memory_space<hbm>> -> memref<128x128xi32, #tpu.memory_space<hbm>>
      %dma_wait3A_108 = arith.constant 0 : i32
      %dma_wait3A_109 = tpu.memref_slice %arg3[%mul3A_33, %dma_wait3A_108] : memref<4096x128xi32, #tpu.memory_space<hbm>> -> memref<128x128xi32, #tpu.memory_space<hbm>>
      tpu.wait_dma2 semaphore(%run_scoped3A : memref<!tpu.dma_semaphore, #tpu.memory_space<semaphore_mem>>) src(%dma_wait3A_109 : memref<128x128xi32, #tpu.memory_space<hbm>>) dst(%arg9 : memref<128x128xi32, #tpu.memory_space<vmem>>)
      tpu.yield
    }) : () -> ()
    %scan3A_34 = arith.constant 0 : i32
    %scan3A_35 = arith.constant 32 : i32
    %scan3A_36 = arith.addi %scan3A_34, %scan3A_35 : i32
    %scan3A_37 = arith.constant 1 : i32
    scf.for %scan3A_103 = %scan3A_34 to %scan3A_36 step %scan3A_37  : i32 {
      %mul3A_104 = arith.constant 4 : i32
      %mul3A_105 = arith.muli %scan3A_103, %mul3A_104 : i32
      %add3A_106 = arith.constant 0 : i32
      %add3A_107 = arith.addi %add3A_106, %mul3A_105 : i32
      %add3A_108 = arith.constant 0 : i32
      %add3A_109 = arith.addi %add3A_107, %add3A_108 : i32
      %gt3A = arith.constant 0 : i32
      %gt3A_110 = arith.cmpi sgt, %add3A_107, %gt3A : i32
      %convert_element_type3A = arith.extui %gt3A_110 : i1 to i32
      %cond3A = arith.constant 0 : i32
      %cond3A_111 = arith.cmpi ne, %convert_element_type3A, %cond3A : i32
      scf.if %cond3A_111 {
        %sub3A = arith.constant 4 : i32
        %sub3A_180 = arith.subi %add3A_109, %sub3A : i32
        %dma_wait3A_181 = arith.constant 0 : i32
        %dma_wait3A_182 = tpu.memref_slice %arg9[%sub3A_180, %dma_wait3A_181] : memref<128x128xi32, #tpu.memory_space<vmem>> -> memref<1x128xi32, #tpu.memory_space<vmem>>
        %dma_wait3A_183 = tpu.memref_squeeze %dma_wait3A_182 : memref<1x128xi32, #tpu.memory_space<vmem>> -> memref<128xi32, #tpu.memory_space<vmem>>
        %dma_wait3A_184 = arith.constant 0 : i32
        %dma_wait3A_185 = arith.constant 0 : i32
        %dma_wait3A_186 = tpu.memref_slice %arg6[%dma_wait3A_184, %dma_wait3A_185] : memref<20096x16xf32, #tpu.memory_space<vmem_shared>> -> memref<20096x16xf32, #tpu.memory_space<vmem_shared>>
        tpu.wait_indirect_dma semaphore(%arg12 : memref<!tpu.dma_semaphore, #tpu.memory_space<semaphore_mem>>) src(%arg10 : memref<128x16xf32, #tpu.memory_space<vmem>>) dst(%dma_wait3A_186 : memref<20096x16xf32, #tpu.memory_space<vmem_shared>>)
        %sub3A_187 = arith.constant 4 : i32
        %sub3A_188 = arith.subi %add3A_109, %sub3A_187 : i32
        %dma_wait3A_189 = arith.constant 0 : i32
        %dma_wait3A_190 = tpu.memref_slice %arg8[%sub3A_188, %dma_wait3A_189] : memref<128x128xi32, #tpu.memory_space<vmem>> -> memref<1x128xi32, #tpu.memory_space<vmem>>
        %dma_wait3A_191 = tpu.memref_squeeze %dma_wait3A_190 : memref<1x128xi32, #tpu.memory_space<vmem>> -> memref<128xi32, #tpu.memory_space<vmem>>
        %dma_wait3A_192 = arith.constant 0 : i32
        %dma_wait3A_193 = arith.constant 0 : i32
        %dma_wait3A_194 = tpu.memref_slice %arg7[%dma_wait3A_192, %dma_wait3A_193] : memref<2048x16xf32, #tpu.memory_space<vmem_shared>> -> memref<2048x16xf32, #tpu.memory_space<vmem_shared>>
        tpu.wait_indirect_dma semaphore(%arg16 : memref<!tpu.dma_semaphore, #tpu.memory_space<semaphore_mem>>) src(%arg10 : memref<128x16xf32, #tpu.memory_space<vmem>>) dst(%dma_wait3A_194 : memref<2048x16xf32, #tpu.memory_space<vmem_shared>>)
      } else {
      }
      %dma_start3A = arith.constant 0 : i32
      %dma_start3A_112 = tpu.memref_slice %arg9[%add3A_109, %dma_start3A] : memref<128x128xi32, #tpu.memory_space<vmem>> -> memref<1x128xi32, #tpu.memory_space<vmem>>
      %dma_start3A_113 = tpu.memref_squeeze %dma_start3A_112 : memref<1x128xi32, #tpu.memory_space<vmem>> -> memref<128xi32, #tpu.memory_space<vmem>>
      %dma_start3A_114 = arith.constant 0 : i32
      %dma_start3A_115 = arith.constant 0 : i32
      %dma_start3A_116 = tpu.memref_slice %arg6[%dma_start3A_114, %dma_start3A_115] : memref<20096x16xf32, #tpu.memory_space<vmem_shared>> -> memref<20096x16xf32, #tpu.memory_space<vmem_shared>>
      tpu.enqueue_indirect_dma source(%arg10 : memref<128x16xf32, #tpu.memory_space<vmem>>) target(%dma_start3A_116 : memref<20096x16xf32, #tpu.memory_space<vmem_shared>>) offsets(%dma_start3A_113 : memref<128xi32, #tpu.memory_space<vmem>>) semaphore(%arg12 : memref<!tpu.dma_semaphore, #tpu.memory_space<semaphore_mem>>) {add = true}
      %dma_start3A_117 = arith.constant 0 : i32
      %dma_start3A_118 = tpu.memref_slice %arg8[%add3A_109, %dma_start3A_117] : memref<128x128xi32, #tpu.memory_space<vmem>> -> memref<1x128xi32, #tpu.memory_space<vmem>>
      %dma_start3A_119 = tpu.memref_squeeze %dma_start3A_118 : memref<1x128xi32, #tpu.memory_space<vmem>> -> memref<128xi32, #tpu.memory_space<vmem>>
      %dma_start3A_120 = arith.constant 0 : i32
      %dma_start3A_121 = arith.constant 0 : i32
      %dma_start3A_122 = tpu.memref_slice %arg7[%dma_start3A_120, %dma_start3A_121] : memref<2048x16xf32, #tpu.memory_space<vmem_shared>> -> memref<2048x16xf32, #tpu.memory_space<vmem_shared>>
      tpu.enqueue_indirect_dma source(%arg10 : memref<128x16xf32, #tpu.memory_space<vmem>>) target(%dma_start3A_122 : memref<2048x16xf32, #tpu.memory_space<vmem_shared>>) offsets(%dma_start3A_119 : memref<128xi32, #tpu.memory_space<vmem>>) semaphore(%arg16 : memref<!tpu.dma_semaphore, #tpu.memory_space<semaphore_mem>>) {add = true}
      %add3A_123 = arith.constant 1 : i32
      %add3A_124 = arith.addi %add3A_107, %add3A_123 : i32
      %gt3A_125 = arith.constant 0 : i32
      %gt3A_126 = arith.cmpi sgt, %add3A_107, %gt3A_125 : i32
      %convert_element_type3A_127 = arith.extui %gt3A_126 : i1 to i32
      %cond3A_128 = arith.constant 0 : i32
      %cond3A_129 = arith.cmpi ne, %convert_element_type3A_127, %cond3A_128 : i32
      scf.if %cond3A_129 {
        %sub3A = arith.constant 4 : i32
        %sub3A_180 = arith.subi %add3A_124, %sub3A : i32
        %dma_wait3A_181 = arith.constant 0 : i32
        %dma_wait3A_182 = tpu.memref_slice %arg9[%sub3A_180, %dma_wait3A_181] : memref<128x128xi32, #tpu.memory_space<vmem>> -> memref<1x128xi32, #tpu.memory_space<vmem>>
        %dma_wait3A_183 = tpu.memref_squeeze %dma_wait3A_182 : memref<1x128xi32, #tpu.memory_space<vmem>> -> memref<128xi32, #tpu.memory_space<vmem>>
        %dma_wait3A_184 = arith.constant 0 : i32
        %dma_wait3A_185 = arith.constant 0 : i32
        %dma_wait3A_186 = tpu.memref_slice %arg6[%dma_wait3A_184, %dma_wait3A_185] : memref<20096x16xf32, #tpu.memory_space<vmem_shared>> -> memref<20096x16xf32, #tpu.memory_space<vmem_shared>>
        tpu.wait_indirect_dma semaphore(%arg13 : memref<!tpu.dma_semaphore, #tpu.memory_space<semaphore_mem>>) src(%arg10 : memref<128x16xf32, #tpu.memory_space<vmem>>) dst(%dma_wait3A_186 : memref<20096x16xf32, #tpu.memory_space<vmem_shared>>)
        %sub3A_187 = arith.constant 4 : i32
        %sub3A_188 = arith.subi %add3A_124, %sub3A_187 : i32
        %dma_wait3A_189 = arith.constant 0 : i32
        %dma_wait3A_190 = tpu.memref_slice %arg8[%sub3A_188, %dma_wait3A_189] : memref<128x128xi32, #tpu.memory_space<vmem>> -> memref<1x128xi32, #tpu.memory_space<vmem>>
        %dma_wait3A_191 = tpu.memref_squeeze %dma_wait3A_190 : memref<1x128xi32, #tpu.memory_space<vmem>> -> memref<128xi32, #tpu.memory_space<vmem>>
        %dma_wait3A_192 = arith.constant 0 : i32
        %dma_wait3A_193 = arith.constant 0 : i32
        %dma_wait3A_194 = tpu.memref_slice %arg7[%dma_wait3A_192, %dma_wait3A_193] : memref<2048x16xf32, #tpu.memory_space<vmem_shared>> -> memref<2048x16xf32, #tpu.memory_space<vmem_shared>>
        tpu.wait_indirect_dma semaphore(%arg17 : memref<!tpu.dma_semaphore, #tpu.memory_space<semaphore_mem>>) src(%arg10 : memref<128x16xf32, #tpu.memory_space<vmem>>) dst(%dma_wait3A_194 : memref<2048x16xf32, #tpu.memory_space<vmem_shared>>)
      } else {
      }
      %dma_start3A_130 = arith.constant 0 : i32
      %dma_start3A_131 = tpu.memref_slice %arg9[%add3A_124, %dma_start3A_130] : memref<128x128xi32, #tpu.memory_space<vmem>> -> memref<1x128xi32, #tpu.memory_space<vmem>>
      %dma_start3A_132 = tpu.memref_squeeze %dma_start3A_131 : memref<1x128xi32, #tpu.memory_space<vmem>> -> memref<128xi32, #tpu.memory_space<vmem>>
      %dma_start3A_133 = arith.constant 0 : i32
      %dma_start3A_134 = arith.constant 0 : i32
      %dma_start3A_135 = tpu.memref_slice %arg6[%dma_start3A_133, %dma_start3A_134] : memref<20096x16xf32, #tpu.memory_space<vmem_shared>> -> memref<20096x16xf32, #tpu.memory_space<vmem_shared>>
      tpu.enqueue_indirect_dma source(%arg10 : memref<128x16xf32, #tpu.memory_space<vmem>>) target(%dma_start3A_135 : memref<20096x16xf32, #tpu.memory_space<vmem_shared>>) offsets(%dma_start3A_132 : memref<128xi32, #tpu.memory_space<vmem>>) semaphore(%arg13 : memref<!tpu.dma_semaphore, #tpu.memory_space<semaphore_mem>>) {add = true}
      %dma_start3A_136 = arith.constant 0 : i32
      %dma_start3A_137 = tpu.memref_slice %arg8[%add3A_124, %dma_start3A_136] : memref<128x128xi32, #tpu.memory_space<vmem>> -> memref<1x128xi32, #tpu.memory_space<vmem>>
      %dma_start3A_138 = tpu.memref_squeeze %dma_start3A_137 : memref<1x128xi32, #tpu.memory_space<vmem>> -> memref<128xi32, #tpu.memory_space<vmem>>
      %dma_start3A_139 = arith.constant 0 : i32
      %dma_start3A_140 = arith.constant 0 : i32
      %dma_start3A_141 = tpu.memref_slice %arg7[%dma_start3A_139, %dma_start3A_140] : memref<2048x16xf32, #tpu.memory_space<vmem_shared>> -> memref<2048x16xf32, #tpu.memory_space<vmem_shared>>
      tpu.enqueue_indirect_dma source(%arg10 : memref<128x16xf32, #tpu.memory_space<vmem>>) target(%dma_start3A_141 : memref<2048x16xf32, #tpu.memory_space<vmem_shared>>) offsets(%dma_start3A_138 : memref<128xi32, #tpu.memory_space<vmem>>) semaphore(%arg17 : memref<!tpu.dma_semaphore, #tpu.memory_space<semaphore_mem>>) {add = true}
      %add3A_142 = arith.constant 2 : i32
      %add3A_143 = arith.addi %add3A_107, %add3A_142 : i32
      %gt3A_144 = arith.constant 0 : i32
      %gt3A_145 = arith.cmpi sgt, %add3A_107, %gt3A_144 : i32
      %convert_element_type3A_146 = arith.extui %gt3A_145 : i1 to i32
      %cond3A_147 = arith.constant 0 : i32
      %cond3A_148 = arith.cmpi ne, %convert_element_type3A_146, %cond3A_147 : i32
      scf.if %cond3A_148 {
        %sub3A = arith.constant 4 : i32
        %sub3A_180 = arith.subi %add3A_143, %sub3A : i32
        %dma_wait3A_181 = arith.constant 0 : i32
        %dma_wait3A_182 = tpu.memref_slice %arg9[%sub3A_180, %dma_wait3A_181] : memref<128x128xi32, #tpu.memory_space<vmem>> -> memref<1x128xi32, #tpu.memory_space<vmem>>
        %dma_wait3A_183 = tpu.memref_squeeze %dma_wait3A_182 : memref<1x128xi32, #tpu.memory_space<vmem>> -> memref<128xi32, #tpu.memory_space<vmem>>
        %dma_wait3A_184 = arith.constant 0 : i32
        %dma_wait3A_185 = arith.constant 0 : i32
        %dma_wait3A_186 = tpu.memref_slice %arg6[%dma_wait3A_184, %dma_wait3A_185] : memref<20096x16xf32, #tpu.memory_space<vmem_shared>> -> memref<20096x16xf32, #tpu.memory_space<vmem_shared>>
        tpu.wait_indirect_dma semaphore(%arg14 : memref<!tpu.dma_semaphore, #tpu.memory_space<semaphore_mem>>) src(%arg10 : memref<128x16xf32, #tpu.memory_space<vmem>>) dst(%dma_wait3A_186 : memref<20096x16xf32, #tpu.memory_space<vmem_shared>>)
        %sub3A_187 = arith.constant 4 : i32
        %sub3A_188 = arith.subi %add3A_143, %sub3A_187 : i32
        %dma_wait3A_189 = arith.constant 0 : i32
        %dma_wait3A_190 = tpu.memref_slice %arg8[%sub3A_188, %dma_wait3A_189] : memref<128x128xi32, #tpu.memory_space<vmem>> -> memref<1x128xi32, #tpu.memory_space<vmem>>
        %dma_wait3A_191 = tpu.memref_squeeze %dma_wait3A_190 : memref<1x128xi32, #tpu.memory_space<vmem>> -> memref<128xi32, #tpu.memory_space<vmem>>
        %dma_wait3A_192 = arith.constant 0 : i32
        %dma_wait3A_193 = arith.constant 0 : i32
        %dma_wait3A_194 = tpu.memref_slice %arg7[%dma_wait3A_192, %dma_wait3A_193] : memref<2048x16xf32, #tpu.memory_space<vmem_shared>> -> memref<2048x16xf32, #tpu.memory_space<vmem_shared>>
        tpu.wait_indirect_dma semaphore(%arg18 : memref<!tpu.dma_semaphore, #tpu.memory_space<semaphore_mem>>) src(%arg10 : memref<128x16xf32, #tpu.memory_space<vmem>>) dst(%dma_wait3A_194 : memref<2048x16xf32, #tpu.memory_space<vmem_shared>>)
      } else {
      }
      %dma_start3A_149 = arith.constant 0 : i32
      %dma_start3A_150 = tpu.memref_slice %arg9[%add3A_143, %dma_start3A_149] : memref<128x128xi32, #tpu.memory_space<vmem>> -> memref<1x128xi32, #tpu.memory_space<vmem>>
      %dma_start3A_151 = tpu.memref_squeeze %dma_start3A_150 : memref<1x128xi32, #tpu.memory_space<vmem>> -> memref<128xi32, #tpu.memory_space<vmem>>
      %dma_start3A_152 = arith.constant 0 : i32
      %dma_start3A_153 = arith.constant 0 : i32
      %dma_start3A_154 = tpu.memref_slice %arg6[%dma_start3A_152, %dma_start3A_153] : memref<20096x16xf32, #tpu.memory_space<vmem_shared>> -> memref<20096x16xf32, #tpu.memory_space<vmem_shared>>
      tpu.enqueue_indirect_dma source(%arg10 : memref<128x16xf32, #tpu.memory_space<vmem>>) target(%dma_start3A_154 : memref<20096x16xf32, #tpu.memory_space<vmem_shared>>) offsets(%dma_start3A_151 : memref<128xi32, #tpu.memory_space<vmem>>) semaphore(%arg14 : memref<!tpu.dma_semaphore, #tpu.memory_space<semaphore_mem>>) {add = true}
      %dma_start3A_155 = arith.constant 0 : i32
      %dma_start3A_156 = tpu.memref_slice %arg8[%add3A_143, %dma_start3A_155] : memref<128x128xi32, #tpu.memory_space<vmem>> -> memref<1x128xi32, #tpu.memory_space<vmem>>
      %dma_start3A_157 = tpu.memref_squeeze %dma_start3A_156 : memref<1x128xi32, #tpu.memory_space<vmem>> -> memref<128xi32, #tpu.memory_space<vmem>>
      %dma_start3A_158 = arith.constant 0 : i32
      %dma_start3A_159 = arith.constant 0 : i32
      %dma_start3A_160 = tpu.memref_slice %arg7[%dma_start3A_158, %dma_start3A_159] : memref<2048x16xf32, #tpu.memory_space<vmem_shared>> -> memref<2048x16xf32, #tpu.memory_space<vmem_shared>>
      tpu.enqueue_indirect_dma source(%arg10 : memref<128x16xf32, #tpu.memory_space<vmem>>) target(%dma_start3A_160 : memref<2048x16xf32, #tpu.memory_space<vmem_shared>>) offsets(%dma_start3A_157 : memref<128xi32, #tpu.memory_space<vmem>>) semaphore(%arg18 : memref<!tpu.dma_semaphore, #tpu.memory_space<semaphore_mem>>) {add = true}
      %add3A_161 = arith.constant 3 : i32
      %add3A_162 = arith.addi %add3A_107, %add3A_161 : i32
      %gt3A_163 = arith.constant 0 : i32
      %gt3A_164 = arith.cmpi sgt, %add3A_107, %gt3A_163 : i32
      %convert_element_type3A_165 = arith.extui %gt3A_164 : i1 to i32
      %cond3A_166 = arith.constant 0 : i32
      %cond3A_167 = arith.cmpi ne, %convert_element_type3A_165, %cond3A_166 : i32
      scf.if %cond3A_167 {
        %sub3A = arith.constant 4 : i32
        %sub3A_180 = arith.subi %add3A_162, %sub3A : i32
        %dma_wait3A_181 = arith.constant 0 : i32
        %dma_wait3A_182 = tpu.memref_slice %arg9[%sub3A_180, %dma_wait3A_181] : memref<128x128xi32, #tpu.memory_space<vmem>> -> memref<1x128xi32, #tpu.memory_space<vmem>>
        %dma_wait3A_183 = tpu.memref_squeeze %dma_wait3A_182 : memref<1x128xi32, #tpu.memory_space<vmem>> -> memref<128xi32, #tpu.memory_space<vmem>>
        %dma_wait3A_184 = arith.constant 0 : i32
        %dma_wait3A_185 = arith.constant 0 : i32
        %dma_wait3A_186 = tpu.memref_slice %arg6[%dma_wait3A_184, %dma_wait3A_185] : memref<20096x16xf32, #tpu.memory_space<vmem_shared>> -> memref<20096x16xf32, #tpu.memory_space<vmem_shared>>
        tpu.wait_indirect_dma semaphore(%arg15 : memref<!tpu.dma_semaphore, #tpu.memory_space<semaphore_mem>>) src(%arg10 : memref<128x16xf32, #tpu.memory_space<vmem>>) dst(%dma_wait3A_186 : memref<20096x16xf32, #tpu.memory_space<vmem_shared>>)
        %sub3A_187 = arith.constant 4 : i32
        %sub3A_188 = arith.subi %add3A_162, %sub3A_187 : i32
        %dma_wait3A_189 = arith.constant 0 : i32
        %dma_wait3A_190 = tpu.memref_slice %arg8[%sub3A_188, %dma_wait3A_189] : memref<128x128xi32, #tpu.memory_space<vmem>> -> memref<1x128xi32, #tpu.memory_space<vmem>>
        %dma_wait3A_191 = tpu.memref_squeeze %dma_wait3A_190 : memref<1x128xi32, #tpu.memory_space<vmem>> -> memref<128xi32, #tpu.memory_space<vmem>>
        %dma_wait3A_192 = arith.constant 0 : i32
        %dma_wait3A_193 = arith.constant 0 : i32
        %dma_wait3A_194 = tpu.memref_slice %arg7[%dma_wait3A_192, %dma_wait3A_193] : memref<2048x16xf32, #tpu.memory_space<vmem_shared>> -> memref<2048x16xf32, #tpu.memory_space<vmem_shared>>
        tpu.wait_indirect_dma semaphore(%arg19 : memref<!tpu.dma_semaphore, #tpu.memory_space<semaphore_mem>>) src(%arg10 : memref<128x16xf32, #tpu.memory_space<vmem>>) dst(%dma_wait3A_194 : memref<2048x16xf32, #tpu.memory_space<vmem_shared>>)
      } else {
      }
      %dma_start3A_168 = arith.constant 0 : i32
      %dma_start3A_169 = tpu.memref_slice %arg9[%add3A_162, %dma_start3A_168] : memref<128x128xi32, #tpu.memory_space<vmem>> -> memref<1x128xi32, #tpu.memory_space<vmem>>
      %dma_start3A_170 = tpu.memref_squeeze %dma_start3A_169 : memref<1x128xi32, #tpu.memory_space<vmem>> -> memref<128xi32, #tpu.memory_space<vmem>>
      %dma_start3A_171 = arith.constant 0 : i32
      %dma_start3A_172 = arith.constant 0 : i32
      %dma_start3A_173 = tpu.memref_slice %arg6[%dma_start3A_171, %dma_start3A_172] : memref<20096x16xf32, #tpu.memory_space<vmem_shared>> -> memref<20096x16xf32, #tpu.memory_space<vmem_shared>>
      tpu.enqueue_indirect_dma source(%arg10 : memref<128x16xf32, #tpu.memory_space<vmem>>) target(%dma_start3A_173 : memref<20096x16xf32, #tpu.memory_space<vmem_shared>>) offsets(%dma_start3A_170 : memref<128xi32, #tpu.memory_space<vmem>>) semaphore(%arg15 : memref<!tpu.dma_semaphore, #tpu.memory_space<semaphore_mem>>) {add = true}
      %dma_start3A_174 = arith.constant 0 : i32
      %dma_start3A_175 = tpu.memref_slice %arg8[%add3A_162, %dma_start3A_174] : memref<128x128xi32, #tpu.memory_space<vmem>> -> memref<1x128xi32, #tpu.memory_space<vmem>>
      %dma_start3A_176 = tpu.memref_squeeze %dma_start3A_175 : memref<1x128xi32, #tpu.memory_space<vmem>> -> memref<128xi32, #tpu.memory_space<vmem>>
      %dma_start3A_177 = arith.constant 0 : i32
      %dma_start3A_178 = arith.constant 0 : i32
      %dma_start3A_179 = tpu.memref_slice %arg7[%dma_start3A_177, %dma_start3A_178] : memref<2048x16xf32, #tpu.memory_space<vmem_shared>> -> memref<2048x16xf32, #tpu.memory_space<vmem_shared>>
      tpu.enqueue_indirect_dma source(%arg10 : memref<128x16xf32, #tpu.memory_space<vmem>>) target(%dma_start3A_179 : memref<2048x16xf32, #tpu.memory_space<vmem_shared>>) offsets(%dma_start3A_176 : memref<128xi32, #tpu.memory_space<vmem>>) semaphore(%arg19 : memref<!tpu.dma_semaphore, #tpu.memory_space<semaphore_mem>>) {add = true}
    }
    %scan3A_38 = arith.constant 32 : i32
    %dma_wait3A = arith.constant 124 : i32
    %dma_wait3A_39 = arith.constant 0 : i32
    %dma_wait3A_40 = tpu.memref_slice %arg9[%dma_wait3A, %dma_wait3A_39] : memref<128x128xi32, #tpu.memory_space<vmem>> -> memref<1x128xi32, #tpu.memory_space<vmem>>
    %dma_wait3A_41 = tpu.memref_squeeze %dma_wait3A_40 : memref<1x128xi32, #tpu.memory_space<vmem>> -> memref<128xi32, #tpu.memory_space<vmem>>
    %dma_wait3A_42 = arith.constant 0 : i32
    %dma_wait3A_43 = arith.constant 0 : i32
    %dma_wait3A_44 = tpu.memref_slice %arg6[%dma_wait3A_42, %dma_wait3A_43] : memref<20096x16xf32, #tpu.memory_space<vmem_shared>> -> memref<20096x16xf32, #tpu.memory_space<vmem_shared>>
    tpu.wait_indirect_dma semaphore(%arg12 : memref<!tpu.dma_semaphore, #tpu.memory_space<semaphore_mem>>) src(%arg10 : memref<128x16xf32, #tpu.memory_space<vmem>>) dst(%dma_wait3A_44 : memref<20096x16xf32, #tpu.memory_space<vmem_shared>>)
    %dma_wait3A_45 = arith.constant 124 : i32
    %dma_wait3A_46 = arith.constant 0 : i32
    %dma_wait3A_47 = tpu.memref_slice %arg8[%dma_wait3A_45, %dma_wait3A_46] : memref<128x128xi32, #tpu.memory_space<vmem>> -> memref<1x128xi32, #tpu.memory_space<vmem>>
    %dma_wait3A_48 = tpu.memref_squeeze %dma_wait3A_47 : memref<1x128xi32, #tpu.memory_space<vmem>> -> memref<128xi32, #tpu.memory_space<vmem>>
    %dma_wait3A_49 = arith.constant 0 : i32
    %dma_wait3A_50 = arith.constant 0 : i32
    %dma_wait3A_51 = tpu.memref_slice %arg7[%dma_wait3A_49, %dma_wait3A_50] : memref<2048x16xf32, #tpu.memory_space<vmem_shared>> -> memref<2048x16xf32, #tpu.memory_space<vmem_shared>>
    tpu.wait_indirect_dma semaphore(%arg16 : memref<!tpu.dma_semaphore, #tpu.memory_space<semaphore_mem>>) src(%arg10 : memref<128x16xf32, #tpu.memory_space<vmem>>) dst(%dma_wait3A_51 : memref<2048x16xf32, #tpu.memory_space<vmem_shared>>)
    %dma_wait3A_52 = arith.constant 125 : i32
    %dma_wait3A_53 = arith.constant 0 : i32
    %dma_wait3A_54 = tpu.memref_slice %arg9[%dma_wait3A_52, %dma_wait3A_53] : memref<128x128xi32, #tpu.memory_space<vmem>> -> memref<1x128xi32, #tpu.memory_space<vmem>>
    %dma_wait3A_55 = tpu.memref_squeeze %dma_wait3A_54 : memref<1x128xi32, #tpu.memory_space<vmem>> -> memref<128xi32, #tpu.memory_space<vmem>>
    %dma_wait3A_56 = arith.constant 0 : i32
    %dma_wait3A_57 = arith.constant 0 : i32
    %dma_wait3A_58 = tpu.memref_slice %arg6[%dma_wait3A_56, %dma_wait3A_57] : memref<20096x16xf32, #tpu.memory_space<vmem_shared>> -> memref<20096x16xf32, #tpu.memory_space<vmem_shared>>
    tpu.wait_indirect_dma semaphore(%arg13 : memref<!tpu.dma_semaphore, #tpu.memory_space<semaphore_mem>>) src(%arg10 : memref<128x16xf32, #tpu.memory_space<vmem>>) dst(%dma_wait3A_58 : memref<20096x16xf32, #tpu.memory_space<vmem_shared>>)
    %dma_wait3A_59 = arith.constant 125 : i32
    %dma_wait3A_60 = arith.constant 0 : i32
    %dma_wait3A_61 = tpu.memref_slice %arg8[%dma_wait3A_59, %dma_wait3A_60] : memref<128x128xi32, #tpu.memory_space<vmem>> -> memref<1x128xi32, #tpu.memory_space<vmem>>
    %dma_wait3A_62 = tpu.memref_squeeze %dma_wait3A_61 : memref<1x128xi32, #tpu.memory_space<vmem>> -> memref<128xi32, #tpu.memory_space<vmem>>
    %dma_wait3A_63 = arith.constant 0 : i32
    %dma_wait3A_64 = arith.constant 0 : i32
    %dma_wait3A_65 = tpu.memref_slice %arg7[%dma_wait3A_63, %dma_wait3A_64] : memref<2048x16xf32, #tpu.memory_space<vmem_shared>> -> memref<2048x16xf32, #tpu.memory_space<vmem_shared>>
    tpu.wait_indirect_dma semaphore(%arg17 : memref<!tpu.dma_semaphore, #tpu.memory_space<semaphore_mem>>) src(%arg10 : memref<128x16xf32, #tpu.memory_space<vmem>>) dst(%dma_wait3A_65 : memref<2048x16xf32, #tpu.memory_space<vmem_shared>>)
    %dma_wait3A_66 = arith.constant 126 : i32
    %dma_wait3A_67 = arith.constant 0 : i32
    %dma_wait3A_68 = tpu.memref_slice %arg9[%dma_wait3A_66, %dma_wait3A_67] : memref<128x128xi32, #tpu.memory_space<vmem>> -> memref<1x128xi32, #tpu.memory_space<vmem>>
    %dma_wait3A_69 = tpu.memref_squeeze %dma_wait3A_68 : memref<1x128xi32, #tpu.memory_space<vmem>> -> memref<128xi32, #tpu.memory_space<vmem>>
    %dma_wait3A_70 = arith.constant 0 : i32
    %dma_wait3A_71 = arith.constant 0 : i32
    %dma_wait3A_72 = tpu.memref_slice %arg6[%dma_wait3A_70, %dma_wait3A_71] : memref<20096x16xf32, #tpu.memory_space<vmem_shared>> -> memref<20096x16xf32, #tpu.memory_space<vmem_shared>>
    tpu.wait_indirect_dma semaphore(%arg14 : memref<!tpu.dma_semaphore, #tpu.memory_space<semaphore_mem>>) src(%arg10 : memref<128x16xf32, #tpu.memory_space<vmem>>) dst(%dma_wait3A_72 : memref<20096x16xf32, #tpu.memory_space<vmem_shared>>)
    %dma_wait3A_73 = arith.constant 126 : i32
    %dma_wait3A_74 = arith.constant 0 : i32
    %dma_wait3A_75 = tpu.memref_slice %arg8[%dma_wait3A_73, %dma_wait3A_74] : memref<128x128xi32, #tpu.memory_space<vmem>> -> memref<1x128xi32, #tpu.memory_space<vmem>>
    %dma_wait3A_76 = tpu.memref_squeeze %dma_wait3A_75 : memref<1x128xi32, #tpu.memory_space<vmem>> -> memref<128xi32, #tpu.memory_space<vmem>>
    %dma_wait3A_77 = arith.constant 0 : i32
    %dma_wait3A_78 = arith.constant 0 : i32
    %dma_wait3A_79 = tpu.memref_slice %arg7[%dma_wait3A_77, %dma_wait3A_78] : memref<2048x16xf32, #tpu.memory_space<vmem_shared>> -> memref<2048x16xf32, #tpu.memory_space<vmem_shared>>
    tpu.wait_indirect_dma semaphore(%arg18 : memref<!tpu.dma_semaphore, #tpu.memory_space<semaphore_mem>>) src(%arg10 : memref<128x16xf32, #tpu.memory_space<vmem>>) dst(%dma_wait3A_79 : memref<2048x16xf32, #tpu.memory_space<vmem_shared>>)
    %dma_wait3A_80 = arith.constant 127 : i32
    %dma_wait3A_81 = arith.constant 0 : i32
    %dma_wait3A_82 = tpu.memref_slice %arg9[%dma_wait3A_80, %dma_wait3A_81] : memref<128x128xi32, #tpu.memory_space<vmem>> -> memref<1x128xi32, #tpu.memory_space<vmem>>
    %dma_wait3A_83 = tpu.memref_squeeze %dma_wait3A_82 : memref<1x128xi32, #tpu.memory_space<vmem>> -> memref<128xi32, #tpu.memory_space<vmem>>
    %dma_wait3A_84 = arith.constant 0 : i32
    %dma_wait3A_85 = arith.constant 0 : i32
    %dma_wait3A_86 = tpu.memref_slice %arg6[%dma_wait3A_84, %dma_wait3A_85] : memref<20096x16xf32, #tpu.memory_space<vmem_shared>> -> memref<20096x16xf32, #tpu.memory_space<vmem_shared>>
    tpu.wait_indirect_dma semaphore(%arg15 : memref<!tpu.dma_semaphore, #tpu.memory_space<semaphore_mem>>) src(%arg10 : memref<128x16xf32, #tpu.memory_space<vmem>>) dst(%dma_wait3A_86 : memref<20096x16xf32, #tpu.memory_space<vmem_shared>>)
    %dma_wait3A_87 = arith.constant 127 : i32
    %dma_wait3A_88 = arith.constant 0 : i32
    %dma_wait3A_89 = tpu.memref_slice %arg8[%dma_wait3A_87, %dma_wait3A_88] : memref<128x128xi32, #tpu.memory_space<vmem>> -> memref<1x128xi32, #tpu.memory_space<vmem>>
    %dma_wait3A_90 = tpu.memref_squeeze %dma_wait3A_89 : memref<1x128xi32, #tpu.memory_space<vmem>> -> memref<128xi32, #tpu.memory_space<vmem>>
    %dma_wait3A_91 = arith.constant 0 : i32
    %dma_wait3A_92 = arith.constant 0 : i32
    %dma_wait3A_93 = tpu.memref_slice %arg7[%dma_wait3A_91, %dma_wait3A_92] : memref<2048x16xf32, #tpu.memory_space<vmem_shared>> -> memref<2048x16xf32, #tpu.memory_space<vmem_shared>>
    tpu.wait_indirect_dma semaphore(%arg19 : memref<!tpu.dma_semaphore, #tpu.memory_space<semaphore_mem>>) src(%arg10 : memref<128x16xf32, #tpu.memory_space<vmem>>) dst(%dma_wait3A_93 : memref<2048x16xf32, #tpu.memory_space<vmem_shared>>)
    %barrier3A_94 = arith.constant 0 : index
    tpu.barrier barrier_id(%barrier3A_94)
    %mul3A_95 = arith.constant 1256 : i32
    %mul3A_96 = arith.muli %arg1, %mul3A_95 : i32
    %mul3A_97 = arith.constant 1256 : i32
    %mul3A_98 = arith.muli %arg1, %mul3A_97 : i32
    "tpu.region"() ({
      %run_scoped3A = tpu.sem_alloc : memref<!tpu.dma_semaphore, #tpu.memory_space<semaphore_mem>>
      %dma_start3A = arith.constant 0 : i32
      %dma_start3A_103 = tpu.memref_slice %arg4[%arg0, %mul3A_98, %dma_start3A] : memref<2x20096x16xf32, #tpu.memory_space<hbm>> -> memref<1x1256x16xf32, #tpu.memory_space<hbm>>
      %dma_start3A_104 = tpu.memref_squeeze %dma_start3A_103 : memref<1x1256x16xf32, #tpu.memory_space<hbm>> -> memref<1256x16xf32, #tpu.memory_space<hbm>>
      %dma_start3A_105 = arith.constant 0 : i32
      %dma_start3A_106 = tpu.memref_slice %arg6[%mul3A_96, %dma_start3A_105] : memref<20096x16xf32, #tpu.memory_space<vmem_shared>> -> memref<1256x16xf32, #tpu.memory_space<vmem_shared>>
      tpu.enqueue_dma source(%dma_start3A_106 : memref<1256x16xf32, #tpu.memory_space<vmem_shared>>) target(%dma_start3A_104 : memref<1256x16xf32, #tpu.memory_space<hbm>>) target_semaphore(%run_scoped3A : memref<!tpu.dma_semaphore, #tpu.memory_space<semaphore_mem>>)
      %dma_wait3A_107 = arith.constant 0 : i32
      %dma_wait3A_108 = tpu.memref_slice %arg4[%arg0, %mul3A_98, %dma_wait3A_107] : memref<2x20096x16xf32, #tpu.memory_space<hbm>> -> memref<1x1256x16xf32, #tpu.memory_space<hbm>>
      %dma_wait3A_109 = tpu.memref_squeeze %dma_wait3A_108 : memref<1x1256x16xf32, #tpu.memory_space<hbm>> -> memref<1256x16xf32, #tpu.memory_space<hbm>>
      %dma_wait3A_110 = arith.constant 0 : i32
      %dma_wait3A_111 = tpu.memref_slice %arg6[%mul3A_96, %dma_wait3A_110] : memref<20096x16xf32, #tpu.memory_space<vmem_shared>> -> memref<1256x16xf32, #tpu.memory_space<vmem_shared>>
      tpu.wait_dma2 semaphore(%run_scoped3A : memref<!tpu.dma_semaphore, #tpu.memory_space<semaphore_mem>>) src(%dma_wait3A_111 : memref<1256x16xf32, #tpu.memory_space<vmem_shared>>) dst(%dma_wait3A_109 : memref<1256x16xf32, #tpu.memory_space<hbm>>)
      tpu.yield
    }) : () -> ()
    %mul3A_99 = arith.constant 128 : i32
    %mul3A_100 = arith.muli %arg1, %mul3A_99 : i32
    %mul3A_101 = arith.constant 128 : i32
    %mul3A_102 = arith.muli %arg1, %mul3A_101 : i32
    "tpu.region"() ({
      %run_scoped3A = tpu.sem_alloc : memref<!tpu.dma_semaphore, #tpu.memory_space<semaphore_mem>>
      %dma_start3A = arith.constant 0 : i32
      %dma_start3A_103 = tpu.memref_slice %arg5[%arg0, %mul3A_102, %dma_start3A] : memref<2x2048x16xf32, #tpu.memory_space<hbm>> -> memref<1x128x16xf32, #tpu.memory_space<hbm>>
      %dma_start3A_104 = tpu.memref_squeeze %dma_start3A_103 : memref<1x128x16xf32, #tpu.memory_space<hbm>> -> memref<128x16xf32, #tpu.memory_space<hbm>>
      %dma_start3A_105 = arith.constant 0 : i32
      %dma_start3A_106 = tpu.memref_slice %arg7[%mul3A_100, %dma_start3A_105] : memref<2048x16xf32, #tpu.memory_space<vmem_shared>> -> memref<128x16xf32, #tpu.memory_space<vmem_shared>>
      tpu.enqueue_dma source(%dma_start3A_106 : memref<128x16xf32, #tpu.memory_space<vmem_shared>>) target(%dma_start3A_104 : memref<128x16xf32, #tpu.memory_space<hbm>>) target_semaphore(%run_scoped3A : memref<!tpu.dma_semaphore, #tpu.memory_space<semaphore_mem>>)
      %dma_wait3A_107 = arith.constant 0 : i32
      %dma_wait3A_108 = tpu.memref_slice %arg5[%arg0, %mul3A_102, %dma_wait3A_107] : memref<2x2048x16xf32, #tpu.memory_space<hbm>> -> memref<1x128x16xf32, #tpu.memory_space<hbm>>
      %dma_wait3A_109 = tpu.memref_squeeze %dma_wait3A_108 : memref<1x128x16xf32, #tpu.memory_space<hbm>> -> memref<128x16xf32, #tpu.memory_space<hbm>>
      %dma_wait3A_110 = arith.constant 0 : i32
      %dma_wait3A_111 = tpu.memref_slice %arg7[%mul3A_100, %dma_wait3A_110] : memref<2048x16xf32, #tpu.memory_space<vmem_shared>> -> memref<128x16xf32, #tpu.memory_space<vmem_shared>>
      tpu.wait_dma2 semaphore(%run_scoped3A : memref<!tpu.dma_semaphore, #tpu.memory_space<semaphore_mem>>) src(%dma_wait3A_111 : memref<128x16xf32, #tpu.memory_space<vmem_shared>>) dst(%dma_wait3A_109 : memref<128x16xf32, #tpu.memory_space<hbm>>)
      tpu.yield
    }) : () -> ()
    return
  }
}

#map = affine_map<(d0, d1) -> (0, 0)>
#map1 = affine_map<(d0, d1) -> (0, 0, 0)>
module attributes {stable_mosaic.version = 14 : i64} {
  func.func @body(%arg0: i32, %arg1: i32, %arg2: memref<4096x128xi32, #tpu.memory_space<hbm>>, %arg3: memref<4096x128xi32, #tpu.memory_space<hbm>>, %arg4: memref<2048x32xf32, #tpu.memory_space<hbm>>, %arg5: memref<20096x32xf32, #tpu.memory_space<hbm>>, %arg6: memref<2x20096x32xf32, #tpu.memory_space<hbm>>, %arg7: memref<2x2048x32xf32, #tpu.memory_space<hbm>>, %arg8: memref<20096x32xf32, #tpu.memory_space<vmem_shared>>, %arg9: memref<2048x32xf32, #tpu.memory_space<vmem_shared>>, %arg10: memref<128x128xi32, #tpu.memory_space<vmem>>, %arg11: memref<128x128xi32, #tpu.memory_space<vmem>>, %arg12: memref<128x32xf32, #tpu.memory_space<vmem>>, %arg13: memref<128x32xf32, #tpu.memory_space<vmem>>, %arg14: memref<128x32xf32, #tpu.memory_space<vmem>>, %arg15: memref<128x32xf32, #tpu.memory_space<vmem>>, %arg16: memref<128x32xf32, #tpu.memory_space<vmem>>, %arg17: memref<128x32xf32, #tpu.memory_space<vmem>>, %arg18: memref<128x32xf32, #tpu.memory_space<vmem>>, %arg19: memref<128x32xf32, #tpu.memory_space<vmem>>, %arg20: memref<!tpu.dma_semaphore, #tpu.memory_space<semaphore_mem>>, %arg21: memref<!tpu.dma_semaphore, #tpu.memory_space<semaphore_mem>>, %arg22: memref<!tpu.dma_semaphore, #tpu.memory_space<semaphore_mem>>, %arg23: memref<!tpu.dma_semaphore, #tpu.memory_space<semaphore_mem>>, %arg24: memref<!tpu.dma_semaphore, #tpu.memory_space<semaphore_mem>>, %arg25: memref<!tpu.dma_semaphore, #tpu.memory_space<semaphore_mem>>, %arg26: memref<!tpu.dma_semaphore, #tpu.memory_space<semaphore_mem>>, %arg27: memref<!tpu.dma_semaphore, #tpu.memory_space<semaphore_mem>>) attributes {dimension_semantics = [#tpu.dimension_semantics<core_parallel>, #tpu.dimension_semantics<subcore_parallel>], iteration_bounds = array<i64: 2, 16>, scalar_prefetch = 0 : i64, scratch_operands = 20 : i64, tpu.core_type = #tpu.core_type<sc_vector_subcore>, window_params = [{transform_indices = #map}, {transform_indices = #map}, {transform_indices = #map}, {transform_indices = #map}, {transform_indices = #map1}, {transform_indices = #map1}]} {
    %mul3A = arith.constant 16 : i32
    %mul3A_0 = arith.muli %arg0, %mul3A : i32
    %add3A = arith.addi %mul3A_0, %arg1 : i32
    %scan3A = arith.constant 0 : i32
    %scan3A_1 = arith.constant 128 : i32
    %scan3A_2 = arith.addi %scan3A, %scan3A_1 : i32
    %scan3A_3 = arith.constant 1 : i32
    scf.for %scan3A_98 = %scan3A to %scan3A_2 step %scan3A_3  : i32 {
      %mul3A_99 = arith.constant 1 : i32
      %mul3A_100 = arith.muli %scan3A_98, %mul3A_99 : i32
      %add3A_101 = arith.constant 0 : i32
      %add3A_102 = arith.addi %add3A_101, %mul3A_100 : i32
      %scan3A_103 = arith.constant 0 : i32
      %scan3A_104 = arith.constant 2 : i32
      %scan3A_105 = arith.addi %scan3A_103, %scan3A_104 : i32
      %scan3A_106 = arith.constant 1 : i32
      scf.for %scan3A_108 = %scan3A_103 to %scan3A_105 step %scan3A_106  : i32 {
        %mul3A_109 = arith.constant 1 : i32
        %mul3A_110 = arith.muli %scan3A_108, %mul3A_109 : i32
        %add3A_111 = arith.constant 0 : i32
        %add3A_112 = arith.addi %add3A_111, %mul3A_110 : i32
        %broadcast_in_dim3A = arith.constant 0.000000e+00 : f32
        %broadcast_in_dim3A_113 = vector.broadcast %broadcast_in_dim3A : f32 to vector<16xf32>
        %mul3A_114 = arith.constant 16 : i32
        %mul3A_115 = arith.muli %add3A_112, %mul3A_114 : i32
        %swap3A = arith.constant 0 : i32
        %swap3A_116 = arith.constant 0 : i32
        %swap3A_117 = tpu.memref_slice %arg12[%swap3A, %swap3A_116] : memref<128x32xf32, #tpu.memory_space<vmem>> -> memref<128x32xf32, #tpu.memory_space<vmem>>
        %swap3A_118 = arith.index_cast %add3A_102 : i32 to index
        %swap3A_119 = arith.index_cast %mul3A_115 : i32 to index
        %swap3A_120 = tpu.vector_load %swap3A_117[%swap3A_118, %swap3A_119] {strides = array<i32>} : memref<128x32xf32, #tpu.memory_space<vmem>>, vector<1x16xf32>,
        %swap3A_121 = vector.shape_cast %swap3A_120 : vector<1x16xf32> to vector<16xf32>
        %swap3A_122 = vector.shape_cast %broadcast_in_dim3A_113 : vector<16xf32> to vector<1x16xf32>
        tpu.vector_store %swap3A_117[%swap3A_118, %swap3A_119], %swap3A_122 {strides = array<i32>} : memref<128x32xf32, #tpu.memory_space<vmem>>, vector<1x16xf32>,
      }
      %scan3A_107 = arith.constant 2 : i32
    }
    %scan3A_4 = arith.constant 128 : i32
    %scan3A_5 = arith.constant 0 : i32
    %scan3A_6 = arith.constant 9 : i32
    %scan3A_7 = arith.addi %scan3A_5, %scan3A_6 : i32
    %scan3A_8 = arith.constant 1 : i32
    scf.for %scan3A_98 = %scan3A_5 to %scan3A_7 step %scan3A_8  : i32 {
      %mul3A_99 = arith.constant 1 : i32
      %mul3A_100 = arith.muli %scan3A_98, %mul3A_99 : i32
      %add3A_101 = arith.constant 0 : i32
      %add3A_102 = arith.addi %add3A_101, %mul3A_100 : i32
      %mul3A_103 = arith.constant 1256 : i32
      %mul3A_104 = arith.muli %arg1, %mul3A_103 : i32
      %mul3A_105 = arith.constant 128 : i32
      %mul3A_106 = arith.muli %add3A_102, %mul3A_105 : i32
      %add3A_107 = arith.addi %mul3A_104, %mul3A_106 : i32
      "tpu.region"() ({
        %run_scoped3A = tpu.sem_alloc : memref<!tpu.dma_semaphore, #tpu.memory_space<semaphore_mem>>
        %dma_start3A_108 = arith.constant 0 : i32
        %dma_start3A_109 = arith.constant 0 : i32
        %dma_start3A_110 = tpu.memref_slice %arg12[%dma_start3A_108, %dma_start3A_109] : memref<128x32xf32, #tpu.memory_space<vmem>> -> memref<128x32xf32, #tpu.memory_space<vmem>>
        %dma_start3A_111 = arith.constant 0 : i32
        %dma_start3A_112 = tpu.memref_slice %arg8[%add3A_107, %dma_start3A_111] : memref<20096x32xf32, #tpu.memory_space<vmem_shared>> -> memref<128x32xf32, #tpu.memory_space<vmem_shared>>
        %dma_start3A_113 = arith.constant 0 : i32
        %dma_start3A_114 = tpu.memref_slice %arg8[%add3A_107, %dma_start3A_113] : memref<20096x32xf32, #tpu.memory_space<vmem_shared>> -> memref<128x32xf32, #tpu.memory_space<vmem_shared>>
        %dma_start3A_115 = arith.constant 0 : i32
        %dma_start3A_116 = arith.constant 0 : i32
        %dma_start3A_117 = tpu.memref_slice %arg12[%dma_start3A_115, %dma_start3A_116] : memref<128x32xf32, #tpu.memory_space<vmem>> -> memref<128x32xf32, #tpu.memory_space<vmem>>
        tpu.enqueue_dma source(%dma_start3A_117 : memref<128x32xf32, #tpu.memory_space<vmem>>) target(%dma_start3A_114 : memref<128x32xf32, #tpu.memory_space<vmem_shared>>) target_semaphore(%run_scoped3A : memref<!tpu.dma_semaphore, #tpu.memory_space<semaphore_mem>>)
        %dma_wait3A = arith.constant 0 : i32
        %dma_wait3A_118 = arith.constant 0 : i32
        %dma_wait3A_119 = tpu.memref_slice %arg12[%dma_wait3A, %dma_wait3A_118] : memref<128x32xf32, #tpu.memory_space<vmem>> -> memref<128x32xf32, #tpu.memory_space<vmem>>
        %dma_wait3A_120 = arith.constant 0 : i32
        %dma_wait3A_121 = tpu.memref_slice %arg8[%add3A_107, %dma_wait3A_120] : memref<20096x32xf32, #tpu.memory_space<vmem_shared>> -> memref<128x32xf32, #tpu.memory_space<vmem_shared>>
        %dma_wait3A_122 = arith.constant 0 : i32
        %dma_wait3A_123 = tpu.memref_slice %arg8[%add3A_107, %dma_wait3A_122] : memref<20096x32xf32, #tpu.memory_space<vmem_shared>> -> memref<128x32xf32, #tpu.memory_space<vmem_shared>>
        %dma_wait3A_124 = arith.constant 0 : i32
        %dma_wait3A_125 = arith.constant 0 : i32
        %dma_wait3A_126 = tpu.memref_slice %arg12[%dma_wait3A_124, %dma_wait3A_125] : memref<128x32xf32, #tpu.memory_space<vmem>> -> memref<128x32xf32, #tpu.memory_space<vmem>>
        tpu.wait_dma2 semaphore(%run_scoped3A : memref<!tpu.dma_semaphore, #tpu.memory_space<semaphore_mem>>) src(%dma_wait3A_126 : memref<128x32xf32, #tpu.memory_space<vmem>>) dst(%dma_wait3A_123 : memref<128x32xf32, #tpu.memory_space<vmem_shared>>)
        tpu.yield
      }) : () -> ()
    }
    %scan3A_9 = arith.constant 9 : i32
    %mul3A_10 = arith.constant 1256 : i32
    %mul3A_11 = arith.muli %arg1, %mul3A_10 : i32
    %add3A_12 = arith.constant 1152 : i32
    %add3A_13 = arith.addi %mul3A_11, %add3A_12 : i32
    "tpu.region"() ({
      %run_scoped3A = tpu.sem_alloc : memref<!tpu.dma_semaphore, #tpu.memory_space<semaphore_mem>>
      %dma_start3A_98 = arith.constant 0 : i32
      %dma_start3A_99 = arith.constant 0 : i32
      %dma_start3A_100 = tpu.memref_slice %arg12[%dma_start3A_98, %dma_start3A_99] : memref<128x32xf32, #tpu.memory_space<vmem>> -> memref<128x32xf32, #tpu.memory_space<vmem>>
      %dma_start3A_101 = arith.constant 0 : i32
      %dma_start3A_102 = arith.constant 0 : i32
      %dma_start3A_103 = tpu.memref_slice %dma_start3A_100[%dma_start3A_101, %dma_start3A_102] : memref<128x32xf32, #tpu.memory_space<vmem>> -> memref<104x32xf32, #tpu.memory_space<vmem>>
      %dma_start3A_104 = arith.constant 0 : i32
      %dma_start3A_105 = tpu.memref_slice %arg8[%add3A_13, %dma_start3A_104] : memref<20096x32xf32, #tpu.memory_space<vmem_shared>> -> memref<104x32xf32, #tpu.memory_space<vmem_shared>>
      %dma_start3A_106 = arith.constant 0 : i32
      %dma_start3A_107 = tpu.memref_slice %arg8[%add3A_13, %dma_start3A_106] : memref<20096x32xf32, #tpu.memory_space<vmem_shared>> -> memref<104x32xf32, #tpu.memory_space<vmem_shared>>
      %dma_start3A_108 = arith.constant 0 : i32
      %dma_start3A_109 = arith.constant 0 : i32
      %dma_start3A_110 = tpu.memref_slice %arg12[%dma_start3A_108, %dma_start3A_109] : memref<128x32xf32, #tpu.memory_space<vmem>> -> memref<128x32xf32, #tpu.memory_space<vmem>>
      %dma_start3A_111 = arith.constant 0 : i32
      %dma_start3A_112 = arith.constant 0 : i32
      %dma_start3A_113 = tpu.memref_slice %dma_start3A_110[%dma_start3A_111, %dma_start3A_112] : memref<128x32xf32, #tpu.memory_space<vmem>> -> memref<104x32xf32, #tpu.memory_space<vmem>>
      tpu.enqueue_dma source(%dma_start3A_113 : memref<104x32xf32, #tpu.memory_space<vmem>>) target(%dma_start3A_107 : memref<104x32xf32, #tpu.memory_space<vmem_shared>>) target_semaphore(%run_scoped3A : memref<!tpu.dma_semaphore, #tpu.memory_space<semaphore_mem>>)
      %dma_wait3A = arith.constant 0 : i32
      %dma_wait3A_114 = arith.constant 0 : i32
      %dma_wait3A_115 = tpu.memref_slice %arg12[%dma_wait3A, %dma_wait3A_114] : memref<128x32xf32, #tpu.memory_space<vmem>> -> memref<128x32xf32, #tpu.memory_space<vmem>>
      %dma_wait3A_116 = arith.constant 0 : i32
      %dma_wait3A_117 = arith.constant 0 : i32
      %dma_wait3A_118 = tpu.memref_slice %dma_wait3A_115[%dma_wait3A_116, %dma_wait3A_117] : memref<128x32xf32, #tpu.memory_space<vmem>> -> memref<104x32xf32, #tpu.memory_space<vmem>>
      %dma_wait3A_119 = arith.constant 0 : i32
      %dma_wait3A_120 = tpu.memref_slice %arg8[%add3A_13, %dma_wait3A_119] : memref<20096x32xf32, #tpu.memory_space<vmem_shared>> -> memref<104x32xf32, #tpu.memory_space<vmem_shared>>
      %dma_wait3A_121 = arith.constant 0 : i32
      %dma_wait3A_122 = tpu.memref_slice %arg8[%add3A_13, %dma_wait3A_121] : memref<20096x32xf32, #tpu.memory_space<vmem_shared>> -> memref<104x32xf32, #tpu.memory_space<vmem_shared>>
      %dma_wait3A_123 = arith.constant 0 : i32
      %dma_wait3A_124 = arith.constant 0 : i32
      %dma_wait3A_125 = tpu.memref_slice %arg12[%dma_wait3A_123, %dma_wait3A_124] : memref<128x32xf32, #tpu.memory_space<vmem>> -> memref<128x32xf32, #tpu.memory_space<vmem>>
      %dma_wait3A_126 = arith.constant 0 : i32
      %dma_wait3A_127 = arith.constant 0 : i32
      %dma_wait3A_128 = tpu.memref_slice %dma_wait3A_125[%dma_wait3A_126, %dma_wait3A_127] : memref<128x32xf32, #tpu.memory_space<vmem>> -> memref<104x32xf32, #tpu.memory_space<vmem>>
      tpu.wait_dma2 semaphore(%run_scoped3A : memref<!tpu.dma_semaphore, #tpu.memory_space<semaphore_mem>>) src(%dma_wait3A_128 : memref<104x32xf32, #tpu.memory_space<vmem>>) dst(%dma_wait3A_122 : memref<104x32xf32, #tpu.memory_space<vmem_shared>>)
      tpu.yield
    }) : () -> ()
    %scan3A_14 = arith.constant 0 : i32
    %mul3A_15 = arith.constant 1 : i32
    %mul3A_16 = arith.muli %scan3A_14, %mul3A_15 : i32
    %add3A_17 = arith.constant 0 : i32
    %add3A_18 = arith.addi %add3A_17, %mul3A_16 : i32
    %mul3A_19 = arith.constant 128 : i32
    %mul3A_20 = arith.muli %arg1, %mul3A_19 : i32
    %mul3A_21 = arith.constant 128 : i32
    %mul3A_22 = arith.muli %add3A_18, %mul3A_21 : i32
    %add3A_23 = arith.addi %mul3A_20, %mul3A_22 : i32
    "tpu.region"() ({
      %run_scoped3A = tpu.sem_alloc : memref<!tpu.dma_semaphore, #tpu.memory_space<semaphore_mem>>
      %dma_start3A_98 = arith.constant 0 : i32
      %dma_start3A_99 = arith.constant 0 : i32
      %dma_start3A_100 = tpu.memref_slice %arg12[%dma_start3A_98, %dma_start3A_99] : memref<128x32xf32, #tpu.memory_space<vmem>> -> memref<128x32xf32, #tpu.memory_space<vmem>>
      %dma_start3A_101 = arith.constant 0 : i32
      %dma_start3A_102 = tpu.memref_slice %arg9[%add3A_23, %dma_start3A_101] : memref<2048x32xf32, #tpu.memory_space<vmem_shared>> -> memref<128x32xf32, #tpu.memory_space<vmem_shared>>
      %dma_start3A_103 = arith.constant 0 : i32
      %dma_start3A_104 = tpu.memref_slice %arg9[%add3A_23, %dma_start3A_103] : memref<2048x32xf32, #tpu.memory_space<vmem_shared>> -> memref<128x32xf32, #tpu.memory_space<vmem_shared>>
      %dma_start3A_105 = arith.constant 0 : i32
      %dma_start3A_106 = arith.constant 0 : i32
      %dma_start3A_107 = tpu.memref_slice %arg12[%dma_start3A_105, %dma_start3A_106] : memref<128x32xf32, #tpu.memory_space<vmem>> -> memref<128x32xf32, #tpu.memory_space<vmem>>
      tpu.enqueue_dma source(%dma_start3A_107 : memref<128x32xf32, #tpu.memory_space<vmem>>) target(%dma_start3A_104 : memref<128x32xf32, #tpu.memory_space<vmem_shared>>) target_semaphore(%run_scoped3A : memref<!tpu.dma_semaphore, #tpu.memory_space<semaphore_mem>>)
      %dma_wait3A = arith.constant 0 : i32
      %dma_wait3A_108 = arith.constant 0 : i32
      %dma_wait3A_109 = tpu.memref_slice %arg12[%dma_wait3A, %dma_wait3A_108] : memref<128x32xf32, #tpu.memory_space<vmem>> -> memref<128x32xf32, #tpu.memory_space<vmem>>
      %dma_wait3A_110 = arith.constant 0 : i32
      %dma_wait3A_111 = tpu.memref_slice %arg9[%add3A_23, %dma_wait3A_110] : memref<2048x32xf32, #tpu.memory_space<vmem_shared>> -> memref<128x32xf32, #tpu.memory_space<vmem_shared>>
      %dma_wait3A_112 = arith.constant 0 : i32
      %dma_wait3A_113 = tpu.memref_slice %arg9[%add3A_23, %dma_wait3A_112] : memref<2048x32xf32, #tpu.memory_space<vmem_shared>> -> memref<128x32xf32, #tpu.memory_space<vmem_shared>>
      %dma_wait3A_114 = arith.constant 0 : i32
      %dma_wait3A_115 = arith.constant 0 : i32
      %dma_wait3A_116 = tpu.memref_slice %arg12[%dma_wait3A_114, %dma_wait3A_115] : memref<128x32xf32, #tpu.memory_space<vmem>> -> memref<128x32xf32, #tpu.memory_space<vmem>>
      tpu.wait_dma2 semaphore(%run_scoped3A : memref<!tpu.dma_semaphore, #tpu.memory_space<semaphore_mem>>) src(%dma_wait3A_116 : memref<128x32xf32, #tpu.memory_space<vmem>>) dst(%dma_wait3A_113 : memref<128x32xf32, #tpu.memory_space<vmem_shared>>)
      tpu.yield
    }) : () -> ()
    %scan3A_24 = arith.constant 1 : i32
    %barrier3A = arith.constant 0 : index
    tpu.barrier barrier_id(%barrier3A)
    %mul3A_25 = arith.constant 128 : i32
    %mul3A_26 = arith.muli %add3A, %mul3A_25 : i32
    %add3A_27 = arith.constant 0 : i32
    %add3A_28 = arith.addi %mul3A_26, %add3A_27 : i32
    "tpu.region"() ({
      %run_scoped3A = tpu.sem_alloc : memref<!tpu.dma_semaphore, #tpu.memory_space<semaphore_mem>>
      %dma_start3A_98 = arith.constant 0 : i32
      %dma_start3A_99 = tpu.memref_slice %arg2[%add3A_28, %dma_start3A_98] : memref<4096x128xi32, #tpu.memory_space<hbm>> -> memref<128x128xi32, #tpu.memory_space<hbm>>
      %dma_start3A_100 = arith.constant 0 : i32
      %dma_start3A_101 = tpu.memref_slice %arg2[%add3A_28, %dma_start3A_100] : memref<4096x128xi32, #tpu.memory_space<hbm>> -> memref<128x128xi32, #tpu.memory_space<hbm>>
      tpu.enqueue_dma source(%dma_start3A_101 : memref<128x128xi32, #tpu.memory_space<hbm>>) target(%arg10 : memref<128x128xi32, #tpu.memory_space<vmem>>) target_semaphore(%run_scoped3A : memref<!tpu.dma_semaphore, #tpu.memory_space<semaphore_mem>>)
      %dma_wait3A = arith.constant 0 : i32
      %dma_wait3A_102 = tpu.memref_slice %arg2[%add3A_28, %dma_wait3A] : memref<4096x128xi32, #tpu.memory_space<hbm>> -> memref<128x128xi32, #tpu.memory_space<hbm>>
      %dma_wait3A_103 = arith.constant 0 : i32
      %dma_wait3A_104 = tpu.memref_slice %arg2[%add3A_28, %dma_wait3A_103] : memref<4096x128xi32, #tpu.memory_space<hbm>> -> memref<128x128xi32, #tpu.memory_space<hbm>>
      tpu.wait_dma2 semaphore(%run_scoped3A : memref<!tpu.dma_semaphore, #tpu.memory_space<semaphore_mem>>) src(%dma_wait3A_104 : memref<128x128xi32, #tpu.memory_space<hbm>>) dst(%arg10 : memref<128x128xi32, #tpu.memory_space<vmem>>)
      tpu.yield
    }) : () -> ()
    "tpu.region"() ({
      %run_scoped3A = tpu.sem_alloc : memref<!tpu.dma_semaphore, #tpu.memory_space<semaphore_mem>>
      %dma_start3A_98 = arith.constant 0 : i32
      %dma_start3A_99 = tpu.memref_slice %arg3[%add3A_28, %dma_start3A_98] : memref<4096x128xi32, #tpu.memory_space<hbm>> -> memref<128x128xi32, #tpu.memory_space<hbm>>
      %dma_start3A_100 = arith.constant 0 : i32
      %dma_start3A_101 = tpu.memref_slice %arg3[%add3A_28, %dma_start3A_100] : memref<4096x128xi32, #tpu.memory_space<hbm>> -> memref<128x128xi32, #tpu.memory_space<hbm>>
      tpu.enqueue_dma source(%dma_start3A_101 : memref<128x128xi32, #tpu.memory_space<hbm>>) target(%arg11 : memref<128x128xi32, #tpu.memory_space<vmem>>) target_semaphore(%run_scoped3A : memref<!tpu.dma_semaphore, #tpu.memory_space<semaphore_mem>>)
      %dma_wait3A = arith.constant 0 : i32
      %dma_wait3A_102 = tpu.memref_slice %arg3[%add3A_28, %dma_wait3A] : memref<4096x128xi32, #tpu.memory_space<hbm>> -> memref<128x128xi32, #tpu.memory_space<hbm>>
      %dma_wait3A_103 = arith.constant 0 : i32
      %dma_wait3A_104 = tpu.memref_slice %arg3[%add3A_28, %dma_wait3A_103] : memref<4096x128xi32, #tpu.memory_space<hbm>> -> memref<128x128xi32, #tpu.memory_space<hbm>>
      tpu.wait_dma2 semaphore(%run_scoped3A : memref<!tpu.dma_semaphore, #tpu.memory_space<semaphore_mem>>) src(%dma_wait3A_104 : memref<128x128xi32, #tpu.memory_space<hbm>>) dst(%arg11 : memref<128x128xi32, #tpu.memory_space<vmem>>)
      tpu.yield
    }) : () -> ()
    %dma_start3A = arith.constant 0 : i32
    %dma_start3A_29 = arith.constant 0 : i32
    %dma_start3A_30 = tpu.memref_slice %arg10[%dma_start3A, %dma_start3A_29] : memref<128x128xi32, #tpu.memory_space<vmem>> -> memref<1x128xi32, #tpu.memory_space<vmem>>
    %dma_start3A_31 = tpu.memref_squeeze %dma_start3A_30 : memref<1x128xi32, #tpu.memory_space<vmem>> -> memref<128xi32, #tpu.memory_space<vmem>>
    %dma_start3A_32 = arith.constant 0 : i32
    %dma_start3A_33 = arith.constant 0 : i32
    %dma_start3A_34 = tpu.memref_slice %arg4[%dma_start3A_32, %dma_start3A_33] : memref<2048x32xf32, #tpu.memory_space<hbm>> -> memref<2048x32xf32, #tpu.memory_space<hbm>>
    tpu.enqueue_indirect_dma source(%dma_start3A_34 : memref<2048x32xf32, #tpu.memory_space<hbm>>) target(%arg12 : memref<128x32xf32, #tpu.memory_space<vmem>>) offsets(%dma_start3A_31 : memref<128xi32, #tpu.memory_space<vmem>>) semaphore(%arg20 : memref<!tpu.dma_semaphore, #tpu.memory_space<semaphore_mem>>)
    %dma_start3A_35 = arith.constant 0 : i32
    %dma_start3A_36 = arith.constant 0 : i32
    %dma_start3A_37 = tpu.memref_slice %arg11[%dma_start3A_35, %dma_start3A_36] : memref<128x128xi32, #tpu.memory_space<vmem>> -> memref<1x128xi32, #tpu.memory_space<vmem>>
    %dma_start3A_38 = tpu.memref_squeeze %dma_start3A_37 : memref<1x128xi32, #tpu.memory_space<vmem>> -> memref<128xi32, #tpu.memory_space<vmem>>
    %dma_start3A_39 = arith.constant 0 : i32
    %dma_start3A_40 = arith.constant 0 : i32
    %dma_start3A_41 = tpu.memref_slice %arg5[%dma_start3A_39, %dma_start3A_40] : memref<20096x32xf32, #tpu.memory_space<hbm>> -> memref<20096x32xf32, #tpu.memory_space<hbm>>
    tpu.enqueue_indirect_dma source(%dma_start3A_41 : memref<20096x32xf32, #tpu.memory_space<hbm>>) target(%arg16 : memref<128x32xf32, #tpu.memory_space<vmem>>) offsets(%dma_start3A_38 : memref<128xi32, #tpu.memory_space<vmem>>) semaphore(%arg24 : memref<!tpu.dma_semaphore, #tpu.memory_space<semaphore_mem>>)
    %dma_start3A_42 = arith.constant 1 : i32
    %dma_start3A_43 = arith.constant 0 : i32
    %dma_start3A_44 = tpu.memref_slice %arg10[%dma_start3A_42, %dma_start3A_43] : memref<128x128xi32, #tpu.memory_space<vmem>> -> memref<1x128xi32, #tpu.memory_space<vmem>>
    %dma_start3A_45 = tpu.memref_squeeze %dma_start3A_44 : memref<1x128xi32, #tpu.memory_space<vmem>> -> memref<128xi32, #tpu.memory_space<vmem>>
    %dma_start3A_46 = arith.constant 0 : i32
    %dma_start3A_47 = arith.constant 0 : i32
    %dma_start3A_48 = tpu.memref_slice %arg4[%dma_start3A_46, %dma_start3A_47] : memref<2048x32xf32, #tpu.memory_space<hbm>> -> memref<2048x32xf32, #tpu.memory_space<hbm>>
    tpu.enqueue_indirect_dma source(%dma_start3A_48 : memref<2048x32xf32, #tpu.memory_space<hbm>>) target(%arg13 : memref<128x32xf32, #tpu.memory_space<vmem>>) offsets(%dma_start3A_45 : memref<128xi32, #tpu.memory_space<vmem>>) semaphore(%arg21 : memref<!tpu.dma_semaphore, #tpu.memory_space<semaphore_mem>>)
    %dma_start3A_49 = arith.constant 1 : i32
    %dma_start3A_50 = arith.constant 0 : i32
    %dma_start3A_51 = tpu.memref_slice %arg11[%dma_start3A_49, %dma_start3A_50] : memref<128x128xi32, #tpu.memory_space<vmem>> -> memref<1x128xi32, #tpu.memory_space<vmem>>
    %dma_start3A_52 = tpu.memref_squeeze %dma_start3A_51 : memref<1x128xi32, #tpu.memory_space<vmem>> -> memref<128xi32, #tpu.memory_space<vmem>>
    %dma_start3A_53 = arith.constant 0 : i32
    %dma_start3A_54 = arith.constant 0 : i32
    %dma_start3A_55 = tpu.memref_slice %arg5[%dma_start3A_53, %dma_start3A_54] : memref<20096x32xf32, #tpu.memory_space<hbm>> -> memref<20096x32xf32, #tpu.memory_space<hbm>>
    tpu.enqueue_indirect_dma source(%dma_start3A_55 : memref<20096x32xf32, #tpu.memory_space<hbm>>) target(%arg17 : memref<128x32xf32, #tpu.memory_space<vmem>>) offsets(%dma_start3A_52 : memref<128xi32, #tpu.memory_space<vmem>>) semaphore(%arg25 : memref<!tpu.dma_semaphore, #tpu.memory_space<semaphore_mem>>)
    %dma_start3A_56 = arith.constant 2 : i32
    %dma_start3A_57 = arith.constant 0 : i32
    %dma_start3A_58 = tpu.memref_slice %arg10[%dma_start3A_56, %dma_start3A_57] : memref<128x128xi32, #tpu.memory_space<vmem>> -> memref<1x128xi32, #tpu.memory_space<vmem>>
    %dma_start3A_59 = tpu.memref_squeeze %dma_start3A_58 : memref<1x128xi32, #tpu.memory_space<vmem>> -> memref<128xi32, #tpu.memory_space<vmem>>
    %dma_start3A_60 = arith.constant 0 : i32
    %dma_start3A_61 = arith.constant 0 : i32
    %dma_start3A_62 = tpu.memref_slice %arg4[%dma_start3A_60, %dma_start3A_61] : memref<2048x32xf32, #tpu.memory_space<hbm>> -> memref<2048x32xf32, #tpu.memory_space<hbm>>
    tpu.enqueue_indirect_dma source(%dma_start3A_62 : memref<2048x32xf32, #tpu.memory_space<hbm>>) target(%arg14 : memref<128x32xf32, #tpu.memory_space<vmem>>) offsets(%dma_start3A_59 : memref<128xi32, #tpu.memory_space<vmem>>) semaphore(%arg22 : memref<!tpu.dma_semaphore, #tpu.memory_space<semaphore_mem>>)
    %dma_start3A_63 = arith.constant 2 : i32
    %dma_start3A_64 = arith.constant 0 : i32
    %dma_start3A_65 = tpu.memref_slice %arg11[%dma_start3A_63, %dma_start3A_64] : memref<128x128xi32, #tpu.memory_space<vmem>> -> memref<1x128xi32, #tpu.memory_space<vmem>>
    %dma_start3A_66 = tpu.memref_squeeze %dma_start3A_65 : memref<1x128xi32, #tpu.memory_space<vmem>> -> memref<128xi32, #tpu.memory_space<vmem>>
    %dma_start3A_67 = arith.constant 0 : i32
    %dma_start3A_68 = arith.constant 0 : i32
    %dma_start3A_69 = tpu.memref_slice %arg5[%dma_start3A_67, %dma_start3A_68] : memref<20096x32xf32, #tpu.memory_space<hbm>> -> memref<20096x32xf32, #tpu.memory_space<hbm>>
    tpu.enqueue_indirect_dma source(%dma_start3A_69 : memref<20096x32xf32, #tpu.memory_space<hbm>>) target(%arg18 : memref<128x32xf32, #tpu.memory_space<vmem>>) offsets(%dma_start3A_66 : memref<128xi32, #tpu.memory_space<vmem>>) semaphore(%arg26 : memref<!tpu.dma_semaphore, #tpu.memory_space<semaphore_mem>>)
    %dma_start3A_70 = arith.constant 3 : i32
    %dma_start3A_71 = arith.constant 0 : i32
    %dma_start3A_72 = tpu.memref_slice %arg10[%dma_start3A_70, %dma_start3A_71] : memref<128x128xi32, #tpu.memory_space<vmem>> -> memref<1x128xi32, #tpu.memory_space<vmem>>
    %dma_start3A_73 = tpu.memref_squeeze %dma_start3A_72 : memref<1x128xi32, #tpu.memory_space<vmem>> -> memref<128xi32, #tpu.memory_space<vmem>>
    %dma_start3A_74 = arith.constant 0 : i32
    %dma_start3A_75 = arith.constant 0 : i32
    %dma_start3A_76 = tpu.memref_slice %arg4[%dma_start3A_74, %dma_start3A_75] : memref<2048x32xf32, #tpu.memory_space<hbm>> -> memref<2048x32xf32, #tpu.memory_space<hbm>>
    tpu.enqueue_indirect_dma source(%dma_start3A_76 : memref<2048x32xf32, #tpu.memory_space<hbm>>) target(%arg15 : memref<128x32xf32, #tpu.memory_space<vmem>>) offsets(%dma_start3A_73 : memref<128xi32, #tpu.memory_space<vmem>>) semaphore(%arg23 : memref<!tpu.dma_semaphore, #tpu.memory_space<semaphore_mem>>)
    %dma_start3A_77 = arith.constant 3 : i32
    %dma_start3A_78 = arith.constant 0 : i32
    %dma_start3A_79 = tpu.memref_slice %arg11[%dma_start3A_77, %dma_start3A_78] : memref<128x128xi32, #tpu.memory_space<vmem>> -> memref<1x128xi32, #tpu.memory_space<vmem>>
    %dma_start3A_80 = tpu.memref_squeeze %dma_start3A_79 : memref<1x128xi32, #tpu.memory_space<vmem>> -> memref<128xi32, #tpu.memory_space<vmem>>
    %dma_start3A_81 = arith.constant 0 : i32
    %dma_start3A_82 = arith.constant 0 : i32
    %dma_start3A_83 = tpu.memref_slice %arg5[%dma_start3A_81, %dma_start3A_82] : memref<20096x32xf32, #tpu.memory_space<hbm>> -> memref<20096x32xf32, #tpu.memory_space<hbm>>
    tpu.enqueue_indirect_dma source(%dma_start3A_83 : memref<20096x32xf32, #tpu.memory_space<hbm>>) target(%arg19 : memref<128x32xf32, #tpu.memory_space<vmem>>) offsets(%dma_start3A_80 : memref<128xi32, #tpu.memory_space<vmem>>) semaphore(%arg27 : memref<!tpu.dma_semaphore, #tpu.memory_space<semaphore_mem>>)
    %scan3A_84 = arith.constant 0 : i32
    %scan3A_85 = arith.constant 32 : i32
    %scan3A_86 = arith.addi %scan3A_84, %scan3A_85 : i32
    %scan3A_87 = arith.constant 1 : i32
    scf.for %scan3A_98 = %scan3A_84 to %scan3A_86 step %scan3A_87  : i32 {
      %mul3A_99 = arith.constant 4 : i32
      %mul3A_100 = arith.muli %scan3A_98, %mul3A_99 : i32
      %add3A_101 = arith.constant 0 : i32
      %add3A_102 = arith.addi %add3A_101, %mul3A_100 : i32
      %add3A_103 = arith.constant 0 : i32
      %add3A_104 = arith.addi %add3A_102, %add3A_103 : i32
      %dma_wait3A = arith.constant 0 : i32
      %dma_wait3A_105 = tpu.memref_slice %arg10[%add3A_104, %dma_wait3A] : memref<128x128xi32, #tpu.memory_space<vmem>> -> memref<1x128xi32, #tpu.memory_space<vmem>>
      %dma_wait3A_106 = tpu.memref_squeeze %dma_wait3A_105 : memref<1x128xi32, #tpu.memory_space<vmem>> -> memref<128xi32, #tpu.memory_space<vmem>>
      %dma_wait3A_107 = arith.constant 0 : i32
      %dma_wait3A_108 = arith.constant 0 : i32
      %dma_wait3A_109 = tpu.memref_slice %arg4[%dma_wait3A_107, %dma_wait3A_108] : memref<2048x32xf32, #tpu.memory_space<hbm>> -> memref<2048x32xf32, #tpu.memory_space<hbm>>
      tpu.wait_indirect_dma semaphore(%arg20 : memref<!tpu.dma_semaphore, #tpu.memory_space<semaphore_mem>>) src(%dma_wait3A_109 : memref<2048x32xf32, #tpu.memory_space<hbm>>) dst(%arg12 : memref<128x32xf32, #tpu.memory_space<vmem>>)
      "tpu.region"() ({
        %run_scoped3A = tpu.sem_alloc : memref<!tpu.dma_semaphore, #tpu.memory_space<semaphore_mem>>
        %dma_start3A_211 = arith.constant 0 : i32
        %dma_start3A_212 = tpu.memref_slice %arg11[%add3A_104, %dma_start3A_211] : memref<128x128xi32, #tpu.memory_space<vmem>> -> memref<1x128xi32, #tpu.memory_space<vmem>>
        %dma_start3A_213 = tpu.memref_squeeze %dma_start3A_212 : memref<1x128xi32, #tpu.memory_space<vmem>> -> memref<128xi32, #tpu.memory_space<vmem>>
        %dma_start3A_214 = arith.constant 0 : i32
        %dma_start3A_215 = arith.constant 0 : i32
        %dma_start3A_216 = tpu.memref_slice %arg8[%dma_start3A_214, %dma_start3A_215] : memref<20096x32xf32, #tpu.memory_space<vmem_shared>> -> memref<20096x32xf32, #tpu.memory_space<vmem_shared>>
        tpu.enqueue_indirect_dma source(%arg12 : memref<128x32xf32, #tpu.memory_space<vmem>>) target(%dma_start3A_216 : memref<20096x32xf32, #tpu.memory_space<vmem_shared>>) offsets(%dma_start3A_213 : memref<128xi32, #tpu.memory_space<vmem>>) semaphore(%run_scoped3A : memref<!tpu.dma_semaphore, #tpu.memory_space<semaphore_mem>>) {add = true}
        %dma_wait3A_217 = arith.constant 0 : i32
        %dma_wait3A_218 = tpu.memref_slice %arg11[%add3A_104, %dma_wait3A_217] : memref<128x128xi32, #tpu.memory_space<vmem>> -> memref<1x128xi32, #tpu.memory_space<vmem>>
        %dma_wait3A_219 = tpu.memref_squeeze %dma_wait3A_218 : memref<1x128xi32, #tpu.memory_space<vmem>> -> memref<128xi32, #tpu.memory_space<vmem>>
        %dma_wait3A_220 = arith.constant 0 : i32
        %dma_wait3A_221 = arith.constant 0 : i32
        %dma_wait3A_222 = tpu.memref_slice %arg8[%dma_wait3A_220, %dma_wait3A_221] : memref<20096x32xf32, #tpu.memory_space<vmem_shared>> -> memref<20096x32xf32, #tpu.memory_space<vmem_shared>>
        tpu.wait_indirect_dma semaphore(%run_scoped3A : memref<!tpu.dma_semaphore, #tpu.memory_space<semaphore_mem>>) src(%arg12 : memref<128x32xf32, #tpu.memory_space<vmem>>) dst(%dma_wait3A_222 : memref<20096x32xf32, #tpu.memory_space<vmem_shared>>)
        tpu.yield
      }) : () -> ()
      %add3A_110 = arith.constant 4 : i32
      %add3A_111 = arith.addi %add3A_104, %add3A_110 : i32
      %lt3A = arith.constant 128 : i32
      %lt3A_112 = arith.cmpi slt, %add3A_111, %lt3A : i32
      %convert_element_type3A = arith.extui %lt3A_112 : i1 to i32
      %cond3A = arith.constant 0 : i32
      %cond3A_113 = arith.cmpi ne, %convert_element_type3A, %cond3A : i32
      scf.if %cond3A_113 {
        %add3A_211 = arith.constant 4 : i32
        %add3A_212 = arith.addi %add3A_104, %add3A_211 : i32
        %dma_start3A_213 = arith.constant 0 : i32
        %dma_start3A_214 = tpu.memref_slice %arg10[%add3A_212, %dma_start3A_213] : memref<128x128xi32, #tpu.memory_space<vmem>> -> memref<1x128xi32, #tpu.memory_space<vmem>>
        %dma_start3A_215 = tpu.memref_squeeze %dma_start3A_214 : memref<1x128xi32, #tpu.memory_space<vmem>> -> memref<128xi32, #tpu.memory_space<vmem>>
        %dma_start3A_216 = arith.constant 0 : i32
        %dma_start3A_217 = arith.constant 0 : i32
        %dma_start3A_218 = tpu.memref_slice %arg4[%dma_start3A_216, %dma_start3A_217] : memref<2048x32xf32, #tpu.memory_space<hbm>> -> memref<2048x32xf32, #tpu.memory_space<hbm>>
        tpu.enqueue_indirect_dma source(%dma_start3A_218 : memref<2048x32xf32, #tpu.memory_space<hbm>>) target(%arg12 : memref<128x32xf32, #tpu.memory_space<vmem>>) offsets(%dma_start3A_215 : memref<128xi32, #tpu.memory_space<vmem>>) semaphore(%arg20 : memref<!tpu.dma_semaphore, #tpu.memory_space<semaphore_mem>>)
      } else {
      }
      %dma_wait3A_114 = arith.constant 0 : i32
      %dma_wait3A_115 = tpu.memref_slice %arg11[%add3A_104, %dma_wait3A_114] : memref<128x128xi32, #tpu.memory_space<vmem>> -> memref<1x128xi32, #tpu.memory_space<vmem>>
      %dma_wait3A_116 = tpu.memref_squeeze %dma_wait3A_115 : memref<1x128xi32, #tpu.memory_space<vmem>> -> memref<128xi32, #tpu.memory_space<vmem>>
      %dma_wait3A_117 = arith.constant 0 : i32
      %dma_wait3A_118 = arith.constant 0 : i32
      %dma_wait3A_119 = tpu.memref_slice %arg5[%dma_wait3A_117, %dma_wait3A_118] : memref<20096x32xf32, #tpu.memory_space<hbm>> -> memref<20096x32xf32, #tpu.memory_space<hbm>>
      tpu.wait_indirect_dma semaphore(%arg24 : memref<!tpu.dma_semaphore, #tpu.memory_space<semaphore_mem>>) src(%dma_wait3A_119 : memref<20096x32xf32, #tpu.memory_space<hbm>>) dst(%arg16 : memref<128x32xf32, #tpu.memory_space<vmem>>)
      "tpu.region"() ({
        %run_scoped3A = tpu.sem_alloc : memref<!tpu.dma_semaphore, #tpu.memory_space<semaphore_mem>>
        %dma_start3A_211 = arith.constant 0 : i32
        %dma_start3A_212 = tpu.memref_slice %arg10[%add3A_104, %dma_start3A_211] : memref<128x128xi32, #tpu.memory_space<vmem>> -> memref<1x128xi32, #tpu.memory_space<vmem>>
        %dma_start3A_213 = tpu.memref_squeeze %dma_start3A_212 : memref<1x128xi32, #tpu.memory_space<vmem>> -> memref<128xi32, #tpu.memory_space<vmem>>
        %dma_start3A_214 = arith.constant 0 : i32
        %dma_start3A_215 = arith.constant 0 : i32
        %dma_start3A_216 = tpu.memref_slice %arg9[%dma_start3A_214, %dma_start3A_215] : memref<2048x32xf32, #tpu.memory_space<vmem_shared>> -> memref<2048x32xf32, #tpu.memory_space<vmem_shared>>
        tpu.enqueue_indirect_dma source(%arg16 : memref<128x32xf32, #tpu.memory_space<vmem>>) target(%dma_start3A_216 : memref<2048x32xf32, #tpu.memory_space<vmem_shared>>) offsets(%dma_start3A_213 : memref<128xi32, #tpu.memory_space<vmem>>) semaphore(%run_scoped3A : memref<!tpu.dma_semaphore, #tpu.memory_space<semaphore_mem>>) {add = true}
        %dma_wait3A_217 = arith.constant 0 : i32
        %dma_wait3A_218 = tpu.memref_slice %arg10[%add3A_104, %dma_wait3A_217] : memref<128x128xi32, #tpu.memory_space<vmem>> -> memref<1x128xi32, #tpu.memory_space<vmem>>
        %dma_wait3A_219 = tpu.memref_squeeze %dma_wait3A_218 : memref<1x128xi32, #tpu.memory_space<vmem>> -> memref<128xi32, #tpu.memory_space<vmem>>
        %dma_wait3A_220 = arith.constant 0 : i32
        %dma_wait3A_221 = arith.constant 0 : i32
        %dma_wait3A_222 = tpu.memref_slice %arg9[%dma_wait3A_220, %dma_wait3A_221] : memref<2048x32xf32, #tpu.memory_space<vmem_shared>> -> memref<2048x32xf32, #tpu.memory_space<vmem_shared>>
        tpu.wait_indirect_dma semaphore(%run_scoped3A : memref<!tpu.dma_semaphore, #tpu.memory_space<semaphore_mem>>) src(%arg16 : memref<128x32xf32, #tpu.memory_space<vmem>>) dst(%dma_wait3A_222 : memref<2048x32xf32, #tpu.memory_space<vmem_shared>>)
        tpu.yield
      }) : () -> ()
      %add3A_120 = arith.constant 4 : i32
      %add3A_121 = arith.addi %add3A_104, %add3A_120 : i32
      %lt3A_122 = arith.constant 128 : i32
      %lt3A_123 = arith.cmpi slt, %add3A_121, %lt3A_122 : i32
      %convert_element_type3A_124 = arith.extui %lt3A_123 : i1 to i32
      %cond3A_125 = arith.constant 0 : i32
      %cond3A_126 = arith.cmpi ne, %convert_element_type3A_124, %cond3A_125 : i32
      scf.if %cond3A_126 {
        %add3A_211 = arith.constant 4 : i32
        %add3A_212 = arith.addi %add3A_104, %add3A_211 : i32
        %dma_start3A_213 = arith.constant 0 : i32
        %dma_start3A_214 = tpu.memref_slice %arg11[%add3A_212, %dma_start3A_213] : memref<128x128xi32, #tpu.memory_space<vmem>> -> memref<1x128xi32, #tpu.memory_space<vmem>>
        %dma_start3A_215 = tpu.memref_squeeze %dma_start3A_214 : memref<1x128xi32, #tpu.memory_space<vmem>> -> memref<128xi32, #tpu.memory_space<vmem>>
        %dma_start3A_216 = arith.constant 0 : i32
        %dma_start3A_217 = arith.constant 0 : i32
        %dma_start3A_218 = tpu.memref_slice %arg5[%dma_start3A_216, %dma_start3A_217] : memref<20096x32xf32, #tpu.memory_space<hbm>> -> memref<20096x32xf32, #tpu.memory_space<hbm>>
        tpu.enqueue_indirect_dma source(%dma_start3A_218 : memref<20096x32xf32, #tpu.memory_space<hbm>>) target(%arg16 : memref<128x32xf32, #tpu.memory_space<vmem>>) offsets(%dma_start3A_215 : memref<128xi32, #tpu.memory_space<vmem>>) semaphore(%arg24 : memref<!tpu.dma_semaphore, #tpu.memory_space<semaphore_mem>>)
      } else {
      }
      %add3A_127 = arith.constant 1 : i32
      %add3A_128 = arith.addi %add3A_102, %add3A_127 : i32
      %dma_wait3A_129 = arith.constant 0 : i32
      %dma_wait3A_130 = tpu.memref_slice %arg10[%add3A_128, %dma_wait3A_129] : memref<128x128xi32, #tpu.memory_space<vmem>> -> memref<1x128xi32, #tpu.memory_space<vmem>>
      %dma_wait3A_131 = tpu.memref_squeeze %dma_wait3A_130 : memref<1x128xi32, #tpu.memory_space<vmem>> -> memref<128xi32, #tpu.memory_space<vmem>>
      %dma_wait3A_132 = arith.constant 0 : i32
      %dma_wait3A_133 = arith.constant 0 : i32
      %dma_wait3A_134 = tpu.memref_slice %arg4[%dma_wait3A_132, %dma_wait3A_133] : memref<2048x32xf32, #tpu.memory_space<hbm>> -> memref<2048x32xf32, #tpu.memory_space<hbm>>
      tpu.wait_indirect_dma semaphore(%arg21 : memref<!tpu.dma_semaphore, #tpu.memory_space<semaphore_mem>>) src(%dma_wait3A_134 : memref<2048x32xf32, #tpu.memory_space<hbm>>) dst(%arg13 : memref<128x32xf32, #tpu.memory_space<vmem>>)
      "tpu.region"() ({
        %run_scoped3A = tpu.sem_alloc : memref<!tpu.dma_semaphore, #tpu.memory_space<semaphore_mem>>
        %dma_start3A_211 = arith.constant 0 : i32
        %dma_start3A_212 = tpu.memref_slice %arg11[%add3A_128, %dma_start3A_211] : memref<128x128xi32, #tpu.memory_space<vmem>> -> memref<1x128xi32, #tpu.memory_space<vmem>>
        %dma_start3A_213 = tpu.memref_squeeze %dma_start3A_212 : memref<1x128xi32, #tpu.memory_space<vmem>> -> memref<128xi32, #tpu.memory_space<vmem>>
        %dma_start3A_214 = arith.constant 0 : i32
        %dma_start3A_215 = arith.constant 0 : i32
        %dma_start3A_216 = tpu.memref_slice %arg8[%dma_start3A_214, %dma_start3A_215] : memref<20096x32xf32, #tpu.memory_space<vmem_shared>> -> memref<20096x32xf32, #tpu.memory_space<vmem_shared>>
        tpu.enqueue_indirect_dma source(%arg13 : memref<128x32xf32, #tpu.memory_space<vmem>>) target(%dma_start3A_216 : memref<20096x32xf32, #tpu.memory_space<vmem_shared>>) offsets(%dma_start3A_213 : memref<128xi32, #tpu.memory_space<vmem>>) semaphore(%run_scoped3A : memref<!tpu.dma_semaphore, #tpu.memory_space<semaphore_mem>>) {add = true}
        %dma_wait3A_217 = arith.constant 0 : i32
        %dma_wait3A_218 = tpu.memref_slice %arg11[%add3A_128, %dma_wait3A_217] : memref<128x128xi32, #tpu.memory_space<vmem>> -> memref<1x128xi32, #tpu.memory_space<vmem>>
        %dma_wait3A_219 = tpu.memref_squeeze %dma_wait3A_218 : memref<1x128xi32, #tpu.memory_space<vmem>> -> memref<128xi32, #tpu.memory_space<vmem>>
        %dma_wait3A_220 = arith.constant 0 : i32
        %dma_wait3A_221 = arith.constant 0 : i32
        %dma_wait3A_222 = tpu.memref_slice %arg8[%dma_wait3A_220, %dma_wait3A_221] : memref<20096x32xf32, #tpu.memory_space<vmem_shared>> -> memref<20096x32xf32, #tpu.memory_space<vmem_shared>>
        tpu.wait_indirect_dma semaphore(%run_scoped3A : memref<!tpu.dma_semaphore, #tpu.memory_space<semaphore_mem>>) src(%arg13 : memref<128x32xf32, #tpu.memory_space<vmem>>) dst(%dma_wait3A_222 : memref<20096x32xf32, #tpu.memory_space<vmem_shared>>)
        tpu.yield
      }) : () -> ()
      %add3A_135 = arith.constant 4 : i32
      %add3A_136 = arith.addi %add3A_128, %add3A_135 : i32
      %lt3A_137 = arith.constant 128 : i32
      %lt3A_138 = arith.cmpi slt, %add3A_136, %lt3A_137 : i32
      %convert_element_type3A_139 = arith.extui %lt3A_138 : i1 to i32
      %cond3A_140 = arith.constant 0 : i32
      %cond3A_141 = arith.cmpi ne, %convert_element_type3A_139, %cond3A_140 : i32
      scf.if %cond3A_141 {
        %add3A_211 = arith.constant 4 : i32
        %add3A_212 = arith.addi %add3A_128, %add3A_211 : i32
        %dma_start3A_213 = arith.constant 0 : i32
        %dma_start3A_214 = tpu.memref_slice %arg10[%add3A_212, %dma_start3A_213] : memref<128x128xi32, #tpu.memory_space<vmem>> -> memref<1x128xi32, #tpu.memory_space<vmem>>
        %dma_start3A_215 = tpu.memref_squeeze %dma_start3A_214 : memref<1x128xi32, #tpu.memory_space<vmem>> -> memref<128xi32, #tpu.memory_space<vmem>>
        %dma_start3A_216 = arith.constant 0 : i32
        %dma_start3A_217 = arith.constant 0 : i32
        %dma_start3A_218 = tpu.memref_slice %arg4[%dma_start3A_216, %dma_start3A_217] : memref<2048x32xf32, #tpu.memory_space<hbm>> -> memref<2048x32xf32, #tpu.memory_space<hbm>>
        tpu.enqueue_indirect_dma source(%dma_start3A_218 : memref<2048x32xf32, #tpu.memory_space<hbm>>) target(%arg13 : memref<128x32xf32, #tpu.memory_space<vmem>>) offsets(%dma_start3A_215 : memref<128xi32, #tpu.memory_space<vmem>>) semaphore(%arg21 : memref<!tpu.dma_semaphore, #tpu.memory_space<semaphore_mem>>)
      } else {
      }
      %dma_wait3A_142 = arith.constant 0 : i32
      %dma_wait3A_143 = tpu.memref_slice %arg11[%add3A_128, %dma_wait3A_142] : memref<128x128xi32, #tpu.memory_space<vmem>> -> memref<1x128xi32, #tpu.memory_space<vmem>>
      %dma_wait3A_144 = tpu.memref_squeeze %dma_wait3A_143 : memref<1x128xi32, #tpu.memory_space<vmem>> -> memref<128xi32, #tpu.memory_space<vmem>>
      %dma_wait3A_145 = arith.constant 0 : i32
      %dma_wait3A_146 = arith.constant 0 : i32
      %dma_wait3A_147 = tpu.memref_slice %arg5[%dma_wait3A_145, %dma_wait3A_146] : memref<20096x32xf32, #tpu.memory_space<hbm>> -> memref<20096x32xf32, #tpu.memory_space<hbm>>
      tpu.wait_indirect_dma semaphore(%arg25 : memref<!tpu.dma_semaphore, #tpu.memory_space<semaphore_mem>>) src(%dma_wait3A_147 : memref<20096x32xf32, #tpu.memory_space<hbm>>) dst(%arg17 : memref<128x32xf32, #tpu.memory_space<vmem>>)
      "tpu.region"() ({
        %run_scoped3A = tpu.sem_alloc : memref<!tpu.dma_semaphore, #tpu.memory_space<semaphore_mem>>
        %dma_start3A_211 = arith.constant 0 : i32
        %dma_start3A_212 = tpu.memref_slice %arg10[%add3A_128, %dma_start3A_211] : memref<128x128xi32, #tpu.memory_space<vmem>> -> memref<1x128xi32, #tpu.memory_space<vmem>>
        %dma_start3A_213 = tpu.memref_squeeze %dma_start3A_212 : memref<1x128xi32, #tpu.memory_space<vmem>> -> memref<128xi32, #tpu.memory_space<vmem>>
        %dma_start3A_214 = arith.constant 0 : i32
        %dma_start3A_215 = arith.constant 0 : i32
        %dma_start3A_216 = tpu.memref_slice %arg9[%dma_start3A_214, %dma_start3A_215] : memref<2048x32xf32, #tpu.memory_space<vmem_shared>> -> memref<2048x32xf32, #tpu.memory_space<vmem_shared>>
        tpu.enqueue_indirect_dma source(%arg17 : memref<128x32xf32, #tpu.memory_space<vmem>>) target(%dma_start3A_216 : memref<2048x32xf32, #tpu.memory_space<vmem_shared>>) offsets(%dma_start3A_213 : memref<128xi32, #tpu.memory_space<vmem>>) semaphore(%run_scoped3A : memref<!tpu.dma_semaphore, #tpu.memory_space<semaphore_mem>>) {add = true}
        %dma_wait3A_217 = arith.constant 0 : i32
        %dma_wait3A_218 = tpu.memref_slice %arg10[%add3A_128, %dma_wait3A_217] : memref<128x128xi32, #tpu.memory_space<vmem>> -> memref<1x128xi32, #tpu.memory_space<vmem>>
        %dma_wait3A_219 = tpu.memref_squeeze %dma_wait3A_218 : memref<1x128xi32, #tpu.memory_space<vmem>> -> memref<128xi32, #tpu.memory_space<vmem>>
        %dma_wait3A_220 = arith.constant 0 : i32
        %dma_wait3A_221 = arith.constant 0 : i32
        %dma_wait3A_222 = tpu.memref_slice %arg9[%dma_wait3A_220, %dma_wait3A_221] : memref<2048x32xf32, #tpu.memory_space<vmem_shared>> -> memref<2048x32xf32, #tpu.memory_space<vmem_shared>>
        tpu.wait_indirect_dma semaphore(%run_scoped3A : memref<!tpu.dma_semaphore, #tpu.memory_space<semaphore_mem>>) src(%arg17 : memref<128x32xf32, #tpu.memory_space<vmem>>) dst(%dma_wait3A_222 : memref<2048x32xf32, #tpu.memory_space<vmem_shared>>)
        tpu.yield
      }) : () -> ()
      %add3A_148 = arith.constant 4 : i32
      %add3A_149 = arith.addi %add3A_128, %add3A_148 : i32
      %lt3A_150 = arith.constant 128 : i32
      %lt3A_151 = arith.cmpi slt, %add3A_149, %lt3A_150 : i32
      %convert_element_type3A_152 = arith.extui %lt3A_151 : i1 to i32
      %cond3A_153 = arith.constant 0 : i32
      %cond3A_154 = arith.cmpi ne, %convert_element_type3A_152, %cond3A_153 : i32
      scf.if %cond3A_154 {
        %add3A_211 = arith.constant 4 : i32
        %add3A_212 = arith.addi %add3A_128, %add3A_211 : i32
        %dma_start3A_213 = arith.constant 0 : i32
        %dma_start3A_214 = tpu.memref_slice %arg11[%add3A_212, %dma_start3A_213] : memref<128x128xi32, #tpu.memory_space<vmem>> -> memref<1x128xi32, #tpu.memory_space<vmem>>
        %dma_start3A_215 = tpu.memref_squeeze %dma_start3A_214 : memref<1x128xi32, #tpu.memory_space<vmem>> -> memref<128xi32, #tpu.memory_space<vmem>>
        %dma_start3A_216 = arith.constant 0 : i32
        %dma_start3A_217 = arith.constant 0 : i32
        %dma_start3A_218 = tpu.memref_slice %arg5[%dma_start3A_216, %dma_start3A_217] : memref<20096x32xf32, #tpu.memory_space<hbm>> -> memref<20096x32xf32, #tpu.memory_space<hbm>>
        tpu.enqueue_indirect_dma source(%dma_start3A_218 : memref<20096x32xf32, #tpu.memory_space<hbm>>) target(%arg17 : memref<128x32xf32, #tpu.memory_space<vmem>>) offsets(%dma_start3A_215 : memref<128xi32, #tpu.memory_space<vmem>>) semaphore(%arg25 : memref<!tpu.dma_semaphore, #tpu.memory_space<semaphore_mem>>)
      } else {
      }
      %add3A_155 = arith.constant 2 : i32
      %add3A_156 = arith.addi %add3A_102, %add3A_155 : i32
      %dma_wait3A_157 = arith.constant 0 : i32
      %dma_wait3A_158 = tpu.memref_slice %arg10[%add3A_156, %dma_wait3A_157] : memref<128x128xi32, #tpu.memory_space<vmem>> -> memref<1x128xi32, #tpu.memory_space<vmem>>
      %dma_wait3A_159 = tpu.memref_squeeze %dma_wait3A_158 : memref<1x128xi32, #tpu.memory_space<vmem>> -> memref<128xi32, #tpu.memory_space<vmem>>
      %dma_wait3A_160 = arith.constant 0 : i32
      %dma_wait3A_161 = arith.constant 0 : i32
      %dma_wait3A_162 = tpu.memref_slice %arg4[%dma_wait3A_160, %dma_wait3A_161] : memref<2048x32xf32, #tpu.memory_space<hbm>> -> memref<2048x32xf32, #tpu.memory_space<hbm>>
      tpu.wait_indirect_dma semaphore(%arg22 : memref<!tpu.dma_semaphore, #tpu.memory_space<semaphore_mem>>) src(%dma_wait3A_162 : memref<2048x32xf32, #tpu.memory_space<hbm>>) dst(%arg14 : memref<128x32xf32, #tpu.memory_space<vmem>>)
      "tpu.region"() ({
        %run_scoped3A = tpu.sem_alloc : memref<!tpu.dma_semaphore, #tpu.memory_space<semaphore_mem>>
        %dma_start3A_211 = arith.constant 0 : i32
        %dma_start3A_212 = tpu.memref_slice %arg11[%add3A_156, %dma_start3A_211] : memref<128x128xi32, #tpu.memory_space<vmem>> -> memref<1x128xi32, #tpu.memory_space<vmem>>
        %dma_start3A_213 = tpu.memref_squeeze %dma_start3A_212 : memref<1x128xi32, #tpu.memory_space<vmem>> -> memref<128xi32, #tpu.memory_space<vmem>>
        %dma_start3A_214 = arith.constant 0 : i32
        %dma_start3A_215 = arith.constant 0 : i32
        %dma_start3A_216 = tpu.memref_slice %arg8[%dma_start3A_214, %dma_start3A_215] : memref<20096x32xf32, #tpu.memory_space<vmem_shared>> -> memref<20096x32xf32, #tpu.memory_space<vmem_shared>>
        tpu.enqueue_indirect_dma source(%arg14 : memref<128x32xf32, #tpu.memory_space<vmem>>) target(%dma_start3A_216 : memref<20096x32xf32, #tpu.memory_space<vmem_shared>>) offsets(%dma_start3A_213 : memref<128xi32, #tpu.memory_space<vmem>>) semaphore(%run_scoped3A : memref<!tpu.dma_semaphore, #tpu.memory_space<semaphore_mem>>) {add = true}
        %dma_wait3A_217 = arith.constant 0 : i32
        %dma_wait3A_218 = tpu.memref_slice %arg11[%add3A_156, %dma_wait3A_217] : memref<128x128xi32, #tpu.memory_space<vmem>> -> memref<1x128xi32, #tpu.memory_space<vmem>>
        %dma_wait3A_219 = tpu.memref_squeeze %dma_wait3A_218 : memref<1x128xi32, #tpu.memory_space<vmem>> -> memref<128xi32, #tpu.memory_space<vmem>>
        %dma_wait3A_220 = arith.constant 0 : i32
        %dma_wait3A_221 = arith.constant 0 : i32
        %dma_wait3A_222 = tpu.memref_slice %arg8[%dma_wait3A_220, %dma_wait3A_221] : memref<20096x32xf32, #tpu.memory_space<vmem_shared>> -> memref<20096x32xf32, #tpu.memory_space<vmem_shared>>
        tpu.wait_indirect_dma semaphore(%run_scoped3A : memref<!tpu.dma_semaphore, #tpu.memory_space<semaphore_mem>>) src(%arg14 : memref<128x32xf32, #tpu.memory_space<vmem>>) dst(%dma_wait3A_222 : memref<20096x32xf32, #tpu.memory_space<vmem_shared>>)
        tpu.yield
      }) : () -> ()
      %add3A_163 = arith.constant 4 : i32
      %add3A_164 = arith.addi %add3A_156, %add3A_163 : i32
      %lt3A_165 = arith.constant 128 : i32
      %lt3A_166 = arith.cmpi slt, %add3A_164, %lt3A_165 : i32
      %convert_element_type3A_167 = arith.extui %lt3A_166 : i1 to i32
      %cond3A_168 = arith.constant 0 : i32
      %cond3A_169 = arith.cmpi ne, %convert_element_type3A_167, %cond3A_168 : i32
      scf.if %cond3A_169 {
        %add3A_211 = arith.constant 4 : i32
        %add3A_212 = arith.addi %add3A_156, %add3A_211 : i32
        %dma_start3A_213 = arith.constant 0 : i32
        %dma_start3A_214 = tpu.memref_slice %arg10[%add3A_212, %dma_start3A_213] : memref<128x128xi32, #tpu.memory_space<vmem>> -> memref<1x128xi32, #tpu.memory_space<vmem>>
        %dma_start3A_215 = tpu.memref_squeeze %dma_start3A_214 : memref<1x128xi32, #tpu.memory_space<vmem>> -> memref<128xi32, #tpu.memory_space<vmem>>
        %dma_start3A_216 = arith.constant 0 : i32
        %dma_start3A_217 = arith.constant 0 : i32
        %dma_start3A_218 = tpu.memref_slice %arg4[%dma_start3A_216, %dma_start3A_217] : memref<2048x32xf32, #tpu.memory_space<hbm>> -> memref<2048x32xf32, #tpu.memory_space<hbm>>
        tpu.enqueue_indirect_dma source(%dma_start3A_218 : memref<2048x32xf32, #tpu.memory_space<hbm>>) target(%arg14 : memref<128x32xf32, #tpu.memory_space<vmem>>) offsets(%dma_start3A_215 : memref<128xi32, #tpu.memory_space<vmem>>) semaphore(%arg22 : memref<!tpu.dma_semaphore, #tpu.memory_space<semaphore_mem>>)
      } else {
      }
      %dma_wait3A_170 = arith.constant 0 : i32
      %dma_wait3A_171 = tpu.memref_slice %arg11[%add3A_156, %dma_wait3A_170] : memref<128x128xi32, #tpu.memory_space<vmem>> -> memref<1x128xi32, #tpu.memory_space<vmem>>
      %dma_wait3A_172 = tpu.memref_squeeze %dma_wait3A_171 : memref<1x128xi32, #tpu.memory_space<vmem>> -> memref<128xi32, #tpu.memory_space<vmem>>
      %dma_wait3A_173 = arith.constant 0 : i32
      %dma_wait3A_174 = arith.constant 0 : i32
      %dma_wait3A_175 = tpu.memref_slice %arg5[%dma_wait3A_173, %dma_wait3A_174] : memref<20096x32xf32, #tpu.memory_space<hbm>> -> memref<20096x32xf32, #tpu.memory_space<hbm>>
      tpu.wait_indirect_dma semaphore(%arg26 : memref<!tpu.dma_semaphore, #tpu.memory_space<semaphore_mem>>) src(%dma_wait3A_175 : memref<20096x32xf32, #tpu.memory_space<hbm>>) dst(%arg18 : memref<128x32xf32, #tpu.memory_space<vmem>>)
      "tpu.region"() ({
        %run_scoped3A = tpu.sem_alloc : memref<!tpu.dma_semaphore, #tpu.memory_space<semaphore_mem>>
        %dma_start3A_211 = arith.constant 0 : i32
        %dma_start3A_212 = tpu.memref_slice %arg10[%add3A_156, %dma_start3A_211] : memref<128x128xi32, #tpu.memory_space<vmem>> -> memref<1x128xi32, #tpu.memory_space<vmem>>
        %dma_start3A_213 = tpu.memref_squeeze %dma_start3A_212 : memref<1x128xi32, #tpu.memory_space<vmem>> -> memref<128xi32, #tpu.memory_space<vmem>>
        %dma_start3A_214 = arith.constant 0 : i32
        %dma_start3A_215 = arith.constant 0 : i32
        %dma_start3A_216 = tpu.memref_slice %arg9[%dma_start3A_214, %dma_start3A_215] : memref<2048x32xf32, #tpu.memory_space<vmem_shared>> -> memref<2048x32xf32, #tpu.memory_space<vmem_shared>>
        tpu.enqueue_indirect_dma source(%arg18 : memref<128x32xf32, #tpu.memory_space<vmem>>) target(%dma_start3A_216 : memref<2048x32xf32, #tpu.memory_space<vmem_shared>>) offsets(%dma_start3A_213 : memref<128xi32, #tpu.memory_space<vmem>>) semaphore(%run_scoped3A : memref<!tpu.dma_semaphore, #tpu.memory_space<semaphore_mem>>) {add = true}
        %dma_wait3A_217 = arith.constant 0 : i32
        %dma_wait3A_218 = tpu.memref_slice %arg10[%add3A_156, %dma_wait3A_217] : memref<128x128xi32, #tpu.memory_space<vmem>> -> memref<1x128xi32, #tpu.memory_space<vmem>>
        %dma_wait3A_219 = tpu.memref_squeeze %dma_wait3A_218 : memref<1x128xi32, #tpu.memory_space<vmem>> -> memref<128xi32, #tpu.memory_space<vmem>>
        %dma_wait3A_220 = arith.constant 0 : i32
        %dma_wait3A_221 = arith.constant 0 : i32
        %dma_wait3A_222 = tpu.memref_slice %arg9[%dma_wait3A_220, %dma_wait3A_221] : memref<2048x32xf32, #tpu.memory_space<vmem_shared>> -> memref<2048x32xf32, #tpu.memory_space<vmem_shared>>
        tpu.wait_indirect_dma semaphore(%run_scoped3A : memref<!tpu.dma_semaphore, #tpu.memory_space<semaphore_mem>>) src(%arg18 : memref<128x32xf32, #tpu.memory_space<vmem>>) dst(%dma_wait3A_222 : memref<2048x32xf32, #tpu.memory_space<vmem_shared>>)
        tpu.yield
      }) : () -> ()
      %add3A_176 = arith.constant 4 : i32
      %add3A_177 = arith.addi %add3A_156, %add3A_176 : i32
      %lt3A_178 = arith.constant 128 : i32
      %lt3A_179 = arith.cmpi slt, %add3A_177, %lt3A_178 : i32
      %convert_element_type3A_180 = arith.extui %lt3A_179 : i1 to i32
      %cond3A_181 = arith.constant 0 : i32
      %cond3A_182 = arith.cmpi ne, %convert_element_type3A_180, %cond3A_181 : i32
      scf.if %cond3A_182 {
        %add3A_211 = arith.constant 4 : i32
        %add3A_212 = arith.addi %add3A_156, %add3A_211 : i32
        %dma_start3A_213 = arith.constant 0 : i32
        %dma_start3A_214 = tpu.memref_slice %arg11[%add3A_212, %dma_start3A_213] : memref<128x128xi32, #tpu.memory_space<vmem>> -> memref<1x128xi32, #tpu.memory_space<vmem>>
        %dma_start3A_215 = tpu.memref_squeeze %dma_start3A_214 : memref<1x128xi32, #tpu.memory_space<vmem>> -> memref<128xi32, #tpu.memory_space<vmem>>
        %dma_start3A_216 = arith.constant 0 : i32
        %dma_start3A_217 = arith.constant 0 : i32
        %dma_start3A_218 = tpu.memref_slice %arg5[%dma_start3A_216, %dma_start3A_217] : memref<20096x32xf32, #tpu.memory_space<hbm>> -> memref<20096x32xf32, #tpu.memory_space<hbm>>
        tpu.enqueue_indirect_dma source(%dma_start3A_218 : memref<20096x32xf32, #tpu.memory_space<hbm>>) target(%arg18 : memref<128x32xf32, #tpu.memory_space<vmem>>) offsets(%dma_start3A_215 : memref<128xi32, #tpu.memory_space<vmem>>) semaphore(%arg26 : memref<!tpu.dma_semaphore, #tpu.memory_space<semaphore_mem>>)
      } else {
      }
      %add3A_183 = arith.constant 3 : i32
      %add3A_184 = arith.addi %add3A_102, %add3A_183 : i32
      %dma_wait3A_185 = arith.constant 0 : i32
      %dma_wait3A_186 = tpu.memref_slice %arg10[%add3A_184, %dma_wait3A_185] : memref<128x128xi32, #tpu.memory_space<vmem>> -> memref<1x128xi32, #tpu.memory_space<vmem>>
      %dma_wait3A_187 = tpu.memref_squeeze %dma_wait3A_186 : memref<1x128xi32, #tpu.memory_space<vmem>> -> memref<128xi32, #tpu.memory_space<vmem>>
      %dma_wait3A_188 = arith.constant 0 : i32
      %dma_wait3A_189 = arith.constant 0 : i32
      %dma_wait3A_190 = tpu.memref_slice %arg4[%dma_wait3A_188, %dma_wait3A_189] : memref<2048x32xf32, #tpu.memory_space<hbm>> -> memref<2048x32xf32, #tpu.memory_space<hbm>>
      tpu.wait_indirect_dma semaphore(%arg23 : memref<!tpu.dma_semaphore, #tpu.memory_space<semaphore_mem>>) src(%dma_wait3A_190 : memref<2048x32xf32, #tpu.memory_space<hbm>>) dst(%arg15 : memref<128x32xf32, #tpu.memory_space<vmem>>)
      "tpu.region"() ({
        %run_scoped3A = tpu.sem_alloc : memref<!tpu.dma_semaphore, #tpu.memory_space<semaphore_mem>>
        %dma_start3A_211 = arith.constant 0 : i32
        %dma_start3A_212 = tpu.memref_slice %arg11[%add3A_184, %dma_start3A_211] : memref<128x128xi32, #tpu.memory_space<vmem>> -> memref<1x128xi32, #tpu.memory_space<vmem>>
        %dma_start3A_213 = tpu.memref_squeeze %dma_start3A_212 : memref<1x128xi32, #tpu.memory_space<vmem>> -> memref<128xi32, #tpu.memory_space<vmem>>
        %dma_start3A_214 = arith.constant 0 : i32
        %dma_start3A_215 = arith.constant 0 : i32
        %dma_start3A_216 = tpu.memref_slice %arg8[%dma_start3A_214, %dma_start3A_215] : memref<20096x32xf32, #tpu.memory_space<vmem_shared>> -> memref<20096x32xf32, #tpu.memory_space<vmem_shared>>
        tpu.enqueue_indirect_dma source(%arg15 : memref<128x32xf32, #tpu.memory_space<vmem>>) target(%dma_start3A_216 : memref<20096x32xf32, #tpu.memory_space<vmem_shared>>) offsets(%dma_start3A_213 : memref<128xi32, #tpu.memory_space<vmem>>) semaphore(%run_scoped3A : memref<!tpu.dma_semaphore, #tpu.memory_space<semaphore_mem>>) {add = true}
        %dma_wait3A_217 = arith.constant 0 : i32
        %dma_wait3A_218 = tpu.memref_slice %arg11[%add3A_184, %dma_wait3A_217] : memref<128x128xi32, #tpu.memory_space<vmem>> -> memref<1x128xi32, #tpu.memory_space<vmem>>
        %dma_wait3A_219 = tpu.memref_squeeze %dma_wait3A_218 : memref<1x128xi32, #tpu.memory_space<vmem>> -> memref<128xi32, #tpu.memory_space<vmem>>
        %dma_wait3A_220 = arith.constant 0 : i32
        %dma_wait3A_221 = arith.constant 0 : i32
        %dma_wait3A_222 = tpu.memref_slice %arg8[%dma_wait3A_220, %dma_wait3A_221] : memref<20096x32xf32, #tpu.memory_space<vmem_shared>> -> memref<20096x32xf32, #tpu.memory_space<vmem_shared>>
        tpu.wait_indirect_dma semaphore(%run_scoped3A : memref<!tpu.dma_semaphore, #tpu.memory_space<semaphore_mem>>) src(%arg15 : memref<128x32xf32, #tpu.memory_space<vmem>>) dst(%dma_wait3A_222 : memref<20096x32xf32, #tpu.memory_space<vmem_shared>>)
        tpu.yield
      }) : () -> ()
      %add3A_191 = arith.constant 4 : i32
      %add3A_192 = arith.addi %add3A_184, %add3A_191 : i32
      %lt3A_193 = arith.constant 128 : i32
      %lt3A_194 = arith.cmpi slt, %add3A_192, %lt3A_193 : i32
      %convert_element_type3A_195 = arith.extui %lt3A_194 : i1 to i32
      %cond3A_196 = arith.constant 0 : i32
      %cond3A_197 = arith.cmpi ne, %convert_element_type3A_195, %cond3A_196 : i32
      scf.if %cond3A_197 {
        %add3A_211 = arith.constant 4 : i32
        %add3A_212 = arith.addi %add3A_184, %add3A_211 : i32
        %dma_start3A_213 = arith.constant 0 : i32
        %dma_start3A_214 = tpu.memref_slice %arg10[%add3A_212, %dma_start3A_213] : memref<128x128xi32, #tpu.memory_space<vmem>> -> memref<1x128xi32, #tpu.memory_space<vmem>>
        %dma_start3A_215 = tpu.memref_squeeze %dma_start3A_214 : memref<1x128xi32, #tpu.memory_space<vmem>> -> memref<128xi32, #tpu.memory_space<vmem>>
        %dma_start3A_216 = arith.constant 0 : i32
        %dma_start3A_217 = arith.constant 0 : i32
        %dma_start3A_218 = tpu.memref_slice %arg4[%dma_start3A_216, %dma_start3A_217] : memref<2048x32xf32, #tpu.memory_space<hbm>> -> memref<2048x32xf32, #tpu.memory_space<hbm>>
        tpu.enqueue_indirect_dma source(%dma_start3A_218 : memref<2048x32xf32, #tpu.memory_space<hbm>>) target(%arg15 : memref<128x32xf32, #tpu.memory_space<vmem>>) offsets(%dma_start3A_215 : memref<128xi32, #tpu.memory_space<vmem>>) semaphore(%arg23 : memref<!tpu.dma_semaphore, #tpu.memory_space<semaphore_mem>>)
      } else {
      }
      %dma_wait3A_198 = arith.constant 0 : i32
      %dma_wait3A_199 = tpu.memref_slice %arg11[%add3A_184, %dma_wait3A_198] : memref<128x128xi32, #tpu.memory_space<vmem>> -> memref<1x128xi32, #tpu.memory_space<vmem>>
      %dma_wait3A_200 = tpu.memref_squeeze %dma_wait3A_199 : memref<1x128xi32, #tpu.memory_space<vmem>> -> memref<128xi32, #tpu.memory_space<vmem>>
      %dma_wait3A_201 = arith.constant 0 : i32
      %dma_wait3A_202 = arith.constant 0 : i32
      %dma_wait3A_203 = tpu.memref_slice %arg5[%dma_wait3A_201, %dma_wait3A_202] : memref<20096x32xf32, #tpu.memory_space<hbm>> -> memref<20096x32xf32, #tpu.memory_space<hbm>>
      tpu.wait_indirect_dma semaphore(%arg27 : memref<!tpu.dma_semaphore, #tpu.memory_space<semaphore_mem>>) src(%dma_wait3A_203 : memref<20096x32xf32, #tpu.memory_space<hbm>>) dst(%arg19 : memref<128x32xf32, #tpu.memory_space<vmem>>)
      "tpu.region"() ({
        %run_scoped3A = tpu.sem_alloc : memref<!tpu.dma_semaphore, #tpu.memory_space<semaphore_mem>>
        %dma_start3A_211 = arith.constant 0 : i32
        %dma_start3A_212 = tpu.memref_slice %arg10[%add3A_184, %dma_start3A_211] : memref<128x128xi32, #tpu.memory_space<vmem>> -> memref<1x128xi32, #tpu.memory_space<vmem>>
        %dma_start3A_213 = tpu.memref_squeeze %dma_start3A_212 : memref<1x128xi32, #tpu.memory_space<vmem>> -> memref<128xi32, #tpu.memory_space<vmem>>
        %dma_start3A_214 = arith.constant 0 : i32
        %dma_start3A_215 = arith.constant 0 : i32
        %dma_start3A_216 = tpu.memref_slice %arg9[%dma_start3A_214, %dma_start3A_215] : memref<2048x32xf32, #tpu.memory_space<vmem_shared>> -> memref<2048x32xf32, #tpu.memory_space<vmem_shared>>
        tpu.enqueue_indirect_dma source(%arg19 : memref<128x32xf32, #tpu.memory_space<vmem>>) target(%dma_start3A_216 : memref<2048x32xf32, #tpu.memory_space<vmem_shared>>) offsets(%dma_start3A_213 : memref<128xi32, #tpu.memory_space<vmem>>) semaphore(%run_scoped3A : memref<!tpu.dma_semaphore, #tpu.memory_space<semaphore_mem>>) {add = true}
        %dma_wait3A_217 = arith.constant 0 : i32
        %dma_wait3A_218 = tpu.memref_slice %arg10[%add3A_184, %dma_wait3A_217] : memref<128x128xi32, #tpu.memory_space<vmem>> -> memref<1x128xi32, #tpu.memory_space<vmem>>
        %dma_wait3A_219 = tpu.memref_squeeze %dma_wait3A_218 : memref<1x128xi32, #tpu.memory_space<vmem>> -> memref<128xi32, #tpu.memory_space<vmem>>
        %dma_wait3A_220 = arith.constant 0 : i32
        %dma_wait3A_221 = arith.constant 0 : i32
        %dma_wait3A_222 = tpu.memref_slice %arg9[%dma_wait3A_220, %dma_wait3A_221] : memref<2048x32xf32, #tpu.memory_space<vmem_shared>> -> memref<2048x32xf32, #tpu.memory_space<vmem_shared>>
        tpu.wait_indirect_dma semaphore(%run_scoped3A : memref<!tpu.dma_semaphore, #tpu.memory_space<semaphore_mem>>) src(%arg19 : memref<128x32xf32, #tpu.memory_space<vmem>>) dst(%dma_wait3A_222 : memref<2048x32xf32, #tpu.memory_space<vmem_shared>>)
        tpu.yield
      }) : () -> ()
      %add3A_204 = arith.constant 4 : i32
      %add3A_205 = arith.addi %add3A_184, %add3A_204 : i32
      %lt3A_206 = arith.constant 128 : i32
      %lt3A_207 = arith.cmpi slt, %add3A_205, %lt3A_206 : i32
      %convert_element_type3A_208 = arith.extui %lt3A_207 : i1 to i32
      %cond3A_209 = arith.constant 0 : i32
      %cond3A_210 = arith.cmpi ne, %convert_element_type3A_208, %cond3A_209 : i32
      scf.if %cond3A_210 {
        %add3A_211 = arith.constant 4 : i32
        %add3A_212 = arith.addi %add3A_184, %add3A_211 : i32
        %dma_start3A_213 = arith.constant 0 : i32
        %dma_start3A_214 = tpu.memref_slice %arg11[%add3A_212, %dma_start3A_213] : memref<128x128xi32, #tpu.memory_space<vmem>> -> memref<1x128xi32, #tpu.memory_space<vmem>>
        %dma_start3A_215 = tpu.memref_squeeze %dma_start3A_214 : memref<1x128xi32, #tpu.memory_space<vmem>> -> memref<128xi32, #tpu.memory_space<vmem>>
        %dma_start3A_216 = arith.constant 0 : i32
        %dma_start3A_217 = arith.constant 0 : i32
        %dma_start3A_218 = tpu.memref_slice %arg5[%dma_start3A_216, %dma_start3A_217] : memref<20096x32xf32, #tpu.memory_space<hbm>> -> memref<20096x32xf32, #tpu.memory_space<hbm>>
        tpu.enqueue_indirect_dma source(%dma_start3A_218 : memref<20096x32xf32, #tpu.memory_space<hbm>>) target(%arg19 : memref<128x32xf32, #tpu.memory_space<vmem>>) offsets(%dma_start3A_215 : memref<128xi32, #tpu.memory_space<vmem>>) semaphore(%arg27 : memref<!tpu.dma_semaphore, #tpu.memory_space<semaphore_mem>>)
      } else {
      }
    }
    %scan3A_88 = arith.constant 32 : i32
    %barrier3A_89 = arith.constant 0 : index
    tpu.barrier barrier_id(%barrier3A_89)
    %mul3A_90 = arith.constant 1256 : i32
    %mul3A_91 = arith.muli %arg1, %mul3A_90 : i32
    %mul3A_92 = arith.constant 1256 : i32
    %mul3A_93 = arith.muli %arg1, %mul3A_92 : i32
    "tpu.region"() ({
      %run_scoped3A = tpu.sem_alloc : memref<!tpu.dma_semaphore, #tpu.memory_space<semaphore_mem>>
      %dma_start3A_98 = arith.constant 0 : i32
      %dma_start3A_99 = tpu.memref_slice %arg6[%arg0, %mul3A_93, %dma_start3A_98] : memref<2x20096x32xf32, #tpu.memory_space<hbm>> -> memref<1x1256x32xf32, #tpu.memory_space<hbm>>
      %dma_start3A_100 = tpu.memref_squeeze %dma_start3A_99 : memref<1x1256x32xf32, #tpu.memory_space<hbm>> -> memref<1256x32xf32, #tpu.memory_space<hbm>>
      %dma_start3A_101 = arith.constant 0 : i32
      %dma_start3A_102 = tpu.memref_slice %arg8[%mul3A_91, %dma_start3A_101] : memref<20096x32xf32, #tpu.memory_space<vmem_shared>> -> memref<1256x32xf32, #tpu.memory_space<vmem_shared>>
      tpu.enqueue_dma source(%dma_start3A_102 : memref<1256x32xf32, #tpu.memory_space<vmem_shared>>) target(%dma_start3A_100 : memref<1256x32xf32, #tpu.memory_space<hbm>>) target_semaphore(%run_scoped3A : memref<!tpu.dma_semaphore, #tpu.memory_space<semaphore_mem>>)
      %dma_wait3A = arith.constant 0 : i32
      %dma_wait3A_103 = tpu.memref_slice %arg6[%arg0, %mul3A_93, %dma_wait3A] : memref<2x20096x32xf32, #tpu.memory_space<hbm>> -> memref<1x1256x32xf32, #tpu.memory_space<hbm>>
      %dma_wait3A_104 = tpu.memref_squeeze %dma_wait3A_103 : memref<1x1256x32xf32, #tpu.memory_space<hbm>> -> memref<1256x32xf32, #tpu.memory_space<hbm>>
      %dma_wait3A_105 = arith.constant 0 : i32
      %dma_wait3A_106 = tpu.memref_slice %arg8[%mul3A_91, %dma_wait3A_105] : memref<20096x32xf32, #tpu.memory_space<vmem_shared>> -> memref<1256x32xf32, #tpu.memory_space<vmem_shared>>
      tpu.wait_dma2 semaphore(%run_scoped3A : memref<!tpu.dma_semaphore, #tpu.memory_space<semaphore_mem>>) src(%dma_wait3A_106 : memref<1256x32xf32, #tpu.memory_space<vmem_shared>>) dst(%dma_wait3A_104 : memref<1256x32xf32, #tpu.memory_space<hbm>>)
      tpu.yield
    }) : () -> ()
    %mul3A_94 = arith.constant 128 : i32
    %mul3A_95 = arith.muli %arg1, %mul3A_94 : i32
    %mul3A_96 = arith.constant 128 : i32
    %mul3A_97 = arith.muli %arg1, %mul3A_96 : i32
    "tpu.region"() ({
      %run_scoped3A = tpu.sem_alloc : memref<!tpu.dma_semaphore, #tpu.memory_space<semaphore_mem>>
      %dma_start3A_98 = arith.constant 0 : i32
      %dma_start3A_99 = tpu.memref_slice %arg7[%arg0, %mul3A_97, %dma_start3A_98] : memref<2x2048x32xf32, #tpu.memory_space<hbm>> -> memref<1x128x32xf32, #tpu.memory_space<hbm>>
      %dma_start3A_100 = tpu.memref_squeeze %dma_start3A_99 : memref<1x128x32xf32, #tpu.memory_space<hbm>> -> memref<128x32xf32, #tpu.memory_space<hbm>>
      %dma_start3A_101 = arith.constant 0 : i32
      %dma_start3A_102 = tpu.memref_slice %arg9[%mul3A_95, %dma_start3A_101] : memref<2048x32xf32, #tpu.memory_space<vmem_shared>> -> memref<128x32xf32, #tpu.memory_space<vmem_shared>>
      tpu.enqueue_dma source(%dma_start3A_102 : memref<128x32xf32, #tpu.memory_space<vmem_shared>>) target(%dma_start3A_100 : memref<128x32xf32, #tpu.memory_space<hbm>>) target_semaphore(%run_scoped3A : memref<!tpu.dma_semaphore, #tpu.memory_space<semaphore_mem>>)
      %dma_wait3A = arith.constant 0 : i32
      %dma_wait3A_103 = tpu.memref_slice %arg7[%arg0, %mul3A_97, %dma_wait3A] : memref<2x2048x32xf32, #tpu.memory_space<hbm>> -> memref<1x128x32xf32, #tpu.memory_space<hbm>>
      %dma_wait3A_104 = tpu.memref_squeeze %dma_wait3A_103 : memref<1x128x32xf32, #tpu.memory_space<hbm>> -> memref<128x32xf32, #tpu.memory_space<hbm>>
      %dma_wait3A_105 = arith.constant 0 : i32
      %dma_wait3A_106 = tpu.memref_slice %arg9[%mul3A_95, %dma_wait3A_105] : memref<2048x32xf32, #tpu.memory_space<vmem_shared>> -> memref<128x32xf32, #tpu.memory_space<vmem_shared>>
      tpu.wait_dma2 semaphore(%run_scoped3A : memref<!tpu.dma_semaphore, #tpu.memory_space<semaphore_mem>>) src(%dma_wait3A_106 : memref<128x32xf32, #tpu.memory_space<vmem_shared>>) dst(%dma_wait3A_104 : memref<128x32xf32, #tpu.memory_space<hbm>>)
      tpu.yield
    }) : () -> ()
    return
  }
}

#map = affine_map<(d0, d1) -> (0, 0)>
#map1 = affine_map<(d0, d1) -> (0, 0, 0)>
module attributes {stable_mosaic.version = 14 : i64} {
  func.func @body(%arg0: i32, %arg1: i32, %arg2: memref<4096x128xi32, #tpu.memory_space<hbm>>, %arg3: memref<4096x128xi32, #tpu.memory_space<hbm>>, %arg4: memref<2048x64xf32, #tpu.memory_space<hbm>>, %arg5: memref<20096x64xf32, #tpu.memory_space<hbm>>, %arg6: memref<2x20096x64xf32, #tpu.memory_space<hbm>>, %arg7: memref<2x2048x64xf32, #tpu.memory_space<hbm>>, %arg8: memref<20096x64xf32, #tpu.memory_space<vmem_shared>>, %arg9: memref<2048x64xf32, #tpu.memory_space<vmem_shared>>, %arg10: memref<32x128xi32, #tpu.memory_space<vmem>>, %arg11: memref<32x128xi32, #tpu.memory_space<vmem>>, %arg12: memref<128x64xf32, #tpu.memory_space<vmem>>, %arg13: memref<128x64xf32, #tpu.memory_space<vmem>>, %arg14: memref<128x64xf32, #tpu.memory_space<vmem>>, %arg15: memref<128x64xf32, #tpu.memory_space<vmem>>, %arg16: memref<!tpu.dma_semaphore, #tpu.memory_space<semaphore_mem>>, %arg17: memref<!tpu.dma_semaphore, #tpu.memory_space<semaphore_mem>>, %arg18: memref<!tpu.dma_semaphore, #tpu.memory_space<semaphore_mem>>, %arg19: memref<!tpu.dma_semaphore, #tpu.memory_space<semaphore_mem>>) attributes {dimension_semantics = [#tpu.dimension_semantics<core_parallel>, #tpu.dimension_semantics<subcore_parallel>], iteration_bounds = array<i64: 2, 16>, scalar_prefetch = 0 : i64, scratch_operands = 12 : i64, tpu.core_type = #tpu.core_type<sc_vector_subcore>, window_params = [{transform_indices = #map}, {transform_indices = #map}, {transform_indices = #map}, {transform_indices = #map}, {transform_indices = #map1}, {transform_indices = #map1}]} {
    %mul3A = arith.constant 16 : i32
    %mul3A_0 = arith.muli %arg0, %mul3A : i32
    %add3A = arith.addi %mul3A_0, %arg1 : i32
    %scan3A = arith.constant 0 : i32
    %scan3A_1 = arith.constant 128 : i32
    %scan3A_2 = arith.addi %scan3A, %scan3A_1 : i32
    %scan3A_3 = arith.constant 1 : i32
    scf.for %scan3A_181 = %scan3A to %scan3A_2 step %scan3A_3  : i32 {
      %mul3A_182 = arith.constant 1 : i32
      %mul3A_183 = arith.muli %scan3A_181, %mul3A_182 : i32
      %add3A_184 = arith.constant 0 : i32
      %add3A_185 = arith.addi %add3A_184, %mul3A_183 : i32
      %scan3A_186 = arith.constant 0 : i32
      %scan3A_187 = arith.constant 4 : i32
      %scan3A_188 = arith.addi %scan3A_186, %scan3A_187 : i32
      %scan3A_189 = arith.constant 1 : i32
      scf.for %scan3A_191 = %scan3A_186 to %scan3A_188 step %scan3A_189  : i32 {
        %mul3A_192 = arith.constant 1 : i32
        %mul3A_193 = arith.muli %scan3A_191, %mul3A_192 : i32
        %add3A_194 = arith.constant 0 : i32
        %add3A_195 = arith.addi %add3A_194, %mul3A_193 : i32
        %broadcast_in_dim3A = arith.constant 0.000000e+00 : f32
        %broadcast_in_dim3A_196 = vector.broadcast %broadcast_in_dim3A : f32 to vector<16xf32>
        %mul3A_197 = arith.constant 16 : i32
        %mul3A_198 = arith.muli %add3A_195, %mul3A_197 : i32
        %swap3A = arith.constant 0 : i32
        %swap3A_199 = arith.constant 0 : i32
        %swap3A_200 = tpu.memref_slice %arg12[%swap3A, %swap3A_199] : memref<128x64xf32, #tpu.memory_space<vmem>> -> memref<128x64xf32, #tpu.memory_space<vmem>>
        %swap3A_201 = arith.index_cast %add3A_185 : i32 to index
        %swap3A_202 = arith.index_cast %mul3A_198 : i32 to index
        %swap3A_203 = tpu.vector_load %swap3A_200[%swap3A_201, %swap3A_202] {strides = array<i32>} : memref<128x64xf32, #tpu.memory_space<vmem>>, vector<1x16xf32>,
        %swap3A_204 = vector.shape_cast %swap3A_203 : vector<1x16xf32> to vector<16xf32>
        %swap3A_205 = vector.shape_cast %broadcast_in_dim3A_196 : vector<16xf32> to vector<1x16xf32>
        tpu.vector_store %swap3A_200[%swap3A_201, %swap3A_202], %swap3A_205 {strides = array<i32>} : memref<128x64xf32, #tpu.memory_space<vmem>>, vector<1x16xf32>,
      }
      %scan3A_190 = arith.constant 4 : i32
    }
    %scan3A_4 = arith.constant 128 : i32
    %scan3A_5 = arith.constant 0 : i32
    %scan3A_6 = arith.constant 9 : i32
    %scan3A_7 = arith.addi %scan3A_5, %scan3A_6 : i32
    %scan3A_8 = arith.constant 1 : i32
    scf.for %scan3A_181 = %scan3A_5 to %scan3A_7 step %scan3A_8  : i32 {
      %mul3A_182 = arith.constant 1 : i32
      %mul3A_183 = arith.muli %scan3A_181, %mul3A_182 : i32
      %add3A_184 = arith.constant 0 : i32
      %add3A_185 = arith.addi %add3A_184, %mul3A_183 : i32
      %mul3A_186 = arith.constant 1256 : i32
      %mul3A_187 = arith.muli %arg1, %mul3A_186 : i32
      %mul3A_188 = arith.constant 128 : i32
      %mul3A_189 = arith.muli %add3A_185, %mul3A_188 : i32
      %add3A_190 = arith.addi %mul3A_187, %mul3A_189 : i32
      "tpu.region"() ({
        %run_scoped3A = tpu.sem_alloc : memref<!tpu.dma_semaphore, #tpu.memory_space<semaphore_mem>>
        %dma_start3A_191 = arith.constant 0 : i32
        %dma_start3A_192 = arith.constant 0 : i32
        %dma_start3A_193 = tpu.memref_slice %arg12[%dma_start3A_191, %dma_start3A_192] : memref<128x64xf32, #tpu.memory_space<vmem>> -> memref<128x64xf32, #tpu.memory_space<vmem>>
        %dma_start3A_194 = arith.constant 0 : i32
        %dma_start3A_195 = tpu.memref_slice %arg8[%add3A_190, %dma_start3A_194] : memref<20096x64xf32, #tpu.memory_space<vmem_shared>> -> memref<128x64xf32, #tpu.memory_space<vmem_shared>>
        %dma_start3A_196 = arith.constant 0 : i32
        %dma_start3A_197 = tpu.memref_slice %arg8[%add3A_190, %dma_start3A_196] : memref<20096x64xf32, #tpu.memory_space<vmem_shared>> -> memref<128x64xf32, #tpu.memory_space<vmem_shared>>
        %dma_start3A_198 = arith.constant 0 : i32
        %dma_start3A_199 = arith.constant 0 : i32
        %dma_start3A_200 = tpu.memref_slice %arg12[%dma_start3A_198, %dma_start3A_199] : memref<128x64xf32, #tpu.memory_space<vmem>> -> memref<128x64xf32, #tpu.memory_space<vmem>>
        tpu.enqueue_dma source(%dma_start3A_200 : memref<128x64xf32, #tpu.memory_space<vmem>>) target(%dma_start3A_197 : memref<128x64xf32, #tpu.memory_space<vmem_shared>>) target_semaphore(%run_scoped3A : memref<!tpu.dma_semaphore, #tpu.memory_space<semaphore_mem>>)
        %dma_wait3A = arith.constant 0 : i32
        %dma_wait3A_201 = arith.constant 0 : i32
        %dma_wait3A_202 = tpu.memref_slice %arg12[%dma_wait3A, %dma_wait3A_201] : memref<128x64xf32, #tpu.memory_space<vmem>> -> memref<128x64xf32, #tpu.memory_space<vmem>>
        %dma_wait3A_203 = arith.constant 0 : i32
        %dma_wait3A_204 = tpu.memref_slice %arg8[%add3A_190, %dma_wait3A_203] : memref<20096x64xf32, #tpu.memory_space<vmem_shared>> -> memref<128x64xf32, #tpu.memory_space<vmem_shared>>
        %dma_wait3A_205 = arith.constant 0 : i32
        %dma_wait3A_206 = tpu.memref_slice %arg8[%add3A_190, %dma_wait3A_205] : memref<20096x64xf32, #tpu.memory_space<vmem_shared>> -> memref<128x64xf32, #tpu.memory_space<vmem_shared>>
        %dma_wait3A_207 = arith.constant 0 : i32
        %dma_wait3A_208 = arith.constant 0 : i32
        %dma_wait3A_209 = tpu.memref_slice %arg12[%dma_wait3A_207, %dma_wait3A_208] : memref<128x64xf32, #tpu.memory_space<vmem>> -> memref<128x64xf32, #tpu.memory_space<vmem>>
        tpu.wait_dma2 semaphore(%run_scoped3A : memref<!tpu.dma_semaphore, #tpu.memory_space<semaphore_mem>>) src(%dma_wait3A_209 : memref<128x64xf32, #tpu.memory_space<vmem>>) dst(%dma_wait3A_206 : memref<128x64xf32, #tpu.memory_space<vmem_shared>>)
        tpu.yield
      }) : () -> ()
    }
    %scan3A_9 = arith.constant 9 : i32
    %mul3A_10 = arith.constant 1256 : i32
    %mul3A_11 = arith.muli %arg1, %mul3A_10 : i32
    %add3A_12 = arith.constant 1152 : i32
    %add3A_13 = arith.addi %mul3A_11, %add3A_12 : i32
    "tpu.region"() ({
      %run_scoped3A = tpu.sem_alloc : memref<!tpu.dma_semaphore, #tpu.memory_space<semaphore_mem>>
      %dma_start3A_181 = arith.constant 0 : i32
      %dma_start3A_182 = arith.constant 0 : i32
      %dma_start3A_183 = tpu.memref_slice %arg12[%dma_start3A_181, %dma_start3A_182] : memref<128x64xf32, #tpu.memory_space<vmem>> -> memref<128x64xf32, #tpu.memory_space<vmem>>
      %dma_start3A_184 = arith.constant 0 : i32
      %dma_start3A_185 = arith.constant 0 : i32
      %dma_start3A_186 = tpu.memref_slice %dma_start3A_183[%dma_start3A_184, %dma_start3A_185] : memref<128x64xf32, #tpu.memory_space<vmem>> -> memref<104x64xf32, #tpu.memory_space<vmem>>
      %dma_start3A_187 = arith.constant 0 : i32
      %dma_start3A_188 = tpu.memref_slice %arg8[%add3A_13, %dma_start3A_187] : memref<20096x64xf32, #tpu.memory_space<vmem_shared>> -> memref<104x64xf32, #tpu.memory_space<vmem_shared>>
      %dma_start3A_189 = arith.constant 0 : i32
      %dma_start3A_190 = tpu.memref_slice %arg8[%add3A_13, %dma_start3A_189] : memref<20096x64xf32, #tpu.memory_space<vmem_shared>> -> memref<104x64xf32, #tpu.memory_space<vmem_shared>>
      %dma_start3A_191 = arith.constant 0 : i32
      %dma_start3A_192 = arith.constant 0 : i32
      %dma_start3A_193 = tpu.memref_slice %arg12[%dma_start3A_191, %dma_start3A_192] : memref<128x64xf32, #tpu.memory_space<vmem>> -> memref<128x64xf32, #tpu.memory_space<vmem>>
      %dma_start3A_194 = arith.constant 0 : i32
      %dma_start3A_195 = arith.constant 0 : i32
      %dma_start3A_196 = tpu.memref_slice %dma_start3A_193[%dma_start3A_194, %dma_start3A_195] : memref<128x64xf32, #tpu.memory_space<vmem>> -> memref<104x64xf32, #tpu.memory_space<vmem>>
      tpu.enqueue_dma source(%dma_start3A_196 : memref<104x64xf32, #tpu.memory_space<vmem>>) target(%dma_start3A_190 : memref<104x64xf32, #tpu.memory_space<vmem_shared>>) target_semaphore(%run_scoped3A : memref<!tpu.dma_semaphore, #tpu.memory_space<semaphore_mem>>)
      %dma_wait3A = arith.constant 0 : i32
      %dma_wait3A_197 = arith.constant 0 : i32
      %dma_wait3A_198 = tpu.memref_slice %arg12[%dma_wait3A, %dma_wait3A_197] : memref<128x64xf32, #tpu.memory_space<vmem>> -> memref<128x64xf32, #tpu.memory_space<vmem>>
      %dma_wait3A_199 = arith.constant 0 : i32
      %dma_wait3A_200 = arith.constant 0 : i32
      %dma_wait3A_201 = tpu.memref_slice %dma_wait3A_198[%dma_wait3A_199, %dma_wait3A_200] : memref<128x64xf32, #tpu.memory_space<vmem>> -> memref<104x64xf32, #tpu.memory_space<vmem>>
      %dma_wait3A_202 = arith.constant 0 : i32
      %dma_wait3A_203 = tpu.memref_slice %arg8[%add3A_13, %dma_wait3A_202] : memref<20096x64xf32, #tpu.memory_space<vmem_shared>> -> memref<104x64xf32, #tpu.memory_space<vmem_shared>>
      %dma_wait3A_204 = arith.constant 0 : i32
      %dma_wait3A_205 = tpu.memref_slice %arg8[%add3A_13, %dma_wait3A_204] : memref<20096x64xf32, #tpu.memory_space<vmem_shared>> -> memref<104x64xf32, #tpu.memory_space<vmem_shared>>
      %dma_wait3A_206 = arith.constant 0 : i32
      %dma_wait3A_207 = arith.constant 0 : i32
      %dma_wait3A_208 = tpu.memref_slice %arg12[%dma_wait3A_206, %dma_wait3A_207] : memref<128x64xf32, #tpu.memory_space<vmem>> -> memref<128x64xf32, #tpu.memory_space<vmem>>
      %dma_wait3A_209 = arith.constant 0 : i32
      %dma_wait3A_210 = arith.constant 0 : i32
      %dma_wait3A_211 = tpu.memref_slice %dma_wait3A_208[%dma_wait3A_209, %dma_wait3A_210] : memref<128x64xf32, #tpu.memory_space<vmem>> -> memref<104x64xf32, #tpu.memory_space<vmem>>
      tpu.wait_dma2 semaphore(%run_scoped3A : memref<!tpu.dma_semaphore, #tpu.memory_space<semaphore_mem>>) src(%dma_wait3A_211 : memref<104x64xf32, #tpu.memory_space<vmem>>) dst(%dma_wait3A_205 : memref<104x64xf32, #tpu.memory_space<vmem_shared>>)
      tpu.yield
    }) : () -> ()
    %scan3A_14 = arith.constant 0 : i32
    %mul3A_15 = arith.constant 1 : i32
    %mul3A_16 = arith.muli %scan3A_14, %mul3A_15 : i32
    %add3A_17 = arith.constant 0 : i32
    %add3A_18 = arith.addi %add3A_17, %mul3A_16 : i32
    %mul3A_19 = arith.constant 128 : i32
    %mul3A_20 = arith.muli %arg1, %mul3A_19 : i32
    %mul3A_21 = arith.constant 128 : i32
    %mul3A_22 = arith.muli %add3A_18, %mul3A_21 : i32
    %add3A_23 = arith.addi %mul3A_20, %mul3A_22 : i32
    "tpu.region"() ({
      %run_scoped3A = tpu.sem_alloc : memref<!tpu.dma_semaphore, #tpu.memory_space<semaphore_mem>>
      %dma_start3A_181 = arith.constant 0 : i32
      %dma_start3A_182 = arith.constant 0 : i32
      %dma_start3A_183 = tpu.memref_slice %arg12[%dma_start3A_181, %dma_start3A_182] : memref<128x64xf32, #tpu.memory_space<vmem>> -> memref<128x64xf32, #tpu.memory_space<vmem>>
      %dma_start3A_184 = arith.constant 0 : i32
      %dma_start3A_185 = tpu.memref_slice %arg9[%add3A_23, %dma_start3A_184] : memref<2048x64xf32, #tpu.memory_space<vmem_shared>> -> memref<128x64xf32, #tpu.memory_space<vmem_shared>>
      %dma_start3A_186 = arith.constant 0 : i32
      %dma_start3A_187 = tpu.memref_slice %arg9[%add3A_23, %dma_start3A_186] : memref<2048x64xf32, #tpu.memory_space<vmem_shared>> -> memref<128x64xf32, #tpu.memory_space<vmem_shared>>
      %dma_start3A_188 = arith.constant 0 : i32
      %dma_start3A_189 = arith.constant 0 : i32
      %dma_start3A_190 = tpu.memref_slice %arg12[%dma_start3A_188, %dma_start3A_189] : memref<128x64xf32, #tpu.memory_space<vmem>> -> memref<128x64xf32, #tpu.memory_space<vmem>>
      tpu.enqueue_dma source(%dma_start3A_190 : memref<128x64xf32, #tpu.memory_space<vmem>>) target(%dma_start3A_187 : memref<128x64xf32, #tpu.memory_space<vmem_shared>>) target_semaphore(%run_scoped3A : memref<!tpu.dma_semaphore, #tpu.memory_space<semaphore_mem>>)
      %dma_wait3A = arith.constant 0 : i32
      %dma_wait3A_191 = arith.constant 0 : i32
      %dma_wait3A_192 = tpu.memref_slice %arg12[%dma_wait3A, %dma_wait3A_191] : memref<128x64xf32, #tpu.memory_space<vmem>> -> memref<128x64xf32, #tpu.memory_space<vmem>>
      %dma_wait3A_193 = arith.constant 0 : i32
      %dma_wait3A_194 = tpu.memref_slice %arg9[%add3A_23, %dma_wait3A_193] : memref<2048x64xf32, #tpu.memory_space<vmem_shared>> -> memref<128x64xf32, #tpu.memory_space<vmem_shared>>
      %dma_wait3A_195 = arith.constant 0 : i32
      %dma_wait3A_196 = tpu.memref_slice %arg9[%add3A_23, %dma_wait3A_195] : memref<2048x64xf32, #tpu.memory_space<vmem_shared>> -> memref<128x64xf32, #tpu.memory_space<vmem_shared>>
      %dma_wait3A_197 = arith.constant 0 : i32
      %dma_wait3A_198 = arith.constant 0 : i32
      %dma_wait3A_199 = tpu.memref_slice %arg12[%dma_wait3A_197, %dma_wait3A_198] : memref<128x64xf32, #tpu.memory_space<vmem>> -> memref<128x64xf32, #tpu.memory_space<vmem>>
      tpu.wait_dma2 semaphore(%run_scoped3A : memref<!tpu.dma_semaphore, #tpu.memory_space<semaphore_mem>>) src(%dma_wait3A_199 : memref<128x64xf32, #tpu.memory_space<vmem>>) dst(%dma_wait3A_196 : memref<128x64xf32, #tpu.memory_space<vmem_shared>>)
      tpu.yield
    }) : () -> ()
    %scan3A_24 = arith.constant 1 : i32
    %barrier3A = arith.constant 0 : index
    tpu.barrier barrier_id(%barrier3A)
    %mul3A_25 = arith.constant 128 : i32
    %mul3A_26 = arith.muli %add3A, %mul3A_25 : i32
    %add3A_27 = arith.constant 0 : i32
    %add3A_28 = arith.addi %mul3A_26, %add3A_27 : i32
    "tpu.region"() ({
      %run_scoped3A = tpu.sem_alloc : memref<!tpu.dma_semaphore, #tpu.memory_space<semaphore_mem>>
      %dma_start3A_181 = arith.constant 0 : i32
      %dma_start3A_182 = tpu.memref_slice %arg2[%add3A_28, %dma_start3A_181] : memref<4096x128xi32, #tpu.memory_space<hbm>> -> memref<32x128xi32, #tpu.memory_space<hbm>>
      %dma_start3A_183 = arith.constant 0 : i32
      %dma_start3A_184 = tpu.memref_slice %arg2[%add3A_28, %dma_start3A_183] : memref<4096x128xi32, #tpu.memory_space<hbm>> -> memref<32x128xi32, #tpu.memory_space<hbm>>
      tpu.enqueue_dma source(%dma_start3A_184 : memref<32x128xi32, #tpu.memory_space<hbm>>) target(%arg10 : memref<32x128xi32, #tpu.memory_space<vmem>>) target_semaphore(%run_scoped3A : memref<!tpu.dma_semaphore, #tpu.memory_space<semaphore_mem>>)
      %dma_wait3A = arith.constant 0 : i32
      %dma_wait3A_185 = tpu.memref_slice %arg2[%add3A_28, %dma_wait3A] : memref<4096x128xi32, #tpu.memory_space<hbm>> -> memref<32x128xi32, #tpu.memory_space<hbm>>
      %dma_wait3A_186 = arith.constant 0 : i32
      %dma_wait3A_187 = tpu.memref_slice %arg2[%add3A_28, %dma_wait3A_186] : memref<4096x128xi32, #tpu.memory_space<hbm>> -> memref<32x128xi32, #tpu.memory_space<hbm>>
      tpu.wait_dma2 semaphore(%run_scoped3A : memref<!tpu.dma_semaphore, #tpu.memory_space<semaphore_mem>>) src(%dma_wait3A_187 : memref<32x128xi32, #tpu.memory_space<hbm>>) dst(%arg10 : memref<32x128xi32, #tpu.memory_space<vmem>>)
      tpu.yield
    }) : () -> ()
    "tpu.region"() ({
      %run_scoped3A = tpu.sem_alloc : memref<!tpu.dma_semaphore, #tpu.memory_space<semaphore_mem>>
      %dma_start3A_181 = arith.constant 0 : i32
      %dma_start3A_182 = tpu.memref_slice %arg3[%add3A_28, %dma_start3A_181] : memref<4096x128xi32, #tpu.memory_space<hbm>> -> memref<32x128xi32, #tpu.memory_space<hbm>>
      %dma_start3A_183 = arith.constant 0 : i32
      %dma_start3A_184 = tpu.memref_slice %arg3[%add3A_28, %dma_start3A_183] : memref<4096x128xi32, #tpu.memory_space<hbm>> -> memref<32x128xi32, #tpu.memory_space<hbm>>
      tpu.enqueue_dma source(%dma_start3A_184 : memref<32x128xi32, #tpu.memory_space<hbm>>) target(%arg11 : memref<32x128xi32, #tpu.memory_space<vmem>>) target_semaphore(%run_scoped3A : memref<!tpu.dma_semaphore, #tpu.memory_space<semaphore_mem>>)
      %dma_wait3A = arith.constant 0 : i32
      %dma_wait3A_185 = tpu.memref_slice %arg3[%add3A_28, %dma_wait3A] : memref<4096x128xi32, #tpu.memory_space<hbm>> -> memref<32x128xi32, #tpu.memory_space<hbm>>
      %dma_wait3A_186 = arith.constant 0 : i32
      %dma_wait3A_187 = tpu.memref_slice %arg3[%add3A_28, %dma_wait3A_186] : memref<4096x128xi32, #tpu.memory_space<hbm>> -> memref<32x128xi32, #tpu.memory_space<hbm>>
      tpu.wait_dma2 semaphore(%run_scoped3A : memref<!tpu.dma_semaphore, #tpu.memory_space<semaphore_mem>>) src(%dma_wait3A_187 : memref<32x128xi32, #tpu.memory_space<hbm>>) dst(%arg11 : memref<32x128xi32, #tpu.memory_space<vmem>>)
      tpu.yield
    }) : () -> ()
    %dma_start3A = arith.constant 0 : i32
    %dma_start3A_29 = arith.constant 0 : i32
    %dma_start3A_30 = tpu.memref_slice %arg10[%dma_start3A, %dma_start3A_29] : memref<32x128xi32, #tpu.memory_space<vmem>> -> memref<1x128xi32, #tpu.memory_space<vmem>>
    %dma_start3A_31 = tpu.memref_squeeze %dma_start3A_30 : memref<1x128xi32, #tpu.memory_space<vmem>> -> memref<128xi32, #tpu.memory_space<vmem>>
    %dma_start3A_32 = arith.constant 0 : i32
    %dma_start3A_33 = arith.constant 0 : i32
    %dma_start3A_34 = tpu.memref_slice %arg4[%dma_start3A_32, %dma_start3A_33] : memref<2048x64xf32, #tpu.memory_space<hbm>> -> memref<2048x64xf32, #tpu.memory_space<hbm>>
    tpu.enqueue_indirect_dma source(%dma_start3A_34 : memref<2048x64xf32, #tpu.memory_space<hbm>>) target(%arg12 : memref<128x64xf32, #tpu.memory_space<vmem>>) offsets(%dma_start3A_31 : memref<128xi32, #tpu.memory_space<vmem>>) semaphore(%arg16 : memref<!tpu.dma_semaphore, #tpu.memory_space<semaphore_mem>>)
    %dma_start3A_35 = arith.constant 0 : i32
    %dma_start3A_36 = arith.constant 0 : i32
    %dma_start3A_37 = tpu.memref_slice %arg11[%dma_start3A_35, %dma_start3A_36] : memref<32x128xi32, #tpu.memory_space<vmem>> -> memref<1x128xi32, #tpu.memory_space<vmem>>
    %dma_start3A_38 = tpu.memref_squeeze %dma_start3A_37 : memref<1x128xi32, #tpu.memory_space<vmem>> -> memref<128xi32, #tpu.memory_space<vmem>>
    %dma_start3A_39 = arith.constant 0 : i32
    %dma_start3A_40 = arith.constant 0 : i32
    %dma_start3A_41 = tpu.memref_slice %arg5[%dma_start3A_39, %dma_start3A_40] : memref<20096x64xf32, #tpu.memory_space<hbm>> -> memref<20096x64xf32, #tpu.memory_space<hbm>>
    tpu.enqueue_indirect_dma source(%dma_start3A_41 : memref<20096x64xf32, #tpu.memory_space<hbm>>) target(%arg14 : memref<128x64xf32, #tpu.memory_space<vmem>>) offsets(%dma_start3A_38 : memref<128xi32, #tpu.memory_space<vmem>>) semaphore(%arg18 : memref<!tpu.dma_semaphore, #tpu.memory_space<semaphore_mem>>)
    %dma_start3A_42 = arith.constant 1 : i32
    %dma_start3A_43 = arith.constant 0 : i32
    %dma_start3A_44 = tpu.memref_slice %arg10[%dma_start3A_42, %dma_start3A_43] : memref<32x128xi32, #tpu.memory_space<vmem>> -> memref<1x128xi32, #tpu.memory_space<vmem>>
    %dma_start3A_45 = tpu.memref_squeeze %dma_start3A_44 : memref<1x128xi32, #tpu.memory_space<vmem>> -> memref<128xi32, #tpu.memory_space<vmem>>
    %dma_start3A_46 = arith.constant 0 : i32
    %dma_start3A_47 = arith.constant 0 : i32
    %dma_start3A_48 = tpu.memref_slice %arg4[%dma_start3A_46, %dma_start3A_47] : memref<2048x64xf32, #tpu.memory_space<hbm>> -> memref<2048x64xf32, #tpu.memory_space<hbm>>
    tpu.enqueue_indirect_dma source(%dma_start3A_48 : memref<2048x64xf32, #tpu.memory_space<hbm>>) target(%arg13 : memref<128x64xf32, #tpu.memory_space<vmem>>) offsets(%dma_start3A_45 : memref<128xi32, #tpu.memory_space<vmem>>) semaphore(%arg17 : memref<!tpu.dma_semaphore, #tpu.memory_space<semaphore_mem>>)
    %dma_start3A_49 = arith.constant 1 : i32
    %dma_start3A_50 = arith.constant 0 : i32
    %dma_start3A_51 = tpu.memref_slice %arg11[%dma_start3A_49, %dma_start3A_50] : memref<32x128xi32, #tpu.memory_space<vmem>> -> memref<1x128xi32, #tpu.memory_space<vmem>>
    %dma_start3A_52 = tpu.memref_squeeze %dma_start3A_51 : memref<1x128xi32, #tpu.memory_space<vmem>> -> memref<128xi32, #tpu.memory_space<vmem>>
    %dma_start3A_53 = arith.constant 0 : i32
    %dma_start3A_54 = arith.constant 0 : i32
    %dma_start3A_55 = tpu.memref_slice %arg5[%dma_start3A_53, %dma_start3A_54] : memref<20096x64xf32, #tpu.memory_space<hbm>> -> memref<20096x64xf32, #tpu.memory_space<hbm>>
    tpu.enqueue_indirect_dma source(%dma_start3A_55 : memref<20096x64xf32, #tpu.memory_space<hbm>>) target(%arg15 : memref<128x64xf32, #tpu.memory_space<vmem>>) offsets(%dma_start3A_52 : memref<128xi32, #tpu.memory_space<vmem>>) semaphore(%arg19 : memref<!tpu.dma_semaphore, #tpu.memory_space<semaphore_mem>>)
    %scan3A_56 = arith.constant 0 : i32
    %scan3A_57 = arith.constant 16 : i32
    %scan3A_58 = arith.addi %scan3A_56, %scan3A_57 : i32
    %scan3A_59 = arith.constant 1 : i32
    scf.for %scan3A_181 = %scan3A_56 to %scan3A_58 step %scan3A_59  : i32 {
      %mul3A_182 = arith.constant 2 : i32
      %mul3A_183 = arith.muli %scan3A_181, %mul3A_182 : i32
      %add3A_184 = arith.constant 0 : i32
      %add3A_185 = arith.addi %add3A_184, %mul3A_183 : i32
      %add3A_186 = arith.constant 0 : i32
      %add3A_187 = arith.addi %add3A_185, %add3A_186 : i32
      %dma_wait3A = arith.constant 0 : i32
      %dma_wait3A_188 = tpu.memref_slice %arg10[%add3A_187, %dma_wait3A] : memref<32x128xi32, #tpu.memory_space<vmem>> -> memref<1x128xi32, #tpu.memory_space<vmem>>
      %dma_wait3A_189 = tpu.memref_squeeze %dma_wait3A_188 : memref<1x128xi32, #tpu.memory_space<vmem>> -> memref<128xi32, #tpu.memory_space<vmem>>
      %dma_wait3A_190 = arith.constant 0 : i32
      %dma_wait3A_191 = arith.constant 0 : i32
      %dma_wait3A_192 = tpu.memref_slice %arg4[%dma_wait3A_190, %dma_wait3A_191] : memref<2048x64xf32, #tpu.memory_space<hbm>> -> memref<2048x64xf32, #tpu.memory_space<hbm>>
      tpu.wait_indirect_dma semaphore(%arg16 : memref<!tpu.dma_semaphore, #tpu.memory_space<semaphore_mem>>) src(%dma_wait3A_192 : memref<2048x64xf32, #tpu.memory_space<hbm>>) dst(%arg12 : memref<128x64xf32, #tpu.memory_space<vmem>>)
      "tpu.region"() ({
        %run_scoped3A = tpu.sem_alloc : memref<!tpu.dma_semaphore, #tpu.memory_space<semaphore_mem>>
        %dma_start3A_238 = arith.constant 0 : i32
        %dma_start3A_239 = tpu.memref_slice %arg11[%add3A_187, %dma_start3A_238] : memref<32x128xi32, #tpu.memory_space<vmem>> -> memref<1x128xi32, #tpu.memory_space<vmem>>
        %dma_start3A_240 = tpu.memref_squeeze %dma_start3A_239 : memref<1x128xi32, #tpu.memory_space<vmem>> -> memref<128xi32, #tpu.memory_space<vmem>>
        %dma_start3A_241 = arith.constant 0 : i32
        %dma_start3A_242 = arith.constant 0 : i32
        %dma_start3A_243 = tpu.memref_slice %arg8[%dma_start3A_241, %dma_start3A_242] : memref<20096x64xf32, #tpu.memory_space<vmem_shared>> -> memref<20096x64xf32, #tpu.memory_space<vmem_shared>>
        tpu.enqueue_indirect_dma source(%arg12 : memref<128x64xf32, #tpu.memory_space<vmem>>) target(%dma_start3A_243 : memref<20096x64xf32, #tpu.memory_space<vmem_shared>>) offsets(%dma_start3A_240 : memref<128xi32, #tpu.memory_space<vmem>>) semaphore(%run_scoped3A : memref<!tpu.dma_semaphore, #tpu.memory_space<semaphore_mem>>) {add = true}
        %dma_wait3A_244 = arith.constant 0 : i32
        %dma_wait3A_245 = tpu.memref_slice %arg11[%add3A_187, %dma_wait3A_244] : memref<32x128xi32, #tpu.memory_space<vmem>> -> memref<1x128xi32, #tpu.memory_space<vmem>>
        %dma_wait3A_246 = tpu.memref_squeeze %dma_wait3A_245 : memref<1x128xi32, #tpu.memory_space<vmem>> -> memref<128xi32, #tpu.memory_space<vmem>>
        %dma_wait3A_247 = arith.constant 0 : i32
        %dma_wait3A_248 = arith.constant 0 : i32
        %dma_wait3A_249 = tpu.memref_slice %arg8[%dma_wait3A_247, %dma_wait3A_248] : memref<20096x64xf32, #tpu.memory_space<vmem_shared>> -> memref<20096x64xf32, #tpu.memory_space<vmem_shared>>
        tpu.wait_indirect_dma semaphore(%run_scoped3A : memref<!tpu.dma_semaphore, #tpu.memory_space<semaphore_mem>>) src(%arg12 : memref<128x64xf32, #tpu.memory_space<vmem>>) dst(%dma_wait3A_249 : memref<20096x64xf32, #tpu.memory_space<vmem_shared>>)
        tpu.yield
      }) : () -> ()
      %add3A_193 = arith.constant 2 : i32
      %add3A_194 = arith.addi %add3A_187, %add3A_193 : i32
      %lt3A = arith.constant 32 : i32
      %lt3A_195 = arith.cmpi slt, %add3A_194, %lt3A : i32
      %convert_element_type3A = arith.extui %lt3A_195 : i1 to i32
      %cond3A = arith.constant 0 : i32
      %cond3A_196 = arith.cmpi ne, %convert_element_type3A, %cond3A : i32
      scf.if %cond3A_196 {
        %add3A_238 = arith.constant 2 : i32
        %add3A_239 = arith.addi %add3A_187, %add3A_238 : i32
        %dma_start3A_240 = arith.constant 0 : i32
        %dma_start3A_241 = tpu.memref_slice %arg10[%add3A_239, %dma_start3A_240] : memref<32x128xi32, #tpu.memory_space<vmem>> -> memref<1x128xi32, #tpu.memory_space<vmem>>
        %dma_start3A_242 = tpu.memref_squeeze %dma_start3A_241 : memref<1x128xi32, #tpu.memory_space<vmem>> -> memref<128xi32, #tpu.memory_space<vmem>>
        %dma_start3A_243 = arith.constant 0 : i32
        %dma_start3A_244 = arith.constant 0 : i32
        %dma_start3A_245 = tpu.memref_slice %arg4[%dma_start3A_243, %dma_start3A_244] : memref<2048x64xf32, #tpu.memory_space<hbm>> -> memref<2048x64xf32, #tpu.memory_space<hbm>>
        tpu.enqueue_indirect_dma source(%dma_start3A_245 : memref<2048x64xf32, #tpu.memory_space<hbm>>) target(%arg12 : memref<128x64xf32, #tpu.memory_space<vmem>>) offsets(%dma_start3A_242 : memref<128xi32, #tpu.memory_space<vmem>>) semaphore(%arg16 : memref<!tpu.dma_semaphore, #tpu.memory_space<semaphore_mem>>)
      } else {
      }
      %dma_wait3A_197 = arith.constant 0 : i32
      %dma_wait3A_198 = tpu.memref_slice %arg11[%add3A_187, %dma_wait3A_197] : memref<32x128xi32, #tpu.memory_space<vmem>> -> memref<1x128xi32, #tpu.memory_space<vmem>>
      %dma_wait3A_199 = tpu.memref_squeeze %dma_wait3A_198 : memref<1x128xi32, #tpu.memory_space<vmem>> -> memref<128xi32, #tpu.memory_space<vmem>>
      %dma_wait3A_200 = arith.constant 0 : i32
      %dma_wait3A_201 = arith.constant 0 : i32
      %dma_wait3A_202 = tpu.memref_slice %arg5[%dma_wait3A_200, %dma_wait3A_201] : memref<20096x64xf32, #tpu.memory_space<hbm>> -> memref<20096x64xf32, #tpu.memory_space<hbm>>
      tpu.wait_indirect_dma semaphore(%arg18 : memref<!tpu.dma_semaphore, #tpu.memory_space<semaphore_mem>>) src(%dma_wait3A_202 : memref<20096x64xf32, #tpu.memory_space<hbm>>) dst(%arg14 : memref<128x64xf32, #tpu.memory_space<vmem>>)
      "tpu.region"() ({
        %run_scoped3A = tpu.sem_alloc : memref<!tpu.dma_semaphore, #tpu.memory_space<semaphore_mem>>
        %dma_start3A_238 = arith.constant 0 : i32
        %dma_start3A_239 = tpu.memref_slice %arg10[%add3A_187, %dma_start3A_238] : memref<32x128xi32, #tpu.memory_space<vmem>> -> memref<1x128xi32, #tpu.memory_space<vmem>>
        %dma_start3A_240 = tpu.memref_squeeze %dma_start3A_239 : memref<1x128xi32, #tpu.memory_space<vmem>> -> memref<128xi32, #tpu.memory_space<vmem>>
        %dma_start3A_241 = arith.constant 0 : i32
        %dma_start3A_242 = arith.constant 0 : i32
        %dma_start3A_243 = tpu.memref_slice %arg9[%dma_start3A_241, %dma_start3A_242] : memref<2048x64xf32, #tpu.memory_space<vmem_shared>> -> memref<2048x64xf32, #tpu.memory_space<vmem_shared>>
        tpu.enqueue_indirect_dma source(%arg14 : memref<128x64xf32, #tpu.memory_space<vmem>>) target(%dma_start3A_243 : memref<2048x64xf32, #tpu.memory_space<vmem_shared>>) offsets(%dma_start3A_240 : memref<128xi32, #tpu.memory_space<vmem>>) semaphore(%run_scoped3A : memref<!tpu.dma_semaphore, #tpu.memory_space<semaphore_mem>>) {add = true}
        %dma_wait3A_244 = arith.constant 0 : i32
        %dma_wait3A_245 = tpu.memref_slice %arg10[%add3A_187, %dma_wait3A_244] : memref<32x128xi32, #tpu.memory_space<vmem>> -> memref<1x128xi32, #tpu.memory_space<vmem>>
        %dma_wait3A_246 = tpu.memref_squeeze %dma_wait3A_245 : memref<1x128xi32, #tpu.memory_space<vmem>> -> memref<128xi32, #tpu.memory_space<vmem>>
        %dma_wait3A_247 = arith.constant 0 : i32
        %dma_wait3A_248 = arith.constant 0 : i32
        %dma_wait3A_249 = tpu.memref_slice %arg9[%dma_wait3A_247, %dma_wait3A_248] : memref<2048x64xf32, #tpu.memory_space<vmem_shared>> -> memref<2048x64xf32, #tpu.memory_space<vmem_shared>>
        tpu.wait_indirect_dma semaphore(%run_scoped3A : memref<!tpu.dma_semaphore, #tpu.memory_space<semaphore_mem>>) src(%arg14 : memref<128x64xf32, #tpu.memory_space<vmem>>) dst(%dma_wait3A_249 : memref<2048x64xf32, #tpu.memory_space<vmem_shared>>)
        tpu.yield
      }) : () -> ()
      %add3A_203 = arith.constant 2 : i32
      %add3A_204 = arith.addi %add3A_187, %add3A_203 : i32
      %lt3A_205 = arith.constant 32 : i32
      %lt3A_206 = arith.cmpi slt, %add3A_204, %lt3A_205 : i32
      %convert_element_type3A_207 = arith.extui %lt3A_206 : i1 to i32
      %cond3A_208 = arith.constant 0 : i32
      %cond3A_209 = arith.cmpi ne, %convert_element_type3A_207, %cond3A_208 : i32
      scf.if %cond3A_209 {
        %add3A_238 = arith.constant 2 : i32
        %add3A_239 = arith.addi %add3A_187, %add3A_238 : i32
        %dma_start3A_240 = arith.constant 0 : i32
        %dma_start3A_241 = tpu.memref_slice %arg11[%add3A_239, %dma_start3A_240] : memref<32x128xi32, #tpu.memory_space<vmem>> -> memref<1x128xi32, #tpu.memory_space<vmem>>
        %dma_start3A_242 = tpu.memref_squeeze %dma_start3A_241 : memref<1x128xi32, #tpu.memory_space<vmem>> -> memref<128xi32, #tpu.memory_space<vmem>>
        %dma_start3A_243 = arith.constant 0 : i32
        %dma_start3A_244 = arith.constant 0 : i32
        %dma_start3A_245 = tpu.memref_slice %arg5[%dma_start3A_243, %dma_start3A_244] : memref<20096x64xf32, #tpu.memory_space<hbm>> -> memref<20096x64xf32, #tpu.memory_space<hbm>>
        tpu.enqueue_indirect_dma source(%dma_start3A_245 : memref<20096x64xf32, #tpu.memory_space<hbm>>) target(%arg14 : memref<128x64xf32, #tpu.memory_space<vmem>>) offsets(%dma_start3A_242 : memref<128xi32, #tpu.memory_space<vmem>>) semaphore(%arg18 : memref<!tpu.dma_semaphore, #tpu.memory_space<semaphore_mem>>)
      } else {
      }
      %add3A_210 = arith.constant 1 : i32
      %add3A_211 = arith.addi %add3A_185, %add3A_210 : i32
      %dma_wait3A_212 = arith.constant 0 : i32
      %dma_wait3A_213 = tpu.memref_slice %arg10[%add3A_211, %dma_wait3A_212] : memref<32x128xi32, #tpu.memory_space<vmem>> -> memref<1x128xi32, #tpu.memory_space<vmem>>
      %dma_wait3A_214 = tpu.memref_squeeze %dma_wait3A_213 : memref<1x128xi32, #tpu.memory_space<vmem>> -> memref<128xi32, #tpu.memory_space<vmem>>
      %dma_wait3A_215 = arith.constant 0 : i32
      %dma_wait3A_216 = arith.constant 0 : i32
      %dma_wait3A_217 = tpu.memref_slice %arg4[%dma_wait3A_215, %dma_wait3A_216] : memref<2048x64xf32, #tpu.memory_space<hbm>> -> memref<2048x64xf32, #tpu.memory_space<hbm>>
      tpu.wait_indirect_dma semaphore(%arg17 : memref<!tpu.dma_semaphore, #tpu.memory_space<semaphore_mem>>) src(%dma_wait3A_217 : memref<2048x64xf32, #tpu.memory_space<hbm>>) dst(%arg13 : memref<128x64xf32, #tpu.memory_space<vmem>>)
      "tpu.region"() ({
        %run_scoped3A = tpu.sem_alloc : memref<!tpu.dma_semaphore, #tpu.memory_space<semaphore_mem>>
        %dma_start3A_238 = arith.constant 0 : i32
        %dma_start3A_239 = tpu.memref_slice %arg11[%add3A_211, %dma_start3A_238] : memref<32x128xi32, #tpu.memory_space<vmem>> -> memref<1x128xi32, #tpu.memory_space<vmem>>
        %dma_start3A_240 = tpu.memref_squeeze %dma_start3A_239 : memref<1x128xi32, #tpu.memory_space<vmem>> -> memref<128xi32, #tpu.memory_space<vmem>>
        %dma_start3A_241 = arith.constant 0 : i32
        %dma_start3A_242 = arith.constant 0 : i32
        %dma_start3A_243 = tpu.memref_slice %arg8[%dma_start3A_241, %dma_start3A_242] : memref<20096x64xf32, #tpu.memory_space<vmem_shared>> -> memref<20096x64xf32, #tpu.memory_space<vmem_shared>>
        tpu.enqueue_indirect_dma source(%arg13 : memref<128x64xf32, #tpu.memory_space<vmem>>) target(%dma_start3A_243 : memref<20096x64xf32, #tpu.memory_space<vmem_shared>>) offsets(%dma_start3A_240 : memref<128xi32, #tpu.memory_space<vmem>>) semaphore(%run_scoped3A : memref<!tpu.dma_semaphore, #tpu.memory_space<semaphore_mem>>) {add = true}
        %dma_wait3A_244 = arith.constant 0 : i32
        %dma_wait3A_245 = tpu.memref_slice %arg11[%add3A_211, %dma_wait3A_244] : memref<32x128xi32, #tpu.memory_space<vmem>> -> memref<1x128xi32, #tpu.memory_space<vmem>>
        %dma_wait3A_246 = tpu.memref_squeeze %dma_wait3A_245 : memref<1x128xi32, #tpu.memory_space<vmem>> -> memref<128xi32, #tpu.memory_space<vmem>>
        %dma_wait3A_247 = arith.constant 0 : i32
        %dma_wait3A_248 = arith.constant 0 : i32
        %dma_wait3A_249 = tpu.memref_slice %arg8[%dma_wait3A_247, %dma_wait3A_248] : memref<20096x64xf32, #tpu.memory_space<vmem_shared>> -> memref<20096x64xf32, #tpu.memory_space<vmem_shared>>
        tpu.wait_indirect_dma semaphore(%run_scoped3A : memref<!tpu.dma_semaphore, #tpu.memory_space<semaphore_mem>>) src(%arg13 : memref<128x64xf32, #tpu.memory_space<vmem>>) dst(%dma_wait3A_249 : memref<20096x64xf32, #tpu.memory_space<vmem_shared>>)
        tpu.yield
      }) : () -> ()
      %add3A_218 = arith.constant 2 : i32
      %add3A_219 = arith.addi %add3A_211, %add3A_218 : i32
      %lt3A_220 = arith.constant 32 : i32
      %lt3A_221 = arith.cmpi slt, %add3A_219, %lt3A_220 : i32
      %convert_element_type3A_222 = arith.extui %lt3A_221 : i1 to i32
      %cond3A_223 = arith.constant 0 : i32
      %cond3A_224 = arith.cmpi ne, %convert_element_type3A_222, %cond3A_223 : i32
      scf.if %cond3A_224 {
        %add3A_238 = arith.constant 2 : i32
        %add3A_239 = arith.addi %add3A_211, %add3A_238 : i32
        %dma_start3A_240 = arith.constant 0 : i32
        %dma_start3A_241 = tpu.memref_slice %arg10[%add3A_239, %dma_start3A_240] : memref<32x128xi32, #tpu.memory_space<vmem>> -> memref<1x128xi32, #tpu.memory_space<vmem>>
        %dma_start3A_242 = tpu.memref_squeeze %dma_start3A_241 : memref<1x128xi32, #tpu.memory_space<vmem>> -> memref<128xi32, #tpu.memory_space<vmem>>
        %dma_start3A_243 = arith.constant 0 : i32
        %dma_start3A_244 = arith.constant 0 : i32
        %dma_start3A_245 = tpu.memref_slice %arg4[%dma_start3A_243, %dma_start3A_244] : memref<2048x64xf32, #tpu.memory_space<hbm>> -> memref<2048x64xf32, #tpu.memory_space<hbm>>
        tpu.enqueue_indirect_dma source(%dma_start3A_245 : memref<2048x64xf32, #tpu.memory_space<hbm>>) target(%arg13 : memref<128x64xf32, #tpu.memory_space<vmem>>) offsets(%dma_start3A_242 : memref<128xi32, #tpu.memory_space<vmem>>) semaphore(%arg17 : memref<!tpu.dma_semaphore, #tpu.memory_space<semaphore_mem>>)
      } else {
      }
      %dma_wait3A_225 = arith.constant 0 : i32
      %dma_wait3A_226 = tpu.memref_slice %arg11[%add3A_211, %dma_wait3A_225] : memref<32x128xi32, #tpu.memory_space<vmem>> -> memref<1x128xi32, #tpu.memory_space<vmem>>
      %dma_wait3A_227 = tpu.memref_squeeze %dma_wait3A_226 : memref<1x128xi32, #tpu.memory_space<vmem>> -> memref<128xi32, #tpu.memory_space<vmem>>
      %dma_wait3A_228 = arith.constant 0 : i32
      %dma_wait3A_229 = arith.constant 0 : i32
      %dma_wait3A_230 = tpu.memref_slice %arg5[%dma_wait3A_228, %dma_wait3A_229] : memref<20096x64xf32, #tpu.memory_space<hbm>> -> memref<20096x64xf32, #tpu.memory_space<hbm>>
      tpu.wait_indirect_dma semaphore(%arg19 : memref<!tpu.dma_semaphore, #tpu.memory_space<semaphore_mem>>) src(%dma_wait3A_230 : memref<20096x64xf32, #tpu.memory_space<hbm>>) dst(%arg15 : memref<128x64xf32, #tpu.memory_space<vmem>>)
      "tpu.region"() ({
        %run_scoped3A = tpu.sem_alloc : memref<!tpu.dma_semaphore, #tpu.memory_space<semaphore_mem>>
        %dma_start3A_238 = arith.constant 0 : i32
        %dma_start3A_239 = tpu.memref_slice %arg10[%add3A_211, %dma_start3A_238] : memref<32x128xi32, #tpu.memory_space<vmem>> -> memref<1x128xi32, #tpu.memory_space<vmem>>
        %dma_start3A_240 = tpu.memref_squeeze %dma_start3A_239 : memref<1x128xi32, #tpu.memory_space<vmem>> -> memref<128xi32, #tpu.memory_space<vmem>>
        %dma_start3A_241 = arith.constant 0 : i32
        %dma_start3A_242 = arith.constant 0 : i32
        %dma_start3A_243 = tpu.memref_slice %arg9[%dma_start3A_241, %dma_start3A_242] : memref<2048x64xf32, #tpu.memory_space<vmem_shared>> -> memref<2048x64xf32, #tpu.memory_space<vmem_shared>>
        tpu.enqueue_indirect_dma source(%arg15 : memref<128x64xf32, #tpu.memory_space<vmem>>) target(%dma_start3A_243 : memref<2048x64xf32, #tpu.memory_space<vmem_shared>>) offsets(%dma_start3A_240 : memref<128xi32, #tpu.memory_space<vmem>>) semaphore(%run_scoped3A : memref<!tpu.dma_semaphore, #tpu.memory_space<semaphore_mem>>) {add = true}
        %dma_wait3A_244 = arith.constant 0 : i32
        %dma_wait3A_245 = tpu.memref_slice %arg10[%add3A_211, %dma_wait3A_244] : memref<32x128xi32, #tpu.memory_space<vmem>> -> memref<1x128xi32, #tpu.memory_space<vmem>>
        %dma_wait3A_246 = tpu.memref_squeeze %dma_wait3A_245 : memref<1x128xi32, #tpu.memory_space<vmem>> -> memref<128xi32, #tpu.memory_space<vmem>>
        %dma_wait3A_247 = arith.constant 0 : i32
        %dma_wait3A_248 = arith.constant 0 : i32
        %dma_wait3A_249 = tpu.memref_slice %arg9[%dma_wait3A_247, %dma_wait3A_248] : memref<2048x64xf32, #tpu.memory_space<vmem_shared>> -> memref<2048x64xf32, #tpu.memory_space<vmem_shared>>
        tpu.wait_indirect_dma semaphore(%run_scoped3A : memref<!tpu.dma_semaphore, #tpu.memory_space<semaphore_mem>>) src(%arg15 : memref<128x64xf32, #tpu.memory_space<vmem>>) dst(%dma_wait3A_249 : memref<2048x64xf32, #tpu.memory_space<vmem_shared>>)
        tpu.yield
      }) : () -> ()
      %add3A_231 = arith.constant 2 : i32
      %add3A_232 = arith.addi %add3A_211, %add3A_231 : i32
      %lt3A_233 = arith.constant 32 : i32
      %lt3A_234 = arith.cmpi slt, %add3A_232, %lt3A_233 : i32
      %convert_element_type3A_235 = arith.extui %lt3A_234 : i1 to i32
      %cond3A_236 = arith.constant 0 : i32
      %cond3A_237 = arith.cmpi ne, %convert_element_type3A_235, %cond3A_236 : i32
      scf.if %cond3A_237 {
        %add3A_238 = arith.constant 2 : i32
        %add3A_239 = arith.addi %add3A_211, %add3A_238 : i32
        %dma_start3A_240 = arith.constant 0 : i32
        %dma_start3A_241 = tpu.memref_slice %arg11[%add3A_239, %dma_start3A_240] : memref<32x128xi32, #tpu.memory_space<vmem>> -> memref<1x128xi32, #tpu.memory_space<vmem>>
        %dma_start3A_242 = tpu.memref_squeeze %dma_start3A_241 : memref<1x128xi32, #tpu.memory_space<vmem>> -> memref<128xi32, #tpu.memory_space<vmem>>
        %dma_start3A_243 = arith.constant 0 : i32
        %dma_start3A_244 = arith.constant 0 : i32
        %dma_start3A_245 = tpu.memref_slice %arg5[%dma_start3A_243, %dma_start3A_244] : memref<20096x64xf32, #tpu.memory_space<hbm>> -> memref<20096x64xf32, #tpu.memory_space<hbm>>
        tpu.enqueue_indirect_dma source(%dma_start3A_245 : memref<20096x64xf32, #tpu.memory_space<hbm>>) target(%arg15 : memref<128x64xf32, #tpu.memory_space<vmem>>) offsets(%dma_start3A_242 : memref<128xi32, #tpu.memory_space<vmem>>) semaphore(%arg19 : memref<!tpu.dma_semaphore, #tpu.memory_space<semaphore_mem>>)
      } else {
      }
    }
    %scan3A_60 = arith.constant 16 : i32
    %mul3A_61 = arith.constant 128 : i32
    %mul3A_62 = arith.muli %add3A, %mul3A_61 : i32
    %add3A_63 = arith.constant 32 : i32
    %add3A_64 = arith.addi %mul3A_62, %add3A_63 : i32
    "tpu.region"() ({
      %run_scoped3A = tpu.sem_alloc : memref<!tpu.dma_semaphore, #tpu.memory_space<semaphore_mem>>
      %dma_start3A_181 = arith.constant 0 : i32
      %dma_start3A_182 = tpu.memref_slice %arg2[%add3A_64, %dma_start3A_181] : memref<4096x128xi32, #tpu.memory_space<hbm>> -> memref<32x128xi32, #tpu.memory_space<hbm>>
      %dma_start3A_183 = arith.constant 0 : i32
      %dma_start3A_184 = tpu.memref_slice %arg2[%add3A_64, %dma_start3A_183] : memref<4096x128xi32, #tpu.memory_space<hbm>> -> memref<32x128xi32, #tpu.memory_space<hbm>>
      tpu.enqueue_dma source(%dma_start3A_184 : memref<32x128xi32, #tpu.memory_space<hbm>>) target(%arg10 : memref<32x128xi32, #tpu.memory_space<vmem>>) target_semaphore(%run_scoped3A : memref<!tpu.dma_semaphore, #tpu.memory_space<semaphore_mem>>)
      %dma_wait3A = arith.constant 0 : i32
      %dma_wait3A_185 = tpu.memref_slice %arg2[%add3A_64, %dma_wait3A] : memref<4096x128xi32, #tpu.memory_space<hbm>> -> memref<32x128xi32, #tpu.memory_space<hbm>>
      %dma_wait3A_186 = arith.constant 0 : i32
      %dma_wait3A_187 = tpu.memref_slice %arg2[%add3A_64, %dma_wait3A_186] : memref<4096x128xi32, #tpu.memory_space<hbm>> -> memref<32x128xi32, #tpu.memory_space<hbm>>
      tpu.wait_dma2 semaphore(%run_scoped3A : memref<!tpu.dma_semaphore, #tpu.memory_space<semaphore_mem>>) src(%dma_wait3A_187 : memref<32x128xi32, #tpu.memory_space<hbm>>) dst(%arg10 : memref<32x128xi32, #tpu.memory_space<vmem>>)
      tpu.yield
    }) : () -> ()
    "tpu.region"() ({
      %run_scoped3A = tpu.sem_alloc : memref<!tpu.dma_semaphore, #tpu.memory_space<semaphore_mem>>
      %dma_start3A_181 = arith.constant 0 : i32
      %dma_start3A_182 = tpu.memref_slice %arg3[%add3A_64, %dma_start3A_181] : memref<4096x128xi32, #tpu.memory_space<hbm>> -> memref<32x128xi32, #tpu.memory_space<hbm>>
      %dma_start3A_183 = arith.constant 0 : i32
      %dma_start3A_184 = tpu.memref_slice %arg3[%add3A_64, %dma_start3A_183] : memref<4096x128xi32, #tpu.memory_space<hbm>> -> memref<32x128xi32, #tpu.memory_space<hbm>>
      tpu.enqueue_dma source(%dma_start3A_184 : memref<32x128xi32, #tpu.memory_space<hbm>>) target(%arg11 : memref<32x128xi32, #tpu.memory_space<vmem>>) target_semaphore(%run_scoped3A : memref<!tpu.dma_semaphore, #tpu.memory_space<semaphore_mem>>)
      %dma_wait3A = arith.constant 0 : i32
      %dma_wait3A_185 = tpu.memref_slice %arg3[%add3A_64, %dma_wait3A] : memref<4096x128xi32, #tpu.memory_space<hbm>> -> memref<32x128xi32, #tpu.memory_space<hbm>>
      %dma_wait3A_186 = arith.constant 0 : i32
      %dma_wait3A_187 = tpu.memref_slice %arg3[%add3A_64, %dma_wait3A_186] : memref<4096x128xi32, #tpu.memory_space<hbm>> -> memref<32x128xi32, #tpu.memory_space<hbm>>
      tpu.wait_dma2 semaphore(%run_scoped3A : memref<!tpu.dma_semaphore, #tpu.memory_space<semaphore_mem>>) src(%dma_wait3A_187 : memref<32x128xi32, #tpu.memory_space<hbm>>) dst(%arg11 : memref<32x128xi32, #tpu.memory_space<vmem>>)
      tpu.yield
    }) : () -> ()
    %dma_start3A_65 = arith.constant 0 : i32
    %dma_start3A_66 = arith.constant 0 : i32
    %dma_start3A_67 = tpu.memref_slice %arg10[%dma_start3A_65, %dma_start3A_66] : memref<32x128xi32, #tpu.memory_space<vmem>> -> memref<1x128xi32, #tpu.memory_space<vmem>>
    %dma_start3A_68 = tpu.memref_squeeze %dma_start3A_67 : memref<1x128xi32, #tpu.memory_space<vmem>> -> memref<128xi32, #tpu.memory_space<vmem>>
    %dma_start3A_69 = arith.constant 0 : i32
    %dma_start3A_70 = arith.constant 0 : i32
    %dma_start3A_71 = tpu.memref_slice %arg4[%dma_start3A_69, %dma_start3A_70] : memref<2048x64xf32, #tpu.memory_space<hbm>> -> memref<2048x64xf32, #tpu.memory_space<hbm>>
    tpu.enqueue_indirect_dma source(%dma_start3A_71 : memref<2048x64xf32, #tpu.memory_space<hbm>>) target(%arg12 : memref<128x64xf32, #tpu.memory_space<vmem>>) offsets(%dma_start3A_68 : memref<128xi32, #tpu.memory_space<vmem>>) semaphore(%arg16 : memref<!tpu.dma_semaphore, #tpu.memory_space<semaphore_mem>>)
    %dma_start3A_72 = arith.constant 0 : i32
    %dma_start3A_73 = arith.constant 0 : i32
    %dma_start3A_74 = tpu.memref_slice %arg11[%dma_start3A_72, %dma_start3A_73] : memref<32x128xi32, #tpu.memory_space<vmem>> -> memref<1x128xi32, #tpu.memory_space<vmem>>
    %dma_start3A_75 = tpu.memref_squeeze %dma_start3A_74 : memref<1x128xi32, #tpu.memory_space<vmem>> -> memref<128xi32, #tpu.memory_space<vmem>>
    %dma_start3A_76 = arith.constant 0 : i32
    %dma_start3A_77 = arith.constant 0 : i32
    %dma_start3A_78 = tpu.memref_slice %arg5[%dma_start3A_76, %dma_start3A_77] : memref<20096x64xf32, #tpu.memory_space<hbm>> -> memref<20096x64xf32, #tpu.memory_space<hbm>>
    tpu.enqueue_indirect_dma source(%dma_start3A_78 : memref<20096x64xf32, #tpu.memory_space<hbm>>) target(%arg14 : memref<128x64xf32, #tpu.memory_space<vmem>>) offsets(%dma_start3A_75 : memref<128xi32, #tpu.memory_space<vmem>>) semaphore(%arg18 : memref<!tpu.dma_semaphore, #tpu.memory_space<semaphore_mem>>)
    %dma_start3A_79 = arith.constant 1 : i32
    %dma_start3A_80 = arith.constant 0 : i32
    %dma_start3A_81 = tpu.memref_slice %arg10[%dma_start3A_79, %dma_start3A_80] : memref<32x128xi32, #tpu.memory_space<vmem>> -> memref<1x128xi32, #tpu.memory_space<vmem>>
    %dma_start3A_82 = tpu.memref_squeeze %dma_start3A_81 : memref<1x128xi32, #tpu.memory_space<vmem>> -> memref<128xi32, #tpu.memory_space<vmem>>
    %dma_start3A_83 = arith.constant 0 : i32
    %dma_start3A_84 = arith.constant 0 : i32
    %dma_start3A_85 = tpu.memref_slice %arg4[%dma_start3A_83, %dma_start3A_84] : memref<2048x64xf32, #tpu.memory_space<hbm>> -> memref<2048x64xf32, #tpu.memory_space<hbm>>
    tpu.enqueue_indirect_dma source(%dma_start3A_85 : memref<2048x64xf32, #tpu.memory_space<hbm>>) target(%arg13 : memref<128x64xf32, #tpu.memory_space<vmem>>) offsets(%dma_start3A_82 : memref<128xi32, #tpu.memory_space<vmem>>) semaphore(%arg17 : memref<!tpu.dma_semaphore, #tpu.memory_space<semaphore_mem>>)
    %dma_start3A_86 = arith.constant 1 : i32
    %dma_start3A_87 = arith.constant 0 : i32
    %dma_start3A_88 = tpu.memref_slice %arg11[%dma_start3A_86, %dma_start3A_87] : memref<32x128xi32, #tpu.memory_space<vmem>> -> memref<1x128xi32, #tpu.memory_space<vmem>>
    %dma_start3A_89 = tpu.memref_squeeze %dma_start3A_88 : memref<1x128xi32, #tpu.memory_space<vmem>> -> memref<128xi32, #tpu.memory_space<vmem>>
    %dma_start3A_90 = arith.constant 0 : i32
    %dma_start3A_91 = arith.constant 0 : i32
    %dma_start3A_92 = tpu.memref_slice %arg5[%dma_start3A_90, %dma_start3A_91] : memref<20096x64xf32, #tpu.memory_space<hbm>> -> memref<20096x64xf32, #tpu.memory_space<hbm>>
    tpu.enqueue_indirect_dma source(%dma_start3A_92 : memref<20096x64xf32, #tpu.memory_space<hbm>>) target(%arg15 : memref<128x64xf32, #tpu.memory_space<vmem>>) offsets(%dma_start3A_89 : memref<128xi32, #tpu.memory_space<vmem>>) semaphore(%arg19 : memref<!tpu.dma_semaphore, #tpu.memory_space<semaphore_mem>>)
    %scan3A_93 = arith.constant 0 : i32
    %scan3A_94 = arith.constant 16 : i32
    %scan3A_95 = arith.addi %scan3A_93, %scan3A_94 : i32
    %scan3A_96 = arith.constant 1 : i32
    scf.for %scan3A_181 = %scan3A_93 to %scan3A_95 step %scan3A_96  : i32 {
      %mul3A_182 = arith.constant 2 : i32
      %mul3A_183 = arith.muli %scan3A_181, %mul3A_182 : i32
      %add3A_184 = arith.constant 0 : i32
      %add3A_185 = arith.addi %add3A_184, %mul3A_183 : i32
      %add3A_186 = arith.constant 0 : i32
      %add3A_187 = arith.addi %add3A_185, %add3A_186 : i32
      %dma_wait3A = arith.constant 0 : i32
      %dma_wait3A_188 = tpu.memref_slice %arg10[%add3A_187, %dma_wait3A] : memref<32x128xi32, #tpu.memory_space<vmem>> -> memref<1x128xi32, #tpu.memory_space<vmem>>
      %dma_wait3A_189 = tpu.memref_squeeze %dma_wait3A_188 : memref<1x128xi32, #tpu.memory_space<vmem>> -> memref<128xi32, #tpu.memory_space<vmem>>
      %dma_wait3A_190 = arith.constant 0 : i32
      %dma_wait3A_191 = arith.constant 0 : i32
      %dma_wait3A_192 = tpu.memref_slice %arg4[%dma_wait3A_190, %dma_wait3A_191] : memref<2048x64xf32, #tpu.memory_space<hbm>> -> memref<2048x64xf32, #tpu.memory_space<hbm>>
      tpu.wait_indirect_dma semaphore(%arg16 : memref<!tpu.dma_semaphore, #tpu.memory_space<semaphore_mem>>) src(%dma_wait3A_192 : memref<2048x64xf32, #tpu.memory_space<hbm>>) dst(%arg12 : memref<128x64xf32, #tpu.memory_space<vmem>>)
      "tpu.region"() ({
        %run_scoped3A = tpu.sem_alloc : memref<!tpu.dma_semaphore, #tpu.memory_space<semaphore_mem>>
        %dma_start3A_238 = arith.constant 0 : i32
        %dma_start3A_239 = tpu.memref_slice %arg11[%add3A_187, %dma_start3A_238] : memref<32x128xi32, #tpu.memory_space<vmem>> -> memref<1x128xi32, #tpu.memory_space<vmem>>
        %dma_start3A_240 = tpu.memref_squeeze %dma_start3A_239 : memref<1x128xi32, #tpu.memory_space<vmem>> -> memref<128xi32, #tpu.memory_space<vmem>>
        %dma_start3A_241 = arith.constant 0 : i32
        %dma_start3A_242 = arith.constant 0 : i32
        %dma_start3A_243 = tpu.memref_slice %arg8[%dma_start3A_241, %dma_start3A_242] : memref<20096x64xf32, #tpu.memory_space<vmem_shared>> -> memref<20096x64xf32, #tpu.memory_space<vmem_shared>>
        tpu.enqueue_indirect_dma source(%arg12 : memref<128x64xf32, #tpu.memory_space<vmem>>) target(%dma_start3A_243 : memref<20096x64xf32, #tpu.memory_space<vmem_shared>>) offsets(%dma_start3A_240 : memref<128xi32, #tpu.memory_space<vmem>>) semaphore(%run_scoped3A : memref<!tpu.dma_semaphore, #tpu.memory_space<semaphore_mem>>) {add = true}
        %dma_wait3A_244 = arith.constant 0 : i32
        %dma_wait3A_245 = tpu.memref_slice %arg11[%add3A_187, %dma_wait3A_244] : memref<32x128xi32, #tpu.memory_space<vmem>> -> memref<1x128xi32, #tpu.memory_space<vmem>>
        %dma_wait3A_246 = tpu.memref_squeeze %dma_wait3A_245 : memref<1x128xi32, #tpu.memory_space<vmem>> -> memref<128xi32, #tpu.memory_space<vmem>>
        %dma_wait3A_247 = arith.constant 0 : i32
        %dma_wait3A_248 = arith.constant 0 : i32
        %dma_wait3A_249 = tpu.memref_slice %arg8[%dma_wait3A_247, %dma_wait3A_248] : memref<20096x64xf32, #tpu.memory_space<vmem_shared>> -> memref<20096x64xf32, #tpu.memory_space<vmem_shared>>
        tpu.wait_indirect_dma semaphore(%run_scoped3A : memref<!tpu.dma_semaphore, #tpu.memory_space<semaphore_mem>>) src(%arg12 : memref<128x64xf32, #tpu.memory_space<vmem>>) dst(%dma_wait3A_249 : memref<20096x64xf32, #tpu.memory_space<vmem_shared>>)
        tpu.yield
      }) : () -> ()
      %add3A_193 = arith.constant 2 : i32
      %add3A_194 = arith.addi %add3A_187, %add3A_193 : i32
      %lt3A = arith.constant 32 : i32
      %lt3A_195 = arith.cmpi slt, %add3A_194, %lt3A : i32
      %convert_element_type3A = arith.extui %lt3A_195 : i1 to i32
      %cond3A = arith.constant 0 : i32
      %cond3A_196 = arith.cmpi ne, %convert_element_type3A, %cond3A : i32
      scf.if %cond3A_196 {
        %add3A_238 = arith.constant 2 : i32
        %add3A_239 = arith.addi %add3A_187, %add3A_238 : i32
        %dma_start3A_240 = arith.constant 0 : i32
        %dma_start3A_241 = tpu.memref_slice %arg10[%add3A_239, %dma_start3A_240] : memref<32x128xi32, #tpu.memory_space<vmem>> -> memref<1x128xi32, #tpu.memory_space<vmem>>
        %dma_start3A_242 = tpu.memref_squeeze %dma_start3A_241 : memref<1x128xi32, #tpu.memory_space<vmem>> -> memref<128xi32, #tpu.memory_space<vmem>>
        %dma_start3A_243 = arith.constant 0 : i32
        %dma_start3A_244 = arith.constant 0 : i32
        %dma_start3A_245 = tpu.memref_slice %arg4[%dma_start3A_243, %dma_start3A_244] : memref<2048x64xf32, #tpu.memory_space<hbm>> -> memref<2048x64xf32, #tpu.memory_space<hbm>>
        tpu.enqueue_indirect_dma source(%dma_start3A_245 : memref<2048x64xf32, #tpu.memory_space<hbm>>) target(%arg12 : memref<128x64xf32, #tpu.memory_space<vmem>>) offsets(%dma_start3A_242 : memref<128xi32, #tpu.memory_space<vmem>>) semaphore(%arg16 : memref<!tpu.dma_semaphore, #tpu.memory_space<semaphore_mem>>)
      } else {
      }
      %dma_wait3A_197 = arith.constant 0 : i32
      %dma_wait3A_198 = tpu.memref_slice %arg11[%add3A_187, %dma_wait3A_197] : memref<32x128xi32, #tpu.memory_space<vmem>> -> memref<1x128xi32, #tpu.memory_space<vmem>>
      %dma_wait3A_199 = tpu.memref_squeeze %dma_wait3A_198 : memref<1x128xi32, #tpu.memory_space<vmem>> -> memref<128xi32, #tpu.memory_space<vmem>>
      %dma_wait3A_200 = arith.constant 0 : i32
      %dma_wait3A_201 = arith.constant 0 : i32
      %dma_wait3A_202 = tpu.memref_slice %arg5[%dma_wait3A_200, %dma_wait3A_201] : memref<20096x64xf32, #tpu.memory_space<hbm>> -> memref<20096x64xf32, #tpu.memory_space<hbm>>
      tpu.wait_indirect_dma semaphore(%arg18 : memref<!tpu.dma_semaphore, #tpu.memory_space<semaphore_mem>>) src(%dma_wait3A_202 : memref<20096x64xf32, #tpu.memory_space<hbm>>) dst(%arg14 : memref<128x64xf32, #tpu.memory_space<vmem>>)
      "tpu.region"() ({
        %run_scoped3A = tpu.sem_alloc : memref<!tpu.dma_semaphore, #tpu.memory_space<semaphore_mem>>
        %dma_start3A_238 = arith.constant 0 : i32
        %dma_start3A_239 = tpu.memref_slice %arg10[%add3A_187, %dma_start3A_238] : memref<32x128xi32, #tpu.memory_space<vmem>> -> memref<1x128xi32, #tpu.memory_space<vmem>>
        %dma_start3A_240 = tpu.memref_squeeze %dma_start3A_239 : memref<1x128xi32, #tpu.memory_space<vmem>> -> memref<128xi32, #tpu.memory_space<vmem>>
        %dma_start3A_241 = arith.constant 0 : i32
        %dma_start3A_242 = arith.constant 0 : i32
        %dma_start3A_243 = tpu.memref_slice %arg9[%dma_start3A_241, %dma_start3A_242] : memref<2048x64xf32, #tpu.memory_space<vmem_shared>> -> memref<2048x64xf32, #tpu.memory_space<vmem_shared>>
        tpu.enqueue_indirect_dma source(%arg14 : memref<128x64xf32, #tpu.memory_space<vmem>>) target(%dma_start3A_243 : memref<2048x64xf32, #tpu.memory_space<vmem_shared>>) offsets(%dma_start3A_240 : memref<128xi32, #tpu.memory_space<vmem>>) semaphore(%run_scoped3A : memref<!tpu.dma_semaphore, #tpu.memory_space<semaphore_mem>>) {add = true}
        %dma_wait3A_244 = arith.constant 0 : i32
        %dma_wait3A_245 = tpu.memref_slice %arg10[%add3A_187, %dma_wait3A_244] : memref<32x128xi32, #tpu.memory_space<vmem>> -> memref<1x128xi32, #tpu.memory_space<vmem>>
        %dma_wait3A_246 = tpu.memref_squeeze %dma_wait3A_245 : memref<1x128xi32, #tpu.memory_space<vmem>> -> memref<128xi32, #tpu.memory_space<vmem>>
        %dma_wait3A_247 = arith.constant 0 : i32
        %dma_wait3A_248 = arith.constant 0 : i32
        %dma_wait3A_249 = tpu.memref_slice %arg9[%dma_wait3A_247, %dma_wait3A_248] : memref<2048x64xf32, #tpu.memory_space<vmem_shared>> -> memref<2048x64xf32, #tpu.memory_space<vmem_shared>>
        tpu.wait_indirect_dma semaphore(%run_scoped3A : memref<!tpu.dma_semaphore, #tpu.memory_space<semaphore_mem>>) src(%arg14 : memref<128x64xf32, #tpu.memory_space<vmem>>) dst(%dma_wait3A_249 : memref<2048x64xf32, #tpu.memory_space<vmem_shared>>)
        tpu.yield
      }) : () -> ()
      %add3A_203 = arith.constant 2 : i32
      %add3A_204 = arith.addi %add3A_187, %add3A_203 : i32
      %lt3A_205 = arith.constant 32 : i32
      %lt3A_206 = arith.cmpi slt, %add3A_204, %lt3A_205 : i32
      %convert_element_type3A_207 = arith.extui %lt3A_206 : i1 to i32
      %cond3A_208 = arith.constant 0 : i32
      %cond3A_209 = arith.cmpi ne, %convert_element_type3A_207, %cond3A_208 : i32
      scf.if %cond3A_209 {
        %add3A_238 = arith.constant 2 : i32
        %add3A_239 = arith.addi %add3A_187, %add3A_238 : i32
        %dma_start3A_240 = arith.constant 0 : i32
        %dma_start3A_241 = tpu.memref_slice %arg11[%add3A_239, %dma_start3A_240] : memref<32x128xi32, #tpu.memory_space<vmem>> -> memref<1x128xi32, #tpu.memory_space<vmem>>
        %dma_start3A_242 = tpu.memref_squeeze %dma_start3A_241 : memref<1x128xi32, #tpu.memory_space<vmem>> -> memref<128xi32, #tpu.memory_space<vmem>>
        %dma_start3A_243 = arith.constant 0 : i32
        %dma_start3A_244 = arith.constant 0 : i32
        %dma_start3A_245 = tpu.memref_slice %arg5[%dma_start3A_243, %dma_start3A_244] : memref<20096x64xf32, #tpu.memory_space<hbm>> -> memref<20096x64xf32, #tpu.memory_space<hbm>>
        tpu.enqueue_indirect_dma source(%dma_start3A_245 : memref<20096x64xf32, #tpu.memory_space<hbm>>) target(%arg14 : memref<128x64xf32, #tpu.memory_space<vmem>>) offsets(%dma_start3A_242 : memref<128xi32, #tpu.memory_space<vmem>>) semaphore(%arg18 : memref<!tpu.dma_semaphore, #tpu.memory_space<semaphore_mem>>)
      } else {
      }
      %add3A_210 = arith.constant 1 : i32
      %add3A_211 = arith.addi %add3A_185, %add3A_210 : i32
      %dma_wait3A_212 = arith.constant 0 : i32
      %dma_wait3A_213 = tpu.memref_slice %arg10[%add3A_211, %dma_wait3A_212] : memref<32x128xi32, #tpu.memory_space<vmem>> -> memref<1x128xi32, #tpu.memory_space<vmem>>
      %dma_wait3A_214 = tpu.memref_squeeze %dma_wait3A_213 : memref<1x128xi32, #tpu.memory_space<vmem>> -> memref<128xi32, #tpu.memory_space<vmem>>
      %dma_wait3A_215 = arith.constant 0 : i32
      %dma_wait3A_216 = arith.constant 0 : i32
      %dma_wait3A_217 = tpu.memref_slice %arg4[%dma_wait3A_215, %dma_wait3A_216] : memref<2048x64xf32, #tpu.memory_space<hbm>> -> memref<2048x64xf32, #tpu.memory_space<hbm>>
      tpu.wait_indirect_dma semaphore(%arg17 : memref<!tpu.dma_semaphore, #tpu.memory_space<semaphore_mem>>) src(%dma_wait3A_217 : memref<2048x64xf32, #tpu.memory_space<hbm>>) dst(%arg13 : memref<128x64xf32, #tpu.memory_space<vmem>>)
      "tpu.region"() ({
        %run_scoped3A = tpu.sem_alloc : memref<!tpu.dma_semaphore, #tpu.memory_space<semaphore_mem>>
        %dma_start3A_238 = arith.constant 0 : i32
        %dma_start3A_239 = tpu.memref_slice %arg11[%add3A_211, %dma_start3A_238] : memref<32x128xi32, #tpu.memory_space<vmem>> -> memref<1x128xi32, #tpu.memory_space<vmem>>
        %dma_start3A_240 = tpu.memref_squeeze %dma_start3A_239 : memref<1x128xi32, #tpu.memory_space<vmem>> -> memref<128xi32, #tpu.memory_space<vmem>>
        %dma_start3A_241 = arith.constant 0 : i32
        %dma_start3A_242 = arith.constant 0 : i32
        %dma_start3A_243 = tpu.memref_slice %arg8[%dma_start3A_241, %dma_start3A_242] : memref<20096x64xf32, #tpu.memory_space<vmem_shared>> -> memref<20096x64xf32, #tpu.memory_space<vmem_shared>>
        tpu.enqueue_indirect_dma source(%arg13 : memref<128x64xf32, #tpu.memory_space<vmem>>) target(%dma_start3A_243 : memref<20096x64xf32, #tpu.memory_space<vmem_shared>>) offsets(%dma_start3A_240 : memref<128xi32, #tpu.memory_space<vmem>>) semaphore(%run_scoped3A : memref<!tpu.dma_semaphore, #tpu.memory_space<semaphore_mem>>) {add = true}
        %dma_wait3A_244 = arith.constant 0 : i32
        %dma_wait3A_245 = tpu.memref_slice %arg11[%add3A_211, %dma_wait3A_244] : memref<32x128xi32, #tpu.memory_space<vmem>> -> memref<1x128xi32, #tpu.memory_space<vmem>>
        %dma_wait3A_246 = tpu.memref_squeeze %dma_wait3A_245 : memref<1x128xi32, #tpu.memory_space<vmem>> -> memref<128xi32, #tpu.memory_space<vmem>>
        %dma_wait3A_247 = arith.constant 0 : i32
        %dma_wait3A_248 = arith.constant 0 : i32
        %dma_wait3A_249 = tpu.memref_slice %arg8[%dma_wait3A_247, %dma_wait3A_248] : memref<20096x64xf32, #tpu.memory_space<vmem_shared>> -> memref<20096x64xf32, #tpu.memory_space<vmem_shared>>
        tpu.wait_indirect_dma semaphore(%run_scoped3A : memref<!tpu.dma_semaphore, #tpu.memory_space<semaphore_mem>>) src(%arg13 : memref<128x64xf32, #tpu.memory_space<vmem>>) dst(%dma_wait3A_249 : memref<20096x64xf32, #tpu.memory_space<vmem_shared>>)
        tpu.yield
      }) : () -> ()
      %add3A_218 = arith.constant 2 : i32
      %add3A_219 = arith.addi %add3A_211, %add3A_218 : i32
      %lt3A_220 = arith.constant 32 : i32
      %lt3A_221 = arith.cmpi slt, %add3A_219, %lt3A_220 : i32
      %convert_element_type3A_222 = arith.extui %lt3A_221 : i1 to i32
      %cond3A_223 = arith.constant 0 : i32
      %cond3A_224 = arith.cmpi ne, %convert_element_type3A_222, %cond3A_223 : i32
      scf.if %cond3A_224 {
        %add3A_238 = arith.constant 2 : i32
        %add3A_239 = arith.addi %add3A_211, %add3A_238 : i32
        %dma_start3A_240 = arith.constant 0 : i32
        %dma_start3A_241 = tpu.memref_slice %arg10[%add3A_239, %dma_start3A_240] : memref<32x128xi32, #tpu.memory_space<vmem>> -> memref<1x128xi32, #tpu.memory_space<vmem>>
        %dma_start3A_242 = tpu.memref_squeeze %dma_start3A_241 : memref<1x128xi32, #tpu.memory_space<vmem>> -> memref<128xi32, #tpu.memory_space<vmem>>
        %dma_start3A_243 = arith.constant 0 : i32
        %dma_start3A_244 = arith.constant 0 : i32
        %dma_start3A_245 = tpu.memref_slice %arg4[%dma_start3A_243, %dma_start3A_244] : memref<2048x64xf32, #tpu.memory_space<hbm>> -> memref<2048x64xf32, #tpu.memory_space<hbm>>
        tpu.enqueue_indirect_dma source(%dma_start3A_245 : memref<2048x64xf32, #tpu.memory_space<hbm>>) target(%arg13 : memref<128x64xf32, #tpu.memory_space<vmem>>) offsets(%dma_start3A_242 : memref<128xi32, #tpu.memory_space<vmem>>) semaphore(%arg17 : memref<!tpu.dma_semaphore, #tpu.memory_space<semaphore_mem>>)
      } else {
      }
      %dma_wait3A_225 = arith.constant 0 : i32
      %dma_wait3A_226 = tpu.memref_slice %arg11[%add3A_211, %dma_wait3A_225] : memref<32x128xi32, #tpu.memory_space<vmem>> -> memref<1x128xi32, #tpu.memory_space<vmem>>
      %dma_wait3A_227 = tpu.memref_squeeze %dma_wait3A_226 : memref<1x128xi32, #tpu.memory_space<vmem>> -> memref<128xi32, #tpu.memory_space<vmem>>
      %dma_wait3A_228 = arith.constant 0 : i32
      %dma_wait3A_229 = arith.constant 0 : i32
      %dma_wait3A_230 = tpu.memref_slice %arg5[%dma_wait3A_228, %dma_wait3A_229] : memref<20096x64xf32, #tpu.memory_space<hbm>> -> memref<20096x64xf32, #tpu.memory_space<hbm>>
      tpu.wait_indirect_dma semaphore(%arg19 : memref<!tpu.dma_semaphore, #tpu.memory_space<semaphore_mem>>) src(%dma_wait3A_230 : memref<20096x64xf32, #tpu.memory_space<hbm>>) dst(%arg15 : memref<128x64xf32, #tpu.memory_space<vmem>>)
      "tpu.region"() ({
        %run_scoped3A = tpu.sem_alloc : memref<!tpu.dma_semaphore, #tpu.memory_space<semaphore_mem>>
        %dma_start3A_238 = arith.constant 0 : i32
        %dma_start3A_239 = tpu.memref_slice %arg10[%add3A_211, %dma_start3A_238] : memref<32x128xi32, #tpu.memory_space<vmem>> -> memref<1x128xi32, #tpu.memory_space<vmem>>
        %dma_start3A_240 = tpu.memref_squeeze %dma_start3A_239 : memref<1x128xi32, #tpu.memory_space<vmem>> -> memref<128xi32, #tpu.memory_space<vmem>>
        %dma_start3A_241 = arith.constant 0 : i32
        %dma_start3A_242 = arith.constant 0 : i32
        %dma_start3A_243 = tpu.memref_slice %arg9[%dma_start3A_241, %dma_start3A_242] : memref<2048x64xf32, #tpu.memory_space<vmem_shared>> -> memref<2048x64xf32, #tpu.memory_space<vmem_shared>>
        tpu.enqueue_indirect_dma source(%arg15 : memref<128x64xf32, #tpu.memory_space<vmem>>) target(%dma_start3A_243 : memref<2048x64xf32, #tpu.memory_space<vmem_shared>>) offsets(%dma_start3A_240 : memref<128xi32, #tpu.memory_space<vmem>>) semaphore(%run_scoped3A : memref<!tpu.dma_semaphore, #tpu.memory_space<semaphore_mem>>) {add = true}
        %dma_wait3A_244 = arith.constant 0 : i32
        %dma_wait3A_245 = tpu.memref_slice %arg10[%add3A_211, %dma_wait3A_244] : memref<32x128xi32, #tpu.memory_space<vmem>> -> memref<1x128xi32, #tpu.memory_space<vmem>>
        %dma_wait3A_246 = tpu.memref_squeeze %dma_wait3A_245 : memref<1x128xi32, #tpu.memory_space<vmem>> -> memref<128xi32, #tpu.memory_space<vmem>>
        %dma_wait3A_247 = arith.constant 0 : i32
        %dma_wait3A_248 = arith.constant 0 : i32
        %dma_wait3A_249 = tpu.memref_slice %arg9[%dma_wait3A_247, %dma_wait3A_248] : memref<2048x64xf32, #tpu.memory_space<vmem_shared>> -> memref<2048x64xf32, #tpu.memory_space<vmem_shared>>
        tpu.wait_indirect_dma semaphore(%run_scoped3A : memref<!tpu.dma_semaphore, #tpu.memory_space<semaphore_mem>>) src(%arg15 : memref<128x64xf32, #tpu.memory_space<vmem>>) dst(%dma_wait3A_249 : memref<2048x64xf32, #tpu.memory_space<vmem_shared>>)
        tpu.yield
      }) : () -> ()
      %add3A_231 = arith.constant 2 : i32
      %add3A_232 = arith.addi %add3A_211, %add3A_231 : i32
      %lt3A_233 = arith.constant 32 : i32
      %lt3A_234 = arith.cmpi slt, %add3A_232, %lt3A_233 : i32
      %convert_element_type3A_235 = arith.extui %lt3A_234 : i1 to i32
      %cond3A_236 = arith.constant 0 : i32
      %cond3A_237 = arith.cmpi ne, %convert_element_type3A_235, %cond3A_236 : i32
      scf.if %cond3A_237 {
        %add3A_238 = arith.constant 2 : i32
        %add3A_239 = arith.addi %add3A_211, %add3A_238 : i32
        %dma_start3A_240 = arith.constant 0 : i32
        %dma_start3A_241 = tpu.memref_slice %arg11[%add3A_239, %dma_start3A_240] : memref<32x128xi32, #tpu.memory_space<vmem>> -> memref<1x128xi32, #tpu.memory_space<vmem>>
        %dma_start3A_242 = tpu.memref_squeeze %dma_start3A_241 : memref<1x128xi32, #tpu.memory_space<vmem>> -> memref<128xi32, #tpu.memory_space<vmem>>
        %dma_start3A_243 = arith.constant 0 : i32
        %dma_start3A_244 = arith.constant 0 : i32
        %dma_start3A_245 = tpu.memref_slice %arg5[%dma_start3A_243, %dma_start3A_244] : memref<20096x64xf32, #tpu.memory_space<hbm>> -> memref<20096x64xf32, #tpu.memory_space<hbm>>
        tpu.enqueue_indirect_dma source(%dma_start3A_245 : memref<20096x64xf32, #tpu.memory_space<hbm>>) target(%arg15 : memref<128x64xf32, #tpu.memory_space<vmem>>) offsets(%dma_start3A_242 : memref<128xi32, #tpu.memory_space<vmem>>) semaphore(%arg19 : memref<!tpu.dma_semaphore, #tpu.memory_space<semaphore_mem>>)
      } else {
      }
    }
    %scan3A_97 = arith.constant 16 : i32
    %mul3A_98 = arith.constant 128 : i32
    %mul3A_99 = arith.muli %add3A, %mul3A_98 : i32
    %add3A_100 = arith.constant 64 : i32
    %add3A_101 = arith.addi %mul3A_99, %add3A_100 : i32
    "tpu.region"() ({
      %run_scoped3A = tpu.sem_alloc : memref<!tpu.dma_semaphore, #tpu.memory_space<semaphore_mem>>
      %dma_start3A_181 = arith.constant 0 : i32
      %dma_start3A_182 = tpu.memref_slice %arg2[%add3A_101, %dma_start3A_181] : memref<4096x128xi32, #tpu.memory_space<hbm>> -> memref<32x128xi32, #tpu.memory_space<hbm>>
      %dma_start3A_183 = arith.constant 0 : i32
      %dma_start3A_184 = tpu.memref_slice %arg2[%add3A_101, %dma_start3A_183] : memref<4096x128xi32, #tpu.memory_space<hbm>> -> memref<32x128xi32, #tpu.memory_space<hbm>>
      tpu.enqueue_dma source(%dma_start3A_184 : memref<32x128xi32, #tpu.memory_space<hbm>>) target(%arg10 : memref<32x128xi32, #tpu.memory_space<vmem>>) target_semaphore(%run_scoped3A : memref<!tpu.dma_semaphore, #tpu.memory_space<semaphore_mem>>)
      %dma_wait3A = arith.constant 0 : i32
      %dma_wait3A_185 = tpu.memref_slice %arg2[%add3A_101, %dma_wait3A] : memref<4096x128xi32, #tpu.memory_space<hbm>> -> memref<32x128xi32, #tpu.memory_space<hbm>>
      %dma_wait3A_186 = arith.constant 0 : i32
      %dma_wait3A_187 = tpu.memref_slice %arg2[%add3A_101, %dma_wait3A_186] : memref<4096x128xi32, #tpu.memory_space<hbm>> -> memref<32x128xi32, #tpu.memory_space<hbm>>
      tpu.wait_dma2 semaphore(%run_scoped3A : memref<!tpu.dma_semaphore, #tpu.memory_space<semaphore_mem>>) src(%dma_wait3A_187 : memref<32x128xi32, #tpu.memory_space<hbm>>) dst(%arg10 : memref<32x128xi32, #tpu.memory_space<vmem>>)
      tpu.yield
    }) : () -> ()
    "tpu.region"() ({
      %run_scoped3A = tpu.sem_alloc : memref<!tpu.dma_semaphore, #tpu.memory_space<semaphore_mem>>
      %dma_start3A_181 = arith.constant 0 : i32
      %dma_start3A_182 = tpu.memref_slice %arg3[%add3A_101, %dma_start3A_181] : memref<4096x128xi32, #tpu.memory_space<hbm>> -> memref<32x128xi32, #tpu.memory_space<hbm>>
      %dma_start3A_183 = arith.constant 0 : i32
      %dma_start3A_184 = tpu.memref_slice %arg3[%add3A_101, %dma_start3A_183] : memref<4096x128xi32, #tpu.memory_space<hbm>> -> memref<32x128xi32, #tpu.memory_space<hbm>>
      tpu.enqueue_dma source(%dma_start3A_184 : memref<32x128xi32, #tpu.memory_space<hbm>>) target(%arg11 : memref<32x128xi32, #tpu.memory_space<vmem>>) target_semaphore(%run_scoped3A : memref<!tpu.dma_semaphore, #tpu.memory_space<semaphore_mem>>)
      %dma_wait3A = arith.constant 0 : i32
      %dma_wait3A_185 = tpu.memref_slice %arg3[%add3A_101, %dma_wait3A] : memref<4096x128xi32, #tpu.memory_space<hbm>> -> memref<32x128xi32, #tpu.memory_space<hbm>>
      %dma_wait3A_186 = arith.constant 0 : i32
      %dma_wait3A_187 = tpu.memref_slice %arg3[%add3A_101, %dma_wait3A_186] : memref<4096x128xi32, #tpu.memory_space<hbm>> -> memref<32x128xi32, #tpu.memory_space<hbm>>
      tpu.wait_dma2 semaphore(%run_scoped3A : memref<!tpu.dma_semaphore, #tpu.memory_space<semaphore_mem>>) src(%dma_wait3A_187 : memref<32x128xi32, #tpu.memory_space<hbm>>) dst(%arg11 : memref<32x128xi32, #tpu.memory_space<vmem>>)
      tpu.yield
    }) : () -> ()
    %dma_start3A_102 = arith.constant 0 : i32
    %dma_start3A_103 = arith.constant 0 : i32
    %dma_start3A_104 = tpu.memref_slice %arg10[%dma_start3A_102, %dma_start3A_103] : memref<32x128xi32, #tpu.memory_space<vmem>> -> memref<1x128xi32, #tpu.memory_space<vmem>>
    %dma_start3A_105 = tpu.memref_squeeze %dma_start3A_104 : memref<1x128xi32, #tpu.memory_space<vmem>> -> memref<128xi32, #tpu.memory_space<vmem>>
    %dma_start3A_106 = arith.constant 0 : i32
    %dma_start3A_107 = arith.constant 0 : i32
    %dma_start3A_108 = tpu.memref_slice %arg4[%dma_start3A_106, %dma_start3A_107] : memref<2048x64xf32, #tpu.memory_space<hbm>> -> memref<2048x64xf32, #tpu.memory_space<hbm>>
    tpu.enqueue_indirect_dma source(%dma_start3A_108 : memref<2048x64xf32, #tpu.memory_space<hbm>>) target(%arg12 : memref<128x64xf32, #tpu.memory_space<vmem>>) offsets(%dma_start3A_105 : memref<128xi32, #tpu.memory_space<vmem>>) semaphore(%arg16 : memref<!tpu.dma_semaphore, #tpu.memory_space<semaphore_mem>>)
    %dma_start3A_109 = arith.constant 0 : i32
    %dma_start3A_110 = arith.constant 0 : i32
    %dma_start3A_111 = tpu.memref_slice %arg11[%dma_start3A_109, %dma_start3A_110] : memref<32x128xi32, #tpu.memory_space<vmem>> -> memref<1x128xi32, #tpu.memory_space<vmem>>
    %dma_start3A_112 = tpu.memref_squeeze %dma_start3A_111 : memref<1x128xi32, #tpu.memory_space<vmem>> -> memref<128xi32, #tpu.memory_space<vmem>>
    %dma_start3A_113 = arith.constant 0 : i32
    %dma_start3A_114 = arith.constant 0 : i32
    %dma_start3A_115 = tpu.memref_slice %arg5[%dma_start3A_113, %dma_start3A_114] : memref<20096x64xf32, #tpu.memory_space<hbm>> -> memref<20096x64xf32, #tpu.memory_space<hbm>>
    tpu.enqueue_indirect_dma source(%dma_start3A_115 : memref<20096x64xf32, #tpu.memory_space<hbm>>) target(%arg14 : memref<128x64xf32, #tpu.memory_space<vmem>>) offsets(%dma_start3A_112 : memref<128xi32, #tpu.memory_space<vmem>>) semaphore(%arg18 : memref<!tpu.dma_semaphore, #tpu.memory_space<semaphore_mem>>)
    %dma_start3A_116 = arith.constant 1 : i32
    %dma_start3A_117 = arith.constant 0 : i32
    %dma_start3A_118 = tpu.memref_slice %arg10[%dma_start3A_116, %dma_start3A_117] : memref<32x128xi32, #tpu.memory_space<vmem>> -> memref<1x128xi32, #tpu.memory_space<vmem>>
    %dma_start3A_119 = tpu.memref_squeeze %dma_start3A_118 : memref<1x128xi32, #tpu.memory_space<vmem>> -> memref<128xi32, #tpu.memory_space<vmem>>
    %dma_start3A_120 = arith.constant 0 : i32
    %dma_start3A_121 = arith.constant 0 : i32
    %dma_start3A_122 = tpu.memref_slice %arg4[%dma_start3A_120, %dma_start3A_121] : memref<2048x64xf32, #tpu.memory_space<hbm>> -> memref<2048x64xf32, #tpu.memory_space<hbm>>
    tpu.enqueue_indirect_dma source(%dma_start3A_122 : memref<2048x64xf32, #tpu.memory_space<hbm>>) target(%arg13 : memref<128x64xf32, #tpu.memory_space<vmem>>) offsets(%dma_start3A_119 : memref<128xi32, #tpu.memory_space<vmem>>) semaphore(%arg17 : memref<!tpu.dma_semaphore, #tpu.memory_space<semaphore_mem>>)
    %dma_start3A_123 = arith.constant 1 : i32
    %dma_start3A_124 = arith.constant 0 : i32
    %dma_start3A_125 = tpu.memref_slice %arg11[%dma_start3A_123, %dma_start3A_124] : memref<32x128xi32, #tpu.memory_space<vmem>> -> memref<1x128xi32, #tpu.memory_space<vmem>>
    %dma_start3A_126 = tpu.memref_squeeze %dma_start3A_125 : memref<1x128xi32, #tpu.memory_space<vmem>> -> memref<128xi32, #tpu.memory_space<vmem>>
    %dma_start3A_127 = arith.constant 0 : i32
    %dma_start3A_128 = arith.constant 0 : i32
    %dma_start3A_129 = tpu.memref_slice %arg5[%dma_start3A_127, %dma_start3A_128] : memref<20096x64xf32, #tpu.memory_space<hbm>> -> memref<20096x64xf32, #tpu.memory_space<hbm>>
    tpu.enqueue_indirect_dma source(%dma_start3A_129 : memref<20096x64xf32, #tpu.memory_space<hbm>>) target(%arg15 : memref<128x64xf32, #tpu.memory_space<vmem>>) offsets(%dma_start3A_126 : memref<128xi32, #tpu.memory_space<vmem>>) semaphore(%arg19 : memref<!tpu.dma_semaphore, #tpu.memory_space<semaphore_mem>>)
    %scan3A_130 = arith.constant 0 : i32
    %scan3A_131 = arith.constant 16 : i32
    %scan3A_132 = arith.addi %scan3A_130, %scan3A_131 : i32
    %scan3A_133 = arith.constant 1 : i32
    scf.for %scan3A_181 = %scan3A_130 to %scan3A_132 step %scan3A_133  : i32 {
      %mul3A_182 = arith.constant 2 : i32
      %mul3A_183 = arith.muli %scan3A_181, %mul3A_182 : i32
      %add3A_184 = arith.constant 0 : i32
      %add3A_185 = arith.addi %add3A_184, %mul3A_183 : i32
      %add3A_186 = arith.constant 0 : i32
      %add3A_187 = arith.addi %add3A_185, %add3A_186 : i32
      %dma_wait3A = arith.constant 0 : i32
      %dma_wait3A_188 = tpu.memref_slice %arg10[%add3A_187, %dma_wait3A] : memref<32x128xi32, #tpu.memory_space<vmem>> -> memref<1x128xi32, #tpu.memory_space<vmem>>
      %dma_wait3A_189 = tpu.memref_squeeze %dma_wait3A_188 : memref<1x128xi32, #tpu.memory_space<vmem>> -> memref<128xi32, #tpu.memory_space<vmem>>
      %dma_wait3A_190 = arith.constant 0 : i32
      %dma_wait3A_191 = arith.constant 0 : i32
      %dma_wait3A_192 = tpu.memref_slice %arg4[%dma_wait3A_190, %dma_wait3A_191] : memref<2048x64xf32, #tpu.memory_space<hbm>> -> memref<2048x64xf32, #tpu.memory_space<hbm>>
      tpu.wait_indirect_dma semaphore(%arg16 : memref<!tpu.dma_semaphore, #tpu.memory_space<semaphore_mem>>) src(%dma_wait3A_192 : memref<2048x64xf32, #tpu.memory_space<hbm>>) dst(%arg12 : memref<128x64xf32, #tpu.memory_space<vmem>>)
      "tpu.region"() ({
        %run_scoped3A = tpu.sem_alloc : memref<!tpu.dma_semaphore, #tpu.memory_space<semaphore_mem>>
        %dma_start3A_238 = arith.constant 0 : i32
        %dma_start3A_239 = tpu.memref_slice %arg11[%add3A_187, %dma_start3A_238] : memref<32x128xi32, #tpu.memory_space<vmem>> -> memref<1x128xi32, #tpu.memory_space<vmem>>
        %dma_start3A_240 = tpu.memref_squeeze %dma_start3A_239 : memref<1x128xi32, #tpu.memory_space<vmem>> -> memref<128xi32, #tpu.memory_space<vmem>>
        %dma_start3A_241 = arith.constant 0 : i32
        %dma_start3A_242 = arith.constant 0 : i32
        %dma_start3A_243 = tpu.memref_slice %arg8[%dma_start3A_241, %dma_start3A_242] : memref<20096x64xf32, #tpu.memory_space<vmem_shared>> -> memref<20096x64xf32, #tpu.memory_space<vmem_shared>>
        tpu.enqueue_indirect_dma source(%arg12 : memref<128x64xf32, #tpu.memory_space<vmem>>) target(%dma_start3A_243 : memref<20096x64xf32, #tpu.memory_space<vmem_shared>>) offsets(%dma_start3A_240 : memref<128xi32, #tpu.memory_space<vmem>>) semaphore(%run_scoped3A : memref<!tpu.dma_semaphore, #tpu.memory_space<semaphore_mem>>) {add = true}
        %dma_wait3A_244 = arith.constant 0 : i32
        %dma_wait3A_245 = tpu.memref_slice %arg11[%add3A_187, %dma_wait3A_244] : memref<32x128xi32, #tpu.memory_space<vmem>> -> memref<1x128xi32, #tpu.memory_space<vmem>>
        %dma_wait3A_246 = tpu.memref_squeeze %dma_wait3A_245 : memref<1x128xi32, #tpu.memory_space<vmem>> -> memref<128xi32, #tpu.memory_space<vmem>>
        %dma_wait3A_247 = arith.constant 0 : i32
        %dma_wait3A_248 = arith.constant 0 : i32
        %dma_wait3A_249 = tpu.memref_slice %arg8[%dma_wait3A_247, %dma_wait3A_248] : memref<20096x64xf32, #tpu.memory_space<vmem_shared>> -> memref<20096x64xf32, #tpu.memory_space<vmem_shared>>
        tpu.wait_indirect_dma semaphore(%run_scoped3A : memref<!tpu.dma_semaphore, #tpu.memory_space<semaphore_mem>>) src(%arg12 : memref<128x64xf32, #tpu.memory_space<vmem>>) dst(%dma_wait3A_249 : memref<20096x64xf32, #tpu.memory_space<vmem_shared>>)
        tpu.yield
      }) : () -> ()
      %add3A_193 = arith.constant 2 : i32
      %add3A_194 = arith.addi %add3A_187, %add3A_193 : i32
      %lt3A = arith.constant 32 : i32
      %lt3A_195 = arith.cmpi slt, %add3A_194, %lt3A : i32
      %convert_element_type3A = arith.extui %lt3A_195 : i1 to i32
      %cond3A = arith.constant 0 : i32
      %cond3A_196 = arith.cmpi ne, %convert_element_type3A, %cond3A : i32
      scf.if %cond3A_196 {
        %add3A_238 = arith.constant 2 : i32
        %add3A_239 = arith.addi %add3A_187, %add3A_238 : i32
        %dma_start3A_240 = arith.constant 0 : i32
        %dma_start3A_241 = tpu.memref_slice %arg10[%add3A_239, %dma_start3A_240] : memref<32x128xi32, #tpu.memory_space<vmem>> -> memref<1x128xi32, #tpu.memory_space<vmem>>
        %dma_start3A_242 = tpu.memref_squeeze %dma_start3A_241 : memref<1x128xi32, #tpu.memory_space<vmem>> -> memref<128xi32, #tpu.memory_space<vmem>>
        %dma_start3A_243 = arith.constant 0 : i32
        %dma_start3A_244 = arith.constant 0 : i32
        %dma_start3A_245 = tpu.memref_slice %arg4[%dma_start3A_243, %dma_start3A_244] : memref<2048x64xf32, #tpu.memory_space<hbm>> -> memref<2048x64xf32, #tpu.memory_space<hbm>>
        tpu.enqueue_indirect_dma source(%dma_start3A_245 : memref<2048x64xf32, #tpu.memory_space<hbm>>) target(%arg12 : memref<128x64xf32, #tpu.memory_space<vmem>>) offsets(%dma_start3A_242 : memref<128xi32, #tpu.memory_space<vmem>>) semaphore(%arg16 : memref<!tpu.dma_semaphore, #tpu.memory_space<semaphore_mem>>)
      } else {
      }
      %dma_wait3A_197 = arith.constant 0 : i32
      %dma_wait3A_198 = tpu.memref_slice %arg11[%add3A_187, %dma_wait3A_197] : memref<32x128xi32, #tpu.memory_space<vmem>> -> memref<1x128xi32, #tpu.memory_space<vmem>>
      %dma_wait3A_199 = tpu.memref_squeeze %dma_wait3A_198 : memref<1x128xi32, #tpu.memory_space<vmem>> -> memref<128xi32, #tpu.memory_space<vmem>>
      %dma_wait3A_200 = arith.constant 0 : i32
      %dma_wait3A_201 = arith.constant 0 : i32
      %dma_wait3A_202 = tpu.memref_slice %arg5[%dma_wait3A_200, %dma_wait3A_201] : memref<20096x64xf32, #tpu.memory_space<hbm>> -> memref<20096x64xf32, #tpu.memory_space<hbm>>
      tpu.wait_indirect_dma semaphore(%arg18 : memref<!tpu.dma_semaphore, #tpu.memory_space<semaphore_mem>>) src(%dma_wait3A_202 : memref<20096x64xf32, #tpu.memory_space<hbm>>) dst(%arg14 : memref<128x64xf32, #tpu.memory_space<vmem>>)
      "tpu.region"() ({
        %run_scoped3A = tpu.sem_alloc : memref<!tpu.dma_semaphore, #tpu.memory_space<semaphore_mem>>
        %dma_start3A_238 = arith.constant 0 : i32
        %dma_start3A_239 = tpu.memref_slice %arg10[%add3A_187, %dma_start3A_238] : memref<32x128xi32, #tpu.memory_space<vmem>> -> memref<1x128xi32, #tpu.memory_space<vmem>>
        %dma_start3A_240 = tpu.memref_squeeze %dma_start3A_239 : memref<1x128xi32, #tpu.memory_space<vmem>> -> memref<128xi32, #tpu.memory_space<vmem>>
        %dma_start3A_241 = arith.constant 0 : i32
        %dma_start3A_242 = arith.constant 0 : i32
        %dma_start3A_243 = tpu.memref_slice %arg9[%dma_start3A_241, %dma_start3A_242] : memref<2048x64xf32, #tpu.memory_space<vmem_shared>> -> memref<2048x64xf32, #tpu.memory_space<vmem_shared>>
        tpu.enqueue_indirect_dma source(%arg14 : memref<128x64xf32, #tpu.memory_space<vmem>>) target(%dma_start3A_243 : memref<2048x64xf32, #tpu.memory_space<vmem_shared>>) offsets(%dma_start3A_240 : memref<128xi32, #tpu.memory_space<vmem>>) semaphore(%run_scoped3A : memref<!tpu.dma_semaphore, #tpu.memory_space<semaphore_mem>>) {add = true}
        %dma_wait3A_244 = arith.constant 0 : i32
        %dma_wait3A_245 = tpu.memref_slice %arg10[%add3A_187, %dma_wait3A_244] : memref<32x128xi32, #tpu.memory_space<vmem>> -> memref<1x128xi32, #tpu.memory_space<vmem>>
        %dma_wait3A_246 = tpu.memref_squeeze %dma_wait3A_245 : memref<1x128xi32, #tpu.memory_space<vmem>> -> memref<128xi32, #tpu.memory_space<vmem>>
        %dma_wait3A_247 = arith.constant 0 : i32
        %dma_wait3A_248 = arith.constant 0 : i32
        %dma_wait3A_249 = tpu.memref_slice %arg9[%dma_wait3A_247, %dma_wait3A_248] : memref<2048x64xf32, #tpu.memory_space<vmem_shared>> -> memref<2048x64xf32, #tpu.memory_space<vmem_shared>>
        tpu.wait_indirect_dma semaphore(%run_scoped3A : memref<!tpu.dma_semaphore, #tpu.memory_space<semaphore_mem>>) src(%arg14 : memref<128x64xf32, #tpu.memory_space<vmem>>) dst(%dma_wait3A_249 : memref<2048x64xf32, #tpu.memory_space<vmem_shared>>)
        tpu.yield
      }) : () -> ()
      %add3A_203 = arith.constant 2 : i32
      %add3A_204 = arith.addi %add3A_187, %add3A_203 : i32
      %lt3A_205 = arith.constant 32 : i32
      %lt3A_206 = arith.cmpi slt, %add3A_204, %lt3A_205 : i32
      %convert_element_type3A_207 = arith.extui %lt3A_206 : i1 to i32
      %cond3A_208 = arith.constant 0 : i32
      %cond3A_209 = arith.cmpi ne, %convert_element_type3A_207, %cond3A_208 : i32
      scf.if %cond3A_209 {
        %add3A_238 = arith.constant 2 : i32
        %add3A_239 = arith.addi %add3A_187, %add3A_238 : i32
        %dma_start3A_240 = arith.constant 0 : i32
        %dma_start3A_241 = tpu.memref_slice %arg11[%add3A_239, %dma_start3A_240] : memref<32x128xi32, #tpu.memory_space<vmem>> -> memref<1x128xi32, #tpu.memory_space<vmem>>
        %dma_start3A_242 = tpu.memref_squeeze %dma_start3A_241 : memref<1x128xi32, #tpu.memory_space<vmem>> -> memref<128xi32, #tpu.memory_space<vmem>>
        %dma_start3A_243 = arith.constant 0 : i32
        %dma_start3A_244 = arith.constant 0 : i32
        %dma_start3A_245 = tpu.memref_slice %arg5[%dma_start3A_243, %dma_start3A_244] : memref<20096x64xf32, #tpu.memory_space<hbm>> -> memref<20096x64xf32, #tpu.memory_space<hbm>>
        tpu.enqueue_indirect_dma source(%dma_start3A_245 : memref<20096x64xf32, #tpu.memory_space<hbm>>) target(%arg14 : memref<128x64xf32, #tpu.memory_space<vmem>>) offsets(%dma_start3A_242 : memref<128xi32, #tpu.memory_space<vmem>>) semaphore(%arg18 : memref<!tpu.dma_semaphore, #tpu.memory_space<semaphore_mem>>)
      } else {
      }
      %add3A_210 = arith.constant 1 : i32
      %add3A_211 = arith.addi %add3A_185, %add3A_210 : i32
      %dma_wait3A_212 = arith.constant 0 : i32
      %dma_wait3A_213 = tpu.memref_slice %arg10[%add3A_211, %dma_wait3A_212] : memref<32x128xi32, #tpu.memory_space<vmem>> -> memref<1x128xi32, #tpu.memory_space<vmem>>
      %dma_wait3A_214 = tpu.memref_squeeze %dma_wait3A_213 : memref<1x128xi32, #tpu.memory_space<vmem>> -> memref<128xi32, #tpu.memory_space<vmem>>
      %dma_wait3A_215 = arith.constant 0 : i32
      %dma_wait3A_216 = arith.constant 0 : i32
      %dma_wait3A_217 = tpu.memref_slice %arg4[%dma_wait3A_215, %dma_wait3A_216] : memref<2048x64xf32, #tpu.memory_space<hbm>> -> memref<2048x64xf32, #tpu.memory_space<hbm>>
      tpu.wait_indirect_dma semaphore(%arg17 : memref<!tpu.dma_semaphore, #tpu.memory_space<semaphore_mem>>) src(%dma_wait3A_217 : memref<2048x64xf32, #tpu.memory_space<hbm>>) dst(%arg13 : memref<128x64xf32, #tpu.memory_space<vmem>>)
      "tpu.region"() ({
        %run_scoped3A = tpu.sem_alloc : memref<!tpu.dma_semaphore, #tpu.memory_space<semaphore_mem>>
        %dma_start3A_238 = arith.constant 0 : i32
        %dma_start3A_239 = tpu.memref_slice %arg11[%add3A_211, %dma_start3A_238] : memref<32x128xi32, #tpu.memory_space<vmem>> -> memref<1x128xi32, #tpu.memory_space<vmem>>
        %dma_start3A_240 = tpu.memref_squeeze %dma_start3A_239 : memref<1x128xi32, #tpu.memory_space<vmem>> -> memref<128xi32, #tpu.memory_space<vmem>>
        %dma_start3A_241 = arith.constant 0 : i32
        %dma_start3A_242 = arith.constant 0 : i32
        %dma_start3A_243 = tpu.memref_slice %arg8[%dma_start3A_241, %dma_start3A_242] : memref<20096x64xf32, #tpu.memory_space<vmem_shared>> -> memref<20096x64xf32, #tpu.memory_space<vmem_shared>>
        tpu.enqueue_indirect_dma source(%arg13 : memref<128x64xf32, #tpu.memory_space<vmem>>) target(%dma_start3A_243 : memref<20096x64xf32, #tpu.memory_space<vmem_shared>>) offsets(%dma_start3A_240 : memref<128xi32, #tpu.memory_space<vmem>>) semaphore(%run_scoped3A : memref<!tpu.dma_semaphore, #tpu.memory_space<semaphore_mem>>) {add = true}
        %dma_wait3A_244 = arith.constant 0 : i32
        %dma_wait3A_245 = tpu.memref_slice %arg11[%add3A_211, %dma_wait3A_244] : memref<32x128xi32, #tpu.memory_space<vmem>> -> memref<1x128xi32, #tpu.memory_space<vmem>>
        %dma_wait3A_246 = tpu.memref_squeeze %dma_wait3A_245 : memref<1x128xi32, #tpu.memory_space<vmem>> -> memref<128xi32, #tpu.memory_space<vmem>>
        %dma_wait3A_247 = arith.constant 0 : i32
        %dma_wait3A_248 = arith.constant 0 : i32
        %dma_wait3A_249 = tpu.memref_slice %arg8[%dma_wait3A_247, %dma_wait3A_248] : memref<20096x64xf32, #tpu.memory_space<vmem_shared>> -> memref<20096x64xf32, #tpu.memory_space<vmem_shared>>
        tpu.wait_indirect_dma semaphore(%run_scoped3A : memref<!tpu.dma_semaphore, #tpu.memory_space<semaphore_mem>>) src(%arg13 : memref<128x64xf32, #tpu.memory_space<vmem>>) dst(%dma_wait3A_249 : memref<20096x64xf32, #tpu.memory_space<vmem_shared>>)
        tpu.yield
      }) : () -> ()
      %add3A_218 = arith.constant 2 : i32
      %add3A_219 = arith.addi %add3A_211, %add3A_218 : i32
      %lt3A_220 = arith.constant 32 : i32
      %lt3A_221 = arith.cmpi slt, %add3A_219, %lt3A_220 : i32
      %convert_element_type3A_222 = arith.extui %lt3A_221 : i1 to i32
      %cond3A_223 = arith.constant 0 : i32
      %cond3A_224 = arith.cmpi ne, %convert_element_type3A_222, %cond3A_223 : i32
      scf.if %cond3A_224 {
        %add3A_238 = arith.constant 2 : i32
        %add3A_239 = arith.addi %add3A_211, %add3A_238 : i32
        %dma_start3A_240 = arith.constant 0 : i32
        %dma_start3A_241 = tpu.memref_slice %arg10[%add3A_239, %dma_start3A_240] : memref<32x128xi32, #tpu.memory_space<vmem>> -> memref<1x128xi32, #tpu.memory_space<vmem>>
        %dma_start3A_242 = tpu.memref_squeeze %dma_start3A_241 : memref<1x128xi32, #tpu.memory_space<vmem>> -> memref<128xi32, #tpu.memory_space<vmem>>
        %dma_start3A_243 = arith.constant 0 : i32
        %dma_start3A_244 = arith.constant 0 : i32
        %dma_start3A_245 = tpu.memref_slice %arg4[%dma_start3A_243, %dma_start3A_244] : memref<2048x64xf32, #tpu.memory_space<hbm>> -> memref<2048x64xf32, #tpu.memory_space<hbm>>
        tpu.enqueue_indirect_dma source(%dma_start3A_245 : memref<2048x64xf32, #tpu.memory_space<hbm>>) target(%arg13 : memref<128x64xf32, #tpu.memory_space<vmem>>) offsets(%dma_start3A_242 : memref<128xi32, #tpu.memory_space<vmem>>) semaphore(%arg17 : memref<!tpu.dma_semaphore, #tpu.memory_space<semaphore_mem>>)
      } else {
      }
      %dma_wait3A_225 = arith.constant 0 : i32
      %dma_wait3A_226 = tpu.memref_slice %arg11[%add3A_211, %dma_wait3A_225] : memref<32x128xi32, #tpu.memory_space<vmem>> -> memref<1x128xi32, #tpu.memory_space<vmem>>
      %dma_wait3A_227 = tpu.memref_squeeze %dma_wait3A_226 : memref<1x128xi32, #tpu.memory_space<vmem>> -> memref<128xi32, #tpu.memory_space<vmem>>
      %dma_wait3A_228 = arith.constant 0 : i32
      %dma_wait3A_229 = arith.constant 0 : i32
      %dma_wait3A_230 = tpu.memref_slice %arg5[%dma_wait3A_228, %dma_wait3A_229] : memref<20096x64xf32, #tpu.memory_space<hbm>> -> memref<20096x64xf32, #tpu.memory_space<hbm>>
      tpu.wait_indirect_dma semaphore(%arg19 : memref<!tpu.dma_semaphore, #tpu.memory_space<semaphore_mem>>) src(%dma_wait3A_230 : memref<20096x64xf32, #tpu.memory_space<hbm>>) dst(%arg15 : memref<128x64xf32, #tpu.memory_space<vmem>>)
      "tpu.region"() ({
        %run_scoped3A = tpu.sem_alloc : memref<!tpu.dma_semaphore, #tpu.memory_space<semaphore_mem>>
        %dma_start3A_238 = arith.constant 0 : i32
        %dma_start3A_239 = tpu.memref_slice %arg10[%add3A_211, %dma_start3A_238] : memref<32x128xi32, #tpu.memory_space<vmem>> -> memref<1x128xi32, #tpu.memory_space<vmem>>
        %dma_start3A_240 = tpu.memref_squeeze %dma_start3A_239 : memref<1x128xi32, #tpu.memory_space<vmem>> -> memref<128xi32, #tpu.memory_space<vmem>>
        %dma_start3A_241 = arith.constant 0 : i32
        %dma_start3A_242 = arith.constant 0 : i32
        %dma_start3A_243 = tpu.memref_slice %arg9[%dma_start3A_241, %dma_start3A_242] : memref<2048x64xf32, #tpu.memory_space<vmem_shared>> -> memref<2048x64xf32, #tpu.memory_space<vmem_shared>>
        tpu.enqueue_indirect_dma source(%arg15 : memref<128x64xf32, #tpu.memory_space<vmem>>) target(%dma_start3A_243 : memref<2048x64xf32, #tpu.memory_space<vmem_shared>>) offsets(%dma_start3A_240 : memref<128xi32, #tpu.memory_space<vmem>>) semaphore(%run_scoped3A : memref<!tpu.dma_semaphore, #tpu.memory_space<semaphore_mem>>) {add = true}
        %dma_wait3A_244 = arith.constant 0 : i32
        %dma_wait3A_245 = tpu.memref_slice %arg10[%add3A_211, %dma_wait3A_244] : memref<32x128xi32, #tpu.memory_space<vmem>> -> memref<1x128xi32, #tpu.memory_space<vmem>>
        %dma_wait3A_246 = tpu.memref_squeeze %dma_wait3A_245 : memref<1x128xi32, #tpu.memory_space<vmem>> -> memref<128xi32, #tpu.memory_space<vmem>>
        %dma_wait3A_247 = arith.constant 0 : i32
        %dma_wait3A_248 = arith.constant 0 : i32
        %dma_wait3A_249 = tpu.memref_slice %arg9[%dma_wait3A_247, %dma_wait3A_248] : memref<2048x64xf32, #tpu.memory_space<vmem_shared>> -> memref<2048x64xf32, #tpu.memory_space<vmem_shared>>
        tpu.wait_indirect_dma semaphore(%run_scoped3A : memref<!tpu.dma_semaphore, #tpu.memory_space<semaphore_mem>>) src(%arg15 : memref<128x64xf32, #tpu.memory_space<vmem>>) dst(%dma_wait3A_249 : memref<2048x64xf32, #tpu.memory_space<vmem_shared>>)
        tpu.yield
      }) : () -> ()
      %add3A_231 = arith.constant 2 : i32
      %add3A_232 = arith.addi %add3A_211, %add3A_231 : i32
      %lt3A_233 = arith.constant 32 : i32
      %lt3A_234 = arith.cmpi slt, %add3A_232, %lt3A_233 : i32
      %convert_element_type3A_235 = arith.extui %lt3A_234 : i1 to i32
      %cond3A_236 = arith.constant 0 : i32
      %cond3A_237 = arith.cmpi ne, %convert_element_type3A_235, %cond3A_236 : i32
      scf.if %cond3A_237 {
        %add3A_238 = arith.constant 2 : i32
        %add3A_239 = arith.addi %add3A_211, %add3A_238 : i32
        %dma_start3A_240 = arith.constant 0 : i32
        %dma_start3A_241 = tpu.memref_slice %arg11[%add3A_239, %dma_start3A_240] : memref<32x128xi32, #tpu.memory_space<vmem>> -> memref<1x128xi32, #tpu.memory_space<vmem>>
        %dma_start3A_242 = tpu.memref_squeeze %dma_start3A_241 : memref<1x128xi32, #tpu.memory_space<vmem>> -> memref<128xi32, #tpu.memory_space<vmem>>
        %dma_start3A_243 = arith.constant 0 : i32
        %dma_start3A_244 = arith.constant 0 : i32
        %dma_start3A_245 = tpu.memref_slice %arg5[%dma_start3A_243, %dma_start3A_244] : memref<20096x64xf32, #tpu.memory_space<hbm>> -> memref<20096x64xf32, #tpu.memory_space<hbm>>
        tpu.enqueue_indirect_dma source(%dma_start3A_245 : memref<20096x64xf32, #tpu.memory_space<hbm>>) target(%arg15 : memref<128x64xf32, #tpu.memory_space<vmem>>) offsets(%dma_start3A_242 : memref<128xi32, #tpu.memory_space<vmem>>) semaphore(%arg19 : memref<!tpu.dma_semaphore, #tpu.memory_space<semaphore_mem>>)
      } else {
      }
    }
    %scan3A_134 = arith.constant 16 : i32
    %mul3A_135 = arith.constant 128 : i32
    %mul3A_136 = arith.muli %add3A, %mul3A_135 : i32
    %add3A_137 = arith.constant 96 : i32
    %add3A_138 = arith.addi %mul3A_136, %add3A_137 : i32
    "tpu.region"() ({
      %run_scoped3A = tpu.sem_alloc : memref<!tpu.dma_semaphore, #tpu.memory_space<semaphore_mem>>
      %dma_start3A_181 = arith.constant 0 : i32
      %dma_start3A_182 = tpu.memref_slice %arg2[%add3A_138, %dma_start3A_181] : memref<4096x128xi32, #tpu.memory_space<hbm>> -> memref<32x128xi32, #tpu.memory_space<hbm>>
      %dma_start3A_183 = arith.constant 0 : i32
      %dma_start3A_184 = tpu.memref_slice %arg2[%add3A_138, %dma_start3A_183] : memref<4096x128xi32, #tpu.memory_space<hbm>> -> memref<32x128xi32, #tpu.memory_space<hbm>>
      tpu.enqueue_dma source(%dma_start3A_184 : memref<32x128xi32, #tpu.memory_space<hbm>>) target(%arg10 : memref<32x128xi32, #tpu.memory_space<vmem>>) target_semaphore(%run_scoped3A : memref<!tpu.dma_semaphore, #tpu.memory_space<semaphore_mem>>)
      %dma_wait3A = arith.constant 0 : i32
      %dma_wait3A_185 = tpu.memref_slice %arg2[%add3A_138, %dma_wait3A] : memref<4096x128xi32, #tpu.memory_space<hbm>> -> memref<32x128xi32, #tpu.memory_space<hbm>>
      %dma_wait3A_186 = arith.constant 0 : i32
      %dma_wait3A_187 = tpu.memref_slice %arg2[%add3A_138, %dma_wait3A_186] : memref<4096x128xi32, #tpu.memory_space<hbm>> -> memref<32x128xi32, #tpu.memory_space<hbm>>
      tpu.wait_dma2 semaphore(%run_scoped3A : memref<!tpu.dma_semaphore, #tpu.memory_space<semaphore_mem>>) src(%dma_wait3A_187 : memref<32x128xi32, #tpu.memory_space<hbm>>) dst(%arg10 : memref<32x128xi32, #tpu.memory_space<vmem>>)
      tpu.yield
    }) : () -> ()
    "tpu.region"() ({
      %run_scoped3A = tpu.sem_alloc : memref<!tpu.dma_semaphore, #tpu.memory_space<semaphore_mem>>
      %dma_start3A_181 = arith.constant 0 : i32
      %dma_start3A_182 = tpu.memref_slice %arg3[%add3A_138, %dma_start3A_181] : memref<4096x128xi32, #tpu.memory_space<hbm>> -> memref<32x128xi32, #tpu.memory_space<hbm>>
      %dma_start3A_183 = arith.constant 0 : i32
      %dma_start3A_184 = tpu.memref_slice %arg3[%add3A_138, %dma_start3A_183] : memref<4096x128xi32, #tpu.memory_space<hbm>> -> memref<32x128xi32, #tpu.memory_space<hbm>>
      tpu.enqueue_dma source(%dma_start3A_184 : memref<32x128xi32, #tpu.memory_space<hbm>>) target(%arg11 : memref<32x128xi32, #tpu.memory_space<vmem>>) target_semaphore(%run_scoped3A : memref<!tpu.dma_semaphore, #tpu.memory_space<semaphore_mem>>)
      %dma_wait3A = arith.constant 0 : i32
      %dma_wait3A_185 = tpu.memref_slice %arg3[%add3A_138, %dma_wait3A] : memref<4096x128xi32, #tpu.memory_space<hbm>> -> memref<32x128xi32, #tpu.memory_space<hbm>>
      %dma_wait3A_186 = arith.constant 0 : i32
      %dma_wait3A_187 = tpu.memref_slice %arg3[%add3A_138, %dma_wait3A_186] : memref<4096x128xi32, #tpu.memory_space<hbm>> -> memref<32x128xi32, #tpu.memory_space<hbm>>
      tpu.wait_dma2 semaphore(%run_scoped3A : memref<!tpu.dma_semaphore, #tpu.memory_space<semaphore_mem>>) src(%dma_wait3A_187 : memref<32x128xi32, #tpu.memory_space<hbm>>) dst(%arg11 : memref<32x128xi32, #tpu.memory_space<vmem>>)
      tpu.yield
    }) : () -> ()
    %dma_start3A_139 = arith.constant 0 : i32
    %dma_start3A_140 = arith.constant 0 : i32
    %dma_start3A_141 = tpu.memref_slice %arg10[%dma_start3A_139, %dma_start3A_140] : memref<32x128xi32, #tpu.memory_space<vmem>> -> memref<1x128xi32, #tpu.memory_space<vmem>>
    %dma_start3A_142 = tpu.memref_squeeze %dma_start3A_141 : memref<1x128xi32, #tpu.memory_space<vmem>> -> memref<128xi32, #tpu.memory_space<vmem>>
    %dma_start3A_143 = arith.constant 0 : i32
    %dma_start3A_144 = arith.constant 0 : i32
    %dma_start3A_145 = tpu.memref_slice %arg4[%dma_start3A_143, %dma_start3A_144] : memref<2048x64xf32, #tpu.memory_space<hbm>> -> memref<2048x64xf32, #tpu.memory_space<hbm>>
    tpu.enqueue_indirect_dma source(%dma_start3A_145 : memref<2048x64xf32, #tpu.memory_space<hbm>>) target(%arg12 : memref<128x64xf32, #tpu.memory_space<vmem>>) offsets(%dma_start3A_142 : memref<128xi32, #tpu.memory_space<vmem>>) semaphore(%arg16 : memref<!tpu.dma_semaphore, #tpu.memory_space<semaphore_mem>>)
    %dma_start3A_146 = arith.constant 0 : i32
    %dma_start3A_147 = arith.constant 0 : i32
    %dma_start3A_148 = tpu.memref_slice %arg11[%dma_start3A_146, %dma_start3A_147] : memref<32x128xi32, #tpu.memory_space<vmem>> -> memref<1x128xi32, #tpu.memory_space<vmem>>
    %dma_start3A_149 = tpu.memref_squeeze %dma_start3A_148 : memref<1x128xi32, #tpu.memory_space<vmem>> -> memref<128xi32, #tpu.memory_space<vmem>>
    %dma_start3A_150 = arith.constant 0 : i32
    %dma_start3A_151 = arith.constant 0 : i32
    %dma_start3A_152 = tpu.memref_slice %arg5[%dma_start3A_150, %dma_start3A_151] : memref<20096x64xf32, #tpu.memory_space<hbm>> -> memref<20096x64xf32, #tpu.memory_space<hbm>>
    tpu.enqueue_indirect_dma source(%dma_start3A_152 : memref<20096x64xf32, #tpu.memory_space<hbm>>) target(%arg14 : memref<128x64xf32, #tpu.memory_space<vmem>>) offsets(%dma_start3A_149 : memref<128xi32, #tpu.memory_space<vmem>>) semaphore(%arg18 : memref<!tpu.dma_semaphore, #tpu.memory_space<semaphore_mem>>)
    %dma_start3A_153 = arith.constant 1 : i32
    %dma_start3A_154 = arith.constant 0 : i32
    %dma_start3A_155 = tpu.memref_slice %arg10[%dma_start3A_153, %dma_start3A_154] : memref<32x128xi32, #tpu.memory_space<vmem>> -> memref<1x128xi32, #tpu.memory_space<vmem>>
    %dma_start3A_156 = tpu.memref_squeeze %dma_start3A_155 : memref<1x128xi32, #tpu.memory_space<vmem>> -> memref<128xi32, #tpu.memory_space<vmem>>
    %dma_start3A_157 = arith.constant 0 : i32
    %dma_start3A_158 = arith.constant 0 : i32
    %dma_start3A_159 = tpu.memref_slice %arg4[%dma_start3A_157, %dma_start3A_158] : memref<2048x64xf32, #tpu.memory_space<hbm>> -> memref<2048x64xf32, #tpu.memory_space<hbm>>
    tpu.enqueue_indirect_dma source(%dma_start3A_159 : memref<2048x64xf32, #tpu.memory_space<hbm>>) target(%arg13 : memref<128x64xf32, #tpu.memory_space<vmem>>) offsets(%dma_start3A_156 : memref<128xi32, #tpu.memory_space<vmem>>) semaphore(%arg17 : memref<!tpu.dma_semaphore, #tpu.memory_space<semaphore_mem>>)
    %dma_start3A_160 = arith.constant 1 : i32
    %dma_start3A_161 = arith.constant 0 : i32
    %dma_start3A_162 = tpu.memref_slice %arg11[%dma_start3A_160, %dma_start3A_161] : memref<32x128xi32, #tpu.memory_space<vmem>> -> memref<1x128xi32, #tpu.memory_space<vmem>>
    %dma_start3A_163 = tpu.memref_squeeze %dma_start3A_162 : memref<1x128xi32, #tpu.memory_space<vmem>> -> memref<128xi32, #tpu.memory_space<vmem>>
    %dma_start3A_164 = arith.constant 0 : i32
    %dma_start3A_165 = arith.constant 0 : i32
    %dma_start3A_166 = tpu.memref_slice %arg5[%dma_start3A_164, %dma_start3A_165] : memref<20096x64xf32, #tpu.memory_space<hbm>> -> memref<20096x64xf32, #tpu.memory_space<hbm>>
    tpu.enqueue_indirect_dma source(%dma_start3A_166 : memref<20096x64xf32, #tpu.memory_space<hbm>>) target(%arg15 : memref<128x64xf32, #tpu.memory_space<vmem>>) offsets(%dma_start3A_163 : memref<128xi32, #tpu.memory_space<vmem>>) semaphore(%arg19 : memref<!tpu.dma_semaphore, #tpu.memory_space<semaphore_mem>>)
    %scan3A_167 = arith.constant 0 : i32
    %scan3A_168 = arith.constant 16 : i32
    %scan3A_169 = arith.addi %scan3A_167, %scan3A_168 : i32
    %scan3A_170 = arith.constant 1 : i32
    scf.for %scan3A_181 = %scan3A_167 to %scan3A_169 step %scan3A_170  : i32 {
      %mul3A_182 = arith.constant 2 : i32
      %mul3A_183 = arith.muli %scan3A_181, %mul3A_182 : i32
      %add3A_184 = arith.constant 0 : i32
      %add3A_185 = arith.addi %add3A_184, %mul3A_183 : i32
      %add3A_186 = arith.constant 0 : i32
      %add3A_187 = arith.addi %add3A_185, %add3A_186 : i32
      %dma_wait3A = arith.constant 0 : i32
      %dma_wait3A_188 = tpu.memref_slice %arg10[%add3A_187, %dma_wait3A] : memref<32x128xi32, #tpu.memory_space<vmem>> -> memref<1x128xi32, #tpu.memory_space<vmem>>
      %dma_wait3A_189 = tpu.memref_squeeze %dma_wait3A_188 : memref<1x128xi32, #tpu.memory_space<vmem>> -> memref<128xi32, #tpu.memory_space<vmem>>
      %dma_wait3A_190 = arith.constant 0 : i32
      %dma_wait3A_191 = arith.constant 0 : i32
      %dma_wait3A_192 = tpu.memref_slice %arg4[%dma_wait3A_190, %dma_wait3A_191] : memref<2048x64xf32, #tpu.memory_space<hbm>> -> memref<2048x64xf32, #tpu.memory_space<hbm>>
      tpu.wait_indirect_dma semaphore(%arg16 : memref<!tpu.dma_semaphore, #tpu.memory_space<semaphore_mem>>) src(%dma_wait3A_192 : memref<2048x64xf32, #tpu.memory_space<hbm>>) dst(%arg12 : memref<128x64xf32, #tpu.memory_space<vmem>>)
      "tpu.region"() ({
        %run_scoped3A = tpu.sem_alloc : memref<!tpu.dma_semaphore, #tpu.memory_space<semaphore_mem>>
        %dma_start3A_238 = arith.constant 0 : i32
        %dma_start3A_239 = tpu.memref_slice %arg11[%add3A_187, %dma_start3A_238] : memref<32x128xi32, #tpu.memory_space<vmem>> -> memref<1x128xi32, #tpu.memory_space<vmem>>
        %dma_start3A_240 = tpu.memref_squeeze %dma_start3A_239 : memref<1x128xi32, #tpu.memory_space<vmem>> -> memref<128xi32, #tpu.memory_space<vmem>>
        %dma_start3A_241 = arith.constant 0 : i32
        %dma_start3A_242 = arith.constant 0 : i32
        %dma_start3A_243 = tpu.memref_slice %arg8[%dma_start3A_241, %dma_start3A_242] : memref<20096x64xf32, #tpu.memory_space<vmem_shared>> -> memref<20096x64xf32, #tpu.memory_space<vmem_shared>>
        tpu.enqueue_indirect_dma source(%arg12 : memref<128x64xf32, #tpu.memory_space<vmem>>) target(%dma_start3A_243 : memref<20096x64xf32, #tpu.memory_space<vmem_shared>>) offsets(%dma_start3A_240 : memref<128xi32, #tpu.memory_space<vmem>>) semaphore(%run_scoped3A : memref<!tpu.dma_semaphore, #tpu.memory_space<semaphore_mem>>) {add = true}
        %dma_wait3A_244 = arith.constant 0 : i32
        %dma_wait3A_245 = tpu.memref_slice %arg11[%add3A_187, %dma_wait3A_244] : memref<32x128xi32, #tpu.memory_space<vmem>> -> memref<1x128xi32, #tpu.memory_space<vmem>>
        %dma_wait3A_246 = tpu.memref_squeeze %dma_wait3A_245 : memref<1x128xi32, #tpu.memory_space<vmem>> -> memref<128xi32, #tpu.memory_space<vmem>>
        %dma_wait3A_247 = arith.constant 0 : i32
        %dma_wait3A_248 = arith.constant 0 : i32
        %dma_wait3A_249 = tpu.memref_slice %arg8[%dma_wait3A_247, %dma_wait3A_248] : memref<20096x64xf32, #tpu.memory_space<vmem_shared>> -> memref<20096x64xf32, #tpu.memory_space<vmem_shared>>
        tpu.wait_indirect_dma semaphore(%run_scoped3A : memref<!tpu.dma_semaphore, #tpu.memory_space<semaphore_mem>>) src(%arg12 : memref<128x64xf32, #tpu.memory_space<vmem>>) dst(%dma_wait3A_249 : memref<20096x64xf32, #tpu.memory_space<vmem_shared>>)
        tpu.yield
      }) : () -> ()
      %add3A_193 = arith.constant 2 : i32
      %add3A_194 = arith.addi %add3A_187, %add3A_193 : i32
      %lt3A = arith.constant 32 : i32
      %lt3A_195 = arith.cmpi slt, %add3A_194, %lt3A : i32
      %convert_element_type3A = arith.extui %lt3A_195 : i1 to i32
      %cond3A = arith.constant 0 : i32
      %cond3A_196 = arith.cmpi ne, %convert_element_type3A, %cond3A : i32
      scf.if %cond3A_196 {
        %add3A_238 = arith.constant 2 : i32
        %add3A_239 = arith.addi %add3A_187, %add3A_238 : i32
        %dma_start3A_240 = arith.constant 0 : i32
        %dma_start3A_241 = tpu.memref_slice %arg10[%add3A_239, %dma_start3A_240] : memref<32x128xi32, #tpu.memory_space<vmem>> -> memref<1x128xi32, #tpu.memory_space<vmem>>
        %dma_start3A_242 = tpu.memref_squeeze %dma_start3A_241 : memref<1x128xi32, #tpu.memory_space<vmem>> -> memref<128xi32, #tpu.memory_space<vmem>>
        %dma_start3A_243 = arith.constant 0 : i32
        %dma_start3A_244 = arith.constant 0 : i32
        %dma_start3A_245 = tpu.memref_slice %arg4[%dma_start3A_243, %dma_start3A_244] : memref<2048x64xf32, #tpu.memory_space<hbm>> -> memref<2048x64xf32, #tpu.memory_space<hbm>>
        tpu.enqueue_indirect_dma source(%dma_start3A_245 : memref<2048x64xf32, #tpu.memory_space<hbm>>) target(%arg12 : memref<128x64xf32, #tpu.memory_space<vmem>>) offsets(%dma_start3A_242 : memref<128xi32, #tpu.memory_space<vmem>>) semaphore(%arg16 : memref<!tpu.dma_semaphore, #tpu.memory_space<semaphore_mem>>)
      } else {
      }
      %dma_wait3A_197 = arith.constant 0 : i32
      %dma_wait3A_198 = tpu.memref_slice %arg11[%add3A_187, %dma_wait3A_197] : memref<32x128xi32, #tpu.memory_space<vmem>> -> memref<1x128xi32, #tpu.memory_space<vmem>>
      %dma_wait3A_199 = tpu.memref_squeeze %dma_wait3A_198 : memref<1x128xi32, #tpu.memory_space<vmem>> -> memref<128xi32, #tpu.memory_space<vmem>>
      %dma_wait3A_200 = arith.constant 0 : i32
      %dma_wait3A_201 = arith.constant 0 : i32
      %dma_wait3A_202 = tpu.memref_slice %arg5[%dma_wait3A_200, %dma_wait3A_201] : memref<20096x64xf32, #tpu.memory_space<hbm>> -> memref<20096x64xf32, #tpu.memory_space<hbm>>
      tpu.wait_indirect_dma semaphore(%arg18 : memref<!tpu.dma_semaphore, #tpu.memory_space<semaphore_mem>>) src(%dma_wait3A_202 : memref<20096x64xf32, #tpu.memory_space<hbm>>) dst(%arg14 : memref<128x64xf32, #tpu.memory_space<vmem>>)
      "tpu.region"() ({
        %run_scoped3A = tpu.sem_alloc : memref<!tpu.dma_semaphore, #tpu.memory_space<semaphore_mem>>
        %dma_start3A_238 = arith.constant 0 : i32
        %dma_start3A_239 = tpu.memref_slice %arg10[%add3A_187, %dma_start3A_238] : memref<32x128xi32, #tpu.memory_space<vmem>> -> memref<1x128xi32, #tpu.memory_space<vmem>>
        %dma_start3A_240 = tpu.memref_squeeze %dma_start3A_239 : memref<1x128xi32, #tpu.memory_space<vmem>> -> memref<128xi32, #tpu.memory_space<vmem>>
        %dma_start3A_241 = arith.constant 0 : i32
        %dma_start3A_242 = arith.constant 0 : i32
        %dma_start3A_243 = tpu.memref_slice %arg9[%dma_start3A_241, %dma_start3A_242] : memref<2048x64xf32, #tpu.memory_space<vmem_shared>> -> memref<2048x64xf32, #tpu.memory_space<vmem_shared>>
        tpu.enqueue_indirect_dma source(%arg14 : memref<128x64xf32, #tpu.memory_space<vmem>>) target(%dma_start3A_243 : memref<2048x64xf32, #tpu.memory_space<vmem_shared>>) offsets(%dma_start3A_240 : memref<128xi32, #tpu.memory_space<vmem>>) semaphore(%run_scoped3A : memref<!tpu.dma_semaphore, #tpu.memory_space<semaphore_mem>>) {add = true}
        %dma_wait3A_244 = arith.constant 0 : i32
        %dma_wait3A_245 = tpu.memref_slice %arg10[%add3A_187, %dma_wait3A_244] : memref<32x128xi32, #tpu.memory_space<vmem>> -> memref<1x128xi32, #tpu.memory_space<vmem>>
        %dma_wait3A_246 = tpu.memref_squeeze %dma_wait3A_245 : memref<1x128xi32, #tpu.memory_space<vmem>> -> memref<128xi32, #tpu.memory_space<vmem>>
        %dma_wait3A_247 = arith.constant 0 : i32
        %dma_wait3A_248 = arith.constant 0 : i32
        %dma_wait3A_249 = tpu.memref_slice %arg9[%dma_wait3A_247, %dma_wait3A_248] : memref<2048x64xf32, #tpu.memory_space<vmem_shared>> -> memref<2048x64xf32, #tpu.memory_space<vmem_shared>>
        tpu.wait_indirect_dma semaphore(%run_scoped3A : memref<!tpu.dma_semaphore, #tpu.memory_space<semaphore_mem>>) src(%arg14 : memref<128x64xf32, #tpu.memory_space<vmem>>) dst(%dma_wait3A_249 : memref<2048x64xf32, #tpu.memory_space<vmem_shared>>)
        tpu.yield
      }) : () -> ()
      %add3A_203 = arith.constant 2 : i32
      %add3A_204 = arith.addi %add3A_187, %add3A_203 : i32
      %lt3A_205 = arith.constant 32 : i32
      %lt3A_206 = arith.cmpi slt, %add3A_204, %lt3A_205 : i32
      %convert_element_type3A_207 = arith.extui %lt3A_206 : i1 to i32
      %cond3A_208 = arith.constant 0 : i32
      %cond3A_209 = arith.cmpi ne, %convert_element_type3A_207, %cond3A_208 : i32
      scf.if %cond3A_209 {
        %add3A_238 = arith.constant 2 : i32
        %add3A_239 = arith.addi %add3A_187, %add3A_238 : i32
        %dma_start3A_240 = arith.constant 0 : i32
        %dma_start3A_241 = tpu.memref_slice %arg11[%add3A_239, %dma_start3A_240] : memref<32x128xi32, #tpu.memory_space<vmem>> -> memref<1x128xi32, #tpu.memory_space<vmem>>
        %dma_start3A_242 = tpu.memref_squeeze %dma_start3A_241 : memref<1x128xi32, #tpu.memory_space<vmem>> -> memref<128xi32, #tpu.memory_space<vmem>>
        %dma_start3A_243 = arith.constant 0 : i32
        %dma_start3A_244 = arith.constant 0 : i32
        %dma_start3A_245 = tpu.memref_slice %arg5[%dma_start3A_243, %dma_start3A_244] : memref<20096x64xf32, #tpu.memory_space<hbm>> -> memref<20096x64xf32, #tpu.memory_space<hbm>>
        tpu.enqueue_indirect_dma source(%dma_start3A_245 : memref<20096x64xf32, #tpu.memory_space<hbm>>) target(%arg14 : memref<128x64xf32, #tpu.memory_space<vmem>>) offsets(%dma_start3A_242 : memref<128xi32, #tpu.memory_space<vmem>>) semaphore(%arg18 : memref<!tpu.dma_semaphore, #tpu.memory_space<semaphore_mem>>)
      } else {
      }
      %add3A_210 = arith.constant 1 : i32
      %add3A_211 = arith.addi %add3A_185, %add3A_210 : i32
      %dma_wait3A_212 = arith.constant 0 : i32
      %dma_wait3A_213 = tpu.memref_slice %arg10[%add3A_211, %dma_wait3A_212] : memref<32x128xi32, #tpu.memory_space<vmem>> -> memref<1x128xi32, #tpu.memory_space<vmem>>
      %dma_wait3A_214 = tpu.memref_squeeze %dma_wait3A_213 : memref<1x128xi32, #tpu.memory_space<vmem>> -> memref<128xi32, #tpu.memory_space<vmem>>
      %dma_wait3A_215 = arith.constant 0 : i32
      %dma_wait3A_216 = arith.constant 0 : i32
      %dma_wait3A_217 = tpu.memref_slice %arg4[%dma_wait3A_215, %dma_wait3A_216] : memref<2048x64xf32, #tpu.memory_space<hbm>> -> memref<2048x64xf32, #tpu.memory_space<hbm>>
      tpu.wait_indirect_dma semaphore(%arg17 : memref<!tpu.dma_semaphore, #tpu.memory_space<semaphore_mem>>) src(%dma_wait3A_217 : memref<2048x64xf32, #tpu.memory_space<hbm>>) dst(%arg13 : memref<128x64xf32, #tpu.memory_space<vmem>>)
      "tpu.region"() ({
        %run_scoped3A = tpu.sem_alloc : memref<!tpu.dma_semaphore, #tpu.memory_space<semaphore_mem>>
        %dma_start3A_238 = arith.constant 0 : i32
        %dma_start3A_239 = tpu.memref_slice %arg11[%add3A_211, %dma_start3A_238] : memref<32x128xi32, #tpu.memory_space<vmem>> -> memref<1x128xi32, #tpu.memory_space<vmem>>
        %dma_start3A_240 = tpu.memref_squeeze %dma_start3A_239 : memref<1x128xi32, #tpu.memory_space<vmem>> -> memref<128xi32, #tpu.memory_space<vmem>>
        %dma_start3A_241 = arith.constant 0 : i32
        %dma_start3A_242 = arith.constant 0 : i32
        %dma_start3A_243 = tpu.memref_slice %arg8[%dma_start3A_241, %dma_start3A_242] : memref<20096x64xf32, #tpu.memory_space<vmem_shared>> -> memref<20096x64xf32, #tpu.memory_space<vmem_shared>>
        tpu.enqueue_indirect_dma source(%arg13 : memref<128x64xf32, #tpu.memory_space<vmem>>) target(%dma_start3A_243 : memref<20096x64xf32, #tpu.memory_space<vmem_shared>>) offsets(%dma_start3A_240 : memref<128xi32, #tpu.memory_space<vmem>>) semaphore(%run_scoped3A : memref<!tpu.dma_semaphore, #tpu.memory_space<semaphore_mem>>) {add = true}
        %dma_wait3A_244 = arith.constant 0 : i32
        %dma_wait3A_245 = tpu.memref_slice %arg11[%add3A_211, %dma_wait3A_244] : memref<32x128xi32, #tpu.memory_space<vmem>> -> memref<1x128xi32, #tpu.memory_space<vmem>>
        %dma_wait3A_246 = tpu.memref_squeeze %dma_wait3A_245 : memref<1x128xi32, #tpu.memory_space<vmem>> -> memref<128xi32, #tpu.memory_space<vmem>>
        %dma_wait3A_247 = arith.constant 0 : i32
        %dma_wait3A_248 = arith.constant 0 : i32
        %dma_wait3A_249 = tpu.memref_slice %arg8[%dma_wait3A_247, %dma_wait3A_248] : memref<20096x64xf32, #tpu.memory_space<vmem_shared>> -> memref<20096x64xf32, #tpu.memory_space<vmem_shared>>
        tpu.wait_indirect_dma semaphore(%run_scoped3A : memref<!tpu.dma_semaphore, #tpu.memory_space<semaphore_mem>>) src(%arg13 : memref<128x64xf32, #tpu.memory_space<vmem>>) dst(%dma_wait3A_249 : memref<20096x64xf32, #tpu.memory_space<vmem_shared>>)
        tpu.yield
      }) : () -> ()
      %add3A_218 = arith.constant 2 : i32
      %add3A_219 = arith.addi %add3A_211, %add3A_218 : i32
      %lt3A_220 = arith.constant 32 : i32
      %lt3A_221 = arith.cmpi slt, %add3A_219, %lt3A_220 : i32
      %convert_element_type3A_222 = arith.extui %lt3A_221 : i1 to i32
      %cond3A_223 = arith.constant 0 : i32
      %cond3A_224 = arith.cmpi ne, %convert_element_type3A_222, %cond3A_223 : i32
      scf.if %cond3A_224 {
        %add3A_238 = arith.constant 2 : i32
        %add3A_239 = arith.addi %add3A_211, %add3A_238 : i32
        %dma_start3A_240 = arith.constant 0 : i32
        %dma_start3A_241 = tpu.memref_slice %arg10[%add3A_239, %dma_start3A_240] : memref<32x128xi32, #tpu.memory_space<vmem>> -> memref<1x128xi32, #tpu.memory_space<vmem>>
        %dma_start3A_242 = tpu.memref_squeeze %dma_start3A_241 : memref<1x128xi32, #tpu.memory_space<vmem>> -> memref<128xi32, #tpu.memory_space<vmem>>
        %dma_start3A_243 = arith.constant 0 : i32
        %dma_start3A_244 = arith.constant 0 : i32
        %dma_start3A_245 = tpu.memref_slice %arg4[%dma_start3A_243, %dma_start3A_244] : memref<2048x64xf32, #tpu.memory_space<hbm>> -> memref<2048x64xf32, #tpu.memory_space<hbm>>
        tpu.enqueue_indirect_dma source(%dma_start3A_245 : memref<2048x64xf32, #tpu.memory_space<hbm>>) target(%arg13 : memref<128x64xf32, #tpu.memory_space<vmem>>) offsets(%dma_start3A_242 : memref<128xi32, #tpu.memory_space<vmem>>) semaphore(%arg17 : memref<!tpu.dma_semaphore, #tpu.memory_space<semaphore_mem>>)
      } else {
      }
      %dma_wait3A_225 = arith.constant 0 : i32
      %dma_wait3A_226 = tpu.memref_slice %arg11[%add3A_211, %dma_wait3A_225] : memref<32x128xi32, #tpu.memory_space<vmem>> -> memref<1x128xi32, #tpu.memory_space<vmem>>
      %dma_wait3A_227 = tpu.memref_squeeze %dma_wait3A_226 : memref<1x128xi32, #tpu.memory_space<vmem>> -> memref<128xi32, #tpu.memory_space<vmem>>
      %dma_wait3A_228 = arith.constant 0 : i32
      %dma_wait3A_229 = arith.constant 0 : i32
      %dma_wait3A_230 = tpu.memref_slice %arg5[%dma_wait3A_228, %dma_wait3A_229] : memref<20096x64xf32, #tpu.memory_space<hbm>> -> memref<20096x64xf32, #tpu.memory_space<hbm>>
      tpu.wait_indirect_dma semaphore(%arg19 : memref<!tpu.dma_semaphore, #tpu.memory_space<semaphore_mem>>) src(%dma_wait3A_230 : memref<20096x64xf32, #tpu.memory_space<hbm>>) dst(%arg15 : memref<128x64xf32, #tpu.memory_space<vmem>>)
      "tpu.region"() ({
        %run_scoped3A = tpu.sem_alloc : memref<!tpu.dma_semaphore, #tpu.memory_space<semaphore_mem>>
        %dma_start3A_238 = arith.constant 0 : i32
        %dma_start3A_239 = tpu.memref_slice %arg10[%add3A_211, %dma_start3A_238] : memref<32x128xi32, #tpu.memory_space<vmem>> -> memref<1x128xi32, #tpu.memory_space<vmem>>
        %dma_start3A_240 = tpu.memref_squeeze %dma_start3A_239 : memref<1x128xi32, #tpu.memory_space<vmem>> -> memref<128xi32, #tpu.memory_space<vmem>>
        %dma_start3A_241 = arith.constant 0 : i32
        %dma_start3A_242 = arith.constant 0 : i32
        %dma_start3A_243 = tpu.memref_slice %arg9[%dma_start3A_241, %dma_start3A_242] : memref<2048x64xf32, #tpu.memory_space<vmem_shared>> -> memref<2048x64xf32, #tpu.memory_space<vmem_shared>>
        tpu.enqueue_indirect_dma source(%arg15 : memref<128x64xf32, #tpu.memory_space<vmem>>) target(%dma_start3A_243 : memref<2048x64xf32, #tpu.memory_space<vmem_shared>>) offsets(%dma_start3A_240 : memref<128xi32, #tpu.memory_space<vmem>>) semaphore(%run_scoped3A : memref<!tpu.dma_semaphore, #tpu.memory_space<semaphore_mem>>) {add = true}
        %dma_wait3A_244 = arith.constant 0 : i32
        %dma_wait3A_245 = tpu.memref_slice %arg10[%add3A_211, %dma_wait3A_244] : memref<32x128xi32, #tpu.memory_space<vmem>> -> memref<1x128xi32, #tpu.memory_space<vmem>>
        %dma_wait3A_246 = tpu.memref_squeeze %dma_wait3A_245 : memref<1x128xi32, #tpu.memory_space<vmem>> -> memref<128xi32, #tpu.memory_space<vmem>>
        %dma_wait3A_247 = arith.constant 0 : i32
        %dma_wait3A_248 = arith.constant 0 : i32
        %dma_wait3A_249 = tpu.memref_slice %arg9[%dma_wait3A_247, %dma_wait3A_248] : memref<2048x64xf32, #tpu.memory_space<vmem_shared>> -> memref<2048x64xf32, #tpu.memory_space<vmem_shared>>
        tpu.wait_indirect_dma semaphore(%run_scoped3A : memref<!tpu.dma_semaphore, #tpu.memory_space<semaphore_mem>>) src(%arg15 : memref<128x64xf32, #tpu.memory_space<vmem>>) dst(%dma_wait3A_249 : memref<2048x64xf32, #tpu.memory_space<vmem_shared>>)
        tpu.yield
      }) : () -> ()
      %add3A_231 = arith.constant 2 : i32
      %add3A_232 = arith.addi %add3A_211, %add3A_231 : i32
      %lt3A_233 = arith.constant 32 : i32
      %lt3A_234 = arith.cmpi slt, %add3A_232, %lt3A_233 : i32
      %convert_element_type3A_235 = arith.extui %lt3A_234 : i1 to i32
      %cond3A_236 = arith.constant 0 : i32
      %cond3A_237 = arith.cmpi ne, %convert_element_type3A_235, %cond3A_236 : i32
      scf.if %cond3A_237 {
        %add3A_238 = arith.constant 2 : i32
        %add3A_239 = arith.addi %add3A_211, %add3A_238 : i32
        %dma_start3A_240 = arith.constant 0 : i32
        %dma_start3A_241 = tpu.memref_slice %arg11[%add3A_239, %dma_start3A_240] : memref<32x128xi32, #tpu.memory_space<vmem>> -> memref<1x128xi32, #tpu.memory_space<vmem>>
        %dma_start3A_242 = tpu.memref_squeeze %dma_start3A_241 : memref<1x128xi32, #tpu.memory_space<vmem>> -> memref<128xi32, #tpu.memory_space<vmem>>
        %dma_start3A_243 = arith.constant 0 : i32
        %dma_start3A_244 = arith.constant 0 : i32
        %dma_start3A_245 = tpu.memref_slice %arg5[%dma_start3A_243, %dma_start3A_244] : memref<20096x64xf32, #tpu.memory_space<hbm>> -> memref<20096x64xf32, #tpu.memory_space<hbm>>
        tpu.enqueue_indirect_dma source(%dma_start3A_245 : memref<20096x64xf32, #tpu.memory_space<hbm>>) target(%arg15 : memref<128x64xf32, #tpu.memory_space<vmem>>) offsets(%dma_start3A_242 : memref<128xi32, #tpu.memory_space<vmem>>) semaphore(%arg19 : memref<!tpu.dma_semaphore, #tpu.memory_space<semaphore_mem>>)
      } else {
      }
    }
    %scan3A_171 = arith.constant 16 : i32
    %barrier3A_172 = arith.constant 0 : index
    tpu.barrier barrier_id(%barrier3A_172)
    %mul3A_173 = arith.constant 1256 : i32
    %mul3A_174 = arith.muli %arg1, %mul3A_173 : i32
    %mul3A_175 = arith.constant 1256 : i32
    %mul3A_176 = arith.muli %arg1, %mul3A_175 : i32
    "tpu.region"() ({
      %run_scoped3A = tpu.sem_alloc : memref<!tpu.dma_semaphore, #tpu.memory_space<semaphore_mem>>
      %dma_start3A_181 = arith.constant 0 : i32
      %dma_start3A_182 = tpu.memref_slice %arg6[%arg0, %mul3A_176, %dma_start3A_181] : memref<2x20096x64xf32, #tpu.memory_space<hbm>> -> memref<1x1256x64xf32, #tpu.memory_space<hbm>>
      %dma_start3A_183 = tpu.memref_squeeze %dma_start3A_182 : memref<1x1256x64xf32, #tpu.memory_space<hbm>> -> memref<1256x64xf32, #tpu.memory_space<hbm>>
      %dma_start3A_184 = arith.constant 0 : i32
      %dma_start3A_185 = tpu.memref_slice %arg8[%mul3A_174, %dma_start3A_184] : memref<20096x64xf32, #tpu.memory_space<vmem_shared>> -> memref<1256x64xf32, #tpu.memory_space<vmem_shared>>
      tpu.enqueue_dma source(%dma_start3A_185 : memref<1256x64xf32, #tpu.memory_space<vmem_shared>>) target(%dma_start3A_183 : memref<1256x64xf32, #tpu.memory_space<hbm>>) target_semaphore(%run_scoped3A : memref<!tpu.dma_semaphore, #tpu.memory_space<semaphore_mem>>)
      %dma_wait3A = arith.constant 0 : i32
      %dma_wait3A_186 = tpu.memref_slice %arg6[%arg0, %mul3A_176, %dma_wait3A] : memref<2x20096x64xf32, #tpu.memory_space<hbm>> -> memref<1x1256x64xf32, #tpu.memory_space<hbm>>
      %dma_wait3A_187 = tpu.memref_squeeze %dma_wait3A_186 : memref<1x1256x64xf32, #tpu.memory_space<hbm>> -> memref<1256x64xf32, #tpu.memory_space<hbm>>
      %dma_wait3A_188 = arith.constant 0 : i32
      %dma_wait3A_189 = tpu.memref_slice %arg8[%mul3A_174, %dma_wait3A_188] : memref<20096x64xf32, #tpu.memory_space<vmem_shared>> -> memref<1256x64xf32, #tpu.memory_space<vmem_shared>>
      tpu.wait_dma2 semaphore(%run_scoped3A : memref<!tpu.dma_semaphore, #tpu.memory_space<semaphore_mem>>) src(%dma_wait3A_189 : memref<1256x64xf32, #tpu.memory_space<vmem_shared>>) dst(%dma_wait3A_187 : memref<1256x64xf32, #tpu.memory_space<hbm>>)
      tpu.yield
    }) : () -> ()
    %mul3A_177 = arith.constant 128 : i32
    %mul3A_178 = arith.muli %arg1, %mul3A_177 : i32
    %mul3A_179 = arith.constant 128 : i32
    %mul3A_180 = arith.muli %arg1, %mul3A_179 : i32
    "tpu.region"() ({
      %run_scoped3A = tpu.sem_alloc : memref<!tpu.dma_semaphore, #tpu.memory_space<semaphore_mem>>
      %dma_start3A_181 = arith.constant 0 : i32
      %dma_start3A_182 = tpu.memref_slice %arg7[%arg0, %mul3A_180, %dma_start3A_181] : memref<2x2048x64xf32, #tpu.memory_space<hbm>> -> memref<1x128x64xf32, #tpu.memory_space<hbm>>
      %dma_start3A_183 = tpu.memref_squeeze %dma_start3A_182 : memref<1x128x64xf32, #tpu.memory_space<hbm>> -> memref<128x64xf32, #tpu.memory_space<hbm>>
      %dma_start3A_184 = arith.constant 0 : i32
      %dma_start3A_185 = tpu.memref_slice %arg9[%mul3A_178, %dma_start3A_184] : memref<2048x64xf32, #tpu.memory_space<vmem_shared>> -> memref<128x64xf32, #tpu.memory_space<vmem_shared>>
      tpu.enqueue_dma source(%dma_start3A_185 : memref<128x64xf32, #tpu.memory_space<vmem_shared>>) target(%dma_start3A_183 : memref<128x64xf32, #tpu.memory_space<hbm>>) target_semaphore(%run_scoped3A : memref<!tpu.dma_semaphore, #tpu.memory_space<semaphore_mem>>)
      %dma_wait3A = arith.constant 0 : i32
      %dma_wait3A_186 = tpu.memref_slice %arg7[%arg0, %mul3A_180, %dma_wait3A] : memref<2x2048x64xf32, #tpu.memory_space<hbm>> -> memref<1x128x64xf32, #tpu.memory_space<hbm>>
      %dma_wait3A_187 = tpu.memref_squeeze %dma_wait3A_186 : memref<1x128x64xf32, #tpu.memory_space<hbm>> -> memref<128x64xf32, #tpu.memory_space<hbm>>
      %dma_wait3A_188 = arith.constant 0 : i32
      %dma_wait3A_189 = tpu.memref_slice %arg9[%mul3A_178, %dma_wait3A_188] : memref<2048x64xf32, #tpu.memory_space<vmem_shared>> -> memref<128x64xf32, #tpu.memory_space<vmem_shared>>
      tpu.wait_dma2 semaphore(%run_scoped3A : memref<!tpu.dma_semaphore, #tpu.memory_space<semaphore_mem>>) src(%dma_wait3A_189 : memref<128x64xf32, #tpu.memory_space<vmem_shared>>) dst(%dma_wait3A_187 : memref<128x64xf32, #tpu.memory_space<hbm>>)
      tpu.yield
    }) : () -> ()
    return
  }
}

module attributes {stable_mosaic.version = 14 : i64} {
  func.func @_mm_body(%arg0: i32, %arg1: memref<1024x128xf32, #tpu.memory_space<vmem>>, %arg2: memref<128x64xf32, #tpu.memory_space<vmem>>, %arg3: memref<1024x64xf32, #tpu.memory_space<vmem>>) attributes {dimension_semantics = [#tpu.dimension_semantics<arbitrary>], iteration_bounds = array<i64: 20>, scalar_prefetch = 0 : i64, scratch_operands = 0 : i64, tpu.core_type = #tpu.core_type<tc>, window_params = [{transform_indices = @transform_0, window_bounds = array<i64: 1024, 128>}, {pipeline_mode = #tpu.pipeline_mode<synchronous>, transform_indices = @transform_1, window_bounds = array<i64: 128, 64>}, {transform_indices = @transform_2, window_bounds = array<i64: 1024, 64>}]} {
    %get3A = arith.constant 0 : index
    %get3A_0 = arith.constant 0 : index
    %get3A_1 = vector.load %arg1[%get3A, %get3A_0] : memref<1024x128xf32, #tpu.memory_space<vmem>>, vector<1024x128xf32>
    %get3A_2 = arith.constant 0 : index
    %get3A_3 = arith.constant 0 : index
    %get3A_4 = vector.load %arg2[%get3A_2, %get3A_3] : memref<128x64xf32, #tpu.memory_space<vmem>>, vector<128x64xf32>
    %dot_general3A = arith.constant dense<0.000000e+00> : vector<1024x64xf32>
    %dot_general3A_5 = tpu.matmul %get3A_1, %get3A_4, %dot_general3A {dimension_numbers = #tpu.dot_dimension_numbers<[1], [0], [0], [1], [0, 0, 1, 1], [], []>, precision = #tpu.contract_precision<fp32>, transpose_lhs_hint = false} : vector<1024x128xf32>, vector<128x64xf32>, vector<1024x64xf32> -> vector<1024x64xf32>
    %swap3A = arith.constant 0 : index
    %swap3A_6 = arith.constant 0 : index
    %swap3A_7 = vector.load %arg3[%swap3A, %swap3A_6] : memref<1024x64xf32, #tpu.memory_space<vmem>>, vector<1024x64xf32>
    tpu.vector_store %arg3[%swap3A, %swap3A_6], %dot_general3A_5 {strides = array<i32>} : memref<1024x64xf32, #tpu.memory_space<vmem>>, vector<1024x64xf32>,
    return
  }
  func.func @transform_0(%arg0: i32) -> (i32, i32) {
    %c0_i32 = arith.constant 0 : i32
    %c0_i32_0 = arith.constant 0 : i32
    return %arg0, %c0_i32 : i32, i32
  }
  func.func @transform_1(%arg0: i32) -> (i32, i32) {
    %c0_i32 = arith.constant 0 : i32
    %c0_i32_0 = arith.constant 0 : i32
    %c0_i32_1 = arith.constant 0 : i32
    return %c0_i32, %c0_i32_0 : i32, i32
  }
  func.func @transform_2(%arg0: i32) -> (i32, i32) {
    %c0_i32 = arith.constant 0 : i32
    %c0_i32_0 = arith.constant 0 : i32
    return %arg0, %c0_i32 : i32, i32
  }
}

module attributes {stable_mosaic.version = 14 : i64} {
  func.func @_split_mm_body(%arg0: i32, %arg1: memref<1024x128xf32, #tpu.memory_space<vmem>>, %arg2: memref<128x128xf32, #tpu.memory_space<vmem>>, %arg3: memref<1024x64xf32, #tpu.memory_space<vmem>>, %arg4: memref<1024x64xf32, #tpu.memory_space<vmem>>) attributes {dimension_semantics = [#tpu.dimension_semantics<arbitrary>], iteration_bounds = array<i64: 2>, scalar_prefetch = 0 : i64, scratch_operands = 0 : i64, tpu.core_type = #tpu.core_type<tc>, window_params = [{transform_indices = @transform_0, window_bounds = array<i64: 1024, 128>}, {pipeline_mode = #tpu.pipeline_mode<synchronous>, transform_indices = @transform_1, window_bounds = array<i64: 128, 128>}, {transform_indices = @transform_2, window_bounds = array<i64: 1024, 64>}, {transform_indices = @transform_3, window_bounds = array<i64: 1024, 64>}]} {
    %get3A = arith.constant 0 : index
    %get3A_0 = arith.constant 0 : index
    %get3A_1 = vector.load %arg1[%get3A, %get3A_0] : memref<1024x128xf32, #tpu.memory_space<vmem>>, vector<1024x128xf32>
    %get3A_2 = arith.constant 0 : index
    %get3A_3 = arith.constant 0 : index
    %get3A_4 = vector.load %arg2[%get3A_2, %get3A_3] : memref<128x128xf32, #tpu.memory_space<vmem>>, vector<128x128xf32>
    %dot_general3A = arith.constant dense<0.000000e+00> : vector<1024x128xf32>
    %dot_general3A_5 = tpu.matmul %get3A_1, %get3A_4, %dot_general3A {dimension_numbers = #tpu.dot_dimension_numbers<[1], [0], [0], [1], [0, 0, 1, 1], [], []>, precision = #tpu.contract_precision<fp32>, transpose_lhs_hint = false} : vector<1024x128xf32>, vector<128x128xf32>, vector<1024x128xf32> -> vector<1024x128xf32>
    %slice3A = vector.extract_strided_slice %dot_general3A_5 {offsets = [0, 0], sizes = [1024, 64], strides = [1, 1]} : vector<1024x128xf32> to vector<1024x64xf32>
    %swap3A = arith.constant 0 : index
    %swap3A_6 = arith.constant 0 : index
    %swap3A_7 = vector.load %arg3[%swap3A, %swap3A_6] : memref<1024x64xf32, #tpu.memory_space<vmem>>, vector<1024x64xf32>
    tpu.vector_store %arg3[%swap3A, %swap3A_6], %slice3A {strides = array<i32>} : memref<1024x64xf32, #tpu.memory_space<vmem>>, vector<1024x64xf32>,
    %slice3A_8 = vector.extract_strided_slice %dot_general3A_5 {offsets = [0, 64], sizes = [1024, 64], strides = [1, 1]} : vector<1024x128xf32> to vector<1024x64xf32>
    %swap3A_9 = arith.constant 0 : index
    %swap3A_10 = arith.constant 0 : index
    %swap3A_11 = vector.load %arg4[%swap3A_9, %swap3A_10] : memref<1024x64xf32, #tpu.memory_space<vmem>>, vector<1024x64xf32>
    tpu.vector_store %arg4[%swap3A_9, %swap3A_10], %slice3A_8 {strides = array<i32>} : memref<1024x64xf32, #tpu.memory_space<vmem>>, vector<1024x64xf32>,
    return
  }
  func.func @transform_0(%arg0: i32) -> (i32, i32) {
    %c0_i32 = arith.constant 0 : i32
    %c0_i32_0 = arith.constant 0 : i32
    return %arg0, %c0_i32 : i32, i32
  }
  func.func @transform_1(%arg0: i32) -> (i32, i32) {
    %c0_i32 = arith.constant 0 : i32
    %c0_i32_0 = arith.constant 0 : i32
    %c0_i32_1 = arith.constant 0 : i32
    return %c0_i32, %c0_i32_0 : i32, i32
  }
  func.func @transform_2(%arg0: i32) -> (i32, i32) {
    %c0_i32 = arith.constant 0 : i32
    %c0_i32_0 = arith.constant 0 : i32
    return %arg0, %c0_i32 : i32, i32
  }
  func.func @transform_3(%arg0: i32) -> (i32, i32) {
    %c0_i32 = arith.constant 0 : i32
    %c0_i32_0 = arith.constant 0 : i32
    return %arg0, %c0_i32 : i32, i32
  }
}

module attributes {stable_mosaic.version = 14 : i64} {
  func.func @_sage_epilogue_body(%arg0: i32, %arg1: memref<2x1024x64xf32, #tpu.memory_space<vmem>>, %arg2: memref<2x1024x16xf32, #tpu.memory_space<vmem>>, %arg3: memref<1024x64xf32, #tpu.memory_space<vmem>>, %arg4: memref<1x64xf32, #tpu.memory_space<vmem>>, %arg5: memref<64x64xf32, #tpu.memory_space<vmem>>, %arg6: memref<1024x32xf32, #tpu.memory_space<vmem>>, %arg7: memref<1024x32xf32, #tpu.memory_space<vmem>>) attributes {dimension_semantics = [#tpu.dimension_semantics<arbitrary>], iteration_bounds = array<i64: 2>, scalar_prefetch = 0 : i64, scratch_operands = 0 : i64, tpu.core_type = #tpu.core_type<tc>, window_params = [{transform_indices = @transform_0, window_bounds = array<i64: 2, 1024, 64>}, {transform_indices = @transform_1, window_bounds = array<i64: 2, 1024, 16>}, {transform_indices = @transform_2, window_bounds = array<i64: 1024, 64>}, {pipeline_mode = #tpu.pipeline_mode<synchronous>, transform_indices = @transform_3, window_bounds = array<i64: 1, 64>}, {pipeline_mode = #tpu.pipeline_mode<synchronous>, transform_indices = @transform_4, window_bounds = array<i64: 64, 64>}, {transform_indices = @transform_5, window_bounds = array<i64: 1024, 32>}, {transform_indices = @transform_6, window_bounds = array<i64: 1024, 32>}]} {
    %get3A = arith.constant 0 : index
    %get3A_0 = arith.constant 0 : index
    %get3A_1 = arith.constant 0 : index
    %get3A_2 = vector.load %arg2[%get3A, %get3A_0, %get3A_1] : memref<2x1024x16xf32, #tpu.memory_space<vmem>>, vector<1x1024x1xf32>
    %get3A_3 = vector.shape_cast %get3A_2 : vector<1x1024x1xf32> to vector<1024x1xf32>
    %get3A_4 = arith.constant 1 : index
    %get3A_5 = arith.constant 0 : index
    %get3A_6 = arith.constant 0 : index
    %get3A_7 = vector.load %arg2[%get3A_4, %get3A_5, %get3A_6] : memref<2x1024x16xf32, #tpu.memory_space<vmem>>, vector<1x1024x1xf32>
    %get3A_8 = vector.shape_cast %get3A_7 : vector<1x1024x1xf32> to vector<1024x1xf32>
    %add3A = arith.addf %get3A_3, %get3A_8 : vector<1024x1xf32>
    %get3A_9 = arith.constant 0 : index
    %get3A_10 = arith.constant 0 : index
    %get3A_11 = arith.constant 0 : index
    %get3A_12 = vector.load %arg1[%get3A_9, %get3A_10, %get3A_11] : memref<2x1024x64xf32, #tpu.memory_space<vmem>>, vector<1x1024x64xf32>
    %get3A_13 = vector.shape_cast %get3A_12 : vector<1x1024x64xf32> to vector<1024x64xf32>
    %get3A_14 = arith.constant 1 : index
    %get3A_15 = arith.constant 0 : index
    %get3A_16 = arith.constant 0 : index
    %get3A_17 = vector.load %arg1[%get3A_14, %get3A_15, %get3A_16] : memref<2x1024x64xf32, #tpu.memory_space<vmem>>, vector<1x1024x64xf32>
    %get3A_18 = vector.shape_cast %get3A_17 : vector<1x1024x64xf32> to vector<1024x64xf32>
    %add3A_19 = arith.addf %get3A_13, %get3A_18 : vector<1024x64xf32>
    %jit3A = arith.constant 1.000000e+00 : f32
    %max3A = vector.broadcast %jit3A : f32 to vector<1024x1xf32>
    %max3A_20 = arith.maximumf %max3A, %add3A : vector<1024x1xf32>
    %div3A = vector.broadcast %max3A_20 : vector<1024x1xf32> to vector<1024x64xf32>
    %div3A_21 = arith.divf %add3A_19, %div3A : vector<1024x64xf32>
    %get3A_22 = arith.constant 0 : index
    %get3A_23 = arith.constant 0 : index
    %get3A_24 = vector.load %arg4[%get3A_22, %get3A_23] : memref<1x64xf32, #tpu.memory_space<vmem>>, vector<1x64xf32>
    %add3A_25 = vector.broadcast %get3A_24 : vector<1x64xf32> to vector<1024x64xf32>
    %add3A_26 = arith.addf %div3A_21, %add3A_25 : vector<1024x64xf32>
    %get3A_27 = arith.constant 0 : index
    %get3A_28 = arith.constant 0 : index
    %get3A_29 = vector.load %arg3[%get3A_27, %get3A_28] : memref<1024x64xf32, #tpu.memory_space<vmem>>, vector<1024x64xf32>
    %add3A_30 = arith.addf %add3A_26, %get3A_29 : vector<1024x64xf32>
    %get3A_31 = arith.constant 0 : index
    %get3A_32 = arith.constant 0 : index
    %get3A_33 = vector.load %arg5[%get3A_31, %get3A_32] : memref<64x64xf32, #tpu.memory_space<vmem>>, vector<64x64xf32>
    %dot_general3A = arith.constant dense<0.000000e+00> : vector<1024x64xf32>
    %dot_general3A_34 = tpu.matmul %add3A_30, %get3A_33, %dot_general3A {dimension_numbers = #tpu.dot_dimension_numbers<[1], [0], [0], [1], [0, 0, 1, 1], [], []>, precision = #tpu.contract_precision<fp32>, transpose_lhs_hint = false} : vector<1024x64xf32>, vector<64x64xf32>, vector<1024x64xf32> -> vector<1024x64xf32>
    %slice3A = vector.extract_strided_slice %dot_general3A_34 {offsets = [0, 0], sizes = [1024, 32], strides = [1, 1]} : vector<1024x64xf32> to vector<1024x32xf32>
    %swap3A = arith.constant 0 : index
    %swap3A_35 = arith.constant 0 : index
    %swap3A_36 = vector.load %arg6[%swap3A, %swap3A_35] : memref<1024x32xf32, #tpu.memory_space<vmem>>, vector<1024x32xf32>
    tpu.vector_store %arg6[%swap3A, %swap3A_35], %slice3A {strides = array<i32>} : memref<1024x32xf32, #tpu.memory_space<vmem>>, vector<1024x32xf32>,
    %slice3A_37 = vector.extract_strided_slice %dot_general3A_34 {offsets = [0, 32], sizes = [1024, 32], strides = [1, 1]} : vector<1024x64xf32> to vector<1024x32xf32>
    %swap3A_38 = arith.constant 0 : index
    %swap3A_39 = arith.constant 0 : index
    %swap3A_40 = vector.load %arg7[%swap3A_38, %swap3A_39] : memref<1024x32xf32, #tpu.memory_space<vmem>>, vector<1024x32xf32>
    tpu.vector_store %arg7[%swap3A_38, %swap3A_39], %slice3A_37 {strides = array<i32>} : memref<1024x32xf32, #tpu.memory_space<vmem>>, vector<1024x32xf32>,
    return
  }
  func.func @transform_0(%arg0: i32) -> (i32, i32, i32) {
    %c0_i32 = arith.constant 0 : i32
    %c0_i32_0 = arith.constant 0 : i32
    %c0_i32_1 = arith.constant 0 : i32
    return %c0_i32, %arg0, %c0_i32_0 : i32, i32, i32
  }
  func.func @transform_1(%arg0: i32) -> (i32, i32, i32) {
    %c0_i32 = arith.constant 0 : i32
    %c0_i32_0 = arith.constant 0 : i32
    %c0_i32_1 = arith.constant 0 : i32
    return %c0_i32, %arg0, %c0_i32_0 : i32, i32, i32
  }
  func.func @transform_2(%arg0: i32) -> (i32, i32) {
    %c0_i32 = arith.constant 0 : i32
    %c0_i32_0 = arith.constant 0 : i32
    return %arg0, %c0_i32 : i32, i32
  }
  func.func @transform_3(%arg0: i32) -> (i32, i32) {
    %c0_i32 = arith.constant 0 : i32
    %c0_i32_0 = arith.constant 0 : i32
    %c0_i32_1 = arith.constant 0 : i32
    return %c0_i32, %c0_i32_0 : i32, i32
  }
  func.func @transform_4(%arg0: i32) -> (i32, i32) {
    %c0_i32 = arith.constant 0 : i32
    %c0_i32_0 = arith.constant 0 : i32
    %c0_i32_1 = arith.constant 0 : i32
    return %c0_i32, %c0_i32_0 : i32, i32
  }
  func.func @transform_5(%arg0: i32) -> (i32, i32) {
    %c0_i32 = arith.constant 0 : i32
    %c0_i32_0 = arith.constant 0 : i32
    return %arg0, %c0_i32 : i32, i32
  }
  func.func @transform_6(%arg0: i32) -> (i32, i32) {
    %c0_i32 = arith.constant 0 : i32
    %c0_i32_0 = arith.constant 0 : i32
    return %arg0, %c0_i32 : i32, i32
  }
}

module attributes {stable_mosaic.version = 14 : i64} {
  func.func @_sage_h_body(%arg0: i32, %arg1: memref<2x1024x64xf32, #tpu.memory_space<vmem>>, %arg2: memref<2x1024x16xf32, #tpu.memory_space<vmem>>, %arg3: memref<1024x64xf32, #tpu.memory_space<vmem>>, %arg4: memref<1x64xf32, #tpu.memory_space<vmem>>, %arg5: memref<64x32xf32, #tpu.memory_space<vmem>>, %arg6: memref<1024x32xf32, #tpu.memory_space<vmem>>, %arg7: memref<1024x64xf32, #tpu.memory_space<vmem>>) attributes {dimension_semantics = [#tpu.dimension_semantics<arbitrary>], iteration_bounds = array<i64: 20>, scalar_prefetch = 0 : i64, scratch_operands = 0 : i64, tpu.core_type = #tpu.core_type<tc>, window_params = [{transform_indices = @transform_0, window_bounds = array<i64: 2, 1024, 64>}, {transform_indices = @transform_1, window_bounds = array<i64: 2, 1024, 16>}, {transform_indices = @transform_2, window_bounds = array<i64: 1024, 64>}, {pipeline_mode = #tpu.pipeline_mode<synchronous>, transform_indices = @transform_3, window_bounds = array<i64: 1, 64>}, {pipeline_mode = #tpu.pipeline_mode<synchronous>, transform_indices = @transform_4, window_bounds = array<i64: 64, 32>}, {transform_indices = @transform_5, window_bounds = array<i64: 1024, 32>}, {transform_indices = @transform_6, window_bounds = array<i64: 1024, 64>}]} {
    %get3A = arith.constant 0 : index
    %get3A_0 = arith.constant 0 : index
    %get3A_1 = arith.constant 0 : index
    %get3A_2 = vector.load %arg2[%get3A, %get3A_0, %get3A_1] : memref<2x1024x16xf32, #tpu.memory_space<vmem>>, vector<1x1024x1xf32>
    %get3A_3 = vector.shape_cast %get3A_2 : vector<1x1024x1xf32> to vector<1024x1xf32>
    %get3A_4 = arith.constant 1 : index
    %get3A_5 = arith.constant 0 : index
    %get3A_6 = arith.constant 0 : index
    %get3A_7 = vector.load %arg2[%get3A_4, %get3A_5, %get3A_6] : memref<2x1024x16xf32, #tpu.memory_space<vmem>>, vector<1x1024x1xf32>
    %get3A_8 = vector.shape_cast %get3A_7 : vector<1x1024x1xf32> to vector<1024x1xf32>
    %add3A = arith.addf %get3A_3, %get3A_8 : vector<1024x1xf32>
    %get3A_9 = arith.constant 0 : index
    %get3A_10 = arith.constant 0 : index
    %get3A_11 = arith.constant 0 : index
    %get3A_12 = vector.load %arg1[%get3A_9, %get3A_10, %get3A_11] : memref<2x1024x64xf32, #tpu.memory_space<vmem>>, vector<1x1024x64xf32>
    %get3A_13 = vector.shape_cast %get3A_12 : vector<1x1024x64xf32> to vector<1024x64xf32>
    %get3A_14 = arith.constant 1 : index
    %get3A_15 = arith.constant 0 : index
    %get3A_16 = arith.constant 0 : index
    %get3A_17 = vector.load %arg1[%get3A_14, %get3A_15, %get3A_16] : memref<2x1024x64xf32, #tpu.memory_space<vmem>>, vector<1x1024x64xf32>
    %get3A_18 = vector.shape_cast %get3A_17 : vector<1x1024x64xf32> to vector<1024x64xf32>
    %add3A_19 = arith.addf %get3A_13, %get3A_18 : vector<1024x64xf32>
    %jit3A = arith.constant 1.000000e+00 : f32
    %max3A = vector.broadcast %jit3A : f32 to vector<1024x1xf32>
    %max3A_20 = arith.maximumf %max3A, %add3A : vector<1024x1xf32>
    %div3A = vector.broadcast %max3A_20 : vector<1024x1xf32> to vector<1024x64xf32>
    %div3A_21 = arith.divf %add3A_19, %div3A : vector<1024x64xf32>
    %get3A_22 = arith.constant 0 : index
    %get3A_23 = arith.constant 0 : index
    %get3A_24 = vector.load %arg4[%get3A_22, %get3A_23] : memref<1x64xf32, #tpu.memory_space<vmem>>, vector<1x64xf32>
    %add3A_25 = vector.broadcast %get3A_24 : vector<1x64xf32> to vector<1024x64xf32>
    %add3A_26 = arith.addf %div3A_21, %add3A_25 : vector<1024x64xf32>
    %get3A_27 = arith.constant 0 : index
    %get3A_28 = arith.constant 0 : index
    %get3A_29 = vector.load %arg3[%get3A_27, %get3A_28] : memref<1024x64xf32, #tpu.memory_space<vmem>>, vector<1024x64xf32>
    %add3A_30 = arith.addf %add3A_26, %get3A_29 : vector<1024x64xf32>
    %get3A_31 = arith.constant 0 : index
    %get3A_32 = arith.constant 0 : index
    %get3A_33 = vector.load %arg5[%get3A_31, %get3A_32] : memref<64x32xf32, #tpu.memory_space<vmem>>, vector<64x32xf32>
    %dot_general3A = arith.constant dense<0.000000e+00> : vector<1024x32xf32>
    %dot_general3A_34 = tpu.matmul %add3A_30, %get3A_33, %dot_general3A {dimension_numbers = #tpu.dot_dimension_numbers<[1], [0], [0], [1], [0, 0, 1, 1], [], []>, precision = #tpu.contract_precision<fp32>, transpose_lhs_hint = false} : vector<1024x64xf32>, vector<64x32xf32>, vector<1024x32xf32> -> vector<1024x32xf32>
    %swap3A = arith.constant 0 : index
    %swap3A_35 = arith.constant 0 : index
    %swap3A_36 = vector.load %arg6[%swap3A, %swap3A_35] : memref<1024x32xf32, #tpu.memory_space<vmem>>, vector<1024x32xf32>
    tpu.vector_store %arg6[%swap3A, %swap3A_35], %dot_general3A_34 {strides = array<i32>} : memref<1024x32xf32, #tpu.memory_space<vmem>>, vector<1024x32xf32>,
    %swap3A_37 = arith.constant 0 : index
    %swap3A_38 = arith.constant 0 : index
    %swap3A_39 = vector.load %arg7[%swap3A_37, %swap3A_38] : memref<1024x64xf32, #tpu.memory_space<vmem>>, vector<1024x64xf32>
    tpu.vector_store %arg7[%swap3A_37, %swap3A_38], %add3A_30 {strides = array<i32>} : memref<1024x64xf32, #tpu.memory_space<vmem>>, vector<1024x64xf32>,
    return
  }
  func.func @transform_0(%arg0: i32) -> (i32, i32, i32) {
    %c0_i32 = arith.constant 0 : i32
    %c0_i32_0 = arith.constant 0 : i32
    %c0_i32_1 = arith.constant 0 : i32
    return %c0_i32, %arg0, %c0_i32_0 : i32, i32, i32
  }
  func.func @transform_1(%arg0: i32) -> (i32, i32, i32) {
    %c0_i32 = arith.constant 0 : i32
    %c0_i32_0 = arith.constant 0 : i32
    %c0_i32_1 = arith.constant 0 : i32
    return %c0_i32, %arg0, %c0_i32_0 : i32, i32, i32
  }
  func.func @transform_2(%arg0: i32) -> (i32, i32) {
    %c0_i32 = arith.constant 0 : i32
    %c0_i32_0 = arith.constant 0 : i32
    return %arg0, %c0_i32 : i32, i32
  }
  func.func @transform_3(%arg0: i32) -> (i32, i32) {
    %c0_i32 = arith.constant 0 : i32
    %c0_i32_0 = arith.constant 0 : i32
    %c0_i32_1 = arith.constant 0 : i32
    return %c0_i32, %c0_i32_0 : i32, i32
  }
  func.func @transform_4(%arg0: i32) -> (i32, i32) {
    %c0_i32 = arith.constant 0 : i32
    %c0_i32_0 = arith.constant 0 : i32
    %c0_i32_1 = arith.constant 0 : i32
    return %c0_i32, %c0_i32_0 : i32, i32
  }
  func.func @transform_5(%arg0: i32) -> (i32, i32) {
    %c0_i32 = arith.constant 0 : i32
    %c0_i32_0 = arith.constant 0 : i32
    return %arg0, %c0_i32 : i32, i32
  }
  func.func @transform_6(%arg0: i32) -> (i32, i32) {
    %c0_i32 = arith.constant 0 : i32
    %c0_i32_0 = arith.constant 0 : i32
    return %arg0, %c0_i32 : i32, i32
  }
}

module attributes {stable_mosaic.version = 14 : i64} {
  func.func @_mm_body(%arg0: i32, %arg1: memref<1024x64xf32, #tpu.memory_space<vmem>>, %arg2: memref<64x32xf32, #tpu.memory_space<vmem>>, %arg3: memref<1024x32xf32, #tpu.memory_space<vmem>>) attributes {dimension_semantics = [#tpu.dimension_semantics<arbitrary>], iteration_bounds = array<i64: 20>, scalar_prefetch = 0 : i64, scratch_operands = 0 : i64, tpu.core_type = #tpu.core_type<tc>, window_params = [{transform_indices = @transform_0, window_bounds = array<i64: 1024, 64>}, {pipeline_mode = #tpu.pipeline_mode<synchronous>, transform_indices = @transform_1, window_bounds = array<i64: 64, 32>}, {transform_indices = @transform_2, window_bounds = array<i64: 1024, 32>}]} {
    %get3A = arith.constant 0 : index
    %get3A_0 = arith.constant 0 : index
    %get3A_1 = vector.load %arg1[%get3A, %get3A_0] : memref<1024x64xf32, #tpu.memory_space<vmem>>, vector<1024x64xf32>
    %get3A_2 = arith.constant 0 : index
    %get3A_3 = arith.constant 0 : index
    %get3A_4 = vector.load %arg2[%get3A_2, %get3A_3] : memref<64x32xf32, #tpu.memory_space<vmem>>, vector<64x32xf32>
    %dot_general3A = arith.constant dense<0.000000e+00> : vector<1024x32xf32>
    %dot_general3A_5 = tpu.matmul %get3A_1, %get3A_4, %dot_general3A {dimension_numbers = #tpu.dot_dimension_numbers<[1], [0], [0], [1], [0, 0, 1, 1], [], []>, precision = #tpu.contract_precision<fp32>, transpose_lhs_hint = false} : vector<1024x64xf32>, vector<64x32xf32>, vector<1024x32xf32> -> vector<1024x32xf32>
    %swap3A = arith.constant 0 : index
    %swap3A_6 = arith.constant 0 : index
    %swap3A_7 = vector.load %arg3[%swap3A, %swap3A_6] : memref<1024x32xf32, #tpu.memory_space<vmem>>, vector<1024x32xf32>
    tpu.vector_store %arg3[%swap3A, %swap3A_6], %dot_general3A_5 {strides = array<i32>} : memref<1024x32xf32, #tpu.memory_space<vmem>>, vector<1024x32xf32>,
    return
  }
  func.func @transform_0(%arg0: i32) -> (i32, i32) {
    %c0_i32 = arith.constant 0 : i32
    %c0_i32_0 = arith.constant 0 : i32
    return %arg0, %c0_i32 : i32, i32
  }
  func.func @transform_1(%arg0: i32) -> (i32, i32) {
    %c0_i32 = arith.constant 0 : i32
    %c0_i32_0 = arith.constant 0 : i32
    %c0_i32_1 = arith.constant 0 : i32
    return %c0_i32, %c0_i32_0 : i32, i32
  }
  func.func @transform_2(%arg0: i32) -> (i32, i32) {
    %c0_i32 = arith.constant 0 : i32
    %c0_i32_0 = arith.constant 0 : i32
    return %arg0, %c0_i32 : i32, i32
  }
}

module attributes {stable_mosaic.version = 14 : i64} {
  func.func @_latent_body(%arg0: i32, %arg1: memref<2x2000x32xf32, #tpu.memory_space<vmem>>, %arg2: memref<2x2000x16xf32, #tpu.memory_space<vmem>>, %arg3: memref<2000x32xf32, #tpu.memory_space<vmem>>, %arg4: memref<1x32xf32, #tpu.memory_space<vmem>>, %arg5: memref<32x64xf32, #tpu.memory_space<vmem>>, %arg6: memref<1x64xf32, #tpu.memory_space<vmem>>, %arg7: memref<32x64xf32, #tpu.memory_space<vmem>>, %arg8: memref<1x64xf32, #tpu.memory_space<vmem>>, %arg9: memref<2000x64xf32, #tpu.memory_space<vmem>>, %arg10: memref<2000x64xf32, #tpu.memory_space<vmem>>) attributes {dimension_semantics = [#tpu.dimension_semantics<arbitrary>], iteration_bounds = array<i64: 1>, scalar_prefetch = 0 : i64, scratch_operands = 0 : i64, tpu.core_type = #tpu.core_type<tc>, window_params = [{transform_indices = @transform_0, window_bounds = array<i64: 2, 2000, 32>}, {transform_indices = @transform_1, window_bounds = array<i64: 2, 2000, 16>}, {transform_indices = @transform_2, window_bounds = array<i64: 2000, 32>}, {pipeline_mode = #tpu.pipeline_mode<synchronous>, transform_indices = @transform_3, window_bounds = array<i64: 1, 32>}, {pipeline_mode = #tpu.pipeline_mode<synchronous>, transform_indices = @transform_4, window_bounds = array<i64: 32, 64>}, {pipeline_mode = #tpu.pipeline_mode<synchronous>, transform_indices = @transform_5, window_bounds = array<i64: 1, 64>}, {pipeline_mode = #tpu.pipeline_mode<synchronous>, transform_indices = @transform_6, window_bounds = array<i64: 32, 64>}, {pipeline_mode = #tpu.pipeline_mode<synchronous>, transform_indices = @transform_7, window_bounds = array<i64: 1, 64>}, {pipeline_mode = #tpu.pipeline_mode<synchronous>, transform_indices = @transform_8, window_bounds = array<i64: 2000, 64>}, {pipeline_mode = #tpu.pipeline_mode<synchronous>, transform_indices = @transform_9, window_bounds = array<i64: 2000, 64>}]} {
    %get3A = arith.constant 0 : index
    %get3A_0 = arith.constant 0 : index
    %get3A_1 = arith.constant 0 : index
    %get3A_2 = vector.load %arg2[%get3A, %get3A_0, %get3A_1] : memref<2x2000x16xf32, #tpu.memory_space<vmem>>, vector<1x2000x1xf32>
    %get3A_3 = vector.shape_cast %get3A_2 : vector<1x2000x1xf32> to vector<2000x1xf32>
    %get3A_4 = arith.constant 1 : index
    %get3A_5 = arith.constant 0 : index
    %get3A_6 = arith.constant 0 : index
    %get3A_7 = vector.load %arg2[%get3A_4, %get3A_5, %get3A_6] : memref<2x2000x16xf32, #tpu.memory_space<vmem>>, vector<1x2000x1xf32>
    %get3A_8 = vector.shape_cast %get3A_7 : vector<1x2000x1xf32> to vector<2000x1xf32>
    %add3A = arith.addf %get3A_3, %get3A_8 : vector<2000x1xf32>
    %get3A_9 = arith.constant 0 : index
    %get3A_10 = arith.constant 0 : index
    %get3A_11 = arith.constant 0 : index
    %get3A_12 = vector.load %arg1[%get3A_9, %get3A_10, %get3A_11] : memref<2x2000x32xf32, #tpu.memory_space<vmem>>, vector<1x2000x32xf32>
    %get3A_13 = vector.shape_cast %get3A_12 : vector<1x2000x32xf32> to vector<2000x32xf32>
    %get3A_14 = arith.constant 1 : index
    %get3A_15 = arith.constant 0 : index
    %get3A_16 = arith.constant 0 : index
    %get3A_17 = vector.load %arg1[%get3A_14, %get3A_15, %get3A_16] : memref<2x2000x32xf32, #tpu.memory_space<vmem>>, vector<1x2000x32xf32>
    %get3A_18 = vector.shape_cast %get3A_17 : vector<1x2000x32xf32> to vector<2000x32xf32>
    %add3A_19 = arith.addf %get3A_13, %get3A_18 : vector<2000x32xf32>
    %jit3A = arith.constant 1.000000e+00 : f32
    %max3A = vector.broadcast %jit3A : f32 to vector<2000x1xf32>
    %max3A_20 = arith.maximumf %max3A, %add3A : vector<2000x1xf32>
    %div3A = vector.broadcast %max3A_20 : vector<2000x1xf32> to vector<2000x32xf32>
    %div3A_21 = arith.divf %add3A_19, %div3A : vector<2000x32xf32>
    %get3A_22 = arith.constant 0 : index
    %get3A_23 = arith.constant 0 : index
    %get3A_24 = vector.load %arg4[%get3A_22, %get3A_23] : memref<1x32xf32, #tpu.memory_space<vmem>>, vector<1x32xf32>
    %add3A_25 = vector.broadcast %get3A_24 : vector<1x32xf32> to vector<2000x32xf32>
    %add3A_26 = arith.addf %div3A_21, %add3A_25 : vector<2000x32xf32>
    %get3A_27 = arith.constant 0 : index
    %get3A_28 = arith.constant 0 : index
    %get3A_29 = vector.load %arg3[%get3A_27, %get3A_28] : memref<2000x32xf32, #tpu.memory_space<vmem>>, vector<2000x32xf32>
    %add3A_30 = arith.addf %add3A_26, %get3A_29 : vector<2000x32xf32>
    %get3A_31 = arith.constant 0 : index
    %get3A_32 = arith.constant 0 : index
    %get3A_33 = vector.load %arg5[%get3A_31, %get3A_32] : memref<32x64xf32, #tpu.memory_space<vmem>>, vector<32x64xf32>
    %dot_general3A = arith.constant dense<0.000000e+00> : vector<2000x64xf32>
    %dot_general3A_34 = tpu.matmul %add3A_30, %get3A_33, %dot_general3A {dimension_numbers = #tpu.dot_dimension_numbers<[1], [0], [0], [1], [0, 0, 1, 1], [], []>, precision = #tpu.contract_precision<fp32>, transpose_lhs_hint = false} : vector<2000x32xf32>, vector<32x64xf32>, vector<2000x64xf32> -> vector<2000x64xf32>
    %get3A_35 = arith.constant 0 : index
    %get3A_36 = arith.constant 0 : index
    %get3A_37 = vector.load %arg6[%get3A_35, %get3A_36] : memref<1x64xf32, #tpu.memory_space<vmem>>, vector<1x64xf32>
    %add3A_38 = vector.broadcast %get3A_37 : vector<1x64xf32> to vector<2000x64xf32>
    %add3A_39 = arith.addf %dot_general3A_34, %add3A_38 : vector<2000x64xf32>
    %get3A_40 = arith.constant 0 : index
    %get3A_41 = arith.constant 0 : index
    %get3A_42 = vector.load %arg7[%get3A_40, %get3A_41] : memref<32x64xf32, #tpu.memory_space<vmem>>, vector<32x64xf32>
    %dot_general3A_43 = arith.constant dense<0.000000e+00> : vector<2000x64xf32>
    %dot_general3A_44 = tpu.matmul %add3A_30, %get3A_42, %dot_general3A_43 {dimension_numbers = #tpu.dot_dimension_numbers<[1], [0], [0], [1], [0, 0, 1, 1], [], []>, precision = #tpu.contract_precision<fp32>, transpose_lhs_hint = false} : vector<2000x32xf32>, vector<32x64xf32>, vector<2000x64xf32> -> vector<2000x64xf32>
    %get3A_45 = arith.constant 0 : index
    %get3A_46 = arith.constant 0 : index
    %get3A_47 = vector.load %arg8[%get3A_45, %get3A_46] : memref<1x64xf32, #tpu.memory_space<vmem>>, vector<1x64xf32>
    %add3A_48 = vector.broadcast %get3A_47 : vector<1x64xf32> to vector<2000x64xf32>
    %add3A_49 = arith.addf %dot_general3A_44, %add3A_48 : vector<2000x64xf32>
    %get3A_50 = arith.constant 0 : index
    %get3A_51 = arith.constant 0 : index
    %get3A_52 = vector.load %arg9[%get3A_50, %get3A_51] : memref<2000x64xf32, #tpu.memory_space<vmem>>, vector<2000x64xf32>
    %exp3A = math.exp %add3A_49 : vector<2000x64xf32>
    %mul3A = arith.mulf %get3A_52, %exp3A : vector<2000x64xf32>
    %add3A_53 = arith.addf %add3A_39, %mul3A : vector<2000x64xf32>
    %swap3A = arith.constant 0 : index
    %swap3A_54 = arith.constant 0 : index
    %swap3A_55 = vector.load %arg10[%swap3A, %swap3A_54] : memref<2000x64xf32, #tpu.memory_space<vmem>>, vector<2000x64xf32>
    tpu.vector_store %arg10[%swap3A, %swap3A_54], %add3A_53 {strides = array<i32>} : memref<2000x64xf32, #tpu.memory_space<vmem>>, vector<2000x64xf32>,
    return
  }
  func.func @transform_0(%arg0: i32) -> (i32, i32, i32) {
    %c0_i32 = arith.constant 0 : i32
    %c0_i32_0 = arith.constant 0 : i32
    %c0_i32_1 = arith.constant 0 : i32
    %c0_i32_2 = arith.constant 0 : i32
    return %c0_i32, %c0_i32_0, %c0_i32_1 : i32, i32, i32
  }
  func.func @transform_1(%arg0: i32) -> (i32, i32, i32) {
    %c0_i32 = arith.constant 0 : i32
    %c0_i32_0 = arith.constant 0 : i32
    %c0_i32_1 = arith.constant 0 : i32
    %c0_i32_2 = arith.constant 0 : i32
    return %c0_i32, %c0_i32_0, %c0_i32_1 : i32, i32, i32
  }
  func.func @transform_2(%arg0: i32) -> (i32, i32) {
    %c0_i32 = arith.constant 0 : i32
    %c0_i32_0 = arith.constant 0 : i32
    %c0_i32_1 = arith.constant 0 : i32
    return %c0_i32, %c0_i32_0 : i32, i32
  }
  func.func @transform_3(%arg0: i32) -> (i32, i32) {
    %c0_i32 = arith.constant 0 : i32
    %c0_i32_0 = arith.constant 0 : i32
    %c0_i32_1 = arith.constant 0 : i32
    return %c0_i32, %c0_i32_0 : i32, i32
  }
  func.func @transform_4(%arg0: i32) -> (i32, i32) {
    %c0_i32 = arith.constant 0 : i32
    %c0_i32_0 = arith.constant 0 : i32
    %c0_i32_1 = arith.constant 0 : i32
    return %c0_i32, %c0_i32_0 : i32, i32
  }
  func.func @transform_5(%arg0: i32) -> (i32, i32) {
    %c0_i32 = arith.constant 0 : i32
    %c0_i32_0 = arith.constant 0 : i32
    %c0_i32_1 = arith.constant 0 : i32
    return %c0_i32, %c0_i32_0 : i32, i32
  }
  func.func @transform_6(%arg0: i32) -> (i32, i32) {
    %c0_i32 = arith.constant 0 : i32
    %c0_i32_0 = arith.constant 0 : i32
    %c0_i32_1 = arith.constant 0 : i32
    return %c0_i32, %c0_i32_0 : i32, i32
  }
  func.func @transform_7(%arg0: i32) -> (i32, i32) {
    %c0_i32 = arith.constant 0 : i32
    %c0_i32_0 = arith.constant 0 : i32
    %c0_i32_1 = arith.constant 0 : i32
    return %c0_i32, %c0_i32_0 : i32, i32
  }
  func.func @transform_8(%arg0: i32) -> (i32, i32) {
    %c0_i32 = arith.constant 0 : i32
    %c0_i32_0 = arith.constant 0 : i32
    %c0_i32_1 = arith.constant 0 : i32
    return %c0_i32, %c0_i32_0 : i32, i32
  }
  func.func @transform_9(%arg0: i32) -> (i32, i32) {
    %c0_i32 = arith.constant 0 : i32
    %c0_i32_0 = arith.constant 0 : i32
    %c0_i32_1 = arith.constant 0 : i32
    return %c0_i32, %c0_i32_0 : i32, i32
  }
}

module attributes {stable_mosaic.version = 14 : i64} {
  func.func @_decode_body(%arg0: i32, %arg1: memref<2000x64xf32, #tpu.memory_space<vmem>>, %arg2: memref<2x1024x32xf32, #tpu.memory_space<vmem>>, %arg3: memref<2x1024x16xf32, #tpu.memory_space<vmem>>, %arg4: memref<1024x32xf32, #tpu.memory_space<vmem>>, %arg5: memref<1x32xf32, #tpu.memory_space<vmem>>, %arg6: memref<32x64xf32, #tpu.memory_space<vmem>>, %arg7: memref<1x64xf32, #tpu.memory_space<vmem>>, %arg8: memref<32x64xf32, #tpu.memory_space<vmem>>, %arg9: memref<1x64xf32, #tpu.memory_space<vmem>>, %arg10: memref<1024x64xf32, #tpu.memory_space<vmem>>, %arg11: memref<2000x1024xf32, #tpu.memory_space<vmem>>) attributes {dimension_semantics = [#tpu.dimension_semantics<arbitrary>], iteration_bounds = array<i64: 20>, scalar_prefetch = 0 : i64, scratch_operands = 0 : i64, tpu.core_type = #tpu.core_type<tc>, window_params = [{pipeline_mode = #tpu.pipeline_mode<synchronous>, transform_indices = @transform_0, window_bounds = array<i64: 2000, 64>}, {transform_indices = @transform_1, window_bounds = array<i64: 2, 1024, 32>}, {transform_indices = @transform_2, window_bounds = array<i64: 2, 1024, 16>}, {transform_indices = @transform_3, window_bounds = array<i64: 1024, 32>}, {pipeline_mode = #tpu.pipeline_mode<synchronous>, transform_indices = @transform_4, window_bounds = array<i64: 1, 32>}, {pipeline_mode = #tpu.pipeline_mode<synchronous>, transform_indices = @transform_5, window_bounds = array<i64: 32, 64>}, {pipeline_mode = #tpu.pipeline_mode<synchronous>, transform_indices = @transform_6, window_bounds = array<i64: 1, 64>}, {pipeline_mode = #tpu.pipeline_mode<synchronous>, transform_indices = @transform_7, window_bounds = array<i64: 32, 64>}, {pipeline_mode = #tpu.pipeline_mode<synchronous>, transform_indices = @transform_8, window_bounds = array<i64: 1, 64>}, {transform_indices = @transform_9, window_bounds = array<i64: 1024, 64>}, {transform_indices = @transform_10, window_bounds = array<i64: 2000, 1024>}]} {
    %get3A = arith.constant 0 : index
    %get3A_0 = arith.constant 0 : index
    %get3A_1 = arith.constant 0 : index
    %get3A_2 = vector.load %arg3[%get3A, %get3A_0, %get3A_1] : memref<2x1024x16xf32, #tpu.memory_space<vmem>>, vector<1x1024x1xf32>
    %get3A_3 = vector.shape_cast %get3A_2 : vector<1x1024x1xf32> to vector<1024x1xf32>
    %get3A_4 = arith.constant 1 : index
    %get3A_5 = arith.constant 0 : index
    %get3A_6 = arith.constant 0 : index
    %get3A_7 = vector.load %arg3[%get3A_4, %get3A_5, %get3A_6] : memref<2x1024x16xf32, #tpu.memory_space<vmem>>, vector<1x1024x1xf32>
    %get3A_8 = vector.shape_cast %get3A_7 : vector<1x1024x1xf32> to vector<1024x1xf32>
    %add3A = arith.addf %get3A_3, %get3A_8 : vector<1024x1xf32>
    %get3A_9 = arith.constant 0 : index
    %get3A_10 = arith.constant 0 : index
    %get3A_11 = arith.constant 0 : index
    %get3A_12 = vector.load %arg2[%get3A_9, %get3A_10, %get3A_11] : memref<2x1024x32xf32, #tpu.memory_space<vmem>>, vector<1x1024x32xf32>
    %get3A_13 = vector.shape_cast %get3A_12 : vector<1x1024x32xf32> to vector<1024x32xf32>
    %get3A_14 = arith.constant 1 : index
    %get3A_15 = arith.constant 0 : index
    %get3A_16 = arith.constant 0 : index
    %get3A_17 = vector.load %arg2[%get3A_14, %get3A_15, %get3A_16] : memref<2x1024x32xf32, #tpu.memory_space<vmem>>, vector<1x1024x32xf32>
    %get3A_18 = vector.shape_cast %get3A_17 : vector<1x1024x32xf32> to vector<1024x32xf32>
    %add3A_19 = arith.addf %get3A_13, %get3A_18 : vector<1024x32xf32>
    %jit3A = arith.constant 1.000000e+00 : f32
    %max3A = vector.broadcast %jit3A : f32 to vector<1024x1xf32>
    %max3A_20 = arith.maximumf %max3A, %add3A : vector<1024x1xf32>
    %div3A = vector.broadcast %max3A_20 : vector<1024x1xf32> to vector<1024x32xf32>
    %div3A_21 = arith.divf %add3A_19, %div3A : vector<1024x32xf32>
    %get3A_22 = arith.constant 0 : index
    %get3A_23 = arith.constant 0 : index
    %get3A_24 = vector.load %arg5[%get3A_22, %get3A_23] : memref<1x32xf32, #tpu.memory_space<vmem>>, vector<1x32xf32>
    %add3A_25 = vector.broadcast %get3A_24 : vector<1x32xf32> to vector<1024x32xf32>
    %add3A_26 = arith.addf %div3A_21, %add3A_25 : vector<1024x32xf32>
    %get3A_27 = arith.constant 0 : index
    %get3A_28 = arith.constant 0 : index
    %get3A_29 = vector.load %arg4[%get3A_27, %get3A_28] : memref<1024x32xf32, #tpu.memory_space<vmem>>, vector<1024x32xf32>
    %add3A_30 = arith.addf %add3A_26, %get3A_29 : vector<1024x32xf32>
    %get3A_31 = arith.constant 0 : index
    %get3A_32 = arith.constant 0 : index
    %get3A_33 = vector.load %arg6[%get3A_31, %get3A_32] : memref<32x64xf32, #tpu.memory_space<vmem>>, vector<32x64xf32>
    %dot_general3A = arith.constant dense<0.000000e+00> : vector<1024x64xf32>
    %dot_general3A_34 = tpu.matmul %add3A_30, %get3A_33, %dot_general3A {dimension_numbers = #tpu.dot_dimension_numbers<[1], [0], [0], [1], [0, 0, 1, 1], [], []>, precision = #tpu.contract_precision<fp32>, transpose_lhs_hint = false} : vector<1024x32xf32>, vector<32x64xf32>, vector<1024x64xf32> -> vector<1024x64xf32>
    %get3A_35 = arith.constant 0 : index
    %get3A_36 = arith.constant 0 : index
    %get3A_37 = vector.load %arg7[%get3A_35, %get3A_36] : memref<1x64xf32, #tpu.memory_space<vmem>>, vector<1x64xf32>
    %add3A_38 = vector.broadcast %get3A_37 : vector<1x64xf32> to vector<1024x64xf32>
    %add3A_39 = arith.addf %dot_general3A_34, %add3A_38 : vector<1024x64xf32>
    %get3A_40 = arith.constant 0 : index
    %get3A_41 = arith.constant 0 : index
    %get3A_42 = vector.load %arg8[%get3A_40, %get3A_41] : memref<32x64xf32, #tpu.memory_space<vmem>>, vector<32x64xf32>
    %dot_general3A_43 = arith.constant dense<0.000000e+00> : vector<1024x64xf32>
    %dot_general3A_44 = tpu.matmul %add3A_30, %get3A_42, %dot_general3A_43 {dimension_numbers = #tpu.dot_dimension_numbers<[1], [0], [0], [1], [0, 0, 1, 1], [], []>, precision = #tpu.contract_precision<fp32>, transpose_lhs_hint = false} : vector<1024x32xf32>, vector<32x64xf32>, vector<1024x64xf32> -> vector<1024x64xf32>
    %get3A_45 = arith.constant 0 : index
    %get3A_46 = arith.constant 0 : index
    %get3A_47 = vector.load %arg9[%get3A_45, %get3A_46] : memref<1x64xf32, #tpu.memory_space<vmem>>, vector<1x64xf32>
    %add3A_48 = vector.broadcast %get3A_47 : vector<1x64xf32> to vector<1024x64xf32>
    %add3A_49 = arith.addf %dot_general3A_44, %add3A_48 : vector<1024x64xf32>
    %get3A_50 = arith.constant 0 : index
    %get3A_51 = arith.constant 0 : index
    %get3A_52 = vector.load %arg10[%get3A_50, %get3A_51] : memref<1024x64xf32, #tpu.memory_space<vmem>>, vector<1024x64xf32>
    %exp3A = math.exp %add3A_49 : vector<1024x64xf32>
    %mul3A = arith.mulf %get3A_52, %exp3A : vector<1024x64xf32>
    %add3A_53 = arith.addf %add3A_39, %mul3A : vector<1024x64xf32>
    %get3A_54 = arith.constant 0 : index
    %get3A_55 = arith.constant 0 : index
    %get3A_56 = vector.load %arg1[%get3A_54, %get3A_55] : memref<2000x64xf32, #tpu.memory_space<vmem>>, vector<2000x64xf32>
    %convert_element_type3A = arith.truncf %get3A_56 : vector<2000x64xf32> to vector<2000x64xbf16>
    %convert_element_type3A_57 = arith.extf %convert_element_type3A : vector<2000x64xbf16> to vector<2000x64xf32>
    %sub3A = arith.subf %get3A_56, %convert_element_type3A_57 : vector<2000x64xf32>
    %convert_element_type3A_58 = arith.truncf %sub3A : vector<2000x64xf32> to vector<2000x64xbf16>
    %convert_element_type3A_59 = arith.truncf %add3A_53 : vector<1024x64xf32> to vector<1024x64xbf16>
    %convert_element_type3A_60 = arith.extf %convert_element_type3A_59 : vector<1024x64xbf16> to vector<1024x64xf32>
    %sub3A_61 = arith.subf %add3A_53, %convert_element_type3A_60 : vector<1024x64xf32>
    %convert_element_type3A_62 = arith.truncf %sub3A_61 : vector<1024x64xf32> to vector<1024x64xbf16>
    %concatenate3A = tpu.concatenate %convert_element_type3A, %convert_element_type3A_58 in 1 : vector<2000x64xbf16>, vector<2000x64xbf16> -> vector<2000x128xbf16>
    %concatenate3A_63 = tpu.concatenate %convert_element_type3A_59, %convert_element_type3A_59 in 1 : vector<1024x64xbf16>, vector<1024x64xbf16> -> vector<1024x128xbf16>
    %dot_general3A_64 = arith.constant dense<0.000000e+00> : vector<2000x1024xf32>
    %dot_general3A_65 = tpu.matmul %concatenate3A, %concatenate3A_63, %dot_general3A_64 {dimension_numbers = #tpu.dot_dimension_numbers<[1], [1], [0], [0], [0, 0, 1, 0], [], []>, transpose_lhs_hint = false} : vector<2000x128xbf16>, vector<1024x128xbf16>, vector<2000x1024xf32> -> vector<2000x1024xf32>
    %dot_general3A_66 = arith.constant dense<0.000000e+00> : vector<2000x1024xf32>
    %dot_general3A_67 = tpu.matmul %convert_element_type3A, %convert_element_type3A_62, %dot_general3A_66 {dimension_numbers = #tpu.dot_dimension_numbers<[1], [1], [0], [0], [0, 0, 1, 0], [], []>, transpose_lhs_hint = false} : vector<2000x64xbf16>, vector<1024x64xbf16>, vector<2000x1024xf32> -> vector<2000x1024xf32>
    %add3A_68 = arith.addf %dot_general3A_65, %dot_general3A_67 : vector<2000x1024xf32>
    %swap3A = arith.constant 0 : index
    %swap3A_69 = arith.constant 0 : index
    %swap3A_70 = vector.load %arg11[%swap3A, %swap3A_69] : memref<2000x1024xf32, #tpu.memory_space<vmem>>, vector<2000x1024xf32>
    tpu.vector_store %arg11[%swap3A, %swap3A_69], %add3A_68 {strides = array<i32>} : memref<2000x1024xf32, #tpu.memory_space<vmem>>, vector<2000x1024xf32>,
    return
  }
  func.func @transform_0(%arg0: i32) -> (i32, i32) {
    %c0_i32 = arith.constant 0 : i32
    %c0_i32_0 = arith.constant 0 : i32
    %c0_i32_1 = arith.constant 0 : i32
    return %c0_i32, %c0_i32_0 : i32, i32
  }
  func.func @transform_1(%arg0: i32) -> (i32, i32, i32) {
    %c0_i32 = arith.constant 0 : i32
    %c0_i32_0 = arith.constant 0 : i32
    %c0_i32_1 = arith.constant 0 : i32
    return %c0_i32, %arg0, %c0_i32_0 : i32, i32, i32
  }
  func.func @transform_2(%arg0: i32) -> (i32, i32, i32) {
    %c0_i32 = arith.constant 0 : i32
    %c0_i32_0 = arith.constant 0 : i32
    %c0_i32_1 = arith.constant 0 : i32
    return %c0_i32, %arg0, %c0_i32_0 : i32, i32, i32
  }
  func.func @transform_3(%arg0: i32) -> (i32, i32) {
    %c0_i32 = arith.constant 0 : i32
    %c0_i32_0 = arith.constant 0 : i32
    return %arg0, %c0_i32 : i32, i32
  }
  func.func @transform_4(%arg0: i32) -> (i32, i32) {
    %c0_i32 = arith.constant 0 : i32
    %c0_i32_0 = arith.constant 0 : i32
    %c0_i32_1 = arith.constant 0 : i32
    return %c0_i32, %c0_i32_0 : i32, i32
  }
  func.func @transform_5(%arg0: i32) -> (i32, i32) {
    %c0_i32 = arith.constant 0 : i32
    %c0_i32_0 = arith.constant 0 : i32
    %c0_i32_1 = arith.constant 0 : i32
    return %c0_i32, %c0_i32_0 : i32, i32
  }
  func.func @transform_6(%arg0: i32) -> (i32, i32) {
    %c0_i32 = arith.constant 0 : i32
    %c0_i32_0 = arith.constant 0 : i32
    %c0_i32_1 = arith.constant 0 : i32
    return %c0_i32, %c0_i32_0 : i32, i32
  }
  func.func @transform_7(%arg0: i32) -> (i32, i32) {
    %c0_i32 = arith.constant 0 : i32
    %c0_i32_0 = arith.constant 0 : i32
    %c0_i32_1 = arith.constant 0 : i32
    return %c0_i32, %c0_i32_0 : i32, i32
  }
  func.func @transform_8(%arg0: i32) -> (i32, i32) {
    %c0_i32 = arith.constant 0 : i32
    %c0_i32_0 = arith.constant 0 : i32
    %c0_i32_1 = arith.constant 0 : i32
    return %c0_i32, %c0_i32_0 : i32, i32
  }
  func.func @transform_9(%arg0: i32) -> (i32, i32) {
    %c0_i32 = arith.constant 0 : i32
    %c0_i32_0 = arith.constant 0 : i32
    return %arg0, %c0_i32 : i32, i32
  }
  func.func @transform_10(%arg0: i32) -> (i32, i32) {
    %c0_i32 = arith.constant 0 : i32
    %c0_i32_0 = arith.constant 0 : i32
    return %c0_i32, %arg0 : i32, i32
  }
}

</mosaic_0001>

<sc_bundles>
// kernel: kernel.13.cloned.1.call-start
scs
__scs_entry_jumppad:
0x0: {  	(pc) =	sbr.rel $0x88, $3  }
0x1: {  	(tag) =	ssettag $0x0;
	lr =	simm.s32 $0x1  }
0x2: {  	[smem:$0x3F89] =	sst lr;
	_ =	strace $0xD0000000  }
0x3: {  	_ = 	snop  }
0x4: {  	_ = 	snop  }
0x5: {  	_ = 	snop  }
0x6: {  	_ = 	snop  }
0x7: {  	_ = 	snop  }
__scs_overlays_trampoline_lowered:
0x8: {  	[smem:$0x3F98] =	sst s0  }
0x9: {  	[smem:$0x3F99] =	sst s1  }
0xa: {  	[smem:$0x3F9A] =	sst s2  }
0xb: {  	[smem:$0x3F9B] =	sst s3  }
0xc: {  	[smem:$0x3F9C] =	sst s4  }
0xd: {  	[smem:$0x3F9D] =	sst s5  }
0xe: {  	[smem:$0x3F9E] =	sst s6  }
0xf: {  	[smem:$0x3F9F] =	sst s7  }
0x10: {  	[smem:$0x3FA0] =	sst s8  }
0x11: {  	[smem:$0x3FA1] =	sst s9;
	s0 =	simm.s32 @!p0 $0x0  }
0x12: {  	s1 =	sld [smem:$0x3F87];
	s0 =	simm.s32 @p0 $0x1  }
0x13: {  	[smem:$0x3FA2] =	sst s0;
	s0 =	simm.s32 @!p1 $0x0  }
0x14: {  	s2 =	sld [smem:$0x3F86];
	s0 =	simm.s32 @p1 $0x1  }
0x15: {  	[smem:$0x3FA3] =	sst s0;
	s0 =	simm.s32 @!p2 $0x0  }
0x16: {  	s3 =	sld [smem:$0x3FDB];
	s0 =	simm.s32 @p2 $0x1  }
0x17: {  	s4 =	simm.s32 $0x1BF5;
	[smem:$0x3FA5] =	sst s0  }
0x18: {  	s0 =	sld [smem:$0x3F88];
	_ =	swait.ge [sflag:s4], $0x0  }
0x19: {  	s7 =	sld [smem:$0x3F89]  }
0x1a: {  	s8 =	sadd.s32 $0xFFFFE003, lr  }
0x1b: {  	s9 =	sadd.s32 $0xFFFFFEF7, lr;
	s5 =	simm.s32 $0xFFFFFFFF;
	p2 =	slt.u32 s8, $0xFFFFF086  }
0x1c: {  	p1 =	slt.u32 s9, $0xF7A;
	s5 =	simm.s32 @!p2 $0x0  }
0x1d: {  	s5 =	simm.s32 @p1 $0x1;
	p0 =	seq.s32 s7, s2  }
0x1e: {  	s7 =	smul.u32 @!p0 $0xF7A, s2;
	p2 =	seq.s32 @!p0 s5, $0x0  }
0x1f: {  	s9 =	smul.u32 $0xF7A, s1;
	s8 =	simm.s32 @!p0 $0x1BF5;
	p2 =	por !p2, p0  }
0x20: {  	[sflag:s8] =	ssyncset.s32 @!p0 $0xFFFFF086;
	s6 =	sadd.s32 @!p0 s3, s7;
	s7 =	simm.s32 @!p0 $0x108  }
0x21: {  	s3 =	sadd.s32 s3, s9;
	s6 =	sadd.s32 @!p0 $0x88, s6;
	s7 =	simm.s32 @p2 $0x1082  }
0x22: {  	[simem:s7], [sflag:s8] =	dma.local @!p0 [hbm:s6], $0xF7A  }
0x23: {  	s9 =	sor.u32 $0xD0000000, s2;
	s6 =	simm.s32 $0x108;
	_ =	swait.ge @!p0 [sflag:s8], $0x0  }
0x24: {  	s3 =	sadd.s32 $0x88, s3;
	s6 =	simm.s32 @!p1 $0x1082;
	[sflag:s4] =	ssyncset.s32 $0xFFFFF086  }
0x25: {  	[simem:s6], [sflag:s4] =	dma.local [hbm:s3], $0xF7A  }
0x26: {  	[smem:$0x3F89] =	sst s1;
	(tag) =	ssettag s2;
	_ =	strace s9  }
0x27: {  	s1 =	sld [smem:$0x3F99]  }
0x28: {  	s2 =	sld [smem:$0x3F9A]  }
0x29: {  	s4 =	sld [smem:$0x3F9C]  }
0x2a: {  	p0 =	seq.s32 s5, $0x0;
	s5 =	sld [smem:$0x3F9D]  }
0x2b: {  	s6 =	sld [smem:$0x3F9E]  }
0x2c: {  	s7 =	sld [smem:$0x3F9F]  }
0x2d: {  	s3 =	simm.s32 $0x108;
	s8 =	sld [smem:$0x3FA0]  }
0x2e: {  	s3 =	simm.s32 @!p0 $0x1082;
	s9 =	sld [smem:$0x3FA1]  }
0x2f: {  	lr =	sadd.s32 s0, s3;
	s0 =	sld [smem:$0x3F98]  }
0x30: {  	s3 =	sld [smem:$0x3F9B]  }
0x31: {  	[smem:$0x3FA4] =	sst s10  }
0x32: {  	s10 =	sld [smem:$0x3FA2];
	_ =	sdelay $0x3  }
0x33: {  	p0 =	seq.s32 s10, $0x1;
	s10 =	sld [smem:$0x3FA4];
	_ =	sdelay $0x3  }
0x34: {  	[smem:$0x3FA4] =	sst s10  }
0x35: {  	s10 =	sld [smem:$0x3FA3];
	_ =	sdelay $0x3  }
0x36: {  	p1 =	seq.s32 s10, $0x1;
	s10 =	sld [smem:$0x3FA4];
	_ =	sdelay $0x3  }
0x37: {  	[smem:$0x3FA4] =	sst s10  }
0x38: {  	s10 =	sld [smem:$0x3FA5]  }
0x39: {  	_ = 	snop;
	(pc) =	sbr.ind lr, $3  }
0x3a: {  	_ = 	snop  }
0x3b: {  	_ = 	snop  }
0x3c: {  	p2 =	seq.s32 s10, $0x1;
	s10 =	sld [smem:$0x3FA4]  }
0x3d: {  	_ =	shalt  }
0x3e: {  	_ =	shalt  }
0x3f: {  	_ =	shalt  }
0x40: {  	_ =	shalt  }
0x41: {  	_ =	shalt  }
0x42: {  	_ =	shalt  }
0x43: {  	_ =	shalt  }
0x44: {  	_ =	shalt  }
0x45: {  	_ =	shalt  }
0x46: {  	_ =	shalt  }
0x47: {  	_ =	shalt  }
0x48: {  	_ =	shalt  }
0x49: {  	_ =	shalt  }
0x4a: {  	_ =	shalt  }
0x4b: {  	_ =	shalt  }
0x4c: {  	_ =	shalt  }
0x4d: {  	_ =	shalt  }
0x4e: {  	_ =	shalt  }
0x4f: {  	_ =	shalt  }
0x50: {  	_ =	shalt  }
0x51: {  	_ =	shalt  }
0x52: {  	_ =	shalt  }
0x53: {  	_ =	shalt  }
0x54: {  	_ =	shalt  }
0x55: {  	_ =	shalt  }
0x56: {  	_ =	shalt  }
0x57: {  	_ =	shalt  }
0x58: {  	_ =	shalt  }
0x59: {  	_ =	shalt  }
0x5a: {  	_ =	shalt  }
0x5b: {  	_ =	shalt  }
0x5c: {  	_ =	shalt  }
0x5d: {  	_ =	shalt  }
0x5e: {  	_ =	shalt  }
0x5f: {  	_ =	shalt  }
0x60: {  	_ =	shalt  }
0x61: {  	_ =	shalt  }
0x62: {  	_ =	shalt  }
0x63: {  	_ =	shalt  }
0x64: {  	_ =	shalt  }
0x65: {  	_ =	shalt  }
0x66: {  	_ =	shalt  }
0x67: {  	_ =	shalt  }
0x68: {  	_ =	shalt  }
0x69: {  	_ =	shalt  }
0x6a: {  	_ =	shalt  }
0x6b: {  	_ =	shalt  }
0x6c: {  	_ =	shalt  }
0x6d: {  	_ =	shalt  }
0x6e: {  	_ =	shalt  }
0x6f: {  	_ =	shalt  }
0x70: {  	_ =	shalt  }
0x71: {  	_ =	shalt  }
0x72: {  	_ =	shalt  }
0x73: {  	_ =	shalt  }
0x74: {  	_ =	shalt  }
0x75: {  	_ =	shalt  }
0x76: {  	_ =	shalt  }
0x77: {  	_ =	shalt  }
0x78: {  	_ =	shalt  }
0x79: {  	_ =	shalt  }
0x7a: {  	_ =	shalt  }
0x7b: {  	_ =	shalt  }
0x7c: {  	_ =	shalt  }
0x7d: {  	_ =	shalt  }
0x7e: {  	_ =	shalt  }
0x7f: {  	_ =	shalt  }
0x80: {  	_ =	shalt  }
0x81: {  	_ =	shalt  }
0x82: {  	_ =	shalt  }
0x83: {  	_ =	shalt  }
0x84: {  	_ =	shalt  }
0x85: {  	_ =	shalt  }
0x86: {  	_ =	shalt  }
0x87: {  	_ =	shalt  }
.Lfunc_end0:
.L_simem_size_0:
called_computation_lowered:
.L_overlay_start_0:
0x88: {  	s2 =	sld [smem:$0x3FD9]  }
0x89: {  	s3 =	sld [smem:$0x3FFE];
	_ =	sdelay $0x1  }
0x8a: {  	s1 =	srdreg.scid  }
0x8b: {  	s0 =	sand.u32 $0x1, s1  }
0x8c: {  	s17 =	sshll.u32 s0, $0xA;
	s2 =	sadd.s32 s3, s2  }
0x8d: {  	s2 =	sadd.s32 s2, s17  }
0x8e: {  	[smem:$0x3FB0] =	sst s2  }
0x8f: {  	_ = 	snop  }
0x90: {  	s18 =	sld [smem:$0x3FD0];
	(tm) =	ssettm $0x1  }
0x91: {  	s19 =	sld [smem:$0x3FFB];
	_ =	sdelay $0x3  }
0x92: {  	_ =	strace s19  }
0x93: {  	s2 =	sld [smem:$0x3FFC];
	_ =	sdelay $0x3  }
0x94: {  	_ =	strace s2  }
0x95: {  	s2 =	sld [smem:$0x3FFD];
	_ =	sdelay $0x3  }
0x96: {  	_ =	strace s2  }
0x97: {  	_ =	strace $0x8FFFFFFF  }
0x98: {  	s20 =	sld [smem:$0x3FDB];
	_ =	sdelay $0x1  }
0x99: {  	s4 =	simm.s32 $_scs_section_size  }
0x9a: {  	s5 =	simm.s32 $_size__tile_overlayer_lowered;
	s6 =	simm.s32 $_tile_overlayer_lowered  }
0x9b: {  	s7 =	simm.s32 $0x1BFF;
	s21 =	sshll.u32 s6, $0x1;
	s4 =	sadd.s32 s4, s20  }
0x9c: {  	s22 =	simm.s32 $0x0;
	s5 =	sshll.u32 s5, $0x1;
	s6 =	sadd.s32 s21, s4  }
0x9d: {  	[timem:s22], [sflag:s7] =	dma.local [hbm:s6], s5  }
0x9e: {  	_ =	swait.ge [sflag:s7], s5  }
0x9f: {  	s5 =	ssub.s32 $0x0, s5;
	[sflag:s7] =	ssyncset.done $0x0  }
0xa0: {  	[sflag:s7] =	ssyncadd.s32 s5;
	_ =	sdelay $0x1  }
0xa1: {  	s23 =	simm.s32 $0x1B8B  }
0xa2: {  	_ =	swait.ge [sflag:s23], $0x1  }
0xa3: {  	[sflag:s23] =	ssyncset.done $0x0  }
0xa4: {  	[sflag:s23] =	ssyncadd.s32 $0xFFFFFFFF  }
0xa5: {  	s5 =	sld [smem:$0x0]  }
0xa6: {  	s6 =	sand.u32 $0xFFFFFFFE, s1  }
0xa7: {  	p0 =	sne.s32 s1, s6  }
0xa8: {  	s6 =	sshll.u32 @p0 s6, $0xE  }
0xa9: {  	s6 =	sadd.s32 @p0 $0x11B8D, s6;
	s7 =	sshll.u32 @p0 s5, $0x11  }
0xaa: {  	s6 =	sor.u32 @p0 s7, s6  }
0xab: {  	[sflag:s6] =	ssyncadd.remote.s32 @p0 $0x1;
	_ =	sdelay $0x1  }
0xac: {  	s6 =	simm.s32 @p0 $0x1B8D  }
0xad: {  	_ =	swait.eq @p0 [sflag:s6], $0x1  }
0xae: {  	[sflag:s6] =	ssyncadd.s32 @p0 $0xFFFFFFFF  }
0xaf: {  	s7 =	sshll.u32 @!p0 s1, $0xE  }
0xb0: {  	s7 =	sor.u32 @!p0 $0x4000, s7;
	s6 =	simm.s32 @!p0 $0x1B8D  }
0xb1: {  	s5 =	sshll.u32 @!p0 s5, $0x11;
	s7 =	sadd.s32 @!p0 $0x11B8D, s7;
	_ =	swait.eq @!p0 [sflag:s6], $0x1  }
0xb2: {  	s5 =	sor.u32 @!p0 s5, s7;
	[sflag:s6] =	ssyncadd.s32 @!p0 $0xFFFFFFFF  }
0xb3: {  	s25 =	simm.s32 $0x1B8E;
	s24 =	sld [smem:$0x3FFE];
	[sflag:s5] =	ssyncadd.remote.s32 @!p0 $0x1  }
0xb4: {  	s26 =	simm.s32 $execute0_lowered;
	[smem:$0x3FD2] =	sst s25  }
0xb5: {  	s6 =	sshll.u32 s26, $0x1;
	_ =	strace $0x80000049;
	[dreg:$0x1] =	wrdreg $0xFFFFFFFF  }
0xb6: {  	s28 =	simm.s32 $_size_execute0_lowered;
	s4 =	sadd.s32 s4, s6;
	[dreg:$0x0] =	wrdreg $0x0  }
0xb7: {  	s6 =	sshll.u32 s28, $0x1;
	[dreg:$0x2] =	wrdreg s4  }
0xb8: {  	[dreg:$0x3] =	wrdreg s6  }
0xb9: {  	[dreg:$0x4] =	wrdreg $0xC0  }
0xba: {  	_ =	task [dreg:s22], $0x5FFFF  }
0xbb: {  	[dreg:$0x1] =	wrdreg $0xFFFFFFFF  }
0xbc: {  	[dreg:$0x0] =	wrdreg $0x60  }
0xbd: {  	[dreg:$0x2] =	wrdreg s24  }
0xbe: {  	[dreg:$0x3] =	wrdreg s18  }
0xbf: {  	[dreg:$0x4] =	wrdreg $0x0  }
0xc0: {  	[dreg:$0x5] =	wrdreg $0x13A000  }
0xc1: {  	[dreg:$0x6] =	wrdreg $0x9  }
0xc2: {  	_ =	task.clear_ibuf [dreg:s22], $0x7FFFF;
	_ =	strace $0x90000049  }
0xc3: {  	s29 =	simm.s32 $0x9;
	_ =	strace $0x8000004B  }
0xc4: {  	_ =	swait.ge [sflag:s29], $0x1  }
0xc5: {  	[sflag:s29] =	ssyncadd.s32 $0xFFFFFFFF  }
0xc6: {  	_ =	strace $0x9000004B  }
0xc7: {  	_ =	sfence  }
0xc8: {  	s30 =	sld [smem:$0x0];
	_ =	sdelay $0x2  }
0xc9: {  	s31 =	sshll.u32 s1, $0xD;
	s1 =	sshrl.u32 s1, $0x2  }
0xca: {  	s4 =	sand.u32 $0x4000, s31;
	s1 =	sadd.s32 s1, s30  }
0xcb: {  	s0 =	sor.u32 s4, s0;
	s1 =	sshll.u32 s1, $0x11  }
0xcc: {  	s0 =	sor.u32 s1, s0  }
0xcd: {  	s0 =	sadd.s32 $0x8F2B, s0  }
0xce: {  	[sflag:s0] =	ssyncadd.remote.s32 $0x1  }
0xcf: {  	_ =	sfence.sel $0xFFFF  }
0xd0: {  	[dreg:$0x0] =	wrdreg $0xFFFFFFFF;
	(pc) =	sbr.abs _section_cstart, $3  }
0xd1: {  	[dreg:$0x1] =	wrdreg $0xFFFFFFFF  }
0xd2: {  	_ =	task.clear_ibuf [dreg:s22], $0x2FFFF;
	_ =	strace $0x9FFFFFFF  }
0xd3: {  	(tm) =	ssettm $0x7FFFFFFF  }
tec
execute0_lowered:
.L_overlay_start_1:
0x0: {  	(tag) =	ssettag $0x1  }
0x1: {  	s0 =	rddreg [dreg:$0x0]  }
0x2: {  	s1 =	rddreg [dreg:$0x1]  }
0x3: {  	s2 =	rddreg [dreg:$0x2]  }
0x4: {  	s3 =	rddreg [dreg:$0x3]  }
0x5: {  	s4 =	srdreg.scid;
	s5 =	simm.s32 $0x0;
	s16 =	stileid.u32  }
0x6: {  	s31 =	simm.s32 $0x17A00;
	s4 =	sand.u32 $0x1, s4;
	[smem:$0x7FF] =	sst s5  }
0x7: {  	s8 =	smul.u32 $0x13A00, s16;
	s10 =	sadd.s32 $0x7400, s0;
	s11 =	sadd.s32 $0x17400, s0  }
0x8: {  	s6 =	sadd.s32 $0x3CE00, s0;
	s9 =	sshll.u32 s16, $0xD;
	s14 =	smul.u32 $0x4E800, s16  }
0x9: {  	s22 =	sshll.u32 s16, $0xB;
	s7 =	smul.u32 $0x13A000, s4;
	_ =	strace $0x8000004A  }
0xa: {  	s12 =	sshll.u32 s4, $0x11;
	s13 =	ssub.s32 $0x2, s4;
	s4 =	sshll.u32 s4, $0xF  }
0xb: {  	s12 =	sor.u32 s9, s12;
	s20 =	sshrl.u32 s13, $0x1;
	s21 =	sshrl.u32 s14, $0x2  }
0xc: {  	s9 =	sadd.s32 s9, s3;
	s4 =	sor.u32 s22, s4;
	s14 =	simm.s32 $0x16A80  }
0xd: {  	s7 =	sadd.s32 s8, s7;
	s19 =	sshrl.u32 s12, $0x3;
	s12 =	ssub.s32 s13, s20  }
0xe: {  	s13 =	sadd.s32 s10, s4;
	s24 =	sadd.s32 s11, s4;
	s25 =	sor.u32 $0x200, s4  }
0xf: {  	s16 =	sor.u32 $0x400, s4;
	s4 =	sor.u32 $0x600, s4;
	[dreg:$0x6] =	wrdreg s13  }
0x10: {  	s7 =	sshrl.u32 s7, $0x3;
	[dreg:$0x7] =	wrdreg s24;
	s26 =	sadd.s32 s10, s25  }
0x11: {  	s13 =	sadd.s32 s11, s25;
	s17 =	sadd.s32 s10, s16;
	[dreg:$0x8] =	wrdreg s26  }
0x12: {  	s10 =	sadd.s32 s10, s4;
	s4 =	sadd.s32 s11, s4;
	[dreg:$0x9] =	wrdreg s13  }
0x13: {  	s20 =	smax.u32 s12, $0x1;
	s12 =	simm.s32 $0x15A80;
	[dreg:$0xa] =	wrdreg s17  }
0x14: {  	s15 =	sadd.s32 s7, s0;
	s0 =	sadd.s32 s19, s0;
	[dreg:$0xc] =	wrdreg s10  }
0x15: {  	s7 =	sadd.s32 s21, s2;
	s13 =	sadd.s32 s11, s16;
	[dreg:$0xd] =	wrdreg s4  }
0x16: {  	s19 =	sadd.s32 s8, s2;
	[dreg:$0x10] =	wrdreg s20;
	s4 =	simm.s32 $0x15A00  }
0x17: {  	s8 =	simm.s32 $0x16A00;
	s10 =	simm.s32 $0x80;
	s11 =	simm.s32 $0x1BA00  }
0x18: {  	s16 =	simm.s32 $0x1;
	s23 =	sadd.s32 $0x12000, s7;
	[dreg:$0xb] =	wrdreg s13  }
0x19: {  	s17 =	simm.s32 $0x3;
	s18 =	sadd.s32 $0x48E00, s15;
	[dreg:$0x5] =	wrdreg s23  }
0x1a: {  	s20 =	simm.s32 $0x17900;
	s0 =	sadd.s32 $0x40E00, s0;
	[dreg:$0xe] =	wrdreg s18  }
0x1b: {  	s21 =	sadd.s32 $0x2000, s7;
	s22 =	sadd.s32 $0x4000, s7;
	[dreg:$0xf] =	wrdreg s0  }
0x1c: {  	s24 =	sadd.s32 $0x8000, s7;
	s25 =	sshrl.u32 s19, $0x3;
	[dreg:$0x11] =	wrdreg s21  }
0x1d: {  	s26 =	sadd.s32 $0xA000, s7;
	s28 =	sadd.s32 $0xC000, s7;
	[dreg:$0x12] =	wrdreg s22  }
0x1e: {  	s29 =	sadd.s32 $0xE000, s7;
	s30 =	sadd.s32 $0x10000, s7;
	[dreg:$0x14] =	wrdreg s24  }
0x1f: {  	s13 =	simm.s32 $0x19A00;
	s15 =	simm.s32 $0x1DA00;
	[dreg:$0x15] =	wrdreg s25  }
0x20: {  	s19 =	simm.s32 $0x4;
	s23 =	sadd.s32 $0x6000, s7;
	[dreg:$0x16] =	wrdreg s26  }
0x21: {  	s0 =	simm.s32 $0x5;
	s18 =	simm.s32 $0x2;
	s21 =	simm.s32 $0x16900  }
0x22: {  	v0 =	vimm.f32 $0.0e+00;
	s22 =	simm.s32 $0x17980;
	[dreg:$0x13] =	wrdreg s23;
	s23 =	simm.s32 $0x16980  }
.LBB2_1:
0x23: {  	s25 =	simm.s32 $0x100;
	s24 =	simm.s32 $0x0  }
.LBB2_2:
0x24: {  	p0 =	sne.s32 s25, $0x7F00;
	[tilespmem:s24+$0x17A30] =	vst v0;
	s26 =	smov.u32 s25;
	s25 =	sadd.s32 $0x100, s25  }
.Ltmp0:
0x25: {  	[tilespmem:s24+$0x17A20] =	vst v0;
	(pc) =	sbr.rel @p0 .LBB2_2-.Ltmp0, $3  }
0x26: {  	[tilespmem:s24+$0x17A00] =	vst v0  }
0x27: {  	[tilespmem:s24+$0x17A10] =	vst v0;
	_ =	sdelay $0x1  }
0x28: {  	s24 =	sshra.s32 s26, $0x2  }
0x29: {  	[tilespmem:s24+$0x17A30] =	vst v0  }
0x2a: {  	[tilespmem:s24+$0x17A20] =	vst v0  }
0x2b: {  	[tilespmem:s24+$0x17A00] =	vst v0  }
0x2c: {  	[tilespmem:s24+$0x17A10] =	vst v0  }
0x2d: {  	[spmem:s7] =	stream.linear.scatter [tilespmem:s31], [sflag:$0x5], $0x2000, $0x38;
	[tilespmem:$0x1FA00] =	vst v63  }
0x2e: {  	_ =	swait.ge [sflag:s0], $0x2000  }
0x2f: {  	[sflag:s0] =	ssyncset.done $0x0  }
0x30: {  	s26 =	rddreg [dreg:$0x11];
	[sflag:s0] =	ssyncadd.s32 $0xFFFFE000  }
0x31: {  	[spmem:s26] =	stream.linear.scatter [tilespmem:s31], [sflag:$0x5], $0x2000, $0x38;
	[tilespmem:$0x1FA00] =	vst v63  }
0x32: {  	_ =	swait.ge [sflag:s0], $0x2000  }
0x33: {  	[sflag:s0] =	ssyncset.done $0x0  }
0x34: {  	s25 =	rddreg [dreg:$0x12];
	[sflag:s0] =	ssyncadd.s32 $0xFFFFE000  }
0x35: {  	[spmem:s25] =	stream.linear.scatter [tilespmem:s31], [sflag:$0x5], $0x2000, $0x38;
	[tilespmem:$0x1FA00] =	vst v63  }
0x36: {  	_ =	swait.ge [sflag:s0], $0x2000  }
0x37: {  	[sflag:s0] =	ssyncset.done $0x0  }
0x38: {  	s26 =	rddreg [dreg:$0x13];
	[sflag:s0] =	ssyncadd.s32 $0xFFFFE000  }
0x39: {  	[spmem:s26] =	stream.linear.scatter [tilespmem:s31], [sflag:$0x5], $0x2000, $0x38;
	[tilespmem:$0x1FA00] =	vst v63  }
0x3a: {  	_ =	swait.ge [sflag:s0], $0x2000  }
0x3b: {  	[sflag:s0] =	ssyncset.done $0x0  }
0x3c: {  	s25 =	rddreg [dreg:$0x14];
	[sflag:s0] =	ssyncadd.s32 $0xFFFFE000  }
0x3d: {  	[spmem:s25] =	stream.linear.scatter [tilespmem:s31], [sflag:$0x5], $0x2000, $0x38;
	[tilespmem:$0x1FA00] =	vst v63  }
0x3e: {  	_ =	swait.ge [sflag:s0], $0x2000  }
0x3f: {  	[sflag:s0] =	ssyncset.done $0x0  }
0x40: {  	s26 =	rddreg [dreg:$0x16];
	[sflag:s0] =	ssyncadd.s32 $0xFFFFE000  }
0x41: {  	[spmem:s26] =	stream.linear.scatter [tilespmem:s31], [sflag:$0x5], $0x2000, $0x38;
	[tilespmem:$0x1FA00] =	vst v63  }
0x42: {  	_ =	swait.ge [sflag:s0], $0x2000  }
0x43: {  	[sflag:s0] =	ssyncset.done $0x0  }
0x44: {  	[sflag:s0] =	ssyncadd.s32 $0xFFFFE000  }
0x45: {  	[spmem:s28] =	stream.linear.scatter [tilespmem:s31], [sflag:$0x5], $0x2000, $0x38;
	[tilespmem:$0x1FA00] =	vst v63  }
0x46: {  	_ =	swait.ge [sflag:s0], $0x2000  }
0x47: {  	[sflag:s0] =	ssyncset.done $0x0  }
0x48: {  	[sflag:s0] =	ssyncadd.s32 $0xFFFFE000  }
0x49: {  	[spmem:s29] =	stream.linear.scatter [tilespmem:s31], [sflag:$0x5], $0x2000, $0x38;
	[tilespmem:$0x1FA00] =	vst v63  }
0x4a: {  	_ =	swait.ge [sflag:s0], $0x2000  }
0x4b: {  	[sflag:s0] =	ssyncset.done $0x0  }
0x4c: {  	[sflag:s0] =	ssyncadd.s32 $0xFFFFE000  }
0x4d: {  	[spmem:s30] =	stream.linear.scatter [tilespmem:s31], [sflag:$0x5], $0x2000, $0x38;
	[tilespmem:$0x1FA00] =	vst v63  }
0x4e: {  	_ =	swait.ge [sflag:s0], $0x2000  }
0x4f: {  	[sflag:s0] =	ssyncset.done $0x0  }
0x50: {  	s25 =	rddreg [dreg:$0x5];
	[sflag:s0] =	ssyncadd.s32 $0xFFFFE000  }
0x51: {  	[spmem:s25] =	stream.linear.scatter [tilespmem:s31], [sflag:$0x5], $0x1A00, $0x38;
	[tilespmem:$0x1FA00] =	vst v63  }
0x52: {  	_ =	swait.ge [sflag:s0], $0x1A00  }
0x53: {  	[sflag:s0] =	ssyncset.done $0x0  }
0x54: {  	[sflag:s0] =	ssyncadd.s32 $0xFFFFE600  }
0x55: {  	[spmem:s9] =	stream.linear.scatter [tilespmem:s31], [sflag:$0x5], $0x2000, $0x38;
	[tilespmem:$0x1FA00] =	vst v63  }
0x56: {  	_ =	swait.ge [sflag:s0], $0x2000  }
0x57: {  	[sflag:s0] =	ssyncset.done $0x0  }
0x58: {  	[sflag:s0] =	ssyncadd.s32 $0xFFFFE000  }
0x59: {  	[bflag:$0x0] =	sbarrier.arrive $0xFFFF  }
0x5a: {  	s24 =	simm.s32 $0x0;
	s25 =	rddreg [dreg:$0x6]  }
0x5b: {  	[tilespmem:s4], [sflag:$0x5] =	stream.linear.gather [hbm4b:s25+s24], $0x1000, $0x38;
	[tilespmem:$0x1FA00] =	vst v63  }
0x5c: {  	_ =	swait.ge [sflag:s0], $0x1000  }
0x5d: {  	[sflag:s0] =	ssyncset.done $0x0  }
0x5e: {  	s26 =	rddreg [dreg:$0x7];
	[sflag:s0] =	ssyncadd.s32 $0xFFFFF000  }
0x5f: {  	[tilespmem:s8], [sflag:$0x5] =	stream.linear.gather [hbm4b:s26+s24], $0x1000, $0x38;
	[tilespmem:$0x1FA00] =	vst v63  }
0x60: {  	_ =	swait.ge [sflag:s0], $0x1000  }
0x61: {  	[sflag:s0] =	ssyncset.done $0x0  }
0x62: {  	[sflag:s0] =	ssyncadd.s32 $0xFFFFF000  }
0x63: {  	[tilespmem:s31], [sflag:$0x1] =	stream.indirect.gather [hbm4b:s6+s10], $0x40, s4, s10, $0xb8;
	[tilespmem:$0x1FA00] =	vst v63  }
0x64: {  	_ = 	snop  }
0x65: {  	[tilespmem:s11], [sflag:$0x3] =	stream.indirect.gather [hbm4b:s1+s10], $0x40, s8, s10, $0xb8;
	[tilespmem:$0x1FA00] =	vst v63  }
0x66: {  	_ = 	snop  }
0x67: {  	[tilespmem:s13], [sflag:$0x2] =	stream.indirect.gather [hbm4b:s6+s10], $0x40, s12, s10, $0xb8;
	[tilespmem:$0x1FA00] =	vst v63  }
0x68: {  	_ = 	snop  }
0x69: {  	[tilespmem:s15], [sflag:$0x4] =	stream.indirect.gather [hbm4b:s1+s10], $0x40, s14, s10, $0xb8;
	[tilespmem:$0x1FA00] =	vst v63  }
0x6a: {  	_ =	swait.ge [sflag:s16], $0x2000  }
0x6b: {  	[sflag:s16] =	ssyncset.done $0x0  }
0x6c: {  	s26 =	simm.s32 $0x16A00;
	[sflag:s16] =	ssyncadd.s32 $0xFFFFE000  }
0x6d: {  	[spmem:s2] =	stream.indirect.scatter.add.f32 [tilespmem:s31], [sflag:$0x5], $0x40, s26, s10, $0xb8;
	[tilespmem:$0x1FA00] =	vst v63  }
0x6e: {  	_ =	swait.ge [sflag:s0], $0x2000  }
0x6f: {  	[sflag:s0] =	ssyncset.done $0x0  }
0x70: {  	s25 =	simm.s32 $0x15B00;
	[sflag:s0] =	ssyncadd.s32 $0xFFFFE000  }
0x71: {  	[tilespmem:s31], [sflag:$0x1] =	stream.indirect.gather [hbm4b:s6+s10], $0x40, s25, s10, $0xb8;
	[tilespmem:$0x1FA00] =	vst v63  }
0x72: {  	_ =	swait.ge [sflag:s17], $0x2000  }
0x73: {  	[sflag:s17] =	ssyncset.done $0x0  }
0x74: {  	s26 =	simm.s32 $0x15A00;
	[sflag:s17] =	ssyncadd.s32 $0xFFFFE000  }
0x75: {  	[spmem:s3] =	stream.indirect.scatter.add.f32 [tilespmem:s11], [sflag:$0x5], $0x40, s26, s10, $0xb8;
	[tilespmem:$0x1FA00] =	vst v63  }
0x76: {  	_ =	swait.ge [sflag:s0], $0x2000  }
0x77: {  	[sflag:s0] =	ssyncset.done $0x0  }
0x78: {  	s25 =	simm.s32 $0x16B00;
	[sflag:s0] =	ssyncadd.s32 $0xFFFFE000  }
0x79: {  	[tilespmem:s11], [sflag:$0x3] =	stream.indirect.gather [hbm4b:s1+s10], $0x40, s25, s10, $0xb8;
	[tilespmem:$0x1FA00] =	vst v63  }
0x7a: {  	_ =	swait.ge [sflag:s18], $0x2000  }
0x7b: {  	[sflag:s18] =	ssyncset.done $0x0  }
0x7c: {  	s26 =	simm.s32 $0x16A80;
	[sflag:s18] =	ssyncadd.s32 $0xFFFFE000  }
0x7d: {  	[spmem:s2] =	stream.indirect.scatter.add.f32 [tilespmem:s13], [sflag:$0x5], $0x40, s26, s10, $0xb8;
	[tilespmem:$0x1FA00] =	vst v63  }
0x7e: {  	_ =	swait.ge [sflag:s0], $0x2000  }
0x7f: {  	[sflag:s0] =	ssyncset.done $0x0  }
0x80: {  	s25 =	simm.s32 $0x15B80;
	[sflag:s0] =	ssyncadd.s32 $0xFFFFE000  }
0x81: {  	[tilespmem:s13], [sflag:$0x2] =	stream.indirect.gather [hbm4b:s6+s10], $0x40, s25, s10, $0xb8;
	[tilespmem:$0x1FA00] =	vst v63  }
0x82: {  	_ =	swait.ge [sflag:s19], $0x2000  }
0x83: {  	[sflag:s19] =	ssyncset.done $0x0  }
0x84: {  	s26 =	simm.s32 $0x15A80;
	[sflag:s19] =	ssyncadd.s32 $0xFFFFE000  }
0x85: {  	[spmem:s3] =	stream.indirect.scatter.add.f32 [tilespmem:s15], [sflag:$0x5], $0x40, s26, s10, $0xb8;
	[tilespmem:$0x1FA00] =	vst v63  }
0x86: {  	_ =	swait.ge [sflag:s0], $0x2000  }
0x87: {  	[sflag:s0] =	ssyncset.done $0x0  }
0x88: {  	s24 =	simm.s32 $0x400;
	s25 =	simm.s32 $0x16B80;
	[sflag:s0] =	ssyncadd.s32 $0xFFFFE000  }
.LBB2_4:
0x89: {  	[tilespmem:s15], [sflag:$0x4] =	stream.indirect.gather [hbm4b:s1+s10], $0x40, s25, s10, $0xb8;
	[tilespmem:$0x1FA00] =	vst v63  }
0x8a: {  	s25 =	smov.u32 s24  }
0x8b: {  	p0 =	sne.s32 s24, $0x3800;
	s24 =	sadd.s32 $0x400, s24;
	_ =	swait.ge [sflag:s16], $0x2000  }
0x8c: {  	s25 =	sshra.s32 s25, $0x2;
	[sflag:s16] =	ssyncset.done $0x0  }
0x8d: {  	s26 =	sadd.s32 $0x16A00, s25;
	[sflag:s16] =	ssyncadd.s32 $0xFFFFE000  }
0x8e: {  	[spmem:s2] =	stream.indirect.scatter.add.f32 [tilespmem:s31], [sflag:$0x5], $0x40, s26, s10, $0xb8;
	[tilespmem:$0x1FA00] =	vst v63  }
0x8f: {  	_ =	swait.ge [sflag:s0], $0x2000  }
0x90: {  	[sflag:s0] =	ssyncset.done $0x0  }
0x91: {  	s26 =	sadd.s32 $0x15B00, s25;
	[sflag:s0] =	ssyncadd.s32 $0xFFFFE000  }
0x92: {  	[tilespmem:s31], [sflag:$0x1] =	stream.indirect.gather [hbm4b:s6+s10], $0x40, s26, s10, $0xb8;
	[tilespmem:$0x1FA00] =	vst v63  }
0x93: {  	_ =	swait.ge [sflag:s17], $0x2000  }
0x94: {  	[sflag:s17] =	ssyncset.done $0x0  }
0x95: {  	s26 =	sadd.s32 $0x15A00, s25;
	[sflag:s17] =	ssyncadd.s32 $0xFFFFE000  }
0x96: {  	[spmem:s3] =	stream.indirect.scatter.add.f32 [tilespmem:s11], [sflag:$0x5], $0x40, s26, s10, $0xb8;
	[tilespmem:$0x1FA00] =	vst v63  }
0x97: {  	_ =	swait.ge [sflag:s0], $0x2000  }
0x98: {  	[sflag:s0] =	ssyncset.done $0x0  }
0x99: {  	s26 =	sadd.s32 $0x16B00, s25;
	[sflag:s0] =	ssyncadd.s32 $0xFFFFE000  }
0x9a: {  	[tilespmem:s11], [sflag:$0x3] =	stream.indirect.gather [hbm4b:s1+s10], $0x40, s26, s10, $0xb8;
	[tilespmem:$0x1FA00] =	vst v63  }
0x9b: {  	_ =	swait.ge [sflag:s18], $0x2000  }
0x9c: {  	[sflag:s18] =	ssyncset.done $0x0  }
0x9d: {  	s26 =	sadd.s32 $0x16A80, s25;
	[sflag:s18] =	ssyncadd.s32 $0xFFFFE000  }
0x9e: {  	[spmem:s2] =	stream.indirect.scatter.add.f32 [tilespmem:s13], [sflag:$0x5], $0x40, s26, s10, $0xb8;
	[tilespmem:$0x1FA00] =	vst v63  }
0x9f: {  	_ =	swait.ge [sflag:s0], $0x2000  }
0xa0: {  	[sflag:s0] =	ssyncset.done $0x0  }
0xa1: {  	s26 =	sadd.s32 $0x15B80, s25;
	[sflag:s0] =	ssyncadd.s32 $0xFFFFE000  }
0xa2: {  	[tilespmem:s13], [sflag:$0x2] =	stream.indirect.gather [hbm4b:s6+s10], $0x40, s26, s10, $0xb8;
	[tilespmem:$0x1FA00] =	vst v63  }
0xa3: {  	_ =	swait.ge [sflag:s19], $0x2000  }
0xa4: {  	[sflag:s19] =	ssyncset.done $0x0  }
.Ltmp1:
0xa5: {  	s26 =	sadd.s32 $0x15A80, s25;
	[sflag:s19] =	ssyncadd.s32 $0xFFFFE000;
	(pc) =	sbr.rel @p0 .LBB2_4-.Ltmp1, $4  }
0xa6: {  	[spmem:s3] =	stream.indirect.scatter.add.f32 [tilespmem:s15], [sflag:$0x5], $0x40, s26, s10, $0xb8;
	[tilespmem:$0x1FA00] =	vst v63  }
0xa7: {  	_ =	swait.ge [sflag:s0], $0x2000  }
0xa8: {  	[sflag:s0] =	ssyncset.done $0x0  }
0xa9: {  	s25 =	sadd.s32 $0x16B80, s25;
	[sflag:s0] =	ssyncadd.s32 $0xFFFFE000  }
0xaa: {  	[tilespmem:s15], [sflag:$0x4] =	stream.indirect.gather [hbm4b:s1+s10], $0x40, s25, s10, $0xb8;
	[tilespmem:$0x1FA00] =	vst v63  }
0xab: {  	_ =	swait.ge [sflag:s16], $0x2000  }
0xac: {  	[sflag:s16] =	ssyncset.done $0x0  }
0xad: {  	[sflag:s16] =	ssyncadd.s32 $0xFFFFE000  }
0xae: {  	[spmem:s2] =	stream.indirect.scatter.add.f32 [tilespmem:s31], [sflag:$0x5], $0x40, s20, s10, $0xb8;
	[tilespmem:$0x1FA00] =	vst v63  }
0xaf: {  	_ =	swait.ge [sflag:s0], $0x2000  }
0xb0: {  	[sflag:s0] =	ssyncset.done $0x0  }
0xb1: {  	[sflag:s0] =	ssyncadd.s32 $0xFFFFE000  }
0xb2: {  	_ =	swait.ge [sflag:s17], $0x2000  }
0xb3: {  	[sflag:s17] =	ssyncset.done $0x0  }
0xb4: {  	[sflag:s17] =	ssyncadd.s32 $0xFFFFE000  }
0xb5: {  	[spmem:s3] =	stream.indirect.scatter.add.f32 [tilespmem:s11], [sflag:$0x5], $0x40, s21, s10, $0xb8;
	[tilespmem:$0x1FA00] =	vst v63  }
0xb6: {  	_ =	swait.ge [sflag:s0], $0x2000  }
0xb7: {  	[sflag:s0] =	ssyncset.done $0x0  }
0xb8: {  	[sflag:s0] =	ssyncadd.s32 $0xFFFFE000  }
0xb9: {  	_ =	swait.ge [sflag:s18], $0x2000  }
0xba: {  	[sflag:s18] =	ssyncset.done $0x0  }
0xbb: {  	[sflag:s18] =	ssyncadd.s32 $0xFFFFE000  }
0xbc: {  	[spmem:s2] =	stream.indirect.scatter.add.f32 [tilespmem:s13], [sflag:$0x5], $0x40, s22, s10, $0xb8;
	[tilespmem:$0x1FA00] =	vst v63  }
0xbd: {  	_ =	swait.ge [sflag:s0], $0x2000  }
0xbe: {  	[sflag:s0] =	ssyncset.done $0x0  }
0xbf: {  	[sflag:s0] =	ssyncadd.s32 $0xFFFFE000  }
0xc0: {  	_ =	swait.ge [sflag:s19], $0x2000  }
0xc1: {  	[sflag:s19] =	ssyncset.done $0x0  }
0xc2: {  	[sflag:s19] =	ssyncadd.s32 $0xFFFFE000  }
0xc3: {  	[spmem:s3] =	stream.indirect.scatter.add.f32 [tilespmem:s15], [sflag:$0x5], $0x40, s23, s10, $0xb8;
	[tilespmem:$0x1FA00] =	vst v63  }
0xc4: {  	_ =	swait.ge [sflag:s0], $0x2000  }
0xc5: {  	[sflag:s0] =	ssyncset.done $0x0  }
0xc6: {  	s24 =	simm.s32 $0x0;
	s26 =	rddreg [dreg:$0x8];
	[sflag:s0] =	ssyncadd.s32 $0xFFFFE000  }
0xc7: {  	[tilespmem:s4], [sflag:$0x5] =	stream.linear.gather [hbm4b:s26+s24], $0x1000, $0x38;
	[tilespmem:$0x1FA00] =	vst v63  }
0xc8: {  	_ =	swait.ge [sflag:s0], $0x1000  }
0xc9: {  	[sflag:s0] =	ssyncset.done $0x0  }
0xca: {  	s26 =	rddreg [dreg:$0x9];
	[sflag:s0] =	ssyncadd.s32 $0xFFFFF000  }
0xcb: {  	[tilespmem:s8], [sflag:$0x5] =	stream.linear.gather [hbm4b:s26+s24], $0x1000, $0x38;
	[tilespmem:$0x1FA00] =	vst v63  }
0xcc: {  	_ =	swait.ge [sflag:s0], $0x1000  }
0xcd: {  	[sflag:s0] =	ssyncset.done $0x0  }
0xce: {  	[sflag:s0] =	ssyncadd.s32 $0xFFFFF000  }
0xcf: {  	[tilespmem:s31], [sflag:$0x1] =	stream.indirect.gather [hbm4b:s6+s10], $0x40, s4, s10, $0xb8;
	[tilespmem:$0x1FA00] =	vst v63  }
0xd0: {  	_ = 	snop  }
0xd1: {  	[tilespmem:s11], [sflag:$0x3] =	stream.indirect.gather [hbm4b:s1+s10], $0x40, s8, s10, $0xb8;
	[tilespmem:$0x1FA00] =	vst v63  }
0xd2: {  	_ = 	snop  }
0xd3: {  	[tilespmem:s13], [sflag:$0x2] =	stream.indirect.gather [hbm4b:s6+s10], $0x40, s12, s10, $0xb8;
	[tilespmem:$0x1FA00] =	vst v63  }
0xd4: {  	_ = 	snop  }
0xd5: {  	[tilespmem:s15], [sflag:$0x4] =	stream.indirect.gather [hbm4b:s1+s10], $0x40, s14, s10, $0xb8;
	[tilespmem:$0x1FA00] =	vst v63  }
0xd6: {  	_ =	swait.ge [sflag:s16], $0x2000  }
0xd7: {  	[sflag:s16] =	ssyncset.done $0x0  }
0xd8: {  	s26 =	simm.s32 $0x16A00;
	[sflag:s16] =	ssyncadd.s32 $0xFFFFE000  }
0xd9: {  	[spmem:s2] =	stream.indirect.scatter.add.f32 [tilespmem:s31], [sflag:$0x5], $0x40, s26, s10, $0xb8;
	[tilespmem:$0x1FA00] =	vst v63  }
0xda: {  	_ =	swait.ge [sflag:s0], $0x2000  }
0xdb: {  	[sflag:s0] =	ssyncset.done $0x0  }
0xdc: {  	s25 =	simm.s32 $0x15B00;
	[sflag:s0] =	ssyncadd.s32 $0xFFFFE000  }
0xdd: {  	[tilespmem:s31], [sflag:$0x1] =	stream.indirect.gather [hbm4b:s6+s10], $0x40, s25, s10, $0xb8;
	[tilespmem:$0x1FA00] =	vst v63  }
0xde: {  	_ =	swait.ge [sflag:s17], $0x2000  }
0xdf: {  	[sflag:s17] =	ssyncset.done $0x0  }
0xe0: {  	s26 =	simm.s32 $0x15A00;
	[sflag:s17] =	ssyncadd.s32 $0xFFFFE000  }
0xe1: {  	[spmem:s3] =	stream.indirect.scatter.add.f32 [tilespmem:s11], [sflag:$0x5], $0x40, s26, s10, $0xb8;
	[tilespmem:$0x1FA00] =	vst v63  }
0xe2: {  	_ =	swait.ge [sflag:s0], $0x2000  }
0xe3: {  	[sflag:s0] =	ssyncset.done $0x0  }
0xe4: {  	s25 =	simm.s32 $0x16B00;
	[sflag:s0] =	ssyncadd.s32 $0xFFFFE000  }
0xe5: {  	[tilespmem:s11], [sflag:$0x3] =	stream.indirect.gather [hbm4b:s1+s10], $0x40, s25, s10, $0xb8;
	[tilespmem:$0x1FA00] =	vst v63  }
0xe6: {  	_ =	swait.ge [sflag:s18], $0x2000  }
0xe7: {  	[sflag:s18] =	ssyncset.done $0x0  }
0xe8: {  	s26 =	simm.s32 $0x16A80;
	[sflag:s18] =	ssyncadd.s32 $0xFFFFE000  }
0xe9: {  	[spmem:s2] =	stream.indirect.scatter.add.f32 [tilespmem:s13], [sflag:$0x5], $0x40, s26, s10, $0xb8;
	[tilespmem:$0x1FA00] =	vst v63  }
0xea: {  	_ =	swait.ge [sflag:s0], $0x2000  }
0xeb: {  	[sflag:s0] =	ssyncset.done $0x0  }
0xec: {  	s25 =	simm.s32 $0x15B80;
	[sflag:s0] =	ssyncadd.s32 $0xFFFFE000  }
0xed: {  	[tilespmem:s13], [sflag:$0x2] =	stream.indirect.gather [hbm4b:s6+s10], $0x40, s25, s10, $0xb8;
	[tilespmem:$0x1FA00] =	vst v63  }
0xee: {  	_ =	swait.ge [sflag:s19], $0x2000  }
0xef: {  	[sflag:s19] =	ssyncset.done $0x0  }
0xf0: {  	s26 =	simm.s32 $0x15A80;
	[sflag:s19] =	ssyncadd.s32 $0xFFFFE000  }
0xf1: {  	[spmem:s3] =	stream.indirect.scatter.add.f32 [tilespmem:s15], [sflag:$0x5], $0x40, s26, s10, $0xb8;
	[tilespmem:$0x1FA00] =	vst v63  }
0xf2: {  	_ =	swait.ge [sflag:s0], $0x2000  }
0xf3: {  	[sflag:s0] =	ssyncset.done $0x0  }
0xf4: {  	s24 =	simm.s32 $0x400;
	s25 =	simm.s32 $0x16B80;
	[sflag:s0] =	ssyncadd.s32 $0xFFFFE000  }
.LBB2_6:
0xf5: {  	[tilespmem:s15], [sflag:$0x4] =	stream.indirect.gather [hbm4b:s1+s10], $0x40, s25, s10, $0xb8;
	[tilespmem:$0x1FA00] =	vst v63  }
0xf6: {  	s25 =	smov.u32 s24  }
0xf7: {  	p0 =	sne.s32 s24, $0x3800;
	s24 =	sadd.s32 $0x400, s24;
	_ =	swait.ge [sflag:s16], $0x2000  }
0xf8: {  	s25 =	sshra.s32 s25, $0x2;
	[sflag:s16] =	ssyncset.done $0x0  }
0xf9: {  	s26 =	sadd.s32 $0x16A00, s25;
	[sflag:s16] =	ssyncadd.s32 $0xFFFFE000  }
0xfa: {  	[spmem:s2] =	stream.indirect.scatter.add.f32 [tilespmem:s31], [sflag:$0x5], $0x40, s26, s10, $0xb8;
	[tilespmem:$0x1FA00] =	vst v63  }
0xfb: {  	_ =	swait.ge [sflag:s0], $0x2000  }
0xfc: {  	[sflag:s0] =	ssyncset.done $0x0  }
0xfd: {  	s26 =	sadd.s32 $0x15B00, s25;
	[sflag:s0] =	ssyncadd.s32 $0xFFFFE000  }
0xfe: {  	[tilespmem:s31], [sflag:$0x1] =	stream.indirect.gather [hbm4b:s6+s10], $0x40, s26, s10, $0xb8;
	[tilespmem:$0x1FA00] =	vst v63  }
0xff: {  	_ =	swait.ge [sflag:s17], $0x2000  }
0x100: {  	[sflag:s17] =	ssyncset.done $0x0  }
0x101: {  	s26 =	sadd.s32 $0x15A00, s25;
	[sflag:s17] =	ssyncadd.s32 $0xFFFFE000  }
0x102: {  	[spmem:s3] =	stream.indirect.scatter.add.f32 [tilespmem:s11], [sflag:$0x5], $0x40, s26, s10, $0xb8;
	[tilespmem:$0x1FA00] =	vst v63  }
0x103: {  	_ =	swait.ge [sflag:s0], $0x2000  }
0x104: {  	[sflag:s0] =	ssyncset.done $0x0  }
0x105: {  	s26 =	sadd.s32 $0x16B00, s25;
	[sflag:s0] =	ssyncadd.s32 $0xFFFFE000  }
0x106: {  	[tilespmem:s11], [sflag:$0x3] =	stream.indirect.gather [hbm4b:s1+s10], $0x40, s26, s10, $0xb8;
	[tilespmem:$0x1FA00] =	vst v63  }
0x107: {  	_ =	swait.ge [sflag:s18], $0x2000  }
0x108: {  	[sflag:s18] =	ssyncset.done $0x0  }
0x109: {  	s26 =	sadd.s32 $0x16A80, s25;
	[sflag:s18] =	ssyncadd.s32 $0xFFFFE000  }
0x10a: {  	[spmem:s2] =	stream.indirect.scatter.add.f32 [tilespmem:s13], [sflag:$0x5], $0x40, s26, s10, $0xb8;
	[tilespmem:$0x1FA00] =	vst v63  }
0x10b: {  	_ =	swait.ge [sflag:s0], $0x2000  }
0x10c: {  	[sflag:s0] =	ssyncset.done $0x0  }
0x10d: {  	s26 =	sadd.s32 $0x15B80, s25;
	[sflag:s0] =	ssyncadd.s32 $0xFFFFE000  }
0x10e: {  	[tilespmem:s13], [sflag:$0x2] =	stream.indirect.gather [hbm4b:s6+s10], $0x40, s26, s10, $0xb8;
	[tilespmem:$0x1FA00] =	vst v63  }
0x10f: {  	_ =	swait.ge [sflag:s19], $0x2000  }
0x110: {  	[sflag:s19] =	ssyncset.done $0x0  }
.Ltmp2:
0x111: {  	s26 =	sadd.s32 $0x15A80, s25;
	[sflag:s19] =	ssyncadd.s32 $0xFFFFE000;
	(pc) =	sbr.rel @p0 .LBB2_6-.Ltmp2, $4  }
0x112: {  	[spmem:s3] =	stream.indirect.scatter.add.f32 [tilespmem:s15], [sflag:$0x5], $0x40, s26, s10, $0xb8;
	[tilespmem:$0x1FA00] =	vst v63  }
0x113: {  	_ =	swait.ge [sflag:s0], $0x2000  }
0x114: {  	[sflag:s0] =	ssyncset.done $0x0  }
0x115: {  	s25 =	sadd.s32 $0x16B80, s25;
	[sflag:s0] =	ssyncadd.s32 $0xFFFFE000  }
0x116: {  	[tilespmem:s15], [sflag:$0x4] =	stream.indirect.gather [hbm4b:s1+s10], $0x40, s25, s10, $0xb8;
	[tilespmem:$0x1FA00] =	vst v63  }
0x117: {  	_ =	swait.ge [sflag:s16], $0x2000  }
0x118: {  	[sflag:s16] =	ssyncset.done $0x0  }
0x119: {  	[sflag:s16] =	ssyncadd.s32 $0xFFFFE000  }
0x11a: {  	[spmem:s2] =	stream.indirect.scatter.add.f32 [tilespmem:s31], [sflag:$0x5], $0x40, s20, s10, $0xb8;
	[tilespmem:$0x1FA00] =	vst v63  }
0x11b: {  	_ =	swait.ge [sflag:s0], $0x2000  }
0x11c: {  	[sflag:s0] =	ssyncset.done $0x0  }
0x11d: {  	[sflag:s0] =	ssyncadd.s32 $0xFFFFE000  }
0x11e: {  	_ =	swait.ge [sflag:s17], $0x2000  }
0x11f: {  	[sflag:s17] =	ssyncset.done $0x0  }
0x120: {  	[sflag:s17] =	ssyncadd.s32 $0xFFFFE000  }
0x121: {  	[spmem:s3] =	stream.indirect.scatter.add.f32 [tilespmem:s11], [sflag:$0x5], $0x40, s21, s10, $0xb8;
	[tilespmem:$0x1FA00] =	vst v63  }
0x122: {  	_ =	swait.ge [sflag:s0], $0x2000  }
0x123: {  	[sflag:s0] =	ssyncset.done $0x0  }
0x124: {  	[sflag:s0] =	ssyncadd.s32 $0xFFFFE000  }
0x125: {  	_ =	swait.ge [sflag:s18], $0x2000  }
0x126: {  	[sflag:s18] =	ssyncset.done $0x0  }
0x127: {  	[sflag:s18] =	ssyncadd.s32 $0xFFFFE000  }
0x128: {  	[spmem:s2] =	stream.indirect.scatter.add.f32 [tilespmem:s13], [sflag:$0x5], $0x40, s22, s10, $0xb8;
	[tilespmem:$0x1FA00] =	vst v63  }
0x129: {  	_ =	swait.ge [sflag:s0], $0x2000  }
0x12a: {  	[sflag:s0] =	ssyncset.done $0x0  }
0x12b: {  	[sflag:s0] =	ssyncadd.s32 $0xFFFFE000  }
0x12c: {  	_ =	swait.ge [sflag:s19], $0x2000  }
0x12d: {  	[sflag:s19] =	ssyncset.done $0x0  }
0x12e: {  	[sflag:s19] =	ssyncadd.s32 $0xFFFFE000  }
0x12f: {  	[spmem:s3] =	stream.indirect.scatter.add.f32 [tilespmem:s15], [sflag:$0x5], $0x40, s23, s10, $0xb8;
	[tilespmem:$0x1FA00] =	vst v63  }
0x130: {  	_ =	swait.ge [sflag:s0], $0x2000  }
0x131: {  	[sflag:s0] =	ssyncset.done $0x0  }
0x132: {  	s24 =	simm.s32 $0x0;
	s26 =	rddreg [dreg:$0xa];
	[sflag:s0] =	ssyncadd.s32 $0xFFFFE000  }
0x133: {  	[tilespmem:s4], [sflag:$0x5] =	stream.linear.gather [hbm4b:s26+s24], $0x1000, $0x38;
	[tilespmem:$0x1FA00] =	vst v63  }
0x134: {  	_ =	swait.ge [sflag:s0], $0x1000  }
0x135: {  	[sflag:s0] =	ssyncset.done $0x0  }
0x136: {  	s26 =	rddreg [dreg:$0xb];
	[sflag:s0] =	ssyncadd.s32 $0xFFFFF000  }
0x137: {  	[tilespmem:s8], [sflag:$0x5] =	stream.linear.gather [hbm4b:s26+s24], $0x1000, $0x38;
	[tilespmem:$0x1FA00] =	vst v63  }
0x138: {  	_ =	swait.ge [sflag:s0], $0x1000  }
0x139: {  	[sflag:s0] =	ssyncset.done $0x0  }
0x13a: {  	[sflag:s0] =	ssyncadd.s32 $0xFFFFF000  }
0x13b: {  	[tilespmem:s31], [sflag:$0x1] =	stream.indirect.gather [hbm4b:s6+s10], $0x40, s4, s10, $0xb8;
	[tilespmem:$0x1FA00] =	vst v63  }
0x13c: {  	_ = 	snop  }
0x13d: {  	[tilespmem:s11], [sflag:$0x3] =	stream.indirect.gather [hbm4b:s1+s10], $0x40, s8, s10, $0xb8;
	[tilespmem:$0x1FA00] =	vst v63  }
0x13e: {  	_ = 	snop  }
0x13f: {  	[tilespmem:s13], [sflag:$0x2] =	stream.indirect.gather [hbm4b:s6+s10], $0x40, s12, s10, $0xb8;
	[tilespmem:$0x1FA00] =	vst v63  }
0x140: {  	_ = 	snop  }
0x141: {  	[tilespmem:s15], [sflag:$0x4] =	stream.indirect.gather [hbm4b:s1+s10], $0x40, s14, s10, $0xb8;
	[tilespmem:$0x1FA00] =	vst v63  }
0x142: {  	_ =	swait.ge [sflag:s16], $0x2000  }
0x143: {  	[sflag:s16] =	ssyncset.done $0x0  }
0x144: {  	s26 =	simm.s32 $0x16A00;
	[sflag:s16] =	ssyncadd.s32 $0xFFFFE000  }
0x145: {  	[spmem:s2] =	stream.indirect.scatter.add.f32 [tilespmem:s31], [sflag:$0x5], $0x40, s26, s10, $0xb8;
	[tilespmem:$0x1FA00] =	vst v63  }
0x146: {  	_ =	swait.ge [sflag:s0], $0x2000  }
0x147: {  	[sflag:s0] =	ssyncset.done $0x0  }
0x148: {  	s25 =	simm.s32 $0x15B00;
	[sflag:s0] =	ssyncadd.s32 $0xFFFFE000  }
0x149: {  	[tilespmem:s31], [sflag:$0x1] =	stream.indirect.gather [hbm4b:s6+s10], $0x40, s25, s10, $0xb8;
	[tilespmem:$0x1FA00] =	vst v63  }
0x14a: {  	_ =	swait.ge [sflag:s17], $0x2000  }
0x14b: {  	[sflag:s17] =	ssyncset.done $0x0  }
0x14c: {  	s26 =	simm.s32 $0x15A00;
	[sflag:s17] =	ssyncadd.s32 $0xFFFFE000  }
0x14d: {  	[spmem:s3] =	stream.indirect.scatter.add.f32 [tilespmem:s11], [sflag:$0x5], $0x40, s26, s10, $0xb8;
	[tilespmem:$0x1FA00] =	vst v63  }
0x14e: {  	_ =	swait.ge [sflag:s0], $0x2000  }
0x14f: {  	[sflag:s0] =	ssyncset.done $0x0  }
0x150: {  	s25 =	simm.s32 $0x16B00;
	[sflag:s0] =	ssyncadd.s32 $0xFFFFE000  }
0x151: {  	[tilespmem:s11], [sflag:$0x3] =	stream.indirect.gather [hbm4b:s1+s10], $0x40, s25, s10, $0xb8;
	[tilespmem:$0x1FA00] =	vst v63  }
0x152: {  	_ =	swait.ge [sflag:s18], $0x2000  }
0x153: {  	[sflag:s18] =	ssyncset.done $0x0  }
0x154: {  	s26 =	simm.s32 $0x16A80;
	[sflag:s18] =	ssyncadd.s32 $0xFFFFE000  }
0x155: {  	[spmem:s2] =	stream.indirect.scatter.add.f32 [tilespmem:s13], [sflag:$0x5], $0x40, s26, s10, $0xb8;
	[tilespmem:$0x1FA00] =	vst v63  }
0x156: {  	_ =	swait.ge [sflag:s0], $0x2000  }
0x157: {  	[sflag:s0] =	ssyncset.done $0x0  }
0x158: {  	s25 =	simm.s32 $0x15B80;
	[sflag:s0] =	ssyncadd.s32 $0xFFFFE000  }
0x159: {  	[tilespmem:s13], [sflag:$0x2] =	stream.indirect.gather [hbm4b:s6+s10], $0x40, s25, s10, $0xb8;
	[tilespmem:$0x1FA00] =	vst v63  }
0x15a: {  	_ =	swait.ge [sflag:s19], $0x2000  }
0x15b: {  	[sflag:s19] =	ssyncset.done $0x0  }
0x15c: {  	s26 =	simm.s32 $0x15A80;
	[sflag:s19] =	ssyncadd.s32 $0xFFFFE000  }
0x15d: {  	[spmem:s3] =	stream.indirect.scatter.add.f32 [tilespmem:s15], [sflag:$0x5], $0x40, s26, s10, $0xb8;
	[tilespmem:$0x1FA00] =	vst v63  }
0x15e: {  	_ =	swait.ge [sflag:s0], $0x2000  }
0x15f: {  	[sflag:s0] =	ssyncset.done $0x0  }
0x160: {  	s24 =	simm.s32 $0x400;
	s25 =	simm.s32 $0x16B80;
	[sflag:s0] =	ssyncadd.s32 $0xFFFFE000  }
.LBB2_8:
0x161: {  	[tilespmem:s15], [sflag:$0x4] =	stream.indirect.gather [hbm4b:s1+s10], $0x40, s25, s10, $0xb8;
	[tilespmem:$0x1FA00] =	vst v63  }
0x162: {  	s25 =	smov.u32 s24  }
0x163: {  	p0 =	sne.s32 s24, $0x3800;
	s24 =	sadd.s32 $0x400, s24;
	_ =	swait.ge [sflag:s16], $0x2000  }
0x164: {  	s25 =	sshra.s32 s25, $0x2;
	[sflag:s16] =	ssyncset.done $0x0  }
0x165: {  	s26 =	sadd.s32 $0x16A00, s25;
	[sflag:s16] =	ssyncadd.s32 $0xFFFFE000  }
0x166: {  	[spmem:s2] =	stream.indirect.scatter.add.f32 [tilespmem:s31], [sflag:$0x5], $0x40, s26, s10, $0xb8;
	[tilespmem:$0x1FA00] =	vst v63  }
0x167: {  	_ =	swait.ge [sflag:s0], $0x2000  }
0x168: {  	[sflag:s0] =	ssyncset.done $0x0  }
0x169: {  	s26 =	sadd.s32 $0x15B00, s25;
	[sflag:s0] =	ssyncadd.s32 $0xFFFFE000  }
0x16a: {  	[tilespmem:s31], [sflag:$0x1] =	stream.indirect.gather [hbm4b:s6+s10], $0x40, s26, s10, $0xb8;
	[tilespmem:$0x1FA00] =	vst v63  }
0x16b: {  	_ =	swait.ge [sflag:s17], $0x2000  }
0x16c: {  	[sflag:s17] =	ssyncset.done $0x0  }
0x16d: {  	s26 =	sadd.s32 $0x15A00, s25;
	[sflag:s17] =	ssyncadd.s32 $0xFFFFE000  }
0x16e: {  	[spmem:s3] =	stream.indirect.scatter.add.f32 [tilespmem:s11], [sflag:$0x5], $0x40, s26, s10, $0xb8;
	[tilespmem:$0x1FA00] =	vst v63  }
0x16f: {  	_ =	swait.ge [sflag:s0], $0x2000  }
0x170: {  	[sflag:s0] =	ssyncset.done $0x0  }
0x171: {  	s26 =	sadd.s32 $0x16B00, s25;
	[sflag:s0] =	ssyncadd.s32 $0xFFFFE000  }
0x172: {  	[tilespmem:s11], [sflag:$0x3] =	stream.indirect.gather [hbm4b:s1+s10], $0x40, s26, s10, $0xb8;
	[tilespmem:$0x1FA00] =	vst v63  }
0x173: {  	_ =	swait.ge [sflag:s18], $0x2000  }
0x174: {  	[sflag:s18] =	ssyncset.done $0x0  }
0x175: {  	s26 =	sadd.s32 $0x16A80, s25;
	[sflag:s18] =	ssyncadd.s32 $0xFFFFE000  }
0x176: {  	[spmem:s2] =	stream.indirect.scatter.add.f32 [tilespmem:s13], [sflag:$0x5], $0x40, s26, s10, $0xb8;
	[tilespmem:$0x1FA00] =	vst v63  }
0x177: {  	_ =	swait.ge [sflag:s0], $0x2000  }
0x178: {  	[sflag:s0] =	ssyncset.done $0x0  }
0x179: {  	s26 =	sadd.s32 $0x15B80, s25;
	[sflag:s0] =	ssyncadd.s32 $0xFFFFE000  }
0x17a: {  	[tilespmem:s13], [sflag:$0x2] =	stream.indirect.gather [hbm4b:s6+s10], $0x40, s26, s10, $0xb8;
	[tilespmem:$0x1FA00] =	vst v63  }
0x17b: {  	_ =	swait.ge [sflag:s19], $0x2000  }
0x17c: {  	[sflag:s19] =	ssyncset.done $0x0  }
.Ltmp3:
0x17d: {  	s26 =	sadd.s32 $0x15A80, s25;
	[sflag:s19] =	ssyncadd.s32 $0xFFFFE000;
	(pc) =	sbr.rel @p0 .LBB2_8-.Ltmp3, $4  }
0x17e: {  	[spmem:s3] =	stream.indirect.scatter.add.f32 [tilespmem:s15], [sflag:$0x5], $0x40, s26, s10, $0xb8;
	[tilespmem:$0x1FA00] =	vst v63  }
0x17f: {  	_ =	swait.ge [sflag:s0], $0x2000  }
0x180: {  	[sflag:s0] =	ssyncset.done $0x0  }
0x181: {  	s25 =	sadd.s32 $0x16B80, s25;
	[sflag:s0] =	ssyncadd.s32 $0xFFFFE000  }
0x182: {  	[tilespmem:s15], [sflag:$0x4] =	stream.indirect.gather [hbm4b:s1+s10], $0x40, s25, s10, $0xb8;
	[tilespmem:$0x1FA00] =	vst v63  }
0x183: {  	_ =	swait.ge [sflag:s16], $0x2000  }
0x184: {  	[sflag:s16] =	ssyncset.done $0x0  }
0x185: {  	[sflag:s16] =	ssyncadd.s32 $0xFFFFE000  }
0x186: {  	[spmem:s2] =	stream.indirect.scatter.add.f32 [tilespmem:s31], [sflag:$0x5], $0x40, s20, s10, $0xb8;
	[tilespmem:$0x1FA00] =	vst v63  }
0x187: {  	_ =	swait.ge [sflag:s0], $0x2000  }
0x188: {  	[sflag:s0] =	ssyncset.done $0x0  }
0x189: {  	[sflag:s0] =	ssyncadd.s32 $0xFFFFE000  }
0x18a: {  	_ =	swait.ge [sflag:s17], $0x2000  }
0x18b: {  	[sflag:s17] =	ssyncset.done $0x0  }
0x18c: {  	[sflag:s17] =	ssyncadd.s32 $0xFFFFE000  }
0x18d: {  	[spmem:s3] =	stream.indirect.scatter.add.f32 [tilespmem:s11], [sflag:$0x5], $0x40, s21, s10, $0xb8;
	[tilespmem:$0x1FA00] =	vst v63  }
0x18e: {  	_ =	swait.ge [sflag:s0], $0x2000  }
0x18f: {  	[sflag:s0] =	ssyncset.done $0x0  }
0x190: {  	[sflag:s0] =	ssyncadd.s32 $0xFFFFE000  }
0x191: {  	_ =	swait.ge [sflag:s18], $0x2000  }
0x192: {  	[sflag:s18] =	ssyncset.done $0x0  }
0x193: {  	[sflag:s18] =	ssyncadd.s32 $0xFFFFE000  }
0x194: {  	[spmem:s2] =	stream.indirect.scatter.add.f32 [tilespmem:s13], [sflag:$0x5], $0x40, s22, s10, $0xb8;
	[tilespmem:$0x1FA00] =	vst v63  }
0x195: {  	_ =	swait.ge [sflag:s0], $0x2000  }
0x196: {  	[sflag:s0] =	ssyncset.done $0x0  }
0x197: {  	[sflag:s0] =	ssyncadd.s32 $0xFFFFE000  }
0x198: {  	_ =	swait.ge [sflag:s19], $0x2000  }
0x199: {  	[sflag:s19] =	ssyncset.done $0x0  }
0x19a: {  	[sflag:s19] =	ssyncadd.s32 $0xFFFFE000  }
0x19b: {  	[spmem:s3] =	stream.indirect.scatter.add.f32 [tilespmem:s15], [sflag:$0x5], $0x40, s23, s10, $0xb8;
	[tilespmem:$0x1FA00] =	vst v63  }
0x19c: {  	_ =	swait.ge [sflag:s0], $0x2000  }
0x19d: {  	[sflag:s0] =	ssyncset.done $0x0  }
0x19e: {  	s24 =	simm.s32 $0x0;
	s26 =	rddreg [dreg:$0xc];
	[sflag:s0] =	ssyncadd.s32 $0xFFFFE000  }
0x19f: {  	[tilespmem:s4], [sflag:$0x5] =	stream.linear.gather [hbm4b:s26+s24], $0x1000, $0x38;
	[tilespmem:$0x1FA00] =	vst v63  }
0x1a0: {  	_ =	swait.ge [sflag:s0], $0x1000  }
0x1a1: {  	[sflag:s0] =	ssyncset.done $0x0  }
0x1a2: {  	s26 =	rddreg [dreg:$0xd];
	[sflag:s0] =	ssyncadd.s32 $0xFFFFF000  }
0x1a3: {  	[tilespmem:s8], [sflag:$0x5] =	stream.linear.gather [hbm4b:s26+s24], $0x1000, $0x38;
	[tilespmem:$0x1FA00] =	vst v63  }
0x1a4: {  	_ =	swait.ge [sflag:s0], $0x1000  }
0x1a5: {  	[sflag:s0] =	ssyncset.done $0x0  }
0x1a6: {  	[sflag:s0] =	ssyncadd.s32 $0xFFFFF000  }
0x1a7: {  	[tilespmem:s31], [sflag:$0x1] =	stream.indirect.gather [hbm4b:s6+s10], $0x40, s4, s10, $0xb8;
	[tilespmem:$0x1FA00] =	vst v63  }
0x1a8: {  	_ = 	snop  }
0x1a9: {  	[tilespmem:s11], [sflag:$0x3] =	stream.indirect.gather [hbm4b:s1+s10], $0x40, s8, s10, $0xb8;
	[tilespmem:$0x1FA00] =	vst v63  }
0x1aa: {  	_ = 	snop  }
0x1ab: {  	[tilespmem:s13], [sflag:$0x2] =	stream.indirect.gather [hbm4b:s6+s10], $0x40, s12, s10, $0xb8;
	[tilespmem:$0x1FA00] =	vst v63  }
0x1ac: {  	_ = 	snop  }
0x1ad: {  	[tilespmem:s15], [sflag:$0x4] =	stream.indirect.gather [hbm4b:s1+s10], $0x40, s14, s10, $0xb8;
	[tilespmem:$0x1FA00] =	vst v63  }
0x1ae: {  	_ =	swait.ge [sflag:s16], $0x2000  }
0x1af: {  	[sflag:s16] =	ssyncset.done $0x0  }
0x1b0: {  	s26 =	simm.s32 $0x16A00;
	[sflag:s16] =	ssyncadd.s32 $0xFFFFE000  }
0x1b1: {  	[spmem:s2] =	stream.indirect.scatter.add.f32 [tilespmem:s31], [sflag:$0x5], $0x40, s26, s10, $0xb8;
	[tilespmem:$0x1FA00] =	vst v63  }
0x1b2: {  	_ =	swait.ge [sflag:s0], $0x2000  }
0x1b3: {  	[sflag:s0] =	ssyncset.done $0x0  }
0x1b4: {  	s25 =	simm.s32 $0x15B00;
	[sflag:s0] =	ssyncadd.s32 $0xFFFFE000  }
0x1b5: {  	[tilespmem:s31], [sflag:$0x1] =	stream.indirect.gather [hbm4b:s6+s10], $0x40, s25, s10, $0xb8;
	[tilespmem:$0x1FA00] =	vst v63  }
0x1b6: {  	_ =	swait.ge [sflag:s17], $0x2000  }
0x1b7: {  	[sflag:s17] =	ssyncset.done $0x0  }
0x1b8: {  	s26 =	simm.s32 $0x15A00;
	[sflag:s17] =	ssyncadd.s32 $0xFFFFE000  }
0x1b9: {  	[spmem:s3] =	stream.indirect.scatter.add.f32 [tilespmem:s11], [sflag:$0x5], $0x40, s26, s10, $0xb8;
	[tilespmem:$0x1FA00] =	vst v63  }
0x1ba: {  	_ =	swait.ge [sflag:s0], $0x2000  }
0x1bb: {  	[sflag:s0] =	ssyncset.done $0x0  }
0x1bc: {  	s25 =	simm.s32 $0x16B00;
	[sflag:s0] =	ssyncadd.s32 $0xFFFFE000  }
0x1bd: {  	[tilespmem:s11], [sflag:$0x3] =	stream.indirect.gather [hbm4b:s1+s10], $0x40, s25, s10, $0xb8;
	[tilespmem:$0x1FA00] =	vst v63  }
0x1be: {  	_ =	swait.ge [sflag:s18], $0x2000  }
0x1bf: {  	[sflag:s18] =	ssyncset.done $0x0  }
0x1c0: {  	s26 =	simm.s32 $0x16A80;
	[sflag:s18] =	ssyncadd.s32 $0xFFFFE000  }
0x1c1: {  	[spmem:s2] =	stream.indirect.scatter.add.f32 [tilespmem:s13], [sflag:$0x5], $0x40, s26, s10, $0xb8;
	[tilespmem:$0x1FA00] =	vst v63  }
0x1c2: {  	_ =	swait.ge [sflag:s0], $0x2000  }
0x1c3: {  	[sflag:s0] =	ssyncset.done $0x0  }
0x1c4: {  	s25 =	simm.s32 $0x15B80;
	[sflag:s0] =	ssyncadd.s32 $0xFFFFE000  }
0x1c5: {  	[tilespmem:s13], [sflag:$0x2] =	stream.indirect.gather [hbm4b:s6+s10], $0x40, s25, s10, $0xb8;
	[tilespmem:$0x1FA00] =	vst v63  }
0x1c6: {  	_ =	swait.ge [sflag:s19], $0x2000  }
0x1c7: {  	[sflag:s19] =	ssyncset.done $0x0  }
0x1c8: {  	s26 =	simm.s32 $0x15A80;
	[sflag:s19] =	ssyncadd.s32 $0xFFFFE000  }
0x1c9: {  	[spmem:s3] =	stream.indirect.scatter.add.f32 [tilespmem:s15], [sflag:$0x5], $0x40, s26, s10, $0xb8;
	[tilespmem:$0x1FA00] =	vst v63  }
0x1ca: {  	_ =	swait.ge [sflag:s0], $0x2000  }
0x1cb: {  	[sflag:s0] =	ssyncset.done $0x0  }
0x1cc: {  	s24 =	simm.s32 $0x400;
	s25 =	simm.s32 $0x16B80;
	[sflag:s0] =	ssyncadd.s32 $0xFFFFE000  }
.LBB2_10:
0x1cd: {  	[tilespmem:s15], [sflag:$0x4] =	stream.indirect.gather [hbm4b:s1+s10], $0x40, s25, s10, $0xb8;
	[tilespmem:$0x1FA00] =	vst v63  }
0x1ce: {  	s25 =	smov.u32 s24  }
0x1cf: {  	p0 =	sne.s32 s24, $0x3800;
	s24 =	sadd.s32 $0x400, s24;
	_ =	swait.ge [sflag:s16], $0x2000  }
0x1d0: {  	s25 =	sshra.s32 s25, $0x2;
	[sflag:s16] =	ssyncset.done $0x0  }
0x1d1: {  	s26 =	sadd.s32 $0x16A00, s25;
	[sflag:s16] =	ssyncadd.s32 $0xFFFFE000  }
0x1d2: {  	[spmem:s2] =	stream.indirect.scatter.add.f32 [tilespmem:s31], [sflag:$0x5], $0x40, s26, s10, $0xb8;
	[tilespmem:$0x1FA00] =	vst v63  }
0x1d3: {  	_ =	swait.ge [sflag:s0], $0x2000  }
0x1d4: {  	[sflag:s0] =	ssyncset.done $0x0  }
0x1d5: {  	s26 =	sadd.s32 $0x15B00, s25;
	[sflag:s0] =	ssyncadd.s32 $0xFFFFE000  }
0x1d6: {  	[tilespmem:s31], [sflag:$0x1] =	stream.indirect.gather [hbm4b:s6+s10], $0x40, s26, s10, $0xb8;
	[tilespmem:$0x1FA00] =	vst v63  }
0x1d7: {  	_ =	swait.ge [sflag:s17], $0x2000  }
0x1d8: {  	[sflag:s17] =	ssyncset.done $0x0  }
0x1d9: {  	s26 =	sadd.s32 $0x15A00, s25;
	[sflag:s17] =	ssyncadd.s32 $0xFFFFE000  }
0x1da: {  	[spmem:s3] =	stream.indirect.scatter.add.f32 [tilespmem:s11], [sflag:$0x5], $0x40, s26, s10, $0xb8;
	[tilespmem:$0x1FA00] =	vst v63  }
0x1db: {  	_ =	swait.ge [sflag:s0], $0x2000  }
0x1dc: {  	[sflag:s0] =	ssyncset.done $0x0  }
0x1dd: {  	s26 =	sadd.s32 $0x16B00, s25;
	[sflag:s0] =	ssyncadd.s32 $0xFFFFE000  }
0x1de: {  	[tilespmem:s11], [sflag:$0x3] =	stream.indirect.gather [hbm4b:s1+s10], $0x40, s26, s10, $0xb8;
	[tilespmem:$0x1FA00] =	vst v63  }
0x1df: {  	_ =	swait.ge [sflag:s18], $0x2000  }
0x1e0: {  	[sflag:s18] =	ssyncset.done $0x0  }
0x1e1: {  	s26 =	sadd.s32 $0x16A80, s25;
	[sflag:s18] =	ssyncadd.s32 $0xFFFFE000  }
0x1e2: {  	[spmem:s2] =	stream.indirect.scatter.add.f32 [tilespmem:s13], [sflag:$0x5], $0x40, s26, s10, $0xb8;
	[tilespmem:$0x1FA00] =	vst v63  }
0x1e3: {  	_ =	swait.ge [sflag:s0], $0x2000  }
0x1e4: {  	[sflag:s0] =	ssyncset.done $0x0  }
0x1e5: {  	s26 =	sadd.s32 $0x15B80, s25;
	[sflag:s0] =	ssyncadd.s32 $0xFFFFE000  }
0x1e6: {  	[tilespmem:s13], [sflag:$0x2] =	stream.indirect.gather [hbm4b:s6+s10], $0x40, s26, s10, $0xb8;
	[tilespmem:$0x1FA00] =	vst v63  }
0x1e7: {  	_ =	swait.ge [sflag:s19], $0x2000  }
0x1e8: {  	[sflag:s19] =	ssyncset.done $0x0  }
.Ltmp4:
0x1e9: {  	s26 =	sadd.s32 $0x15A80, s25;
	[sflag:s19] =	ssyncadd.s32 $0xFFFFE000;
	(pc) =	sbr.rel @p0 .LBB2_10-.Ltmp4, $4  }
0x1ea: {  	[spmem:s3] =	stream.indirect.scatter.add.f32 [tilespmem:s15], [sflag:$0x5], $0x40, s26, s10, $0xb8;
	[tilespmem:$0x1FA00] =	vst v63  }
0x1eb: {  	_ =	swait.ge [sflag:s0], $0x2000  }
0x1ec: {  	[sflag:s0] =	ssyncset.done $0x0  }
0x1ed: {  	s25 =	sadd.s32 $0x16B80, s25;
	[sflag:s0] =	ssyncadd.s32 $0xFFFFE000  }
0x1ee: {  	[tilespmem:s15], [sflag:$0x4] =	stream.indirect.gather [hbm4b:s1+s10], $0x40, s25, s10, $0xb8;
	[tilespmem:$0x1FA00] =	vst v63  }
0x1ef: {  	_ =	swait.ge [sflag:s16], $0x2000  }
0x1f0: {  	[sflag:s16] =	ssyncset.done $0x0  }
0x1f1: {  	[sflag:s16] =	ssyncadd.s32 $0xFFFFE000  }
0x1f2: {  	[spmem:s2] =	stream.indirect.scatter.add.f32 [tilespmem:s31], [sflag:$0x5], $0x40, s20, s10, $0xb8;
	[tilespmem:$0x1FA00] =	vst v63  }
0x1f3: {  	_ =	swait.ge [sflag:s0], $0x2000  }
0x1f4: {  	[sflag:s0] =	ssyncset.done $0x0  }
0x1f5: {  	[sflag:s0] =	ssyncadd.s32 $0xFFFFE000  }
0x1f6: {  	_ =	swait.ge [sflag:s17], $0x2000  }
0x1f7: {  	[sflag:s17] =	ssyncset.done $0x0  }
0x1f8: {  	[sflag:s17] =	ssyncadd.s32 $0xFFFFE000  }
0x1f9: {  	[spmem:s3] =	stream.indirect.scatter.add.f32 [tilespmem:s11], [sflag:$0x5], $0x40, s21, s10, $0xb8;
	[tilespmem:$0x1FA00] =	vst v63  }
0x1fa: {  	_ =	swait.ge [sflag:s0], $0x2000  }
0x1fb: {  	[sflag:s0] =	ssyncset.done $0x0  }
0x1fc: {  	[sflag:s0] =	ssyncadd.s32 $0xFFFFE000  }
0x1fd: {  	_ =	swait.ge [sflag:s18], $0x2000  }
0x1fe: {  	[sflag:s18] =	ssyncset.done $0x0  }
0x1ff: {  	[sflag:s18] =	ssyncadd.s32 $0xFFFFE000  }
0x200: {  	[spmem:s2] =	stream.indirect.scatter.add.f32 [tilespmem:s13], [sflag:$0x5], $0x40, s22, s10, $0xb8;
	[tilespmem:$0x1FA00] =	vst v63  }
0x201: {  	_ =	swait.ge [sflag:s0], $0x2000  }
0x202: {  	[sflag:s0] =	ssyncset.done $0x0  }
0x203: {  	[sflag:s0] =	ssyncadd.s32 $0xFFFFE000  }
0x204: {  	_ =	swait.ge [sflag:s19], $0x2000  }
0x205: {  	[sflag:s19] =	ssyncset.done $0x0  }
0x206: {  	[sflag:s19] =	ssyncadd.s32 $0xFFFFE000  }
0x207: {  	[spmem:s3] =	stream.indirect.scatter.add.f32 [tilespmem:s15], [sflag:$0x5], $0x40, s23, s10, $0xb8;
	[tilespmem:$0x1FA00] =	vst v63  }
0x208: {  	_ =	swait.ge [sflag:s0], $0x2000  }
0x209: {  	[sflag:s0] =	ssyncset.done $0x0  }
0x20a: {  	[sflag:s0] =	ssyncadd.s32 $0xFFFFE000  }
0x20b: {  	s24 =	stileid.u32;
	[bflag:$0x0] =	sbarrier.arrive $0xFFFF  }
0x20c: {  	s24 =	sshll.u32 s24, $0x6;
	s25 =	rddreg [dreg:$0xe]  }
0x20d: {  	s24 =	sor.u32 $0x1C05, s24;
	s26 =	rddreg [dreg:$0x15]  }
0x20e: {  	[hbm:s25], [sflag:s24] =	dma.local [spmem:s26], $0x2740  }
0x20f: {  	_ =	swait.ge [sflag:s0], $0x2740  }
0x210: {  	[sflag:s0] =	ssyncset.done $0x0  }
0x211: {  	s25 =	sshrl.u32 s9, $0x3;
	s26 =	rddreg [dreg:$0xf];
	[sflag:s0] =	ssyncadd.s32 $0xFFFFD8C0  }
0x212: {  	[hbm:s26], [sflag:s24] =	dma.local [spmem:s25], $0x400  }
0x213: {  	_ =	swait.ge [sflag:s0], $0x400  }
0x214: {  	s5 =	sadd.s32 $0x1, s5;
	s26 =	rddreg [dreg:$0x10]  }
0x215: {  	p0 =	sne.s32 s5, s26  }
.Ltmp5:
0x216: {  	_ = 	snop;
	(pc) =	sbr.rel @p0 .LBB2_1-.Ltmp5, $3  }
0x217: {  	_ =	sdelay $0x1  }
0x218: {  	[sflag:s0] =	ssyncset.done $0x0  }
0x219: {  	[sflag:s0] =	ssyncadd.s32 $0xFFFFFC00  }
0x21a: {  	_ =	sfence.sel $0x180000  }
0x21b: {  	[bflag:$0x0] =	sbarrier.arrive $0xFFFF  }
0x21c: {  	_ =	strace $0x9000004A  }
0x21d: {  	s0 =	stileid.u32;
	[bflag:$0x2] =	sbarrier.arrive $0xFFFF  }
0x21e: {  	p0 =	sne.s32 s0, $0x0;
	s0 =	rddreg [dreg:$0x4]  }
0x21f: {  	s0 =	sadd.s32 @!p0 $0x100000, s0  }
0x220: {  	[sflag:s0] =	ssyncadd.tile.s32 @!p0 $0x1;
	_ =	shalt  }
.Lfunc_end2:
_tile_overlayer_lowered:
.L_overlay_start_2:
0x221: {  	(tag) =	ssettag $0x2  }
0x222: {  	s0 =	rddreg [dreg:$0x0];
	s2 =	stileid.u32  }
0x223: {  	s1 =	rddreg [dreg:$0x1];
	p0 =	sne.s32 s2, $0x0  }
0x224: {  	s3 =	rddreg [dreg:$0x2];
	[bflag:$0x3] =	sbarrier.arrive $0xFFFF;
	s2 =	simm.s32 @!p0 $0x1C05  }
0x225: {  	[timem:s3], [sflag:s2] =	dma.local @!p0 [hbm:s0], s1  }
0x226: {  	s0 =	simm.s32 @!p0 $0x5  }
0x227: {  	_ =	swait.ge @!p0 [sflag:s0], s1  }
0x228: {  	s1 =	ssub.s32 @!p0 $0x0, s1;
	[sflag:s0] =	ssyncset.done @!p0 $0x0  }
0x229: {  	[sflag:s0] =	ssyncadd.s32 @!p0 s1  }
0x22a: {  	[bflag:$0x3] =	sbarrier.arrive $0xFFFF  }
0x22b: {  	_ =	shalt  }

// kernel: kernel.16.cloned.1.call-start
scs
__scs_entry_jumppad:
0x0: {  	(pc) =	sbr.rel $0x88, $3  }
0x1: {  	(tag) =	ssettag $0x0;
	lr =	simm.s32 $0x1  }
0x2: {  	[smem:$0x3F89] =	sst lr;
	_ =	strace $0xD0000000  }
0x3: {  	_ = 	snop  }
0x4: {  	_ = 	snop  }
0x5: {  	_ = 	snop  }
0x6: {  	_ = 	snop  }
0x7: {  	_ = 	snop  }
__scs_overlays_trampoline_lowered:
0x8: {  	[smem:$0x3F98] =	sst s0  }
0x9: {  	[smem:$0x3F99] =	sst s1  }
0xa: {  	[smem:$0x3F9A] =	sst s2  }
0xb: {  	[smem:$0x3F9B] =	sst s3  }
0xc: {  	[smem:$0x3F9C] =	sst s4  }
0xd: {  	[smem:$0x3F9D] =	sst s5  }
0xe: {  	[smem:$0x3F9E] =	sst s6  }
0xf: {  	[smem:$0x3F9F] =	sst s7  }
0x10: {  	[smem:$0x3FA0] =	sst s8  }
0x11: {  	[smem:$0x3FA1] =	sst s9;
	s0 =	simm.s32 @!p0 $0x0  }
0x12: {  	s1 =	sld [smem:$0x3F87];
	s0 =	simm.s32 @p0 $0x1  }
0x13: {  	[smem:$0x3FA2] =	sst s0;
	s0 =	simm.s32 @!p1 $0x0  }
0x14: {  	s2 =	sld [smem:$0x3F86];
	s0 =	simm.s32 @p1 $0x1  }
0x15: {  	[smem:$0x3FA3] =	sst s0;
	s0 =	simm.s32 @!p2 $0x0  }
0x16: {  	s3 =	sld [smem:$0x3FDB];
	s0 =	simm.s32 @p2 $0x1  }
0x17: {  	s4 =	simm.s32 $0x1BF5;
	[smem:$0x3FA5] =	sst s0  }
0x18: {  	s0 =	sld [smem:$0x3F88];
	_ =	swait.ge [sflag:s4], $0x0  }
0x19: {  	s7 =	sld [smem:$0x3F89]  }
0x1a: {  	s8 =	sadd.s32 $0xFFFFE003, lr  }
0x1b: {  	s9 =	sadd.s32 $0xFFFFFEF7, lr;
	s5 =	simm.s32 $0xFFFFFFFF;
	p2 =	slt.u32 s8, $0xFFFFF086  }
0x1c: {  	p1 =	slt.u32 s9, $0xF7A;
	s5 =	simm.s32 @!p2 $0x0  }
0x1d: {  	s5 =	simm.s32 @p1 $0x1;
	p0 =	seq.s32 s7, s2  }
0x1e: {  	s7 =	smul.u32 @!p0 $0xF7A, s2;
	p2 =	seq.s32 @!p0 s5, $0x0  }
0x1f: {  	s9 =	smul.u32 $0xF7A, s1;
	s8 =	simm.s32 @!p0 $0x1BF5;
	p2 =	por !p2, p0  }
0x20: {  	[sflag:s8] =	ssyncset.s32 @!p0 $0xFFFFF086;
	s6 =	sadd.s32 @!p0 s3, s7;
	s7 =	simm.s32 @!p0 $0x108  }
0x21: {  	s3 =	sadd.s32 s3, s9;
	s6 =	sadd.s32 @!p0 $0x88, s6;
	s7 =	simm.s32 @p2 $0x1082  }
0x22: {  	[simem:s7], [sflag:s8] =	dma.local @!p0 [hbm:s6], $0xF7A  }
0x23: {  	s9 =	sor.u32 $0xD0000000, s2;
	s6 =	simm.s32 $0x108;
	_ =	swait.ge @!p0 [sflag:s8], $0x0  }
0x24: {  	s3 =	sadd.s32 $0x88, s3;
	s6 =	simm.s32 @!p1 $0x1082;
	[sflag:s4] =	ssyncset.s32 $0xFFFFF086  }
0x25: {  	[simem:s6], [sflag:s4] =	dma.local [hbm:s3], $0xF7A  }
0x26: {  	[smem:$0x3F89] =	sst s1;
	(tag) =	ssettag s2;
	_ =	strace s9  }
0x27: {  	s1 =	sld [smem:$0x3F99]  }
0x28: {  	s2 =	sld [smem:$0x3F9A]  }
0x29: {  	s4 =	sld [smem:$0x3F9C]  }
0x2a: {  	p0 =	seq.s32 s5, $0x0;
	s5 =	sld [smem:$0x3F9D]  }
0x2b: {  	s6 =	sld [smem:$0x3F9E]  }
0x2c: {  	s7 =	sld [smem:$0x3F9F]  }
0x2d: {  	s3 =	simm.s32 $0x108;
	s8 =	sld [smem:$0x3FA0]  }
0x2e: {  	s3 =	simm.s32 @!p0 $0x1082;
	s9 =	sld [smem:$0x3FA1]  }
0x2f: {  	lr =	sadd.s32 s0, s3;
	s0 =	sld [smem:$0x3F98]  }
0x30: {  	s3 =	sld [smem:$0x3F9B]  }
0x31: {  	[smem:$0x3FA4] =	sst s10  }
0x32: {  	s10 =	sld [smem:$0x3FA2];
	_ =	sdelay $0x3  }
0x33: {  	p0 =	seq.s32 s10, $0x1;
	s10 =	sld [smem:$0x3FA4];
	_ =	sdelay $0x3  }
0x34: {  	[smem:$0x3FA4] =	sst s10  }
0x35: {  	s10 =	sld [smem:$0x3FA3];
	_ =	sdelay $0x3  }
0x36: {  	p1 =	seq.s32 s10, $0x1;
	s10 =	sld [smem:$0x3FA4];
	_ =	sdelay $0x3  }
0x37: {  	[smem:$0x3FA4] =	sst s10  }
0x38: {  	s10 =	sld [smem:$0x3FA5]  }
0x39: {  	_ = 	snop;
	(pc) =	sbr.ind lr, $3  }
0x3a: {  	_ = 	snop  }
0x3b: {  	_ = 	snop  }
0x3c: {  	p2 =	seq.s32 s10, $0x1;
	s10 =	sld [smem:$0x3FA4]  }
0x3d: {  	_ =	shalt  }
0x3e: {  	_ =	shalt  }
0x3f: {  	_ =	shalt  }
0x40: {  	_ =	shalt  }
0x41: {  	_ =	shalt  }
0x42: {  	_ =	shalt  }
0x43: {  	_ =	shalt  }
0x44: {  	_ =	shalt  }
0x45: {  	_ =	shalt  }
0x46: {  	_ =	shalt  }
0x47: {  	_ =	shalt  }
0x48: {  	_ =	shalt  }
0x49: {  	_ =	shalt  }
0x4a: {  	_ =	shalt  }
0x4b: {  	_ =	shalt  }
0x4c: {  	_ =	shalt  }
0x4d: {  	_ =	shalt  }
0x4e: {  	_ =	shalt  }
0x4f: {  	_ =	shalt  }
0x50: {  	_ =	shalt  }
0x51: {  	_ =	shalt  }
0x52: {  	_ =	shalt  }
0x53: {  	_ =	shalt  }
0x54: {  	_ =	shalt  }
0x55: {  	_ =	shalt  }
0x56: {  	_ =	shalt  }
0x57: {  	_ =	shalt  }
0x58: {  	_ =	shalt  }
0x59: {  	_ =	shalt  }
0x5a: {  	_ =	shalt  }
0x5b: {  	_ =	shalt  }
0x5c: {  	_ =	shalt  }
0x5d: {  	_ =	shalt  }
0x5e: {  	_ =	shalt  }
0x5f: {  	_ =	shalt  }
0x60: {  	_ =	shalt  }
0x61: {  	_ =	shalt  }
0x62: {  	_ =	shalt  }
0x63: {  	_ =	shalt  }
0x64: {  	_ =	shalt  }
0x65: {  	_ =	shalt  }
0x66: {  	_ =	shalt  }
0x67: {  	_ =	shalt  }
0x68: {  	_ =	shalt  }
0x69: {  	_ =	shalt  }
0x6a: {  	_ =	shalt  }
0x6b: {  	_ =	shalt  }
0x6c: {  	_ =	shalt  }
0x6d: {  	_ =	shalt  }
0x6e: {  	_ =	shalt  }
0x6f: {  	_ =	shalt  }
0x70: {  	_ =	shalt  }
0x71: {  	_ =	shalt  }
0x72: {  	_ =	shalt  }
0x73: {  	_ =	shalt  }
0x74: {  	_ =	shalt  }
0x75: {  	_ =	shalt  }
0x76: {  	_ =	shalt  }
0x77: {  	_ =	shalt  }
0x78: {  	_ =	shalt  }
0x79: {  	_ =	shalt  }
0x7a: {  	_ =	shalt  }
0x7b: {  	_ =	shalt  }
0x7c: {  	_ =	shalt  }
0x7d: {  	_ =	shalt  }
0x7e: {  	_ =	shalt  }
0x7f: {  	_ =	shalt  }
0x80: {  	_ =	shalt  }
0x81: {  	_ =	shalt  }
0x82: {  	_ =	shalt  }
0x83: {  	_ =	shalt  }
0x84: {  	_ =	shalt  }
0x85: {  	_ =	shalt  }
0x86: {  	_ =	shalt  }
0x87: {  	_ =	shalt  }
.Lfunc_end0:
.L_simem_size_0:
called_computation.1_lowered:
.L_overlay_start_0:
0x88: {  	s2 =	sld [smem:$0x3FD9]  }
0x89: {  	s3 =	sld [smem:$0x3FFE];
	_ =	sdelay $0x1  }
0x8a: {  	s1 =	srdreg.scid  }
0x8b: {  	s0 =	sand.u32 $0x1, s1  }
0x8c: {  	s16 =	sshll.u32 s0, $0xA;
	s2 =	sadd.s32 s3, s2  }
0x8d: {  	s2 =	sadd.s32 s2, s16  }
0x8e: {  	[smem:$0x3FB0] =	sst s2  }
0x8f: {  	_ = 	snop  }
0x90: {  	(tm) =	ssettm $0x1  }
0x91: {  	s17 =	sld [smem:$0x3FFB];
	_ =	sdelay $0x3  }
0x92: {  	_ =	strace s17  }
0x93: {  	s2 =	sld [smem:$0x3FFC];
	_ =	sdelay $0x3  }
0x94: {  	_ =	strace s2  }
0x95: {  	s2 =	sld [smem:$0x3FFD];
	_ =	sdelay $0x3  }
0x96: {  	_ =	strace s2  }
0x97: {  	_ =	strace $0x8FFFFFFF  }
0x98: {  	s18 =	sld [smem:$0x3FDB];
	_ =	sdelay $0x1  }
0x99: {  	s19 =	simm.s32 $_scs_section_size  }
0x9a: {  	s4 =	simm.s32 $_size__tile_overlayer_lowered;
	s5 =	simm.s32 $_tile_overlayer_lowered  }
0x9b: {  	s22 =	simm.s32 $0x1BFF;
	s21 =	sshll.u32 s5, $0x1;
	s2 =	sadd.s32 s19, s18  }
0x9c: {  	s6 =	simm.s32 $0x0;
	s20 =	sshll.u32 s4, $0x1;
	s4 =	sadd.s32 s21, s2  }
0x9d: {  	[timem:s6], [sflag:s22] =	dma.local [hbm:s4], s20  }
0x9e: {  	_ =	swait.ge [sflag:s22], s20  }
0x9f: {  	s3 =	ssub.s32 $0x0, s20;
	[sflag:s22] =	ssyncset.done $0x0  }
0xa0: {  	[sflag:s22] =	ssyncadd.s32 s3;
	_ =	sdelay $0x1  }
0xa1: {  	s23 =	simm.s32 $0x1B8B  }
0xa2: {  	_ =	swait.ge [sflag:s23], $0x1  }
0xa3: {  	[sflag:s23] =	ssyncset.done $0x0  }
0xa4: {  	s25 =	simm.s32 $0x1B8E;
	s24 =	sld [smem:$0x3FFE];
	[sflag:s23] =	ssyncadd.s32 $0xFFFFFFFF  }
0xa5: {  	s26 =	simm.s32 $execute0_lowered;
	[smem:$0x3FD2] =	sst s25  }
0xa6: {  	s4 =	sshll.u32 s26, $0x1;
	_ =	strace $0x80000046;
	[dreg:$0x1] =	wrdreg $0xFFFFFFFF  }
0xa7: {  	s28 =	simm.s32 $_size_execute0_lowered;
	s2 =	sadd.s32 s2, s4;
	[dreg:$0x0] =	wrdreg $0x0  }
0xa8: {  	s4 =	sshll.u32 s28, $0x1;
	[dreg:$0x2] =	wrdreg s2  }
0xa9: {  	[dreg:$0x3] =	wrdreg s4  }
0xaa: {  	[dreg:$0x4] =	wrdreg $0xC0  }
0xab: {  	_ =	task [dreg:s6], $0x5FFFF  }
0xac: {  	[dreg:$0x1] =	wrdreg $0xFFFFFFFF  }
0xad: {  	[dreg:$0x0] =	wrdreg $0x60  }
0xae: {  	[dreg:$0x2] =	wrdreg s24  }
0xaf: {  	[dreg:$0x3] =	wrdreg $0x0  }
0xb0: {  	[dreg:$0x4] =	wrdreg $0x4E800  }
0xb1: {  	[dreg:$0x5] =	wrdreg $0xA  }
0xb2: {  	_ =	task.clear_ibuf [dreg:s6], $0x6FFFF;
	_ =	strace $0x90000046  }
0xb3: {  	s29 =	simm.s32 $0xA;
	_ =	strace $0x80000048  }
0xb4: {  	_ =	swait.ge [sflag:s29], $0x1  }
0xb5: {  	[sflag:s29] =	ssyncadd.s32 $0xFFFFFFFF  }
0xb6: {  	_ =	strace $0x90000048  }
0xb7: {  	_ =	sfence  }
0xb8: {  	s30 =	sld [smem:$0x0];
	_ =	sdelay $0x2  }
0xb9: {  	s31 =	sshll.u32 s1, $0xD;
	s1 =	sshrl.u32 s1, $0x2  }
0xba: {  	s3 =	sand.u32 $0x4000, s31;
	s1 =	sadd.s32 s1, s30  }
0xbb: {  	s0 =	sor.u32 s3, s0;
	s1 =	sshll.u32 s1, $0x11  }
0xbc: {  	s0 =	sor.u32 s1, s0  }
0xbd: {  	s0 =	sadd.s32 $0x8F2B, s0  }
0xbe: {  	[sflag:s0] =	ssyncadd.remote.s32 $0x1  }
0xbf: {  	_ =	sfence.sel $0xFFFF  }
0xc0: {  	[dreg:$0x0] =	wrdreg $0xFFFFFFFF;
	(pc) =	sbr.abs _section_cstart, $3  }
0xc1: {  	[dreg:$0x1] =	wrdreg $0xFFFFFFFF  }
0xc2: {  	_ =	task.clear_ibuf [dreg:s6], $0x2FFFF;
	_ =	strace $0x9FFFFFFF  }
0xc3: {  	(tm) =	ssettm $0x7FFFFFFF  }
tec
execute0_lowered:
.L_overlay_start_1:
0x0: {  	(tag) =	ssettag $0x1  }
0x1: {  	s0 =	rddreg [dreg:$0x0]  }
0x2: {  	s2 =	rddreg [dreg:$0x1];
	s1 =	srdreg.scid  }
0x3: {  	s3 =	rddreg [dreg:$0x2];
	s9 =	stileid.u32;
	s4 =	simm.s32 $0x0  }
0x4: {  	s28 =	simm.s32 $0xD680;
	s30 =	simm.s32 $0x1;
	s31 =	simm.s32 $0x5  }
0x5: {  	s29 =	simm.s32 $0x3;
	s1 =	sand.u32 $0x1, s1;
	s6 =	smul.u32 $0x4E80, s9  }
0x6: {  	[smem:$0x7FF] =	sst s4;
	s7 =	sshll.u32 s9, $0xB;
	s9 =	smul.u32 $0x13A00, s9  }
0x7: {  	s5 =	smul.u32 $0x4E800, s1;
	s8 =	sshll.u32 s1, $0xF;
	_ =	strace $0x80000047  }
0x8: {  	s1 =	ssub.s32 $0x2, s1;
	s8 =	sor.u32 s7, s8;
	s20 =	sshrl.u32 s9, $0x2  }
0x9: {  	s21 =	sshrl.u32 s1, $0x1;
	s7 =	sadd.s32 s7, s3;
	s9 =	simm.s32 $0x8  }
0xa: {  	s5 =	sadd.s32 s6, s5;
	s10 =	sadd.s32 s8, s0;
	s8 =	sshrl.u32 s8, $0x3  }
0xb: {  	s1 =	ssub.s32 s1, s21;
	s6 =	sadd.s32 s6, s2;
	s21 =	simm.s32 $0xDE80  }
0xc: {  	s5 =	sshrl.u32 s5, $0x3;
	s23 =	sadd.s32 $0x7400, s10;
	s24 =	sadd.s32 $0x17400, s10  }
0xd: {  	s26 =	smax.u32 s1, $0x1;
	s1 =	simm.s32 $0x6;
	[dreg:$0x5] =	wrdreg s23  }
0xe: {  	s11 =	sadd.s32 s5, s0;
	s5 =	sadd.s32 s20, s2;
	[dreg:$0x6] =	wrdreg s24  }
0xf: {  	s0 =	sadd.s32 s8, s0;
	[dreg:$0x9] =	wrdreg s26;
	s23 =	simm.s32 $0x5680  }
0x10: {  	s24 =	simm.s32 $0x9680;
	s26 =	simm.s32 $0x80;
	s8 =	simm.s32 $0x4  }
0x11: {  	s22 =	sadd.s32 $0x4800, s5;
	s25 =	sadd.s32 $0x29400, s11;
	s0 =	sadd.s32 $0x27400, s0  }
0x12: {  	s13 =	sadd.s32 $0x800, s5;
	s14 =	sadd.s32 $0x1000, s5;
	s15 =	sadd.s32 $0x1800, s5  }
0x13: {  	s16 =	sadd.s32 $0x2000, s5;
	s17 =	sadd.s32 $0x2800, s5;
	[dreg:$0x4] =	wrdreg s22  }
0x14: {  	s18 =	sadd.s32 $0x3000, s5;
	s19 =	sadd.s32 $0x3800, s5;
	[dreg:$0x7] =	wrdreg s25  }
0x15: {  	s20 =	sadd.s32 $0x4000, s5;
	[dreg:$0x8] =	wrdreg s0;
	s22 =	simm.s32 $0x9  }
0x16: {  	v0 =	vimm.f32 $0.0e+00;
	v1 =	vimm.f32 $1.000000000e+00;
	s25 =	sshrl.u32 s6, $0x3;
	s0 =	simm.s32 $0x2;
	s6 =	simm.s32 $0x7  }
.LBB2_1:
0x17: {  	s10 =	simm.s32 $0x0  }
.LBB2_2:
0x18: {  	p0 =	sne.s32 s10, $0x1FC0  }
.Ltmp0:
0x19: {  	_ = 	snop;
	(pc) =	sbr.rel @p0 .LBB2_2-.Ltmp0, $3  }
0x1a: {  	_ =	sdelay $0x1  }
0x1b: {  	s11 =	sshra.s32 s10, $0x2  }
0x1c: {  	s10 =	sadd.s32 $0x40, s10;
	[tilespmem:s11+$0xDE80] =	vst v0  }
0x1d: {  	s10 =	simm.s32 $0x40;
	s11 =	simm.s32 $0x0  }
.LBB2_4:
0x1e: {  	p0 =	sne.s32 s10, $0x1FC0;
	[tilespmem:s11+$0xD680] =	vst v1;
	s11 =	smov.u32 s10;
	s10 =	sadd.s32 $0x40, s10  }
.Ltmp1:
0x1f: {  	(pc) =	sbr.rel @p0 .LBB2_4-.Ltmp1, $2  }
0x20: {  	_ =	sdelay $0x2  }
0x21: {  	s11 =	sshra.s32 s11, $0x2  }
0x22: {  	[tilespmem:s11+$0xD680] =	vst v1  }
0x23: {  	[spmem:s5] =	stream.linear.scatter [tilespmem:s21], [sflag:$0x9], $0x800, $0x38;
	[tilespmem:$0xE680] =	vst v63  }
0x24: {  	_ =	swait.ge [sflag:s22], $0x800  }
0x25: {  	[sflag:s22] =	ssyncset.done $0x0  }
0x26: {  	[sflag:s22] =	ssyncadd.s32 $0xFFFFF800  }
0x27: {  	[spmem:s13] =	stream.linear.scatter [tilespmem:s21], [sflag:$0x9], $0x800, $0x38;
	[tilespmem:$0xE680] =	vst v63  }
0x28: {  	_ =	swait.ge [sflag:s22], $0x800  }
0x29: {  	[sflag:s22] =	ssyncset.done $0x0  }
0x2a: {  	[sflag:s22] =	ssyncadd.s32 $0xFFFFF800  }
0x2b: {  	[spmem:s14] =	stream.linear.scatter [tilespmem:s21], [sflag:$0x9], $0x800, $0x38;
	[tilespmem:$0xE680] =	vst v63  }
0x2c: {  	_ =	swait.ge [sflag:s22], $0x800  }
0x2d: {  	[sflag:s22] =	ssyncset.done $0x0  }
0x2e: {  	[sflag:s22] =	ssyncadd.s32 $0xFFFFF800  }
0x2f: {  	[spmem:s15] =	stream.linear.scatter [tilespmem:s21], [sflag:$0x9], $0x800, $0x38;
	[tilespmem:$0xE680] =	vst v63  }
0x30: {  	_ =	swait.ge [sflag:s22], $0x800  }
0x31: {  	[sflag:s22] =	ssyncset.done $0x0  }
0x32: {  	[sflag:s22] =	ssyncadd.s32 $0xFFFFF800  }
0x33: {  	[spmem:s16] =	stream.linear.scatter [tilespmem:s21], [sflag:$0x9], $0x800, $0x38;
	[tilespmem:$0xE680] =	vst v63  }
0x34: {  	_ =	swait.ge [sflag:s22], $0x800  }
0x35: {  	[sflag:s22] =	ssyncset.done $0x0  }
0x36: {  	[sflag:s22] =	ssyncadd.s32 $0xFFFFF800  }
0x37: {  	[spmem:s17] =	stream.linear.scatter [tilespmem:s21], [sflag:$0x9], $0x800, $0x38;
	[tilespmem:$0xE680] =	vst v63  }
0x38: {  	_ =	swait.ge [sflag:s22], $0x800  }
0x39: {  	[sflag:s22] =	ssyncset.done $0x0  }
0x3a: {  	[sflag:s22] =	ssyncadd.s32 $0xFFFFF800  }
0x3b: {  	[spmem:s18] =	stream.linear.scatter [tilespmem:s21], [sflag:$0x9], $0x800, $0x38;
	[tilespmem:$0xE680] =	vst v63  }
0x3c: {  	_ =	swait.ge [sflag:s22], $0x800  }
0x3d: {  	[sflag:s22] =	ssyncset.done $0x0  }
0x3e: {  	[sflag:s22] =	ssyncadd.s32 $0xFFFFF800  }
0x3f: {  	[spmem:s19] =	stream.linear.scatter [tilespmem:s21], [sflag:$0x9], $0x800, $0x38;
	[tilespmem:$0xE680] =	vst v63  }
0x40: {  	_ =	swait.ge [sflag:s22], $0x800  }
0x41: {  	[sflag:s22] =	ssyncset.done $0x0  }
0x42: {  	[sflag:s22] =	ssyncadd.s32 $0xFFFFF800  }
0x43: {  	[spmem:s20] =	stream.linear.scatter [tilespmem:s21], [sflag:$0x9], $0x800, $0x38;
	[tilespmem:$0xE680] =	vst v63  }
0x44: {  	_ =	swait.ge [sflag:s22], $0x800  }
0x45: {  	[sflag:s22] =	ssyncset.done $0x0  }
0x46: {  	s10 =	rddreg [dreg:$0x4];
	[sflag:s22] =	ssyncadd.s32 $0xFFFFF800  }
0x47: {  	[spmem:s10] =	stream.linear.scatter [tilespmem:s21], [sflag:$0x9], $0x680, $0x38;
	[tilespmem:$0xE680] =	vst v63  }
0x48: {  	_ =	swait.ge [sflag:s22], $0x680  }
0x49: {  	[sflag:s22] =	ssyncset.done $0x0  }
0x4a: {  	[sflag:s22] =	ssyncadd.s32 $0xFFFFF980  }
0x4b: {  	[spmem:s7] =	stream.linear.scatter [tilespmem:s21], [sflag:$0x9], $0x800, $0x38;
	[tilespmem:$0xE680] =	vst v63  }
0x4c: {  	_ =	swait.ge [sflag:s22], $0x800  }
0x4d: {  	[sflag:s22] =	ssyncset.done $0x0  }
0x4e: {  	[sflag:s22] =	ssyncadd.s32 $0xFFFFF800  }
0x4f: {  	[bflag:$0x0] =	sbarrier.arrive $0xFFFF  }
0x50: {  	s10 =	simm.s32 $0x0;
	s12 =	rddreg [dreg:$0x5]  }
0x51: {  	[tilespmem:s23], [sflag:$0x9] =	stream.linear.gather [hbm4b:s12+s10], $0x4000, $0x38;
	[tilespmem:$0xE680] =	vst v63  }
0x52: {  	_ =	swait.ge [sflag:s22], $0x4000  }
0x53: {  	[sflag:s22] =	ssyncset.done $0x0  }
0x54: {  	s12 =	rddreg [dreg:$0x6];
	[sflag:s22] =	ssyncadd.s32 $0xFFFFC000  }
0x55: {  	[tilespmem:s24], [sflag:$0x9] =	stream.linear.gather [hbm4b:s12+s10], $0x4000, $0x38;
	[tilespmem:$0xE680] =	vst v63  }
0x56: {  	_ =	swait.ge [sflag:s22], $0x4000  }
0x57: {  	[sflag:s22] =	ssyncset.done $0x0  }
0x58: {  	[sflag:s22] =	ssyncadd.s32 $0xFFFFC000  }
0x59: {  	[spmem:s2] =	stream.indirect.scatter.add.f32 [tilespmem:s28], [sflag:$0x1], $0x10, s24, s26, $0xb8;
	[tilespmem:$0xE680] =	vst v63  }
0x5a: {  	_ = 	snop  }
0x5b: {  	[spmem:s3] =	stream.indirect.scatter.add.f32 [tilespmem:s28], [sflag:$0x5], $0x10, s23, s26, $0xb8;
	[tilespmem:$0xE680] =	vst v63  }
0x5c: {  	s12 =	simm.s32 $0x9700  }
0x5d: {  	[spmem:s2] =	stream.indirect.scatter.add.f32 [tilespmem:s28], [sflag:$0x2], $0x10, s12, s26, $0xb8;
	[tilespmem:$0xE680] =	vst v63  }
0x5e: {  	s11 =	simm.s32 $0x5700  }
0x5f: {  	[spmem:s3] =	stream.indirect.scatter.add.f32 [tilespmem:s28], [sflag:$0x6], $0x10, s11, s26, $0xb8;
	[tilespmem:$0xE680] =	vst v63  }
0x60: {  	s12 =	simm.s32 $0x9780  }
0x61: {  	[spmem:s2] =	stream.indirect.scatter.add.f32 [tilespmem:s28], [sflag:$0x3], $0x10, s12, s26, $0xb8;
	[tilespmem:$0xE680] =	vst v63  }
0x62: {  	s11 =	simm.s32 $0x5780  }
0x63: {  	[spmem:s3] =	stream.indirect.scatter.add.f32 [tilespmem:s28], [sflag:$0x7], $0x10, s11, s26, $0xb8;
	[tilespmem:$0xE680] =	vst v63  }
0x64: {  	s12 =	simm.s32 $0x9800  }
0x65: {  	[spmem:s2] =	stream.indirect.scatter.add.f32 [tilespmem:s28], [sflag:$0x4], $0x10, s12, s26, $0xb8;
	[tilespmem:$0xE680] =	vst v63  }
0x66: {  	s11 =	simm.s32 $0x5800  }
0x67: {  	[spmem:s3] =	stream.indirect.scatter.add.f32 [tilespmem:s28], [sflag:$0x8], $0x10, s11, s26, $0xb8;
	[tilespmem:$0xE680] =	vst v63  }
0x68: {  	_ =	swait.ge [sflag:s30], $0x800  }
0x69: {  	[sflag:s30] =	ssyncset.done $0x0  }
0x6a: {  	[sflag:s30] =	ssyncadd.s32 $0xFFFFF800  }
0x6b: {  	_ =	swait.ge [sflag:s31], $0x800  }
0x6c: {  	[sflag:s31] =	ssyncset.done $0x0  }
0x6d: {  	s12 =	simm.s32 $0x9880;
	[sflag:s31] =	ssyncadd.s32 $0xFFFFF800  }
0x6e: {  	[spmem:s2] =	stream.indirect.scatter.add.f32 [tilespmem:s28], [sflag:$0x1], $0x10, s12, s26, $0xb8;
	[tilespmem:$0xE680] =	vst v63  }
0x6f: {  	s11 =	simm.s32 $0x5880  }
0x70: {  	[spmem:s3] =	stream.indirect.scatter.add.f32 [tilespmem:s28], [sflag:$0x5], $0x10, s11, s26, $0xb8;
	[tilespmem:$0xE680] =	vst v63  }
0x71: {  	_ =	swait.ge [sflag:s0], $0x800  }
0x72: {  	[sflag:s0] =	ssyncset.done $0x0  }
0x73: {  	[sflag:s0] =	ssyncadd.s32 $0xFFFFF800  }
0x74: {  	_ =	swait.ge [sflag:s1], $0x800  }
0x75: {  	[sflag:s1] =	ssyncset.done $0x0  }
0x76: {  	s12 =	simm.s32 $0x9900;
	[sflag:s1] =	ssyncadd.s32 $0xFFFFF800  }
0x77: {  	[spmem:s2] =	stream.indirect.scatter.add.f32 [tilespmem:s28], [sflag:$0x2], $0x10, s12, s26, $0xb8;
	[tilespmem:$0xE680] =	vst v63  }
0x78: {  	s11 =	simm.s32 $0x5900  }
0x79: {  	[spmem:s3] =	stream.indirect.scatter.add.f32 [tilespmem:s28], [sflag:$0x6], $0x10, s11, s26, $0xb8;
	[tilespmem:$0xE680] =	vst v63  }
0x7a: {  	_ =	swait.ge [sflag:s29], $0x800  }
0x7b: {  	[sflag:s29] =	ssyncset.done $0x0  }
0x7c: {  	[sflag:s29] =	ssyncadd.s32 $0xFFFFF800  }
0x7d: {  	_ =	swait.ge [sflag:s6], $0x800  }
0x7e: {  	[sflag:s6] =	ssyncset.done $0x0  }
0x7f: {  	s12 =	simm.s32 $0x9980;
	[sflag:s6] =	ssyncadd.s32 $0xFFFFF800  }
0x80: {  	[spmem:s2] =	stream.indirect.scatter.add.f32 [tilespmem:s28], [sflag:$0x3], $0x10, s12, s26, $0xb8;
	[tilespmem:$0xE680] =	vst v63  }
0x81: {  	s11 =	simm.s32 $0x5980  }
0x82: {  	[spmem:s3] =	stream.indirect.scatter.add.f32 [tilespmem:s28], [sflag:$0x7], $0x10, s11, s26, $0xb8;
	[tilespmem:$0xE680] =	vst v63  }
0x83: {  	_ =	swait.ge [sflag:s8], $0x800  }
0x84: {  	[sflag:s8] =	ssyncset.done $0x0  }
0x85: {  	[sflag:s8] =	ssyncadd.s32 $0xFFFFF800  }
0x86: {  	_ =	swait.ge [sflag:s9], $0x800  }
0x87: {  	s10 =	simm.s32 $0x800;
	[sflag:s9] =	ssyncset.done $0x0  }
0x88: {  	s12 =	simm.s32 $0x9A00;
	s11 =	simm.s32 $0x5A00;
	[sflag:s9] =	ssyncadd.s32 $0xFFFFF800  }
0x89: {  	[spmem:s2] =	stream.indirect.scatter.add.f32 [tilespmem:s28], [sflag:$0x4], $0x10, s12, s26, $0xb8;
	[tilespmem:$0xE680] =	vst v63  }
.LBB2_6:
0x8a: {  	[spmem:s3] =	stream.indirect.scatter.add.f32 [tilespmem:s28], [sflag:$0x8], $0x10, s11, s26, $0xb8;
	[tilespmem:$0xE680] =	vst v63  }
0x8b: {  	s11 =	smov.u32 s10  }
0x8c: {  	p0 =	sne.s32 s10, $0xF000;
	s10 =	sadd.s32 $0x800, s10;
	_ =	swait.ge [sflag:s30], $0x800  }
0x8d: {  	[sflag:s30] =	ssyncset.done $0x0  }
0x8e: {  	[sflag:s30] =	ssyncadd.s32 $0xFFFFF800  }
0x8f: {  	_ =	swait.ge [sflag:s31], $0x800  }
0x90: {  	s11 =	sshra.s32 s11, $0x2;
	[sflag:s31] =	ssyncset.done $0x0  }
0x91: {  	s12 =	sadd.s32 $0x9880, s11;
	[sflag:s31] =	ssyncadd.s32 $0xFFFFF800  }
0x92: {  	[spmem:s2] =	stream.indirect.scatter.add.f32 [tilespmem:s28], [sflag:$0x1], $0x10, s12, s26, $0xb8;
	[tilespmem:$0xE680] =	vst v63  }
0x93: {  	s12 =	sadd.s32 $0x5880, s11  }
0x94: {  	[spmem:s3] =	stream.indirect.scatter.add.f32 [tilespmem:s28], [sflag:$0x5], $0x10, s12, s26, $0xb8;
	[tilespmem:$0xE680] =	vst v63  }
0x95: {  	_ =	swait.ge [sflag:s0], $0x800  }
0x96: {  	[sflag:s0] =	ssyncset.done $0x0  }
0x97: {  	[sflag:s0] =	ssyncadd.s32 $0xFFFFF800  }
0x98: {  	_ =	swait.ge [sflag:s1], $0x800  }
0x99: {  	[sflag:s1] =	ssyncset.done $0x0  }
0x9a: {  	s12 =	sadd.s32 $0x9900, s11;
	[sflag:s1] =	ssyncadd.s32 $0xFFFFF800  }
0x9b: {  	[spmem:s2] =	stream.indirect.scatter.add.f32 [tilespmem:s28], [sflag:$0x2], $0x10, s12, s26, $0xb8;
	[tilespmem:$0xE680] =	vst v63  }
0x9c: {  	s12 =	sadd.s32 $0x5900, s11  }
0x9d: {  	[spmem:s3] =	stream.indirect.scatter.add.f32 [tilespmem:s28], [sflag:$0x6], $0x10, s12, s26, $0xb8;
	[tilespmem:$0xE680] =	vst v63  }
0x9e: {  	_ =	swait.ge [sflag:s29], $0x800  }
0x9f: {  	[sflag:s29] =	ssyncset.done $0x0  }
0xa0: {  	[sflag:s29] =	ssyncadd.s32 $0xFFFFF800  }
0xa1: {  	_ =	swait.ge [sflag:s6], $0x800  }
0xa2: {  	[sflag:s6] =	ssyncset.done $0x0  }
0xa3: {  	s12 =	sadd.s32 $0x9980, s11;
	[sflag:s6] =	ssyncadd.s32 $0xFFFFF800  }
0xa4: {  	[spmem:s2] =	stream.indirect.scatter.add.f32 [tilespmem:s28], [sflag:$0x3], $0x10, s12, s26, $0xb8;
	[tilespmem:$0xE680] =	vst v63  }
0xa5: {  	s12 =	sadd.s32 $0x5980, s11  }
0xa6: {  	[spmem:s3] =	stream.indirect.scatter.add.f32 [tilespmem:s28], [sflag:$0x7], $0x10, s12, s26, $0xb8;
	[tilespmem:$0xE680] =	vst v63  }
0xa7: {  	_ =	swait.ge [sflag:s8], $0x800  }
0xa8: {  	[sflag:s8] =	ssyncset.done $0x0  }
0xa9: {  	[sflag:s8] =	ssyncadd.s32 $0xFFFFF800  }
.Ltmp2:
0xaa: {  	_ =	swait.ge [sflag:s9], $0x800;
	(pc) =	sbr.rel @p0 .LBB2_6-.Ltmp2, $4  }
0xab: {  	[sflag:s9] =	ssyncset.done $0x0  }
0xac: {  	s12 =	sadd.s32 $0x9A00, s11;
	[sflag:s9] =	ssyncadd.s32 $0xFFFFF800  }
0xad: {  	[spmem:s2] =	stream.indirect.scatter.add.f32 [tilespmem:s28], [sflag:$0x4], $0x10, s12, s26, $0xb8;
	[tilespmem:$0xE680] =	vst v63  }
0xae: {  	s11 =	sadd.s32 $0x5A00, s11  }
0xaf: {  	[spmem:s3] =	stream.indirect.scatter.add.f32 [tilespmem:s28], [sflag:$0x8], $0x10, s11, s26, $0xb8;
	[tilespmem:$0xE680] =	vst v63  }
0xb0: {  	_ =	swait.ge [sflag:s30], $0x800  }
0xb1: {  	[sflag:s30] =	ssyncset.done $0x0  }
0xb2: {  	[sflag:s30] =	ssyncadd.s32 $0xFFFFF800  }
0xb3: {  	_ =	swait.ge [sflag:s31], $0x800  }
0xb4: {  	[sflag:s31] =	ssyncset.done $0x0  }
0xb5: {  	[sflag:s31] =	ssyncadd.s32 $0xFFFFF800  }
0xb6: {  	_ =	swait.ge [sflag:s0], $0x800  }
0xb7: {  	[sflag:s0] =	ssyncset.done $0x0  }
0xb8: {  	[sflag:s0] =	ssyncadd.s32 $0xFFFFF800  }
0xb9: {  	_ =	swait.ge [sflag:s1], $0x800  }
0xba: {  	[sflag:s1] =	ssyncset.done $0x0  }
0xbb: {  	[sflag:s1] =	ssyncadd.s32 $0xFFFFF800  }
0xbc: {  	_ =	swait.ge [sflag:s29], $0x800  }
0xbd: {  	[sflag:s29] =	ssyncset.done $0x0  }
0xbe: {  	[sflag:s29] =	ssyncadd.s32 $0xFFFFF800  }
0xbf: {  	_ =	swait.ge [sflag:s6], $0x800  }
0xc0: {  	[sflag:s6] =	ssyncset.done $0x0  }
0xc1: {  	[sflag:s6] =	ssyncadd.s32 $0xFFFFF800  }
0xc2: {  	_ =	swait.ge [sflag:s8], $0x800  }
0xc3: {  	[sflag:s8] =	ssyncset.done $0x0  }
0xc4: {  	[sflag:s8] =	ssyncadd.s32 $0xFFFFF800  }
0xc5: {  	_ =	swait.ge [sflag:s9], $0x800  }
0xc6: {  	[sflag:s9] =	ssyncset.done $0x0  }
0xc7: {  	s10 =	stileid.u32;
	[sflag:s9] =	ssyncadd.s32 $0xFFFFF800  }
0xc8: {  	s10 =	sshll.u32 s10, $0x6;
	[bflag:$0x0] =	sbarrier.arrive $0xFFFF  }
0xc9: {  	s10 =	sor.u32 $0x1C09, s10;
	s12 =	rddreg [dreg:$0x7]  }
0xca: {  	[hbm:s12], [sflag:s10] =	dma.local [spmem:s25], $0x9D0  }
0xcb: {  	_ =	swait.ge [sflag:s22], $0x9D0  }
0xcc: {  	[sflag:s22] =	ssyncset.done $0x0  }
0xcd: {  	s11 =	sshrl.u32 s7, $0x3;
	s12 =	rddreg [dreg:$0x8];
	[sflag:s22] =	ssyncadd.s32 $0xFFFFF630  }
0xce: {  	[hbm:s12], [sflag:s10] =	dma.local [spmem:s11], $0x100  }
0xcf: {  	_ =	swait.ge [sflag:s22], $0x100  }
0xd0: {  	s4 =	sadd.s32 $0x1, s4;
	s12 =	rddreg [dreg:$0x9]  }
0xd1: {  	p0 =	sne.s32 s4, s12  }
.Ltmp3:
0xd2: {  	_ = 	snop;
	(pc) =	sbr.rel @p0 .LBB2_1-.Ltmp3, $3  }
0xd3: {  	_ =	sdelay $0x1  }
0xd4: {  	[sflag:s22] =	ssyncset.done $0x0  }
0xd5: {  	[sflag:s22] =	ssyncadd.s32 $0xFFFFFF00  }
0xd6: {  	_ =	sfence.sel $0x180000  }
0xd7: {  	[bflag:$0x0] =	sbarrier.arrive $0xFFFF  }
0xd8: {  	_ =	strace $0x90000047  }
0xd9: {  	s0 =	stileid.u32;
	[bflag:$0x2] =	sbarrier.arrive $0xFFFF  }
0xda: {  	p0 =	sne.s32 s0, $0x0;
	s0 =	rddreg [dreg:$0x3]  }
0xdb: {  	s0 =	sadd.s32 @!p0 $0x100000, s0  }
0xdc: {  	[sflag:s0] =	ssyncadd.tile.s32 @!p0 $0x1;
	_ =	shalt  }
.Lfunc_end2:
_tile_overlayer_lowered:
.L_overlay_start_2:
0xdd: {  	(tag) =	ssettag $0x2  }
0xde: {  	s0 =	rddreg [dreg:$0x0];
	s2 =	stileid.u32  }
0xdf: {  	s1 =	rddreg [dreg:$0x1];
	p0 =	sne.s32 s2, $0x0  }
0xe0: {  	s3 =	rddreg [dreg:$0x2];
	[bflag:$0x3] =	sbarrier.arrive $0xFFFF;
	s2 =	simm.s32 @!p0 $0x1C09  }
0xe1: {  	[timem:s3], [sflag:s2] =	dma.local @!p0 [hbm:s0], s1  }
0xe2: {  	s0 =	simm.s32 @!p0 $0x9  }
0xe3: {  	_ =	swait.ge @!p0 [sflag:s0], s1  }
0xe4: {  	s1 =	ssub.s32 @!p0 $0x0, s1;
	[sflag:s0] =	ssyncset.done @!p0 $0x0  }
0xe5: {  	[sflag:s0] =	ssyncadd.s32 @!p0 s1  }
0xe6: {  	[bflag:$0x3] =	sbarrier.arrive $0xFFFF  }
0xe7: {  	_ =	shalt  }

// kernel: kernel.19.cloned.1.call-start
scs
__scs_entry_jumppad:
0x0: {  	(pc) =	sbr.rel $0x88, $3  }
0x1: {  	(tag) =	ssettag $0x0;
	lr =	simm.s32 $0x1  }
0x2: {  	[smem:$0x3F89] =	sst lr;
	_ =	strace $0xD0000000  }
0x3: {  	_ = 	snop  }
0x4: {  	_ = 	snop  }
0x5: {  	_ = 	snop  }
0x6: {  	_ = 	snop  }
0x7: {  	_ = 	snop  }
__scs_overlays_trampoline_lowered:
0x8: {  	[smem:$0x3F98] =	sst s0  }
0x9: {  	[smem:$0x3F99] =	sst s1  }
0xa: {  	[smem:$0x3F9A] =	sst s2  }
0xb: {  	[smem:$0x3F9B] =	sst s3  }
0xc: {  	[smem:$0x3F9C] =	sst s4  }
0xd: {  	[smem:$0x3F9D] =	sst s5  }
0xe: {  	[smem:$0x3F9E] =	sst s6  }
0xf: {  	[smem:$0x3F9F] =	sst s7  }
0x10: {  	[smem:$0x3FA0] =	sst s8  }
0x11: {  	[smem:$0x3FA1] =	sst s9;
	s0 =	simm.s32 @!p0 $0x0  }
0x12: {  	s1 =	sld [smem:$0x3F87];
	s0 =	simm.s32 @p0 $0x1  }
0x13: {  	[smem:$0x3FA2] =	sst s0;
	s0 =	simm.s32 @!p1 $0x0  }
0x14: {  	s2 =	sld [smem:$0x3F86];
	s0 =	simm.s32 @p1 $0x1  }
0x15: {  	[smem:$0x3FA3] =	sst s0;
	s0 =	simm.s32 @!p2 $0x0  }
0x16: {  	s3 =	sld [smem:$0x3FDB];
	s0 =	simm.s32 @p2 $0x1  }
0x17: {  	s4 =	simm.s32 $0x1BF5;
	[smem:$0x3FA5] =	sst s0  }
0x18: {  	s0 =	sld [smem:$0x3F88];
	_ =	swait.ge [sflag:s4], $0x0  }
0x19: {  	s7 =	sld [smem:$0x3F89]  }
0x1a: {  	s8 =	sadd.s32 $0xFFFFE003, lr  }
0x1b: {  	s9 =	sadd.s32 $0xFFFFFEF7, lr;
	s5 =	simm.s32 $0xFFFFFFFF;
	p2 =	slt.u32 s8, $0xFFFFF086  }
0x1c: {  	p1 =	slt.u32 s9, $0xF7A;
	s5 =	simm.s32 @!p2 $0x0  }
0x1d: {  	s5 =	simm.s32 @p1 $0x1;
	p0 =	seq.s32 s7, s2  }
0x1e: {  	s7 =	smul.u32 @!p0 $0xF7A, s2;
	p2 =	seq.s32 @!p0 s5, $0x0  }
0x1f: {  	s9 =	smul.u32 $0xF7A, s1;
	s8 =	simm.s32 @!p0 $0x1BF5;
	p2 =	por !p2, p0  }
0x20: {  	[sflag:s8] =	ssyncset.s32 @!p0 $0xFFFFF086;
	s6 =	sadd.s32 @!p0 s3, s7;
	s7 =	simm.s32 @!p0 $0x108  }
0x21: {  	s3 =	sadd.s32 s3, s9;
	s6 =	sadd.s32 @!p0 $0x88, s6;
	s7 =	simm.s32 @p2 $0x1082  }
0x22: {  	[simem:s7], [sflag:s8] =	dma.local @!p0 [hbm:s6], $0xF7A  }
0x23: {  	s9 =	sor.u32 $0xD0000000, s2;
	s6 =	simm.s32 $0x108;
	_ =	swait.ge @!p0 [sflag:s8], $0x0  }
0x24: {  	s3 =	sadd.s32 $0x88, s3;
	s6 =	simm.s32 @!p1 $0x1082;
	[sflag:s4] =	ssyncset.s32 $0xFFFFF086  }
0x25: {  	[simem:s6], [sflag:s4] =	dma.local [hbm:s3], $0xF7A  }
0x26: {  	[smem:$0x3F89] =	sst s1;
	(tag) =	ssettag s2;
	_ =	strace s9  }
0x27: {  	s1 =	sld [smem:$0x3F99]  }
0x28: {  	s2 =	sld [smem:$0x3F9A]  }
0x29: {  	s4 =	sld [smem:$0x3F9C]  }
0x2a: {  	p0 =	seq.s32 s5, $0x0;
	s5 =	sld [smem:$0x3F9D]  }
0x2b: {  	s6 =	sld [smem:$0x3F9E]  }
0x2c: {  	s7 =	sld [smem:$0x3F9F]  }
0x2d: {  	s3 =	simm.s32 $0x108;
	s8 =	sld [smem:$0x3FA0]  }
0x2e: {  	s3 =	simm.s32 @!p0 $0x1082;
	s9 =	sld [smem:$0x3FA1]  }
0x2f: {  	lr =	sadd.s32 s0, s3;
	s0 =	sld [smem:$0x3F98]  }
0x30: {  	s3 =	sld [smem:$0x3F9B]  }
0x31: {  	[smem:$0x3FA4] =	sst s10  }
0x32: {  	s10 =	sld [smem:$0x3FA2];
	_ =	sdelay $0x3  }
0x33: {  	p0 =	seq.s32 s10, $0x1;
	s10 =	sld [smem:$0x3FA4];
	_ =	sdelay $0x3  }
0x34: {  	[smem:$0x3FA4] =	sst s10  }
0x35: {  	s10 =	sld [smem:$0x3FA3];
	_ =	sdelay $0x3  }
0x36: {  	p1 =	seq.s32 s10, $0x1;
	s10 =	sld [smem:$0x3FA4];
	_ =	sdelay $0x3  }
0x37: {  	[smem:$0x3FA4] =	sst s10  }
0x38: {  	s10 =	sld [smem:$0x3FA5]  }
0x39: {  	_ = 	snop;
	(pc) =	sbr.ind lr, $3  }
0x3a: {  	_ = 	snop  }
0x3b: {  	_ = 	snop  }
0x3c: {  	p2 =	seq.s32 s10, $0x1;
	s10 =	sld [smem:$0x3FA4]  }
0x3d: {  	_ =	shalt  }
0x3e: {  	_ =	shalt  }
0x3f: {  	_ =	shalt  }
0x40: {  	_ =	shalt  }
0x41: {  	_ =	shalt  }
0x42: {  	_ =	shalt  }
0x43: {  	_ =	shalt  }
0x44: {  	_ =	shalt  }
0x45: {  	_ =	shalt  }
0x46: {  	_ =	shalt  }
0x47: {  	_ =	shalt  }
0x48: {  	_ =	shalt  }
0x49: {  	_ =	shalt  }
0x4a: {  	_ =	shalt  }
0x4b: {  	_ =	shalt  }
0x4c: {  	_ =	shalt  }
0x4d: {  	_ =	shalt  }
0x4e: {  	_ =	shalt  }
0x4f: {  	_ =	shalt  }
0x50: {  	_ =	shalt  }
0x51: {  	_ =	shalt  }
0x52: {  	_ =	shalt  }
0x53: {  	_ =	shalt  }
0x54: {  	_ =	shalt  }
0x55: {  	_ =	shalt  }
0x56: {  	_ =	shalt  }
0x57: {  	_ =	shalt  }
0x58: {  	_ =	shalt  }
0x59: {  	_ =	shalt  }
0x5a: {  	_ =	shalt  }
0x5b: {  	_ =	shalt  }
0x5c: {  	_ =	shalt  }
0x5d: {  	_ =	shalt  }
0x5e: {  	_ =	shalt  }
0x5f: {  	_ =	shalt  }
0x60: {  	_ =	shalt  }
0x61: {  	_ =	shalt  }
0x62: {  	_ =	shalt  }
0x63: {  	_ =	shalt  }
0x64: {  	_ =	shalt  }
0x65: {  	_ =	shalt  }
0x66: {  	_ =	shalt  }
0x67: {  	_ =	shalt  }
0x68: {  	_ =	shalt  }
0x69: {  	_ =	shalt  }
0x6a: {  	_ =	shalt  }
0x6b: {  	_ =	shalt  }
0x6c: {  	_ =	shalt  }
0x6d: {  	_ =	shalt  }
0x6e: {  	_ =	shalt  }
0x6f: {  	_ =	shalt  }
0x70: {  	_ =	shalt  }
0x71: {  	_ =	shalt  }
0x72: {  	_ =	shalt  }
0x73: {  	_ =	shalt  }
0x74: {  	_ =	shalt  }
0x75: {  	_ =	shalt  }
0x76: {  	_ =	shalt  }
0x77: {  	_ =	shalt  }
0x78: {  	_ =	shalt  }
0x79: {  	_ =	shalt  }
0x7a: {  	_ =	shalt  }
0x7b: {  	_ =	shalt  }
0x7c: {  	_ =	shalt  }
0x7d: {  	_ =	shalt  }
0x7e: {  	_ =	shalt  }
0x7f: {  	_ =	shalt  }
0x80: {  	_ =	shalt  }
0x81: {  	_ =	shalt  }
0x82: {  	_ =	shalt  }
0x83: {  	_ =	shalt  }
0x84: {  	_ =	shalt  }
0x85: {  	_ =	shalt  }
0x86: {  	_ =	shalt  }
0x87: {  	_ =	shalt  }
.Lfunc_end0:
.L_simem_size_0:
called_computation.2_lowered:
.L_overlay_start_0:
0x88: {  	s2 =	sld [smem:$0x3FD9]  }
0x89: {  	s3 =	sld [smem:$0x3FFE];
	_ =	sdelay $0x1  }
0x8a: {  	s1 =	srdreg.scid  }
0x8b: {  	s0 =	sand.u32 $0x1, s1  }
0x8c: {  	s16 =	sshll.u32 s0, $0xA;
	s2 =	sadd.s32 s3, s2  }
0x8d: {  	s2 =	sadd.s32 s2, s16  }
0x8e: {  	[smem:$0x3FB0] =	sst s2  }
0x8f: {  	_ = 	snop  }
0x90: {  	(tm) =	ssettm $0x1  }
0x91: {  	s17 =	sld [smem:$0x3FFB];
	_ =	sdelay $0x3  }
0x92: {  	_ =	strace s17  }
0x93: {  	s2 =	sld [smem:$0x3FFC];
	_ =	sdelay $0x3  }
0x94: {  	_ =	strace s2  }
0x95: {  	s2 =	sld [smem:$0x3FFD];
	_ =	sdelay $0x3  }
0x96: {  	_ =	strace s2  }
0x97: {  	_ =	strace $0x8FFFFFFF  }
0x98: {  	s18 =	sld [smem:$0x3FDB];
	_ =	sdelay $0x1  }
0x99: {  	s19 =	simm.s32 $_scs_section_size  }
0x9a: {  	s4 =	simm.s32 $_size__tile_overlayer_lowered;
	s5 =	simm.s32 $_tile_overlayer_lowered  }
0x9b: {  	s22 =	simm.s32 $0x1BFF;
	s21 =	sshll.u32 s5, $0x1;
	s2 =	sadd.s32 s19, s18  }
0x9c: {  	s6 =	simm.s32 $0x0;
	s20 =	sshll.u32 s4, $0x1;
	s4 =	sadd.s32 s21, s2  }
0x9d: {  	[timem:s6], [sflag:s22] =	dma.local [hbm:s4], s20  }
0x9e: {  	_ =	swait.ge [sflag:s22], s20  }
0x9f: {  	s3 =	ssub.s32 $0x0, s20;
	[sflag:s22] =	ssyncset.done $0x0  }
0xa0: {  	[sflag:s22] =	ssyncadd.s32 s3;
	_ =	sdelay $0x1  }
0xa1: {  	s23 =	simm.s32 $0x1B8B  }
0xa2: {  	_ =	swait.ge [sflag:s23], $0x1  }
0xa3: {  	[sflag:s23] =	ssyncset.done $0x0  }
0xa4: {  	s25 =	simm.s32 $0x1B8E;
	s24 =	sld [smem:$0x3FFE];
	[sflag:s23] =	ssyncadd.s32 $0xFFFFFFFF  }
0xa5: {  	s26 =	simm.s32 $execute0_lowered;
	[smem:$0x3FD2] =	sst s25  }
0xa6: {  	s4 =	sshll.u32 s26, $0x1;
	_ =	strace $0x8000004C;
	[dreg:$0x1] =	wrdreg $0xFFFFFFFF  }
0xa7: {  	s28 =	simm.s32 $_size_execute0_lowered;
	s2 =	sadd.s32 s2, s4;
	[dreg:$0x0] =	wrdreg $0x0  }
0xa8: {  	s4 =	sshll.u32 s28, $0x1;
	[dreg:$0x2] =	wrdreg s2  }
0xa9: {  	[dreg:$0x3] =	wrdreg s4  }
0xaa: {  	[dreg:$0x4] =	wrdreg $0xC0  }
0xab: {  	_ =	task [dreg:s6], $0x5FFFF  }
0xac: {  	[dreg:$0x1] =	wrdreg $0xFFFFFFFF  }
0xad: {  	[dreg:$0x0] =	wrdreg $0x60  }
0xae: {  	[dreg:$0x2] =	wrdreg s24  }
0xaf: {  	[dreg:$0x3] =	wrdreg $0x0  }
0xb0: {  	[dreg:$0x4] =	wrdreg $0x9D000  }
0xb1: {  	[dreg:$0x5] =	wrdreg $0x9  }
0xb2: {  	_ =	task.clear_ibuf [dreg:s6], $0x6FFFF;
	_ =	strace $0x9000004C  }
0xb3: {  	s29 =	simm.s32 $0x9;
	_ =	strace $0x8000004E  }
0xb4: {  	_ =	swait.ge [sflag:s29], $0x1  }
0xb5: {  	[sflag:s29] =	ssyncadd.s32 $0xFFFFFFFF  }
0xb6: {  	_ =	strace $0x9000004E  }
0xb7: {  	_ =	sfence  }
0xb8: {  	s30 =	sld [smem:$0x0];
	_ =	sdelay $0x2  }
0xb9: {  	s31 =	sshll.u32 s1, $0xD;
	s1 =	sshrl.u32 s1, $0x2  }
0xba: {  	s3 =	sand.u32 $0x4000, s31;
	s1 =	sadd.s32 s1, s30  }
0xbb: {  	s0 =	sor.u32 s3, s0;
	s1 =	sshll.u32 s1, $0x11  }
0xbc: {  	s0 =	sor.u32 s1, s0  }
0xbd: {  	s0 =	sadd.s32 $0x8F2B, s0  }
0xbe: {  	[sflag:s0] =	ssyncadd.remote.s32 $0x1  }
0xbf: {  	_ =	sfence.sel $0xFFFF  }
0xc0: {  	[dreg:$0x0] =	wrdreg $0xFFFFFFFF;
	(pc) =	sbr.abs _section_cstart, $3  }
0xc1: {  	[dreg:$0x1] =	wrdreg $0xFFFFFFFF  }
0xc2: {  	_ =	task.clear_ibuf [dreg:s6], $0x2FFFF;
	_ =	strace $0x9FFFFFFF  }
0xc3: {  	(tm) =	ssettm $0x7FFFFFFF  }
tec
execute0_lowered:
.L_overlay_start_1:
0x0: {  	(tag) =	ssettag $0x1  }
0x1: {  	s0 =	rddreg [dreg:$0x0]  }
0x2: {  	s1 =	rddreg [dreg:$0x1]  }
0x3: {  	s2 =	rddreg [dreg:$0x2];
	s4 =	simm.s32 $0x0  }
0x4: {  	s3 =	srdreg.scid;
	s12 =	stileid.u32;
	s28 =	simm.s32 $0xED00  }
0x5: {  	s29 =	simm.s32 $0x80;
	s31 =	simm.s32 $0x15D00;
	s30 =	simm.s32 $0x19D00  }
0x6: {  	[smem:$0x7FF] =	sst s4;
	s3 =	sand.u32 $0x1, s3;
	s8 =	smul.u32 $0x9D00, s12  }
0x7: {  	s7 =	sshll.u32 s12, $0xB;
	s9 =	smul.u32 $0x27400, s12;
	s12 =	sshll.u32 s12, $0xC  }
0x8: {  	s6 =	smul.u32 $0x9D000, s3;
	s5 =	sshll.u32 s3, $0xF;
	_ =	strace $0x8000004D  }
0x9: {  	s15 =	sshll.u32 s3, $0x10;
	s3 =	ssub.s32 $0x2, s3;
	s5 =	sor.u32 s7, s5  }
0xa: {  	s9 =	sshrl.u32 s9, $0x2;
	s10 =	sadd.s32 s5, s0;
	s14 =	sadd.s32 s8, s6  }
0xb: {  	s5 =	sadd.s32 $0x27400, s0;
	s7 =	sshrl.u32 s14, $0x3;
	s14 =	sshrl.u32 s3, $0x1  }
0xc: {  	s16 =	sadd.s32 $0x7400, s10;
	s10 =	sadd.s32 $0x17400, s10;
	s11 =	sadd.s32 s7, s0  }
0xd: {  	s7 =	sor.u32 s12, s15;
	s3 =	ssub.s32 s3, s14;
	[dreg:$0x5] =	wrdreg s16  }
0xe: {  	[dreg:$0x6] =	wrdreg s10;
	s13 =	sshrl.u32 s7, $0x3;
	s17 =	sadd.s32 $0x48E00, s11  }
0xf: {  	s7 =	sadd.s32 s9, s1;
	s18 =	smax.u32 s3, $0x1;
	[dreg:$0x7] =	wrdreg s17  }
0x10: {  	s6 =	sadd.s32 $0x29400, s0;
	s9 =	sadd.s32 $0x9000, s7;
	[dreg:$0x9] =	wrdreg s18  }
0x11: {  	s8 =	sadd.s32 s8, s1;
	s19 =	sadd.s32 $0x1000, s7;
	[dreg:$0x4] =	wrdreg s9  }
0x12: {  	s10 =	simm.s32 $0x2;
	s20 =	sadd.s32 $0x2000, s7;
	[dreg:$0xa] =	wrdreg s19  }
0x13: {  	s3 =	simm.s32 $0x14D00;
	s21 =	sadd.s32 $0x3000, s7;
	[dreg:$0xb] =	wrdreg s20  }
0x14: {  	s11 =	simm.s32 $0x3;
	s22 =	sadd.s32 $0x4000, s7;
	[dreg:$0xc] =	wrdreg s21  }
0x15: {  	s0 =	sadd.s32 s13, s0;
	s23 =	sadd.s32 $0x5000, s7;
	[dreg:$0xd] =	wrdreg s22  }
0x16: {  	s24 =	sadd.s32 $0x6000, s7;
	s25 =	sadd.s32 $0x7000, s7;
	[dreg:$0xe] =	wrdreg s23  }
.Ltmp0:
0x17: {  	s26 =	sadd.s32 $0x8000, s7;
	[dreg:$0xf] =	wrdreg s24;
	(pc) =	sbr.rel .LBB2_1-.Ltmp0, $4  }
0x18: {  	s13 =	simm.s32 $0x8;
	s9 =	sadd.s32 s12, s2;
	[dreg:$0x10] =	wrdreg s25  }
0x19: {  	s0 =	sadd.s32 $0x44E00, s0;
	[dreg:$0x11] =	wrdreg s26;
	s23 =	simm.s32 $0x12D00  }
0x1a: {  	s24 =	simm.s32 $0x9;
	s25 =	sshrl.u32 s8, $0x3;
	s8 =	simm.s32 $0x1  }
0x1b: {  	v0 =	vimm.f32 $0.0e+00;
	s12 =	simm.s32 $0x4;
	[dreg:$0x8] =	wrdreg s0;
	s0 =	simm.s32 $0x13D00  }
.LBB2_6:
0x1c: {  	_ =	swait.ge [sflag:s13], $0x1000  }
0x1d: {  	[sflag:s13] =	ssyncset.done $0x0  }
0x1e: {  	[sflag:s13] =	ssyncadd.s32 $0xFFFFF000  }
0x1f: {  	[spmem:s2] =	stream.indirect.scatter.add.f32 [tilespmem:s30], [sflag:$0x9], $0x20, s16, s29, $0xb8;
	[tilespmem:$0x1AD00] =	vst v63  }
0x20: {  	_ =	swait.ge [sflag:s24], $0x1000  }
0x21: {  	[sflag:s24] =	ssyncset.done $0x0  }
0x22: {  	s14 =	stileid.u32;
	[sflag:s24] =	ssyncadd.s32 $0xFFFFF000  }
0x23: {  	s14 =	sshll.u32 s14, $0x6;
	[bflag:$0x0] =	sbarrier.arrive $0xFFFF  }
0x24: {  	s14 =	sor.u32 $0x1C09, s14;
	s15 =	rddreg [dreg:$0x7]  }
0x25: {  	[hbm:s15], [sflag:s14] =	dma.local [spmem:s25], $0x13A0  }
0x26: {  	_ =	swait.ge [sflag:s24], $0x13A0  }
0x27: {  	[sflag:s24] =	ssyncset.done $0x0  }
0x28: {  	s21 =	sshrl.u32 s9, $0x3;
	s22 =	rddreg [dreg:$0x8];
	[sflag:s24] =	ssyncadd.s32 $0xFFFFEC60  }
0x29: {  	[hbm:s22], [sflag:s14] =	dma.local [spmem:s21], $0x200  }
0x2a: {  	_ =	swait.ge [sflag:s24], $0x200  }
0x2b: {  	s4 =	sadd.s32 $0x1, s4;
	s26 =	rddreg [dreg:$0x9]  }
0x2c: {  	p0 =	sne.s32 s4, s26  }
.Ltmp1:
0x2d: {  	_ = 	snop;
	(pc) =	sbr.rel @!p0 .LBB2_7-.Ltmp1, $3  }
0x2e: {  	_ =	sdelay $0x1  }
0x2f: {  	[sflag:s24] =	ssyncset.done $0x0  }
0x30: {  	[sflag:s24] =	ssyncadd.s32 $0xFFFFFE00  }
.LBB2_1:
0x31: {  	s14 =	simm.s32 $0x80;
	s15 =	simm.s32 $0x0  }
.LBB2_2:
0x32: {  	p0 =	sne.s32 s14, $0x3F80;
	[tilespmem:s15+$0x12D00] =	vst v0;
	s16 =	smov.u32 s14;
	s14 =	sadd.s32 $0x80, s14  }
.Ltmp2:
0x33: {  	[tilespmem:s15+$0x12D10] =	vst v0;
	(pc) =	sbr.rel @p0 .LBB2_2-.Ltmp2, $2  }
0x34: {  	_ =	sdelay $0x2  }
0x35: {  	s15 =	sshra.s32 s16, $0x2  }
0x36: {  	[tilespmem:s15+$0x12D00] =	vst v0  }
0x37: {  	[tilespmem:s15+$0x12D10] =	vst v0  }
0x38: {  	[spmem:s7] =	stream.linear.scatter [tilespmem:s23], [sflag:$0x9], $0x1000, $0x38;
	[tilespmem:$0x1AD00] =	vst v63  }
0x39: {  	_ =	swait.ge [sflag:s24], $0x1000  }
0x3a: {  	[sflag:s24] =	ssyncset.done $0x0  }
0x3b: {  	s14 =	rddreg [dreg:$0xa];
	[sflag:s24] =	ssyncadd.s32 $0xFFFFF000  }
0x3c: {  	[spmem:s14] =	stream.linear.scatter [tilespmem:s23], [sflag:$0x9], $0x1000, $0x38;
	[tilespmem:$0x1AD00] =	vst v63  }
0x3d: {  	_ =	swait.ge [sflag:s24], $0x1000  }
0x3e: {  	[sflag:s24] =	ssyncset.done $0x0  }
0x3f: {  	s22 =	rddreg [dreg:$0xb];
	[sflag:s24] =	ssyncadd.s32 $0xFFFFF000  }
0x40: {  	[spmem:s22] =	stream.linear.scatter [tilespmem:s23], [sflag:$0x9], $0x1000, $0x38;
	[tilespmem:$0x1AD00] =	vst v63  }
0x41: {  	_ =	swait.ge [sflag:s24], $0x1000  }
0x42: {  	[sflag:s24] =	ssyncset.done $0x0  }
0x43: {  	s26 =	rddreg [dreg:$0xc];
	[sflag:s24] =	ssyncadd.s32 $0xFFFFF000  }
0x44: {  	[spmem:s26] =	stream.linear.scatter [tilespmem:s23], [sflag:$0x9], $0x1000, $0x38;
	[tilespmem:$0x1AD00] =	vst v63  }
0x45: {  	_ =	swait.ge [sflag:s24], $0x1000  }
0x46: {  	[sflag:s24] =	ssyncset.done $0x0  }
0x47: {  	s15 =	rddreg [dreg:$0xd];
	[sflag:s24] =	ssyncadd.s32 $0xFFFFF000  }
0x48: {  	[spmem:s15] =	stream.linear.scatter [tilespmem:s23], [sflag:$0x9], $0x1000, $0x38;
	[tilespmem:$0x1AD00] =	vst v63  }
0x49: {  	_ =	swait.ge [sflag:s24], $0x1000  }
0x4a: {  	[sflag:s24] =	ssyncset.done $0x0  }
0x4b: {  	s16 =	rddreg [dreg:$0xe];
	[sflag:s24] =	ssyncadd.s32 $0xFFFFF000  }
0x4c: {  	[spmem:s16] =	stream.linear.scatter [tilespmem:s23], [sflag:$0x9], $0x1000, $0x38;
	[tilespmem:$0x1AD00] =	vst v63  }
0x4d: {  	_ =	swait.ge [sflag:s24], $0x1000  }
0x4e: {  	[sflag:s24] =	ssyncset.done $0x0  }
0x4f: {  	s17 =	rddreg [dreg:$0xf];
	[sflag:s24] =	ssyncadd.s32 $0xFFFFF000  }
0x50: {  	[spmem:s17] =	stream.linear.scatter [tilespmem:s23], [sflag:$0x9], $0x1000, $0x38;
	[tilespmem:$0x1AD00] =	vst v63  }
0x51: {  	_ =	swait.ge [sflag:s24], $0x1000  }
0x52: {  	[sflag:s24] =	ssyncset.done $0x0  }
0x53: {  	s18 =	rddreg [dreg:$0x10];
	[sflag:s24] =	ssyncadd.s32 $0xFFFFF000  }
0x54: {  	[spmem:s18] =	stream.linear.scatter [tilespmem:s23], [sflag:$0x9], $0x1000, $0x38;
	[tilespmem:$0x1AD00] =	vst v63  }
0x55: {  	_ =	swait.ge [sflag:s24], $0x1000  }
0x56: {  	[sflag:s24] =	ssyncset.done $0x0  }
0x57: {  	s19 =	rddreg [dreg:$0x11];
	[sflag:s24] =	ssyncadd.s32 $0xFFFFF000  }
0x58: {  	[spmem:s19] =	stream.linear.scatter [tilespmem:s23], [sflag:$0x9], $0x1000, $0x38;
	[tilespmem:$0x1AD00] =	vst v63  }
0x59: {  	_ =	swait.ge [sflag:s24], $0x1000  }
0x5a: {  	[sflag:s24] =	ssyncset.done $0x0  }
0x5b: {  	s20 =	rddreg [dreg:$0x4];
	[sflag:s24] =	ssyncadd.s32 $0xFFFFF000  }
0x5c: {  	[spmem:s20] =	stream.linear.scatter [tilespmem:s23], [sflag:$0x9], $0xD00, $0x38;
	[tilespmem:$0x1AD00] =	vst v63  }
0x5d: {  	_ =	swait.ge [sflag:s24], $0xD00  }
0x5e: {  	[sflag:s24] =	ssyncset.done $0x0  }
0x5f: {  	[sflag:s24] =	ssyncadd.s32 $0xFFFFF300  }
0x60: {  	[spmem:s9] =	stream.linear.scatter [tilespmem:s23], [sflag:$0x9], $0x1000, $0x38;
	[tilespmem:$0x1AD00] =	vst v63  }
0x61: {  	_ =	swait.ge [sflag:s24], $0x1000  }
0x62: {  	[sflag:s24] =	ssyncset.done $0x0  }
0x63: {  	[sflag:s24] =	ssyncadd.s32 $0xFFFFF000  }
0x64: {  	[bflag:$0x0] =	sbarrier.arrive $0xFFFF  }
0x65: {  	s14 =	simm.s32 $0x0;
	s16 =	simm.s32 $0xAD00;
	s21 =	rddreg [dreg:$0x5]  }
0x66: {  	[tilespmem:s16], [sflag:$0x9] =	stream.linear.gather [hbm4b:s21+s14], $0x4000, $0x38;
	[tilespmem:$0x1AD00] =	vst v63  }
0x67: {  	_ =	swait.ge [sflag:s24], $0x4000  }
0x68: {  	[sflag:s24] =	ssyncset.done $0x0  }
0x69: {  	s22 =	rddreg [dreg:$0x6];
	[sflag:s24] =	ssyncadd.s32 $0xFFFFC000  }
0x6a: {  	[tilespmem:s28], [sflag:$0x9] =	stream.linear.gather [hbm4b:s22+s14], $0x4000, $0x38;
	[tilespmem:$0x1AD00] =	vst v63  }
0x6b: {  	_ =	swait.ge [sflag:s24], $0x4000  }
0x6c: {  	[sflag:s24] =	ssyncset.done $0x0  }
0x6d: {  	[sflag:s24] =	ssyncadd.s32 $0xFFFFC000  }
0x6e: {  	[tilespmem:s23], [sflag:$0x1] =	stream.indirect.gather [hbm4b:s5+s29], $0x20, s16, s29, $0xb8;
	[tilespmem:$0x1AD00] =	vst v63  }
0x6f: {  	s26 =	simm.s32 $0x16D00  }
0x70: {  	[tilespmem:s26], [sflag:$0x5] =	stream.indirect.gather [hbm4b:s6+s29], $0x20, s28, s29, $0xb8;
	[tilespmem:$0x1AD00] =	vst v63  }
0x71: {  	s16 =	simm.s32 $0xAD80  }
0x72: {  	[tilespmem:s0], [sflag:$0x2] =	stream.indirect.gather [hbm4b:s5+s29], $0x20, s16, s29, $0xb8;
	[tilespmem:$0x1AD00] =	vst v63  }
0x73: {  	s17 =	simm.s32 $0xED80;
	s18 =	simm.s32 $0x17D00  }
0x74: {  	[tilespmem:s18], [sflag:$0x6] =	stream.indirect.gather [hbm4b:s6+s29], $0x20, s17, s29, $0xb8;
	[tilespmem:$0x1AD00] =	vst v63  }
0x75: {  	s19 =	simm.s32 $0xAE00  }
0x76: {  	[tilespmem:s3], [sflag:$0x3] =	stream.indirect.gather [hbm4b:s5+s29], $0x20, s19, s29, $0xb8;
	[tilespmem:$0x1AD00] =	vst v63  }
0x77: {  	s20 =	simm.s32 $0xEE00;
	s21 =	simm.s32 $0x18D00  }
0x78: {  	[tilespmem:s21], [sflag:$0x7] =	stream.indirect.gather [hbm4b:s6+s29], $0x20, s20, s29, $0xb8;
	[tilespmem:$0x1AD00] =	vst v63  }
0x79: {  	s22 =	simm.s32 $0xAE80  }
0x7a: {  	[tilespmem:s31], [sflag:$0x4] =	stream.indirect.gather [hbm4b:s5+s29], $0x20, s22, s29, $0xb8;
	[tilespmem:$0x1AD00] =	vst v63  }
0x7b: {  	s26 =	simm.s32 $0xEE80  }
0x7c: {  	[tilespmem:s30], [sflag:$0x8] =	stream.indirect.gather [hbm4b:s6+s29], $0x20, s26, s29, $0xb8;
	[tilespmem:$0x1AD00] =	vst v63  }
.LBB2_4:
0x7d: {  	_ =	swait.ge [sflag:s8], $0x1000  }
0x7e: {  	s15 =	sshra.s32 s14, $0x2;
	[sflag:s8] =	ssyncset.done $0x0  }
0x7f: {  	s16 =	sadd.s32 $0xED00, s15;
	[sflag:s8] =	ssyncadd.s32 $0xFFFFF000  }
0x80: {  	[spmem:s1] =	stream.indirect.scatter.add.f32 [tilespmem:s23], [sflag:$0x9], $0x20, s16, s29, $0xb8;
	[tilespmem:$0x1AD00] =	vst v63  }
0x81: {  	_ =	swait.ge [sflag:s24], $0x1000  }
0x82: {  	p0 =	seq.s32 s14, $0xF800;
	[sflag:s24] =	ssyncset.done $0x0  }
0x83: {  	s16 =	simm.s32 @p0 $0x5;
	[sflag:s24] =	ssyncadd.s32 $0xFFFFF000  }
0x84: {  	s18 =	sshra.s32 @p0 s14, $0x2;
	_ =	swait.ge @p0 [sflag:s16], $0x1000  }
0x85: {  	s19 =	simm.s32 @p0 $0x80;
	s17 =	simm.s32 @p0 $0x16D00;
	[sflag:s16] =	ssyncset.done @p0 $0x0  }
0x86: {  	s20 =	simm.s32 @p0 $0x9;
	[sflag:s16] =	ssyncadd.s32 @p0 $0xFFFFF000;
	s16 =	sadd.s32 @p0 $0xAD00, s18  }
0x87: {  	[spmem:s2] =	stream.indirect.scatter.add.f32 @p0 [tilespmem:s17], [sflag:$0x9], $0x20, s16, s19, $0xb8;
	[tilespmem:$0x1AD00] =	vst v63  }
0x88: {  	_ =	swait.ge @p0 [sflag:s20], $0x1000  }
0x89: {  	s26 =	simm.s32 @!p0 $0x12D00;
	s16 =	sshra.s32 @!p0 s14, $0x2;
	[sflag:s20] =	ssyncset.done @p0 $0x0  }
0x8a: {  	s17 =	simm.s32 @!p0 $0x80;
	s21 =	sadd.s32 @!p0 $0xAF00, s16;
	[sflag:s20] =	ssyncadd.s32 @p0 $0xFFFFF000  }
0x8b: {  	[tilespmem:s26], [sflag:$0x1] =	stream.indirect.gather @!p0 [hbm4b:s5+s17], $0x20, s21, s17, $0xb8;
	[tilespmem:$0x1AD00] =	vst v63  }
0x8c: {  	s21 =	simm.s32 @!p0 $0x5  }
0x8d: {  	_ =	swait.ge @!p0 [sflag:s21], $0x1000  }
0x8e: {  	s22 =	simm.s32 @!p0 $0x16D00;
	[sflag:s21] =	ssyncset.done @!p0 $0x0  }
0x8f: {  	s26 =	sadd.s32 @!p0 $0xAD00, s16;
	[sflag:s21] =	ssyncadd.s32 @!p0 $0xFFFFF000;
	s21 =	simm.s32 @!p0 $0x9  }
0x90: {  	[spmem:s2] =	stream.indirect.scatter.add.f32 @!p0 [tilespmem:s22], [sflag:$0x9], $0x20, s26, s17, $0xb8;
	[tilespmem:$0x1AD00] =	vst v63  }
0x91: {  	_ =	swait.ge @!p0 [sflag:s21], $0x1000  }
0x92: {  	[sflag:s21] =	ssyncset.done @!p0 $0x0  }
0x93: {  	s26 =	sadd.s32 @!p0 $0xEF00, s16;
	[sflag:s21] =	ssyncadd.s32 @!p0 $0xFFFFF000  }
0x94: {  	[tilespmem:s22], [sflag:$0x5] =	stream.indirect.gather @!p0 [hbm4b:s6+s17], $0x20, s26, s17, $0xb8;
	[tilespmem:$0x1AD00] =	vst v63  }
0x95: {  	_ =	swait.ge [sflag:s10], $0x1000  }
0x96: {  	[sflag:s10] =	ssyncset.done $0x0  }
0x97: {  	s26 =	sadd.s32 $0xED80, s15;
	[sflag:s10] =	ssyncadd.s32 $0xFFFFF000  }
0x98: {  	[spmem:s1] =	stream.indirect.scatter.add.f32 [tilespmem:s0], [sflag:$0x9], $0x20, s26, s29, $0xb8;
	[tilespmem:$0x1AD00] =	vst v63  }
0x99: {  	_ =	swait.ge [sflag:s24], $0x1000  }
0x9a: {  	[sflag:s24] =	ssyncset.done $0x0  }
0x9b: {  	s22 =	simm.s32 @p0 $0x6;
	[sflag:s24] =	ssyncadd.s32 $0xFFFFF000  }
0x9c: {  	_ =	swait.ge @p0 [sflag:s22], $0x1000  }
0x9d: {  	[sflag:s22] =	ssyncset.done @p0 $0x0  }
0x9e: {  	s26 =	simm.s32 @p0 $0x17D00;
	[sflag:s22] =	ssyncadd.s32 @p0 $0xFFFFF000;
	s22 =	sadd.s32 @p0 $0xAD80, s18  }
0x9f: {  	[spmem:s2] =	stream.indirect.scatter.add.f32 @p0 [tilespmem:s26], [sflag:$0x9], $0x20, s22, s19, $0xb8;
	[tilespmem:$0x1AD00] =	vst v63  }
0xa0: {  	_ =	swait.ge @p0 [sflag:s20], $0x1000  }
0xa1: {  	[sflag:s20] =	ssyncset.done @p0 $0x0  }
0xa2: {  	s22 =	sadd.s32 @!p0 $0xAF80, s16;
	s26 =	simm.s32 @!p0 $0x13D00;
	[sflag:s20] =	ssyncadd.s32 @p0 $0xFFFFF000  }
0xa3: {  	[tilespmem:s26], [sflag:$0x2] =	stream.indirect.gather @!p0 [hbm4b:s5+s17], $0x20, s22, s17, $0xb8;
	[tilespmem:$0x1AD00] =	vst v63  }
0xa4: {  	s22 =	simm.s32 @!p0 $0x6  }
0xa5: {  	_ =	swait.ge @!p0 [sflag:s22], $0x1000  }
0xa6: {  	[sflag:s22] =	ssyncset.done @!p0 $0x0  }
0xa7: {  	s26 =	simm.s32 @!p0 $0x17D00;
	[sflag:s22] =	ssyncadd.s32 @!p0 $0xFFFFF000;
	s22 =	sadd.s32 @!p0 $0xAD80, s16  }
0xa8: {  	[spmem:s2] =	stream.indirect.scatter.add.f32 @!p0 [tilespmem:s26], [sflag:$0x9], $0x20, s22, s17, $0xb8;
	[tilespmem:$0x1AD00] =	vst v63  }
0xa9: {  	_ =	swait.ge @!p0 [sflag:s21], $0x1000  }
0xaa: {  	[sflag:s21] =	ssyncset.done @!p0 $0x0  }
0xab: {  	s22 =	sadd.s32 @!p0 $0xEF80, s16;
	[sflag:s21] =	ssyncadd.s32 @!p0 $0xFFFFF000  }
0xac: {  	[tilespmem:s26], [sflag:$0x6] =	stream.indirect.gather @!p0 [hbm4b:s6+s17], $0x20, s22, s17, $0xb8;
	[tilespmem:$0x1AD00] =	vst v63  }
0xad: {  	_ =	swait.ge [sflag:s11], $0x1000  }
0xae: {  	[sflag:s11] =	ssyncset.done $0x0  }
0xaf: {  	s26 =	sadd.s32 $0xEE00, s15;
	[sflag:s11] =	ssyncadd.s32 $0xFFFFF000  }
0xb0: {  	[spmem:s1] =	stream.indirect.scatter.add.f32 [tilespmem:s3], [sflag:$0x9], $0x20, s26, s29, $0xb8;
	[tilespmem:$0x1AD00] =	vst v63  }
0xb1: {  	_ =	swait.ge [sflag:s24], $0x1000  }
0xb2: {  	[sflag:s24] =	ssyncset.done $0x0  }
0xb3: {  	s22 =	simm.s32 @p0 $0x7;
	[sflag:s24] =	ssyncadd.s32 $0xFFFFF000  }
0xb4: {  	_ =	swait.ge @p0 [sflag:s22], $0x1000  }
0xb5: {  	[sflag:s22] =	ssyncset.done @p0 $0x0  }
0xb6: {  	s18 =	sadd.s32 @p0 $0xAE00, s18;
	[sflag:s22] =	ssyncadd.s32 @p0 $0xFFFFF000;
	s22 =	simm.s32 @p0 $0x18D00  }
0xb7: {  	[spmem:s2] =	stream.indirect.scatter.add.f32 @p0 [tilespmem:s22], [sflag:$0x9], $0x20, s18, s19, $0xb8;
	[tilespmem:$0x1AD00] =	vst v63  }
0xb8: {  	_ =	swait.ge @p0 [sflag:s20], $0x1000  }
0xb9: {  	[sflag:s20] =	ssyncset.done @p0 $0x0  }
0xba: {  	s18 =	sadd.s32 @!p0 $0xB000, s16;
	s19 =	simm.s32 @!p0 $0x14D00;
	[sflag:s20] =	ssyncadd.s32 @p0 $0xFFFFF000  }
0xbb: {  	[tilespmem:s19], [sflag:$0x3] =	stream.indirect.gather @!p0 [hbm4b:s5+s17], $0x20, s18, s17, $0xb8;
	[tilespmem:$0x1AD00] =	vst v63  }
0xbc: {  	s18 =	simm.s32 @!p0 $0x7  }
0xbd: {  	_ =	swait.ge @!p0 [sflag:s18], $0x1000  }
0xbe: {  	[sflag:s18] =	ssyncset.done @!p0 $0x0  }
0xbf: {  	s19 =	simm.s32 @!p0 $0x18D00;
	[sflag:s18] =	ssyncadd.s32 @!p0 $0xFFFFF000;
	s18 =	sadd.s32 @!p0 $0xAE00, s16  }
0xc0: {  	[spmem:s2] =	stream.indirect.scatter.add.f32 @!p0 [tilespmem:s19], [sflag:$0x9], $0x20, s18, s17, $0xb8;
	[tilespmem:$0x1AD00] =	vst v63  }
0xc1: {  	_ =	swait.ge @!p0 [sflag:s21], $0x1000  }
0xc2: {  	[sflag:s21] =	ssyncset.done @!p0 $0x0  }
0xc3: {  	s16 =	sadd.s32 @!p0 $0xF000, s16;
	[sflag:s21] =	ssyncadd.s32 @!p0 $0xFFFFF000  }
0xc4: {  	[tilespmem:s19], [sflag:$0x7] =	stream.indirect.gather @!p0 [hbm4b:s6+s17], $0x20, s16, s17, $0xb8;
	[tilespmem:$0x1AD00] =	vst v63  }
0xc5: {  	_ =	swait.ge [sflag:s12], $0x1000  }
0xc6: {  	[sflag:s12] =	ssyncset.done $0x0  }
.Ltmp3:
0xc7: {  	s26 =	sadd.s32 $0xEE80, s15;
	[sflag:s12] =	ssyncadd.s32 $0xFFFFF000;
	(pc) =	sbr.rel @p0 .LBB2_6-.Ltmp3, $4  }
0xc8: {  	[spmem:s1] =	stream.indirect.scatter.add.f32 [tilespmem:s31], [sflag:$0x9], $0x20, s26, s29, $0xb8;
	[tilespmem:$0x1AD00] =	vst v63  }
0xc9: {  	_ =	swait.ge [sflag:s24], $0x1000  }
0xca: {  	[sflag:s24] =	ssyncset.done $0x0  }
0xcb: {  	s16 =	sadd.s32 $0xAE80, s15;
	[sflag:s24] =	ssyncadd.s32 $0xFFFFF000  }
0xcc: {  	s17 =	sadd.s32 $0xB080, s15  }
0xcd: {  	[tilespmem:s31], [sflag:$0x4] =	stream.indirect.gather [hbm4b:s5+s29], $0x20, s17, s29, $0xb8;
	[tilespmem:$0x1AD00] =	vst v63  }
0xce: {  	_ =	swait.ge [sflag:s13], $0x1000  }
0xcf: {  	[sflag:s13] =	ssyncset.done $0x0  }
0xd0: {  	[sflag:s13] =	ssyncadd.s32 $0xFFFFF000  }
0xd1: {  	[spmem:s2] =	stream.indirect.scatter.add.f32 [tilespmem:s30], [sflag:$0x9], $0x20, s16, s29, $0xb8;
	[tilespmem:$0x1AD00] =	vst v63  }
.Ltmp4:
0xd2: {  	_ = 	snop;
	(pc) =	sbr.rel .LBB2_4-.Ltmp4, $4  }
0xd3: {  	_ =	swait.ge [sflag:s24], $0x1000  }
0xd4: {  	[sflag:s24] =	ssyncset.done $0x0  }
0xd5: {  	s26 =	sadd.s32 $0xF080, s15;
	s14 =	sadd.s32 $0x800, s14;
	[sflag:s24] =	ssyncadd.s32 $0xFFFFF000  }
0xd6: {  	[tilespmem:s30], [sflag:$0x8] =	stream.indirect.gather [hbm4b:s6+s29], $0x20, s26, s29, $0xb8;
	[tilespmem:$0x1AD00] =	vst v63  }
.LBB2_7:
0xd7: {  	_ =	sfence.sel $0x180000  }
0xd8: {  	[bflag:$0x0] =	sbarrier.arrive $0xFFFF  }
0xd9: {  	_ =	strace $0x9000004D  }
0xda: {  	s0 =	stileid.u32;
	[bflag:$0x2] =	sbarrier.arrive $0xFFFF  }
0xdb: {  	p0 =	sne.s32 s0, $0x0;
	s0 =	rddreg [dreg:$0x3]  }
0xdc: {  	s0 =	sadd.s32 @!p0 $0x100000, s0  }
0xdd: {  	[sflag:s0] =	ssyncadd.tile.s32 @!p0 $0x1;
	_ =	shalt  }
.Lfunc_end2:
_tile_overlayer_lowered:
.L_overlay_start_2:
0xde: {  	(tag) =	ssettag $0x2  }
0xdf: {  	s0 =	rddreg [dreg:$0x0];
	s2 =	stileid.u32  }
0xe0: {  	s1 =	rddreg [dreg:$0x1];
	p0 =	sne.s32 s2, $0x0  }
0xe1: {  	s3 =	rddreg [dreg:$0x2];
	[bflag:$0x3] =	sbarrier.arrive $0xFFFF;
	s2 =	simm.s32 @!p0 $0x1C09  }
0xe2: {  	[timem:s3], [sflag:s2] =	dma.local @!p0 [hbm:s0], s1  }
0xe3: {  	s0 =	simm.s32 @!p0 $0x9  }
0xe4: {  	_ =	swait.ge @!p0 [sflag:s0], s1  }
0xe5: {  	s1 =	ssub.s32 @!p0 $0x0, s1;
	[sflag:s0] =	ssyncset.done @!p0 $0x0  }
0xe6: {  	[sflag:s0] =	ssyncadd.s32 @!p0 s1  }
0xe7: {  	[bflag:$0x3] =	sbarrier.arrive $0xFFFF  }
0xe8: {  	_ =	shalt  }

</sc_bundles>
